<compile_context>
chip_gen: v7x
topology: tpu7x:2x2x1
jax: 0.10.2.dev20260603
libtpu: 0.0.44.dev20260713+nightly
codegen_flags: <defaults>
</compile_context>

<pallas_src>
import functools

import jax
import jax.numpy as jnp
from jax import lax
from jax.experimental import pallas as pl
from jax.experimental.pallas import tpu as pltpu
from jax.experimental.pallas import tpu_sc as plsc

_B, _D, _Q, _L = 32, 8, 15, 500
_V, _E, _NB = 100000, 300, 5
_EP = 304
_NW = 32
_DPW = (_B * _D * _L) // _NW
_CH = 80
_NCH = _DPW // _CH
_QPW = 16


_NBUF = 4
_LOOKAHEAD = 2


@functools.cache
def _sc_gather_build():
    mesh = plsc.VectorSubcoreMesh(
        core_axis_name="c", subcore_axis_name="s", num_cores=2)

    @functools.partial(
        pl.kernel,
        mesh=mesh,
        out_type=(
            jax.ShapeDtypeStruct((_B * _D * _L, _EP), jnp.float32),
            jax.ShapeDtypeStruct((_B * _QPW, _EP), jnp.float32),
        ),
        scratch_types=[
            pltpu.VMEM((_DPW,), jnp.int32),
            pltpu.VMEM((_QPW,), jnp.int32),
        ] + [pltpu.VMEM((_CH, _EP), jnp.float32) for _ in range(_NBUF)]
          + [pltpu.SemaphoreType.DMA for _ in range(2 * _NBUF)],
        compiler_params=pltpu.CompilerParams(use_tc_tiling_on_sc=False),
    )
    def sc_gather(emb_hbm, didx_hbm, qidx_hbm, dout_hbm, qout_hbm,
                  didx_v, qidx_v, *bufs_and_sems):
        bufs = bufs_and_sems[:_NBUF]
        gsem = bufs_and_sems[_NBUF:2 * _NBUF]
        wsem = bufs_and_sems[2 * _NBUF:]
        wid = lax.axis_index("s") * 2 + lax.axis_index("c")
        dbase = wid * _DPW
        qbase = wid * _QPW
        pltpu.sync_copy(didx_hbm.at[pl.ds(dbase, _DPW)], didx_v)
        pltpu.sync_copy(qidx_hbm.at[pl.ds(qbase, _QPW)], qidx_v)
        pltpu.async_copy(
            emb_hbm.at[qidx_v], bufs[0].at[pl.ds(0, _QPW)], gsem[0]).wait()
        pltpu.sync_copy(
            bufs[0].at[pl.ds(0, _QPW)], qout_hbm.at[pl.ds(qbase, _QPW)])

        def g_start(k):
            b = k % _NBUF
            return pltpu.async_copy(
                emb_hbm.at[didx_v.at[pl.ds(k * _CH, _CH)]], bufs[b], gsem[b])

        gh = [None] * _NCH
        wh = [None] * _NCH
        for k in range(_LOOKAHEAD):
            gh[k] = g_start(k)
        for k in range(_NCH):
            ka = k + _LOOKAHEAD
            if ka < _NCH:
                kw = ka - _NBUF
                if kw >= 0:
                    wh[kw].wait()
                gh[ka] = g_start(ka)
            gh[k].wait()
            b = k % _NBUF
            wh[k] = pltpu.async_copy(
                bufs[b], dout_hbm.at[pl.ds(dbase + k * _CH, _CH)], wsem[b])
        for k in range(max(0, _NCH - _NBUF), _NCH):
            wh[k].wait()

    return sc_gather


_PADBLK = 2000


def _pad_body(x_ref, o_ref):
    o_ref[:, 0:_E] = x_ref[...]
    o_ref[:, _E:_EP] = jnp.zeros((_PADBLK, _EP - _E), jnp.float32)


def _pad_table(emb):
    return pl.pallas_call(
        _pad_body,
        grid=(_V // _PADBLK,),
        in_specs=[pl.BlockSpec((_PADBLK, _E), lambda i: (i, 0))],
        out_specs=pl.BlockSpec((_PADBLK, _EP), lambda i: (i, 0)),
        out_shape=jax.ShapeDtypeStruct((_V, _EP), jnp.float32),
    )(emb)


def _tc_body(d_ref, q_ref, gw_ref, pp_ref, out_ref):
    d = d_ref[...]
    q = q_ref[0:_Q, :]
    dots = lax.dot_general(
        d, q, (((1,), (1,)), ((), ())),
        preferred_element_type=jnp.float32,
        precision=lax.Precision.DEFAULT)
    dn = jnp.sqrt(jnp.sum(d * d, axis=1, keepdims=True))
    qn = jnp.sqrt(jnp.sum(q * q, axis=1))[None, :]
    denom = jnp.maximum(dn * qn, 1e-8)
    cos = jnp.clip(dots / denom, -1.0, 1.0)
    def _r(x):
        return x.astype(jnp.bfloat16).astype(jnp.float32)

    glog = jnp.sum(_r(q) * _r(gw_ref[...]), axis=1) + pp_ref[0, 10]
    e = jnp.exp(glog - jnp.max(glog))
    tw = e / jnp.sum(e)
    scores = []
    for dd in range(_D):
        cs = cos[dd * _L:(dd + 1) * _L]
        cnt = [jnp.sum((cs >= t).astype(jnp.float32), axis=0)
               for t in (-0.5, 0.0, 0.5, 1.0)]
        h = [jnp.float32(_L) - cnt[0], cnt[0] - cnt[1], cnt[1] - cnt[2],
             cnt[2] - cnt[3], cnt[3]]
        hw = sum(_r(h[k]) * _r(pp_ref[0, k]) for k in range(5))
        ffnn = (_r(hw + pp_ref[0, 5]) * _r(pp_ref[0, 6])) + pp_ref[0, 7]
        s = jnp.sum(ffnn * tw)
        scores.append(_r(s) * _r(pp_ref[0, 8]) + pp_ref[0, 9])
    out_ref[...] = jnp.stack(scores).reshape(1, 1, _D)


def kernel(batch_queries, batch_docs, emb, gate_w, gate_b,
           ffnn_w1, ffnn_b1, ffnn_w2, ffnn_b2, out_w, out_b):
    embp = _pad_table(emb)
    didx = batch_docs.reshape(-1).astype(jnp.int32)
    qpad = jnp.zeros((_B, _QPW - _Q), jnp.int32)
    qidx = jnp.concatenate(
        [batch_queries.astype(jnp.int32), qpad], axis=1).reshape(-1)
    d_emb, q_emb = _sc_gather_build()(embp, didx, qidx)
    gw_row = jnp.pad(gate_w.reshape(1, _E), ((0, 0), (0, _EP - _E)))
    pp = jnp.concatenate([
        ffnn_w1.reshape(-1), ffnn_b1.reshape(-1), ffnn_w2.reshape(-1),
        ffnn_b2.reshape(-1), out_w.reshape(-1), out_b.reshape(-1),
        gate_b.reshape(-1), jnp.zeros((5,), jnp.float32)]).reshape(1, 16)
    return pl.pallas_call(
        _tc_body,
        grid=(_B,),
        in_specs=[
            pl.BlockSpec((_D * _L, _EP), lambda b: (b, 0)),
            pl.BlockSpec((_QPW, _EP), lambda b: (b, 0)),
            pl.BlockSpec((1, _EP), lambda b: (0, 0)),
            pl.BlockSpec((1, 16), lambda b: (0, 0)),
        ],
        out_specs=pl.BlockSpec((1, 1, _D), lambda b: (b, 0, 0)),
        out_shape=jax.ShapeDtypeStruct((_B, 1, _D), jnp.float32),
    )(d_emb, q_emb, gw_row, pp).reshape(_B, _D)

# --- scband reference (transcript-rebuilt; emitter-appended) ---
"""Pipeline reference for scband-drmm-84971632984330 (READ-ONLY COPY).

The authoritative reference and input builder live on the scoring server;
editing this copy changes nothing except your own understanding.
"""

import jax, jax.numpy as jnp
import numpy as np

B, D, Q, L = 32, 8, 15, 500
V, E, NB = 100000, 300, 5

def setup_inputs(seed: int = 0) -> dict:
    key = jax.random.key(seed)
    ks = jax.random.split(key, 10)
    batch_queries = jax.random.randint(ks[0], (B, Q), 0, V, dtype=jnp.int64 if jax.config.jax_enable_x64 else jnp.int32)
    batch_docs = jax.random.randint(ks[1], (B, D, L), 0, V, dtype=jnp.int64 if jax.config.jax_enable_x64 else jnp.int32)
    emb = jax.random.normal(ks[2], (V, E), jnp.float32) * 0.1
    gate_w = jax.random.normal(ks[3], (E, 1), jnp.float32) * 0.1
    gate_b = jnp.zeros((1,), jnp.float32)
    ffnn_w1 = jax.random.normal(ks[4], (NB, 1), jnp.float32) * 0.3
    ffnn_b1 = jnp.zeros((1,), jnp.float32)
    ffnn_w2 = jax.random.normal(ks[5], (1, 1), jnp.float32) * 0.3
    ffnn_b2 = jnp.zeros((1,), jnp.float32)
    out_w = jax.random.normal(ks[6], (1, 1), jnp.float32) * 0.3
    out_b = jnp.zeros((1,), jnp.float32)
    return {"batch_queries": batch_queries, "batch_docs": batch_docs, "emb": emb,
            "gate_w": gate_w, "gate_b": gate_b, "ffnn_w1": ffnn_w1, "ffnn_b1": ffnn_b1,
            "ffnn_w2": ffnn_w2, "ffnn_b2": ffnn_b2, "out_w": out_w, "out_b": out_b}

def reference(batch_queries, batch_docs, emb, gate_w, gate_b, ffnn_w1, ffnn_b1, ffnn_w2, ffnn_b2, out_w, out_b):
    eps = 1e-8
    # embedding lookups (gather)
    q_emb = jnp.take(emb, batch_queries, axis=0)          # [B, Q, E]
    d_emb = jnp.take(emb, batch_docs, axis=0)             # [B, D, L, E]
    # gating network: softmax(linear) over query terms
    gate_logits = jnp.squeeze(q_emb @ gate_w, -1) + gate_b  # [B, Q]
    term_weights = jax.nn.softmax(gate_logits, axis=-1)     # [B, Q]
    # cosine similarity between every query term and every doc term
    w12 = jnp.einsum('bqe,bdle->bdql', q_emb, d_emb)       # [B, D, Q, L]
    w1 = jnp.linalg.norm(q_emb, axis=-1)                   # [B, Q]
    w2 = jnp.linalg.norm(d_emb, axis=-1)                   # [B, D, L]
    denom = jnp.clip(w1[:, None, :, None] * w2[:, :, None, :], eps, None)
    cos_sim = jnp.clip(w12 / denom, -1.0, 1.0)             # [B, D, Q, L]
    # histogram over L with numpy bins [-1,-0.5,0,0.5,1,1] -> 5 bins, last bin {1.0} inclusive
    interior = jnp.array([-0.5, 0.0, 0.5, 1.0], jnp.float32)
    bin_idx = jnp.sum(cos_sim[..., None] >= interior, axis=-1)          # [B, D, Q, L] in 0..4
    hist = jnp.sum(jax.nn.one_hot(bin_idx, NB, dtype=jnp.float32), axis=3)  # [B, D, Q, NB]
    hist = jax.lax.stop_gradient(hist)  # original detaches via numpy round-trip
    # feed-forward scoring network
    h = hist.reshape(-1, NB) @ ffnn_w1 + ffnn_b1           # [B*D*Q, 1]
    h = h @ ffnn_w2 + ffnn_b2                              # [B*D*Q, 1]
    ffnn_out = h.reshape(B * D, Q)                         # [B*D, Q]
    tw = jnp.broadcast_to(term_weights[:, None, :], (B, D, Q)).reshape(B * D, Q)
    weighted = ffnn_out * tw
    s = jnp.sum(weighted, axis=1, keepdims=True)           # [B*D, 1]
    score = jnp.squeeze(s @ out_w + out_b)                 # [B*D]
    return score.reshape(B, D)

if __name__ == "__main__":
    import jax
    _d = setup_inputs()
    print(jax.jit(kernel)(*tuple(_d.values())))

</pallas_src>

<mosaic_0001>
#map = affine_map<(d0, d1) -> (0, 0)>
#map1 = affine_map<(d0, d1) -> (0)>
module attributes {stable_mosaic.version = 14 : i64} {
  func.func @sc_gather(%arg0: i32, %arg1: i32, %arg2: memref<100000x304xf32, #tpu.memory_space<hbm>>, %arg3: memref<128000xi32, #tpu.memory_space<hbm>>, %arg4: memref<512xi32, #tpu.memory_space<hbm>>, %arg5: memref<128000x304xf32, #tpu.memory_space<hbm>>, %arg6: memref<512x304xf32, #tpu.memory_space<hbm>>, %arg7: memref<4000xi32, #tpu.memory_space<vmem>>, %arg8: memref<16xi32, #tpu.memory_space<vmem>>, %arg9: memref<80x304xf32, #tpu.memory_space<vmem>>, %arg10: memref<80x304xf32, #tpu.memory_space<vmem>>, %arg11: memref<80x304xf32, #tpu.memory_space<vmem>>, %arg12: memref<80x304xf32, #tpu.memory_space<vmem>>, %arg13: memref<!tpu.dma_semaphore, #tpu.memory_space<semaphore_mem>>, %arg14: memref<!tpu.dma_semaphore, #tpu.memory_space<semaphore_mem>>, %arg15: memref<!tpu.dma_semaphore, #tpu.memory_space<semaphore_mem>>, %arg16: memref<!tpu.dma_semaphore, #tpu.memory_space<semaphore_mem>>, %arg17: memref<!tpu.dma_semaphore, #tpu.memory_space<semaphore_mem>>, %arg18: memref<!tpu.dma_semaphore, #tpu.memory_space<semaphore_mem>>, %arg19: memref<!tpu.dma_semaphore, #tpu.memory_space<semaphore_mem>>, %arg20: memref<!tpu.dma_semaphore, #tpu.memory_space<semaphore_mem>>) attributes {dimension_semantics = [#tpu.dimension_semantics<core_parallel>, #tpu.dimension_semantics<subcore_parallel>], iteration_bounds = array<i64: 2, 16>, scalar_prefetch = 0 : i64, scratch_operands = 14 : i64, tpu.core_type = #tpu.core_type<sc_vector_subcore>, window_params = [{transform_indices = #map}, {transform_indices = #map1}, {transform_indices = #map1}, {transform_indices = #map}, {transform_indices = #map}]} {
    %mul3A = arith.constant 2 : i32
    %mul3A_0 = arith.muli %arg1, %mul3A : i32
    %add3A = arith.addi %mul3A_0, %arg0 : i32
    %mul3A_1 = arith.constant 4000 : i32
    %mul3A_2 = arith.muli %add3A, %mul3A_1 : i32
    %mul3A_3 = arith.constant 16 : i32
    %mul3A_4 = arith.muli %add3A, %mul3A_3 : i32
    "tpu.region"() ({
      %run_scoped3A = tpu.sem_alloc : memref<!tpu.dma_semaphore, #tpu.memory_space<semaphore_mem>>
      %dma_start3A_1015 = tpu.memref_slice %arg3[%mul3A_2] : memref<128000xi32, #tpu.memory_space<hbm>> -> memref<4000xi32, #tpu.memory_space<hbm>>
      %dma_start3A_1016 = tpu.memref_slice %arg3[%mul3A_2] : memref<128000xi32, #tpu.memory_space<hbm>> -> memref<4000xi32, #tpu.memory_space<hbm>>
      tpu.enqueue_dma source(%dma_start3A_1016 : memref<4000xi32, #tpu.memory_space<hbm>>) target(%arg7 : memref<4000xi32, #tpu.memory_space<vmem>>) target_semaphore(%run_scoped3A : memref<!tpu.dma_semaphore, #tpu.memory_space<semaphore_mem>>)
      %dma_wait3A_1017 = tpu.memref_slice %arg3[%mul3A_2] : memref<128000xi32, #tpu.memory_space<hbm>> -> memref<4000xi32, #tpu.memory_space<hbm>>
      %dma_wait3A_1018 = tpu.memref_slice %arg3[%mul3A_2] : memref<128000xi32, #tpu.memory_space<hbm>> -> memref<4000xi32, #tpu.memory_space<hbm>>
      tpu.wait_dma2 semaphore(%run_scoped3A : memref<!tpu.dma_semaphore, #tpu.memory_space<semaphore_mem>>) src(%dma_wait3A_1018 : memref<4000xi32, #tpu.memory_space<hbm>>) dst(%arg7 : memref<4000xi32, #tpu.memory_space<vmem>>)
      tpu.yield
    }) : () -> ()
    "tpu.region"() ({
      %run_scoped3A = tpu.sem_alloc : memref<!tpu.dma_semaphore, #tpu.memory_space<semaphore_mem>>
      %dma_start3A_1015 = tpu.memref_slice %arg4[%mul3A_4] : memref<512xi32, #tpu.memory_space<hbm>> -> memref<16xi32, #tpu.memory_space<hbm>>
      %dma_start3A_1016 = tpu.memref_slice %arg4[%mul3A_4] : memref<512xi32, #tpu.memory_space<hbm>> -> memref<16xi32, #tpu.memory_space<hbm>>
      tpu.enqueue_dma source(%dma_start3A_1016 : memref<16xi32, #tpu.memory_space<hbm>>) target(%arg8 : memref<16xi32, #tpu.memory_space<vmem>>) target_semaphore(%run_scoped3A : memref<!tpu.dma_semaphore, #tpu.memory_space<semaphore_mem>>)
      %dma_wait3A_1017 = tpu.memref_slice %arg4[%mul3A_4] : memref<512xi32, #tpu.memory_space<hbm>> -> memref<16xi32, #tpu.memory_space<hbm>>
      %dma_wait3A_1018 = tpu.memref_slice %arg4[%mul3A_4] : memref<512xi32, #tpu.memory_space<hbm>> -> memref<16xi32, #tpu.memory_space<hbm>>
      tpu.wait_dma2 semaphore(%run_scoped3A : memref<!tpu.dma_semaphore, #tpu.memory_space<semaphore_mem>>) src(%dma_wait3A_1018 : memref<16xi32, #tpu.memory_space<hbm>>) dst(%arg8 : memref<16xi32, #tpu.memory_space<vmem>>)
      tpu.yield
    }) : () -> ()
    %dma_start3A = arith.constant 0 : i32
    %dma_start3A_5 = arith.constant 0 : i32
    %dma_start3A_6 = tpu.memref_slice %arg9[%dma_start3A, %dma_start3A_5] : memref<80x304xf32, #tpu.memory_space<vmem>> -> memref<16x304xf32, #tpu.memory_space<vmem>>
    %dma_start3A_7 = arith.constant 0 : i32
    %dma_start3A_8 = arith.constant 0 : i32
    %dma_start3A_9 = tpu.memref_slice %arg2[%dma_start3A_7, %dma_start3A_8] : memref<100000x304xf32, #tpu.memory_space<hbm>> -> memref<100000x304xf32, #tpu.memory_space<hbm>>
    tpu.enqueue_indirect_dma source(%dma_start3A_9 : memref<100000x304xf32, #tpu.memory_space<hbm>>) target(%dma_start3A_6 : memref<16x304xf32, #tpu.memory_space<vmem>>) offsets(%arg8 : memref<16xi32, #tpu.memory_space<vmem>>) semaphore(%arg13 : memref<!tpu.dma_semaphore, #tpu.memory_space<semaphore_mem>>)
    %dma_wait3A = arith.constant 0 : i32
    %dma_wait3A_10 = arith.constant 0 : i32
    %dma_wait3A_11 = tpu.memref_slice %arg9[%dma_wait3A, %dma_wait3A_10] : memref<80x304xf32, #tpu.memory_space<vmem>> -> memref<16x304xf32, #tpu.memory_space<vmem>>
    %dma_wait3A_12 = arith.constant 0 : i32
    %dma_wait3A_13 = arith.constant 0 : i32
    %dma_wait3A_14 = tpu.memref_slice %arg2[%dma_wait3A_12, %dma_wait3A_13] : memref<100000x304xf32, #tpu.memory_space<hbm>> -> memref<100000x304xf32, #tpu.memory_space<hbm>>
    tpu.wait_indirect_dma semaphore(%arg13 : memref<!tpu.dma_semaphore, #tpu.memory_space<semaphore_mem>>) src(%dma_wait3A_14 : memref<100000x304xf32, #tpu.memory_space<hbm>>) dst(%dma_wait3A_11 : memref<16x304xf32, #tpu.memory_space<vmem>>)
    "tpu.region"() ({
      %run_scoped3A = tpu.sem_alloc : memref<!tpu.dma_semaphore, #tpu.memory_space<semaphore_mem>>
      %dma_start3A_1015 = arith.constant 0 : i32
      %dma_start3A_1016 = arith.constant 0 : i32
      %dma_start3A_1017 = tpu.memref_slice %arg9[%dma_start3A_1015, %dma_start3A_1016] : memref<80x304xf32, #tpu.memory_space<vmem>> -> memref<16x304xf32, #tpu.memory_space<vmem>>
      %dma_start3A_1018 = arith.constant 0 : i32
      %dma_start3A_1019 = tpu.memref_slice %arg6[%mul3A_4, %dma_start3A_1018] : memref<512x304xf32, #tpu.memory_space<hbm>> -> memref<16x304xf32, #tpu.memory_space<hbm>>
      %dma_start3A_1020 = arith.constant 0 : i32
      %dma_start3A_1021 = tpu.memref_slice %arg6[%mul3A_4, %dma_start3A_1020] : memref<512x304xf32, #tpu.memory_space<hbm>> -> memref<16x304xf32, #tpu.memory_space<hbm>>
      %dma_start3A_1022 = arith.constant 0 : i32
      %dma_start3A_1023 = arith.constant 0 : i32
      %dma_start3A_1024 = tpu.memref_slice %arg9[%dma_start3A_1022, %dma_start3A_1023] : memref<80x304xf32, #tpu.memory_space<vmem>> -> memref<16x304xf32, #tpu.memory_space<vmem>>
      tpu.enqueue_dma source(%dma_start3A_1024 : memref<16x304xf32, #tpu.memory_space<vmem>>) target(%dma_start3A_1021 : memref<16x304xf32, #tpu.memory_space<hbm>>) target_semaphore(%run_scoped3A : memref<!tpu.dma_semaphore, #tpu.memory_space<semaphore_mem>>)
      %dma_wait3A_1025 = arith.constant 0 : i32
      %dma_wait3A_1026 = arith.constant 0 : i32
      %dma_wait3A_1027 = tpu.memref_slice %arg9[%dma_wait3A_1025, %dma_wait3A_1026] : memref<80x304xf32, #tpu.memory_space<vmem>> -> memref<16x304xf32, #tpu.memory_space<vmem>>
      %dma_wait3A_1028 = arith.constant 0 : i32
      %dma_wait3A_1029 = tpu.memref_slice %arg6[%mul3A_4, %dma_wait3A_1028] : memref<512x304xf32, #tpu.memory_space<hbm>> -> memref<16x304xf32, #tpu.memory_space<hbm>>
      %dma_wait3A_1030 = arith.constant 0 : i32
      %dma_wait3A_1031 = tpu.memref_slice %arg6[%mul3A_4, %dma_wait3A_1030] : memref<512x304xf32, #tpu.memory_space<hbm>> -> memref<16x304xf32, #tpu.memory_space<hbm>>
      %dma_wait3A_1032 = arith.constant 0 : i32
      %dma_wait3A_1033 = arith.constant 0 : i32
      %dma_wait3A_1034 = tpu.memref_slice %arg9[%dma_wait3A_1032, %dma_wait3A_1033] : memref<80x304xf32, #tpu.memory_space<vmem>> -> memref<16x304xf32, #tpu.memory_space<vmem>>
      tpu.wait_dma2 semaphore(%run_scoped3A : memref<!tpu.dma_semaphore, #tpu.memory_space<semaphore_mem>>) src(%dma_wait3A_1034 : memref<16x304xf32, #tpu.memory_space<vmem>>) dst(%dma_wait3A_1031 : memref<16x304xf32, #tpu.memory_space<hbm>>)
      tpu.yield
    }) : () -> ()
    %dma_start3A_15 = arith.constant 0 : i32
    %dma_start3A_16 = tpu.memref_slice %arg7[%dma_start3A_15] : memref<4000xi32, #tpu.memory_space<vmem>> -> memref<80xi32, #tpu.memory_space<vmem>>
    %dma_start3A_17 = arith.constant 0 : i32
    %dma_start3A_18 = arith.constant 0 : i32
    %dma_start3A_19 = tpu.memref_slice %arg2[%dma_start3A_17, %dma_start3A_18] : memref<100000x304xf32, #tpu.memory_space<hbm>> -> memref<100000x304xf32, #tpu.memory_space<hbm>>
    tpu.enqueue_indirect_dma source(%dma_start3A_19 : memref<100000x304xf32, #tpu.memory_space<hbm>>) target(%arg9 : memref<80x304xf32, #tpu.memory_space<vmem>>) offsets(%dma_start3A_16 : memref<80xi32, #tpu.memory_space<vmem>>) semaphore(%arg13 : memref<!tpu.dma_semaphore, #tpu.memory_space<semaphore_mem>>)
    %dma_start3A_20 = arith.constant 80 : i32
    %dma_start3A_21 = tpu.memref_slice %arg7[%dma_start3A_20] : memref<4000xi32, #tpu.memory_space<vmem>> -> memref<80xi32, #tpu.memory_space<vmem>>
    %dma_start3A_22 = arith.constant 0 : i32
    %dma_start3A_23 = arith.constant 0 : i32
    %dma_start3A_24 = tpu.memref_slice %arg2[%dma_start3A_22, %dma_start3A_23] : memref<100000x304xf32, #tpu.memory_space<hbm>> -> memref<100000x304xf32, #tpu.memory_space<hbm>>
    tpu.enqueue_indirect_dma source(%dma_start3A_24 : memref<100000x304xf32, #tpu.memory_space<hbm>>) target(%arg10 : memref<80x304xf32, #tpu.memory_space<vmem>>) offsets(%dma_start3A_21 : memref<80xi32, #tpu.memory_space<vmem>>) semaphore(%arg14 : memref<!tpu.dma_semaphore, #tpu.memory_space<semaphore_mem>>)
    %dma_start3A_25 = arith.constant 160 : i32
    %dma_start3A_26 = tpu.memref_slice %arg7[%dma_start3A_25] : memref<4000xi32, #tpu.memory_space<vmem>> -> memref<80xi32, #tpu.memory_space<vmem>>
    %dma_start3A_27 = arith.constant 0 : i32
    %dma_start3A_28 = arith.constant 0 : i32
    %dma_start3A_29 = tpu.memref_slice %arg2[%dma_start3A_27, %dma_start3A_28] : memref<100000x304xf32, #tpu.memory_space<hbm>> -> memref<100000x304xf32, #tpu.memory_space<hbm>>
    tpu.enqueue_indirect_dma source(%dma_start3A_29 : memref<100000x304xf32, #tpu.memory_space<hbm>>) target(%arg11 : memref<80x304xf32, #tpu.memory_space<vmem>>) offsets(%dma_start3A_26 : memref<80xi32, #tpu.memory_space<vmem>>) semaphore(%arg15 : memref<!tpu.dma_semaphore, #tpu.memory_space<semaphore_mem>>)
    %dma_wait3A_30 = arith.constant 0 : i32
    %dma_wait3A_31 = tpu.memref_slice %arg7[%dma_wait3A_30] : memref<4000xi32, #tpu.memory_space<vmem>> -> memref<80xi32, #tpu.memory_space<vmem>>
    %dma_wait3A_32 = arith.constant 0 : i32
    %dma_wait3A_33 = arith.constant 0 : i32
    %dma_wait3A_34 = tpu.memref_slice %arg2[%dma_wait3A_32, %dma_wait3A_33] : memref<100000x304xf32, #tpu.memory_space<hbm>> -> memref<100000x304xf32, #tpu.memory_space<hbm>>
    tpu.wait_indirect_dma semaphore(%arg13 : memref<!tpu.dma_semaphore, #tpu.memory_space<semaphore_mem>>) src(%dma_wait3A_34 : memref<100000x304xf32, #tpu.memory_space<hbm>>) dst(%arg9 : memref<80x304xf32, #tpu.memory_space<vmem>>)
    %add3A_35 = arith.constant 0 : i32
    %add3A_36 = arith.addi %mul3A_2, %add3A_35 : i32
    %dma_start3A_37 = arith.constant 0 : i32
    %dma_start3A_38 = tpu.memref_slice %arg5[%add3A_36, %dma_start3A_37] : memref<128000x304xf32, #tpu.memory_space<hbm>> -> memref<80x304xf32, #tpu.memory_space<hbm>>
    %dma_start3A_39 = arith.constant 0 : i32
    %dma_start3A_40 = tpu.memref_slice %arg5[%add3A_36, %dma_start3A_39] : memref<128000x304xf32, #tpu.memory_space<hbm>> -> memref<80x304xf32, #tpu.memory_space<hbm>>
    tpu.enqueue_dma source(%arg9 : memref<80x304xf32, #tpu.memory_space<vmem>>) target(%dma_start3A_40 : memref<80x304xf32, #tpu.memory_space<hbm>>) target_semaphore(%arg17 : memref<!tpu.dma_semaphore, #tpu.memory_space<semaphore_mem>>)
    %dma_start3A_41 = arith.constant 240 : i32
    %dma_start3A_42 = tpu.memref_slice %arg7[%dma_start3A_41] : memref<4000xi32, #tpu.memory_space<vmem>> -> memref<80xi32, #tpu.memory_space<vmem>>
    %dma_start3A_43 = arith.constant 0 : i32
    %dma_start3A_44 = arith.constant 0 : i32
    %dma_start3A_45 = tpu.memref_slice %arg2[%dma_start3A_43, %dma_start3A_44] : memref<100000x304xf32, #tpu.memory_space<hbm>> -> memref<100000x304xf32, #tpu.memory_space<hbm>>
    tpu.enqueue_indirect_dma source(%dma_start3A_45 : memref<100000x304xf32, #tpu.memory_space<hbm>>) target(%arg12 : memref<80x304xf32, #tpu.memory_space<vmem>>) offsets(%dma_start3A_42 : memref<80xi32, #tpu.memory_space<vmem>>) semaphore(%arg16 : memref<!tpu.dma_semaphore, #tpu.memory_space<semaphore_mem>>)
    %dma_wait3A_46 = arith.constant 80 : i32
    %dma_wait3A_47 = tpu.memref_slice %arg7[%dma_wait3A_46] : memref<4000xi32, #tpu.memory_space<vmem>> -> memref<80xi32, #tpu.memory_space<vmem>>
    %dma_wait3A_48 = arith.constant 0 : i32
    %dma_wait3A_49 = arith.constant 0 : i32
    %dma_wait3A_50 = tpu.memref_slice %arg2[%dma_wait3A_48, %dma_wait3A_49] : memref<100000x304xf32, #tpu.memory_space<hbm>> -> memref<100000x304xf32, #tpu.memory_space<hbm>>
    tpu.wait_indirect_dma semaphore(%arg14 : memref<!tpu.dma_semaphore, #tpu.memory_space<semaphore_mem>>) src(%dma_wait3A_50 : memref<100000x304xf32, #tpu.memory_space<hbm>>) dst(%arg10 : memref<80x304xf32, #tpu.memory_space<vmem>>)
    %add3A_51 = arith.constant 80 : i32
    %add3A_52 = arith.addi %mul3A_2, %add3A_51 : i32
    %dma_start3A_53 = arith.constant 0 : i32
    %dma_start3A_54 = tpu.memref_slice %arg5[%add3A_52, %dma_start3A_53] : memref<128000x304xf32, #tpu.memory_space<hbm>> -> memref<80x304xf32, #tpu.memory_space<hbm>>
    %dma_start3A_55 = arith.constant 0 : i32
    %dma_start3A_56 = tpu.memref_slice %arg5[%add3A_52, %dma_start3A_55] : memref<128000x304xf32, #tpu.memory_space<hbm>> -> memref<80x304xf32, #tpu.memory_space<hbm>>
    tpu.enqueue_dma source(%arg10 : memref<80x304xf32, #tpu.memory_space<vmem>>) target(%dma_start3A_56 : memref<80x304xf32, #tpu.memory_space<hbm>>) target_semaphore(%arg18 : memref<!tpu.dma_semaphore, #tpu.memory_space<semaphore_mem>>)
    %dma_wait3A_57 = arith.constant 0 : i32
    %dma_wait3A_58 = tpu.memref_slice %arg5[%add3A_36, %dma_wait3A_57] : memref<128000x304xf32, #tpu.memory_space<hbm>> -> memref<80x304xf32, #tpu.memory_space<hbm>>
    %dma_wait3A_59 = arith.constant 0 : i32
    %dma_wait3A_60 = tpu.memref_slice %arg5[%add3A_36, %dma_wait3A_59] : memref<128000x304xf32, #tpu.memory_space<hbm>> -> memref<80x304xf32, #tpu.memory_space<hbm>>
    tpu.wait_dma2 semaphore(%arg17 : memref<!tpu.dma_semaphore, #tpu.memory_space<semaphore_mem>>) src(%arg9 : memref<80x304xf32, #tpu.memory_space<vmem>>) dst(%dma_wait3A_60 : memref<80x304xf32, #tpu.memory_space<hbm>>)
    %dma_start3A_61 = arith.constant 320 : i32
    %dma_start3A_62 = tpu.memref_slice %arg7[%dma_start3A_61] : memref<4000xi32, #tpu.memory_space<vmem>> -> memref<80xi32, #tpu.memory_space<vmem>>
    %dma_start3A_63 = arith.constant 0 : i32
    %dma_start3A_64 = arith.constant 0 : i32
    %dma_start3A_65 = tpu.memref_slice %arg2[%dma_start3A_63, %dma_start3A_64] : memref<100000x304xf32, #tpu.memory_space<hbm>> -> memref<100000x304xf32, #tpu.memory_space<hbm>>
    tpu.enqueue_indirect_dma source(%dma_start3A_65 : memref<100000x304xf32, #tpu.memory_space<hbm>>) target(%arg9 : memref<80x304xf32, #tpu.memory_space<vmem>>) offsets(%dma_start3A_62 : memref<80xi32, #tpu.memory_space<vmem>>) semaphore(%arg13 : memref<!tpu.dma_semaphore, #tpu.memory_space<semaphore_mem>>)
    %dma_wait3A_66 = arith.constant 160 : i32
    %dma_wait3A_67 = tpu.memref_slice %arg7[%dma_wait3A_66] : memref<4000xi32, #tpu.memory_space<vmem>> -> memref<80xi32, #tpu.memory_space<vmem>>
    %dma_wait3A_68 = arith.constant 0 : i32
    %dma_wait3A_69 = arith.constant 0 : i32
    %dma_wait3A_70 = tpu.memref_slice %arg2[%dma_wait3A_68, %dma_wait3A_69] : memref<100000x304xf32, #tpu.memory_space<hbm>> -> memref<100000x304xf32, #tpu.memory_space<hbm>>
    tpu.wait_indirect_dma semaphore(%arg15 : memref<!tpu.dma_semaphore, #tpu.memory_space<semaphore_mem>>) src(%dma_wait3A_70 : memref<100000x304xf32, #tpu.memory_space<hbm>>) dst(%arg11 : memref<80x304xf32, #tpu.memory_space<vmem>>)
    %add3A_71 = arith.constant 160 : i32
    %add3A_72 = arith.addi %mul3A_2, %add3A_71 : i32
    %dma_start3A_73 = arith.constant 0 : i32
    %dma_start3A_74 = tpu.memref_slice %arg5[%add3A_72, %dma_start3A_73] : memref<128000x304xf32, #tpu.memory_space<hbm>> -> memref<80x304xf32, #tpu.memory_space<hbm>>
    %dma_start3A_75 = arith.constant 0 : i32
    %dma_start3A_76 = tpu.memref_slice %arg5[%add3A_72, %dma_start3A_75] : memref<128000x304xf32, #tpu.memory_space<hbm>> -> memref<80x304xf32, #tpu.memory_space<hbm>>
    tpu.enqueue_dma source(%arg11 : memref<80x304xf32, #tpu.memory_space<vmem>>) target(%dma_start3A_76 : memref<80x304xf32, #tpu.memory_space<hbm>>) target_semaphore(%arg19 : memref<!tpu.dma_semaphore, #tpu.memory_space<semaphore_mem>>)
    %dma_wait3A_77 = arith.constant 0 : i32
    %dma_wait3A_78 = tpu.memref_slice %arg5[%add3A_52, %dma_wait3A_77] : memref<128000x304xf32, #tpu.memory_space<hbm>> -> memref<80x304xf32, #tpu.memory_space<hbm>>
    %dma_wait3A_79 = arith.constant 0 : i32
    %dma_wait3A_80 = tpu.memref_slice %arg5[%add3A_52, %dma_wait3A_79] : memref<128000x304xf32, #tpu.memory_space<hbm>> -> memref<80x304xf32, #tpu.memory_space<hbm>>
    tpu.wait_dma2 semaphore(%arg18 : memref<!tpu.dma_semaphore, #tpu.memory_space<semaphore_mem>>) src(%arg10 : memref<80x304xf32, #tpu.memory_space<vmem>>) dst(%dma_wait3A_80 : memref<80x304xf32, #tpu.memory_space<hbm>>)
    %dma_start3A_81 = arith.constant 400 : i32
    %dma_start3A_82 = tpu.memref_slice %arg7[%dma_start3A_81] : memref<4000xi32, #tpu.memory_space<vmem>> -> memref<80xi32, #tpu.memory_space<vmem>>
    %dma_start3A_83 = arith.constant 0 : i32
    %dma_start3A_84 = arith.constant 0 : i32
    %dma_start3A_85 = tpu.memref_slice %arg2[%dma_start3A_83, %dma_start3A_84] : memref<100000x304xf32, #tpu.memory_space<hbm>> -> memref<100000x304xf32, #tpu.memory_space<hbm>>
    tpu.enqueue_indirect_dma source(%dma_start3A_85 : memref<100000x304xf32, #tpu.memory_space<hbm>>) target(%arg10 : memref<80x304xf32, #tpu.memory_space<vmem>>) offsets(%dma_start3A_82 : memref<80xi32, #tpu.memory_space<vmem>>) semaphore(%arg14 : memref<!tpu.dma_semaphore, #tpu.memory_space<semaphore_mem>>)
    %dma_wait3A_86 = arith.constant 240 : i32
    %dma_wait3A_87 = tpu.memref_slice %arg7[%dma_wait3A_86] : memref<4000xi32, #tpu.memory_space<vmem>> -> memref<80xi32, #tpu.memory_space<vmem>>
    %dma_wait3A_88 = arith.constant 0 : i32
    %dma_wait3A_89 = arith.constant 0 : i32
    %dma_wait3A_90 = tpu.memref_slice %arg2[%dma_wait3A_88, %dma_wait3A_89] : memref<100000x304xf32, #tpu.memory_space<hbm>> -> memref<100000x304xf32, #tpu.memory_space<hbm>>
    tpu.wait_indirect_dma semaphore(%arg16 : memref<!tpu.dma_semaphore, #tpu.memory_space<semaphore_mem>>) src(%dma_wait3A_90 : memref<100000x304xf32, #tpu.memory_space<hbm>>) dst(%arg12 : memref<80x304xf32, #tpu.memory_space<vmem>>)
    %add3A_91 = arith.constant 240 : i32
    %add3A_92 = arith.addi %mul3A_2, %add3A_91 : i32
    %dma_start3A_93 = arith.constant 0 : i32
    %dma_start3A_94 = tpu.memref_slice %arg5[%add3A_92, %dma_start3A_93] : memref<128000x304xf32, #tpu.memory_space<hbm>> -> memref<80x304xf32, #tpu.memory_space<hbm>>
    %dma_start3A_95 = arith.constant 0 : i32
    %dma_start3A_96 = tpu.memref_slice %arg5[%add3A_92, %dma_start3A_95] : memref<128000x304xf32, #tpu.memory_space<hbm>> -> memref<80x304xf32, #tpu.memory_space<hbm>>
    tpu.enqueue_dma source(%arg12 : memref<80x304xf32, #tpu.memory_space<vmem>>) target(%dma_start3A_96 : memref<80x304xf32, #tpu.memory_space<hbm>>) target_semaphore(%arg20 : memref<!tpu.dma_semaphore, #tpu.memory_space<semaphore_mem>>)
    %dma_wait3A_97 = arith.constant 0 : i32
    %dma_wait3A_98 = tpu.memref_slice %arg5[%add3A_72, %dma_wait3A_97] : memref<128000x304xf32, #tpu.memory_space<hbm>> -> memref<80x304xf32, #tpu.memory_space<hbm>>
    %dma_wait3A_99 = arith.constant 0 : i32
    %dma_wait3A_100 = tpu.memref_slice %arg5[%add3A_72, %dma_wait3A_99] : memref<128000x304xf32, #tpu.memory_space<hbm>> -> memref<80x304xf32, #tpu.memory_space<hbm>>
    tpu.wait_dma2 semaphore(%arg19 : memref<!tpu.dma_semaphore, #tpu.memory_space<semaphore_mem>>) src(%arg11 : memref<80x304xf32, #tpu.memory_space<vmem>>) dst(%dma_wait3A_100 : memref<80x304xf32, #tpu.memory_space<hbm>>)
    %dma_start3A_101 = arith.constant 480 : i32
    %dma_start3A_102 = tpu.memref_slice %arg7[%dma_start3A_101] : memref<4000xi32, #tpu.memory_space<vmem>> -> memref<80xi32, #tpu.memory_space<vmem>>
    %dma_start3A_103 = arith.constant 0 : i32
    %dma_start3A_104 = arith.constant 0 : i32
    %dma_start3A_105 = tpu.memref_slice %arg2[%dma_start3A_103, %dma_start3A_104] : memref<100000x304xf32, #tpu.memory_space<hbm>> -> memref<100000x304xf32, #tpu.memory_space<hbm>>
    tpu.enqueue_indirect_dma source(%dma_start3A_105 : memref<100000x304xf32, #tpu.memory_space<hbm>>) target(%arg11 : memref<80x304xf32, #tpu.memory_space<vmem>>) offsets(%dma_start3A_102 : memref<80xi32, #tpu.memory_space<vmem>>) semaphore(%arg15 : memref<!tpu.dma_semaphore, #tpu.memory_space<semaphore_mem>>)
    %dma_wait3A_106 = arith.constant 320 : i32
    %dma_wait3A_107 = tpu.memref_slice %arg7[%dma_wait3A_106] : memref<4000xi32, #tpu.memory_space<vmem>> -> memref<80xi32, #tpu.memory_space<vmem>>
    %dma_wait3A_108 = arith.constant 0 : i32
    %dma_wait3A_109 = arith.constant 0 : i32
    %dma_wait3A_110 = tpu.memref_slice %arg2[%dma_wait3A_108, %dma_wait3A_109] : memref<100000x304xf32, #tpu.memory_space<hbm>> -> memref<100000x304xf32, #tpu.memory_space<hbm>>
    tpu.wait_indirect_dma semaphore(%arg13 : memref<!tpu.dma_semaphore, #tpu.memory_space<semaphore_mem>>) src(%dma_wait3A_110 : memref<100000x304xf32, #tpu.memory_space<hbm>>) dst(%arg9 : memref<80x304xf32, #tpu.memory_space<vmem>>)
    %add3A_111 = arith.constant 320 : i32
    %add3A_112 = arith.addi %mul3A_2, %add3A_111 : i32
    %dma_start3A_113 = arith.constant 0 : i32
    %dma_start3A_114 = tpu.memref_slice %arg5[%add3A_112, %dma_start3A_113] : memref<128000x304xf32, #tpu.memory_space<hbm>> -> memref<80x304xf32, #tpu.memory_space<hbm>>
    %dma_start3A_115 = arith.constant 0 : i32
    %dma_start3A_116 = tpu.memref_slice %arg5[%add3A_112, %dma_start3A_115] : memref<128000x304xf32, #tpu.memory_space<hbm>> -> memref<80x304xf32, #tpu.memory_space<hbm>>
    tpu.enqueue_dma source(%arg9 : memref<80x304xf32, #tpu.memory_space<vmem>>) target(%dma_start3A_116 : memref<80x304xf32, #tpu.memory_space<hbm>>) target_semaphore(%arg17 : memref<!tpu.dma_semaphore, #tpu.memory_space<semaphore_mem>>)
    %dma_wait3A_117 = arith.constant 0 : i32
    %dma_wait3A_118 = tpu.memref_slice %arg5[%add3A_92, %dma_wait3A_117] : memref<128000x304xf32, #tpu.memory_space<hbm>> -> memref<80x304xf32, #tpu.memory_space<hbm>>
    %dma_wait3A_119 = arith.constant 0 : i32
    %dma_wait3A_120 = tpu.memref_slice %arg5[%add3A_92, %dma_wait3A_119] : memref<128000x304xf32, #tpu.memory_space<hbm>> -> memref<80x304xf32, #tpu.memory_space<hbm>>
    tpu.wait_dma2 semaphore(%arg20 : memref<!tpu.dma_semaphore, #tpu.memory_space<semaphore_mem>>) src(%arg12 : memref<80x304xf32, #tpu.memory_space<vmem>>) dst(%dma_wait3A_120 : memref<80x304xf32, #tpu.memory_space<hbm>>)
    %dma_start3A_121 = arith.constant 560 : i32
    %dma_start3A_122 = tpu.memref_slice %arg7[%dma_start3A_121] : memref<4000xi32, #tpu.memory_space<vmem>> -> memref<80xi32, #tpu.memory_space<vmem>>
    %dma_start3A_123 = arith.constant 0 : i32
    %dma_start3A_124 = arith.constant 0 : i32
    %dma_start3A_125 = tpu.memref_slice %arg2[%dma_start3A_123, %dma_start3A_124] : memref<100000x304xf32, #tpu.memory_space<hbm>> -> memref<100000x304xf32, #tpu.memory_space<hbm>>
    tpu.enqueue_indirect_dma source(%dma_start3A_125 : memref<100000x304xf32, #tpu.memory_space<hbm>>) target(%arg12 : memref<80x304xf32, #tpu.memory_space<vmem>>) offsets(%dma_start3A_122 : memref<80xi32, #tpu.memory_space<vmem>>) semaphore(%arg16 : memref<!tpu.dma_semaphore, #tpu.memory_space<semaphore_mem>>)
    %dma_wait3A_126 = arith.constant 400 : i32
    %dma_wait3A_127 = tpu.memref_slice %arg7[%dma_wait3A_126] : memref<4000xi32, #tpu.memory_space<vmem>> -> memref<80xi32, #tpu.memory_space<vmem>>
    %dma_wait3A_128 = arith.constant 0 : i32
    %dma_wait3A_129 = arith.constant 0 : i32
    %dma_wait3A_130 = tpu.memref_slice %arg2[%dma_wait3A_128, %dma_wait3A_129] : memref<100000x304xf32, #tpu.memory_space<hbm>> -> memref<100000x304xf32, #tpu.memory_space<hbm>>
    tpu.wait_indirect_dma semaphore(%arg14 : memref<!tpu.dma_semaphore, #tpu.memory_space<semaphore_mem>>) src(%dma_wait3A_130 : memref<100000x304xf32, #tpu.memory_space<hbm>>) dst(%arg10 : memref<80x304xf32, #tpu.memory_space<vmem>>)
    %add3A_131 = arith.constant 400 : i32
    %add3A_132 = arith.addi %mul3A_2, %add3A_131 : i32
    %dma_start3A_133 = arith.constant 0 : i32
    %dma_start3A_134 = tpu.memref_slice %arg5[%add3A_132, %dma_start3A_133] : memref<128000x304xf32, #tpu.memory_space<hbm>> -> memref<80x304xf32, #tpu.memory_space<hbm>>
    %dma_start3A_135 = arith.constant 0 : i32
    %dma_start3A_136 = tpu.memref_slice %arg5[%add3A_132, %dma_start3A_135] : memref<128000x304xf32, #tpu.memory_space<hbm>> -> memref<80x304xf32, #tpu.memory_space<hbm>>
    tpu.enqueue_dma source(%arg10 : memref<80x304xf32, #tpu.memory_space<vmem>>) target(%dma_start3A_136 : memref<80x304xf32, #tpu.memory_space<hbm>>) target_semaphore(%arg18 : memref<!tpu.dma_semaphore, #tpu.memory_space<semaphore_mem>>)
    %dma_wait3A_137 = arith.constant 0 : i32
    %dma_wait3A_138 = tpu.memref_slice %arg5[%add3A_112, %dma_wait3A_137] : memref<128000x304xf32, #tpu.memory_space<hbm>> -> memref<80x304xf32, #tpu.memory_space<hbm>>
    %dma_wait3A_139 = arith.constant 0 : i32
    %dma_wait3A_140 = tpu.memref_slice %arg5[%add3A_112, %dma_wait3A_139] : memref<128000x304xf32, #tpu.memory_space<hbm>> -> memref<80x304xf32, #tpu.memory_space<hbm>>
    tpu.wait_dma2 semaphore(%arg17 : memref<!tpu.dma_semaphore, #tpu.memory_space<semaphore_mem>>) src(%arg9 : memref<80x304xf32, #tpu.memory_space<vmem>>) dst(%dma_wait3A_140 : memref<80x304xf32, #tpu.memory_space<hbm>>)
    %dma_start3A_141 = arith.constant 640 : i32
    %dma_start3A_142 = tpu.memref_slice %arg7[%dma_start3A_141] : memref<4000xi32, #tpu.memory_space<vmem>> -> memref<80xi32, #tpu.memory_space<vmem>>
    %dma_start3A_143 = arith.constant 0 : i32
    %dma_start3A_144 = arith.constant 0 : i32
    %dma_start3A_145 = tpu.memref_slice %arg2[%dma_start3A_143, %dma_start3A_144] : memref<100000x304xf32, #tpu.memory_space<hbm>> -> memref<100000x304xf32, #tpu.memory_space<hbm>>
    tpu.enqueue_indirect_dma source(%dma_start3A_145 : memref<100000x304xf32, #tpu.memory_space<hbm>>) target(%arg9 : memref<80x304xf32, #tpu.memory_space<vmem>>) offsets(%dma_start3A_142 : memref<80xi32, #tpu.memory_space<vmem>>) semaphore(%arg13 : memref<!tpu.dma_semaphore, #tpu.memory_space<semaphore_mem>>)
    %dma_wait3A_146 = arith.constant 480 : i32
    %dma_wait3A_147 = tpu.memref_slice %arg7[%dma_wait3A_146] : memref<4000xi32, #tpu.memory_space<vmem>> -> memref<80xi32, #tpu.memory_space<vmem>>
    %dma_wait3A_148 = arith.constant 0 : i32
    %dma_wait3A_149 = arith.constant 0 : i32
    %dma_wait3A_150 = tpu.memref_slice %arg2[%dma_wait3A_148, %dma_wait3A_149] : memref<100000x304xf32, #tpu.memory_space<hbm>> -> memref<100000x304xf32, #tpu.memory_space<hbm>>
    tpu.wait_indirect_dma semaphore(%arg15 : memref<!tpu.dma_semaphore, #tpu.memory_space<semaphore_mem>>) src(%dma_wait3A_150 : memref<100000x304xf32, #tpu.memory_space<hbm>>) dst(%arg11 : memref<80x304xf32, #tpu.memory_space<vmem>>)
    %add3A_151 = arith.constant 480 : i32
    %add3A_152 = arith.addi %mul3A_2, %add3A_151 : i32
    %dma_start3A_153 = arith.constant 0 : i32
    %dma_start3A_154 = tpu.memref_slice %arg5[%add3A_152, %dma_start3A_153] : memref<128000x304xf32, #tpu.memory_space<hbm>> -> memref<80x304xf32, #tpu.memory_space<hbm>>
    %dma_start3A_155 = arith.constant 0 : i32
    %dma_start3A_156 = tpu.memref_slice %arg5[%add3A_152, %dma_start3A_155] : memref<128000x304xf32, #tpu.memory_space<hbm>> -> memref<80x304xf32, #tpu.memory_space<hbm>>
    tpu.enqueue_dma source(%arg11 : memref<80x304xf32, #tpu.memory_space<vmem>>) target(%dma_start3A_156 : memref<80x304xf32, #tpu.memory_space<hbm>>) target_semaphore(%arg19 : memref<!tpu.dma_semaphore, #tpu.memory_space<semaphore_mem>>)
    %dma_wait3A_157 = arith.constant 0 : i32
    %dma_wait3A_158 = tpu.memref_slice %arg5[%add3A_132, %dma_wait3A_157] : memref<128000x304xf32, #tpu.memory_space<hbm>> -> memref<80x304xf32, #tpu.memory_space<hbm>>
    %dma_wait3A_159 = arith.constant 0 : i32
    %dma_wait3A_160 = tpu.memref_slice %arg5[%add3A_132, %dma_wait3A_159] : memref<128000x304xf32, #tpu.memory_space<hbm>> -> memref<80x304xf32, #tpu.memory_space<hbm>>
    tpu.wait_dma2 semaphore(%arg18 : memref<!tpu.dma_semaphore, #tpu.memory_space<semaphore_mem>>) src(%arg10 : memref<80x304xf32, #tpu.memory_space<vmem>>) dst(%dma_wait3A_160 : memref<80x304xf32, #tpu.memory_space<hbm>>)
    %dma_start3A_161 = arith.constant 720 : i32
    %dma_start3A_162 = tpu.memref_slice %arg7[%dma_start3A_161] : memref<4000xi32, #tpu.memory_space<vmem>> -> memref<80xi32, #tpu.memory_space<vmem>>
    %dma_start3A_163 = arith.constant 0 : i32
    %dma_start3A_164 = arith.constant 0 : i32
    %dma_start3A_165 = tpu.memref_slice %arg2[%dma_start3A_163, %dma_start3A_164] : memref<100000x304xf32, #tpu.memory_space<hbm>> -> memref<100000x304xf32, #tpu.memory_space<hbm>>
    tpu.enqueue_indirect_dma source(%dma_start3A_165 : memref<100000x304xf32, #tpu.memory_space<hbm>>) target(%arg10 : memref<80x304xf32, #tpu.memory_space<vmem>>) offsets(%dma_start3A_162 : memref<80xi32, #tpu.memory_space<vmem>>) semaphore(%arg14 : memref<!tpu.dma_semaphore, #tpu.memory_space<semaphore_mem>>)
    %dma_wait3A_166 = arith.constant 560 : i32
    %dma_wait3A_167 = tpu.memref_slice %arg7[%dma_wait3A_166] : memref<4000xi32, #tpu.memory_space<vmem>> -> memref<80xi32, #tpu.memory_space<vmem>>
    %dma_wait3A_168 = arith.constant 0 : i32
    %dma_wait3A_169 = arith.constant 0 : i32
    %dma_wait3A_170 = tpu.memref_slice %arg2[%dma_wait3A_168, %dma_wait3A_169] : memref<100000x304xf32, #tpu.memory_space<hbm>> -> memref<100000x304xf32, #tpu.memory_space<hbm>>
    tpu.wait_indirect_dma semaphore(%arg16 : memref<!tpu.dma_semaphore, #tpu.memory_space<semaphore_mem>>) src(%dma_wait3A_170 : memref<100000x304xf32, #tpu.memory_space<hbm>>) dst(%arg12 : memref<80x304xf32, #tpu.memory_space<vmem>>)
    %add3A_171 = arith.constant 560 : i32
    %add3A_172 = arith.addi %mul3A_2, %add3A_171 : i32
    %dma_start3A_173 = arith.constant 0 : i32
    %dma_start3A_174 = tpu.memref_slice %arg5[%add3A_172, %dma_start3A_173] : memref<128000x304xf32, #tpu.memory_space<hbm>> -> memref<80x304xf32, #tpu.memory_space<hbm>>
    %dma_start3A_175 = arith.constant 0 : i32
    %dma_start3A_176 = tpu.memref_slice %arg5[%add3A_172, %dma_start3A_175] : memref<128000x304xf32, #tpu.memory_space<hbm>> -> memref<80x304xf32, #tpu.memory_space<hbm>>
    tpu.enqueue_dma source(%arg12 : memref<80x304xf32, #tpu.memory_space<vmem>>) target(%dma_start3A_176 : memref<80x304xf32, #tpu.memory_space<hbm>>) target_semaphore(%arg20 : memref<!tpu.dma_semaphore, #tpu.memory_space<semaphore_mem>>)
    %dma_wait3A_177 = arith.constant 0 : i32
    %dma_wait3A_178 = tpu.memref_slice %arg5[%add3A_152, %dma_wait3A_177] : memref<128000x304xf32, #tpu.memory_space<hbm>> -> memref<80x304xf32, #tpu.memory_space<hbm>>
    %dma_wait3A_179 = arith.constant 0 : i32
    %dma_wait3A_180 = tpu.memref_slice %arg5[%add3A_152, %dma_wait3A_179] : memref<128000x304xf32, #tpu.memory_space<hbm>> -> memref<80x304xf32, #tpu.memory_space<hbm>>
    tpu.wait_dma2 semaphore(%arg19 : memref<!tpu.dma_semaphore, #tpu.memory_space<semaphore_mem>>) src(%arg11 : memref<80x304xf32, #tpu.memory_space<vmem>>) dst(%dma_wait3A_180 : memref<80x304xf32, #tpu.memory_space<hbm>>)
    %dma_start3A_181 = arith.constant 800 : i32
    %dma_start3A_182 = tpu.memref_slice %arg7[%dma_start3A_181] : memref<4000xi32, #tpu.memory_space<vmem>> -> memref<80xi32, #tpu.memory_space<vmem>>
    %dma_start3A_183 = arith.constant 0 : i32
    %dma_start3A_184 = arith.constant 0 : i32
    %dma_start3A_185 = tpu.memref_slice %arg2[%dma_start3A_183, %dma_start3A_184] : memref<100000x304xf32, #tpu.memory_space<hbm>> -> memref<100000x304xf32, #tpu.memory_space<hbm>>
    tpu.enqueue_indirect_dma source(%dma_start3A_185 : memref<100000x304xf32, #tpu.memory_space<hbm>>) target(%arg11 : memref<80x304xf32, #tpu.memory_space<vmem>>) offsets(%dma_start3A_182 : memref<80xi32, #tpu.memory_space<vmem>>) semaphore(%arg15 : memref<!tpu.dma_semaphore, #tpu.memory_space<semaphore_mem>>)
    %dma_wait3A_186 = arith.constant 640 : i32
    %dma_wait3A_187 = tpu.memref_slice %arg7[%dma_wait3A_186] : memref<4000xi32, #tpu.memory_space<vmem>> -> memref<80xi32, #tpu.memory_space<vmem>>
    %dma_wait3A_188 = arith.constant 0 : i32
    %dma_wait3A_189 = arith.constant 0 : i32
    %dma_wait3A_190 = tpu.memref_slice %arg2[%dma_wait3A_188, %dma_wait3A_189] : memref<100000x304xf32, #tpu.memory_space<hbm>> -> memref<100000x304xf32, #tpu.memory_space<hbm>>
    tpu.wait_indirect_dma semaphore(%arg13 : memref<!tpu.dma_semaphore, #tpu.memory_space<semaphore_mem>>) src(%dma_wait3A_190 : memref<100000x304xf32, #tpu.memory_space<hbm>>) dst(%arg9 : memref<80x304xf32, #tpu.memory_space<vmem>>)
    %add3A_191 = arith.constant 640 : i32
    %add3A_192 = arith.addi %mul3A_2, %add3A_191 : i32
    %dma_start3A_193 = arith.constant 0 : i32
    %dma_start3A_194 = tpu.memref_slice %arg5[%add3A_192, %dma_start3A_193] : memref<128000x304xf32, #tpu.memory_space<hbm>> -> memref<80x304xf32, #tpu.memory_space<hbm>>
    %dma_start3A_195 = arith.constant 0 : i32
    %dma_start3A_196 = tpu.memref_slice %arg5[%add3A_192, %dma_start3A_195] : memref<128000x304xf32, #tpu.memory_space<hbm>> -> memref<80x304xf32, #tpu.memory_space<hbm>>
    tpu.enqueue_dma source(%arg9 : memref<80x304xf32, #tpu.memory_space<vmem>>) target(%dma_start3A_196 : memref<80x304xf32, #tpu.memory_space<hbm>>) target_semaphore(%arg17 : memref<!tpu.dma_semaphore, #tpu.memory_space<semaphore_mem>>)
    %dma_wait3A_197 = arith.constant 0 : i32
    %dma_wait3A_198 = tpu.memref_slice %arg5[%add3A_172, %dma_wait3A_197] : memref<128000x304xf32, #tpu.memory_space<hbm>> -> memref<80x304xf32, #tpu.memory_space<hbm>>
    %dma_wait3A_199 = arith.constant 0 : i32
    %dma_wait3A_200 = tpu.memref_slice %arg5[%add3A_172, %dma_wait3A_199] : memref<128000x304xf32, #tpu.memory_space<hbm>> -> memref<80x304xf32, #tpu.memory_space<hbm>>
    tpu.wait_dma2 semaphore(%arg20 : memref<!tpu.dma_semaphore, #tpu.memory_space<semaphore_mem>>) src(%arg12 : memref<80x304xf32, #tpu.memory_space<vmem>>) dst(%dma_wait3A_200 : memref<80x304xf32, #tpu.memory_space<hbm>>)
    %dma_start3A_201 = arith.constant 880 : i32
    %dma_start3A_202 = tpu.memref_slice %arg7[%dma_start3A_201] : memref<4000xi32, #tpu.memory_space<vmem>> -> memref<80xi32, #tpu.memory_space<vmem>>
    %dma_start3A_203 = arith.constant 0 : i32
    %dma_start3A_204 = arith.constant 0 : i32
    %dma_start3A_205 = tpu.memref_slice %arg2[%dma_start3A_203, %dma_start3A_204] : memref<100000x304xf32, #tpu.memory_space<hbm>> -> memref<100000x304xf32, #tpu.memory_space<hbm>>
    tpu.enqueue_indirect_dma source(%dma_start3A_205 : memref<100000x304xf32, #tpu.memory_space<hbm>>) target(%arg12 : memref<80x304xf32, #tpu.memory_space<vmem>>) offsets(%dma_start3A_202 : memref<80xi32, #tpu.memory_space<vmem>>) semaphore(%arg16 : memref<!tpu.dma_semaphore, #tpu.memory_space<semaphore_mem>>)
    %dma_wait3A_206 = arith.constant 720 : i32
    %dma_wait3A_207 = tpu.memref_slice %arg7[%dma_wait3A_206] : memref<4000xi32, #tpu.memory_space<vmem>> -> memref<80xi32, #tpu.memory_space<vmem>>
    %dma_wait3A_208 = arith.constant 0 : i32
    %dma_wait3A_209 = arith.constant 0 : i32
    %dma_wait3A_210 = tpu.memref_slice %arg2[%dma_wait3A_208, %dma_wait3A_209] : memref<100000x304xf32, #tpu.memory_space<hbm>> -> memref<100000x304xf32, #tpu.memory_space<hbm>>
    tpu.wait_indirect_dma semaphore(%arg14 : memref<!tpu.dma_semaphore, #tpu.memory_space<semaphore_mem>>) src(%dma_wait3A_210 : memref<100000x304xf32, #tpu.memory_space<hbm>>) dst(%arg10 : memref<80x304xf32, #tpu.memory_space<vmem>>)
    %add3A_211 = arith.constant 720 : i32
    %add3A_212 = arith.addi %mul3A_2, %add3A_211 : i32
    %dma_start3A_213 = arith.constant 0 : i32
    %dma_start3A_214 = tpu.memref_slice %arg5[%add3A_212, %dma_start3A_213] : memref<128000x304xf32, #tpu.memory_space<hbm>> -> memref<80x304xf32, #tpu.memory_space<hbm>>
    %dma_start3A_215 = arith.constant 0 : i32
    %dma_start3A_216 = tpu.memref_slice %arg5[%add3A_212, %dma_start3A_215] : memref<128000x304xf32, #tpu.memory_space<hbm>> -> memref<80x304xf32, #tpu.memory_space<hbm>>
    tpu.enqueue_dma source(%arg10 : memref<80x304xf32, #tpu.memory_space<vmem>>) target(%dma_start3A_216 : memref<80x304xf32, #tpu.memory_space<hbm>>) target_semaphore(%arg18 : memref<!tpu.dma_semaphore, #tpu.memory_space<semaphore_mem>>)
    %dma_wait3A_217 = arith.constant 0 : i32
    %dma_wait3A_218 = tpu.memref_slice %arg5[%add3A_192, %dma_wait3A_217] : memref<128000x304xf32, #tpu.memory_space<hbm>> -> memref<80x304xf32, #tpu.memory_space<hbm>>
    %dma_wait3A_219 = arith.constant 0 : i32
    %dma_wait3A_220 = tpu.memref_slice %arg5[%add3A_192, %dma_wait3A_219] : memref<128000x304xf32, #tpu.memory_space<hbm>> -> memref<80x304xf32, #tpu.memory_space<hbm>>
    tpu.wait_dma2 semaphore(%arg17 : memref<!tpu.dma_semaphore, #tpu.memory_space<semaphore_mem>>) src(%arg9 : memref<80x304xf32, #tpu.memory_space<vmem>>) dst(%dma_wait3A_220 : memref<80x304xf32, #tpu.memory_space<hbm>>)
    %dma_start3A_221 = arith.constant 960 : i32
    %dma_start3A_222 = tpu.memref_slice %arg7[%dma_start3A_221] : memref<4000xi32, #tpu.memory_space<vmem>> -> memref<80xi32, #tpu.memory_space<vmem>>
    %dma_start3A_223 = arith.constant 0 : i32
    %dma_start3A_224 = arith.constant 0 : i32
    %dma_start3A_225 = tpu.memref_slice %arg2[%dma_start3A_223, %dma_start3A_224] : memref<100000x304xf32, #tpu.memory_space<hbm>> -> memref<100000x304xf32, #tpu.memory_space<hbm>>
    tpu.enqueue_indirect_dma source(%dma_start3A_225 : memref<100000x304xf32, #tpu.memory_space<hbm>>) target(%arg9 : memref<80x304xf32, #tpu.memory_space<vmem>>) offsets(%dma_start3A_222 : memref<80xi32, #tpu.memory_space<vmem>>) semaphore(%arg13 : memref<!tpu.dma_semaphore, #tpu.memory_space<semaphore_mem>>)
    %dma_wait3A_226 = arith.constant 800 : i32
    %dma_wait3A_227 = tpu.memref_slice %arg7[%dma_wait3A_226] : memref<4000xi32, #tpu.memory_space<vmem>> -> memref<80xi32, #tpu.memory_space<vmem>>
    %dma_wait3A_228 = arith.constant 0 : i32
    %dma_wait3A_229 = arith.constant 0 : i32
    %dma_wait3A_230 = tpu.memref_slice %arg2[%dma_wait3A_228, %dma_wait3A_229] : memref<100000x304xf32, #tpu.memory_space<hbm>> -> memref<100000x304xf32, #tpu.memory_space<hbm>>
    tpu.wait_indirect_dma semaphore(%arg15 : memref<!tpu.dma_semaphore, #tpu.memory_space<semaphore_mem>>) src(%dma_wait3A_230 : memref<100000x304xf32, #tpu.memory_space<hbm>>) dst(%arg11 : memref<80x304xf32, #tpu.memory_space<vmem>>)
    %add3A_231 = arith.constant 800 : i32
    %add3A_232 = arith.addi %mul3A_2, %add3A_231 : i32
    %dma_start3A_233 = arith.constant 0 : i32
    %dma_start3A_234 = tpu.memref_slice %arg5[%add3A_232, %dma_start3A_233] : memref<128000x304xf32, #tpu.memory_space<hbm>> -> memref<80x304xf32, #tpu.memory_space<hbm>>
    %dma_start3A_235 = arith.constant 0 : i32
    %dma_start3A_236 = tpu.memref_slice %arg5[%add3A_232, %dma_start3A_235] : memref<128000x304xf32, #tpu.memory_space<hbm>> -> memref<80x304xf32, #tpu.memory_space<hbm>>
    tpu.enqueue_dma source(%arg11 : memref<80x304xf32, #tpu.memory_space<vmem>>) target(%dma_start3A_236 : memref<80x304xf32, #tpu.memory_space<hbm>>) target_semaphore(%arg19 : memref<!tpu.dma_semaphore, #tpu.memory_space<semaphore_mem>>)
    %dma_wait3A_237 = arith.constant 0 : i32
    %dma_wait3A_238 = tpu.memref_slice %arg5[%add3A_212, %dma_wait3A_237] : memref<128000x304xf32, #tpu.memory_space<hbm>> -> memref<80x304xf32, #tpu.memory_space<hbm>>
    %dma_wait3A_239 = arith.constant 0 : i32
    %dma_wait3A_240 = tpu.memref_slice %arg5[%add3A_212, %dma_wait3A_239] : memref<128000x304xf32, #tpu.memory_space<hbm>> -> memref<80x304xf32, #tpu.memory_space<hbm>>
    tpu.wait_dma2 semaphore(%arg18 : memref<!tpu.dma_semaphore, #tpu.memory_space<semaphore_mem>>) src(%arg10 : memref<80x304xf32, #tpu.memory_space<vmem>>) dst(%dma_wait3A_240 : memref<80x304xf32, #tpu.memory_space<hbm>>)
    %dma_start3A_241 = arith.constant 1040 : i32
    %dma_start3A_242 = tpu.memref_slice %arg7[%dma_start3A_241] : memref<4000xi32, #tpu.memory_space<vmem>> -> memref<80xi32, #tpu.memory_space<vmem>>
    %dma_start3A_243 = arith.constant 0 : i32
    %dma_start3A_244 = arith.constant 0 : i32
    %dma_start3A_245 = tpu.memref_slice %arg2[%dma_start3A_243, %dma_start3A_244] : memref<100000x304xf32, #tpu.memory_space<hbm>> -> memref<100000x304xf32, #tpu.memory_space<hbm>>
    tpu.enqueue_indirect_dma source(%dma_start3A_245 : memref<100000x304xf32, #tpu.memory_space<hbm>>) target(%arg10 : memref<80x304xf32, #tpu.memory_space<vmem>>) offsets(%dma_start3A_242 : memref<80xi32, #tpu.memory_space<vmem>>) semaphore(%arg14 : memref<!tpu.dma_semaphore, #tpu.memory_space<semaphore_mem>>)
    %dma_wait3A_246 = arith.constant 880 : i32
    %dma_wait3A_247 = tpu.memref_slice %arg7[%dma_wait3A_246] : memref<4000xi32, #tpu.memory_space<vmem>> -> memref<80xi32, #tpu.memory_space<vmem>>
    %dma_wait3A_248 = arith.constant 0 : i32
    %dma_wait3A_249 = arith.constant 0 : i32
    %dma_wait3A_250 = tpu.memref_slice %arg2[%dma_wait3A_248, %dma_wait3A_249] : memref<100000x304xf32, #tpu.memory_space<hbm>> -> memref<100000x304xf32, #tpu.memory_space<hbm>>
    tpu.wait_indirect_dma semaphore(%arg16 : memref<!tpu.dma_semaphore, #tpu.memory_space<semaphore_mem>>) src(%dma_wait3A_250 : memref<100000x304xf32, #tpu.memory_space<hbm>>) dst(%arg12 : memref<80x304xf32, #tpu.memory_space<vmem>>)
    %add3A_251 = arith.constant 880 : i32
    %add3A_252 = arith.addi %mul3A_2, %add3A_251 : i32
    %dma_start3A_253 = arith.constant 0 : i32
    %dma_start3A_254 = tpu.memref_slice %arg5[%add3A_252, %dma_start3A_253] : memref<128000x304xf32, #tpu.memory_space<hbm>> -> memref<80x304xf32, #tpu.memory_space<hbm>>
    %dma_start3A_255 = arith.constant 0 : i32
    %dma_start3A_256 = tpu.memref_slice %arg5[%add3A_252, %dma_start3A_255] : memref<128000x304xf32, #tpu.memory_space<hbm>> -> memref<80x304xf32, #tpu.memory_space<hbm>>
    tpu.enqueue_dma source(%arg12 : memref<80x304xf32, #tpu.memory_space<vmem>>) target(%dma_start3A_256 : memref<80x304xf32, #tpu.memory_space<hbm>>) target_semaphore(%arg20 : memref<!tpu.dma_semaphore, #tpu.memory_space<semaphore_mem>>)
    %dma_wait3A_257 = arith.constant 0 : i32
    %dma_wait3A_258 = tpu.memref_slice %arg5[%add3A_232, %dma_wait3A_257] : memref<128000x304xf32, #tpu.memory_space<hbm>> -> memref<80x304xf32, #tpu.memory_space<hbm>>
    %dma_wait3A_259 = arith.constant 0 : i32
    %dma_wait3A_260 = tpu.memref_slice %arg5[%add3A_232, %dma_wait3A_259] : memref<128000x304xf32, #tpu.memory_space<hbm>> -> memref<80x304xf32, #tpu.memory_space<hbm>>
    tpu.wait_dma2 semaphore(%arg19 : memref<!tpu.dma_semaphore, #tpu.memory_space<semaphore_mem>>) src(%arg11 : memref<80x304xf32, #tpu.memory_space<vmem>>) dst(%dma_wait3A_260 : memref<80x304xf32, #tpu.memory_space<hbm>>)
    %dma_start3A_261 = arith.constant 1120 : i32
    %dma_start3A_262 = tpu.memref_slice %arg7[%dma_start3A_261] : memref<4000xi32, #tpu.memory_space<vmem>> -> memref<80xi32, #tpu.memory_space<vmem>>
    %dma_start3A_263 = arith.constant 0 : i32
    %dma_start3A_264 = arith.constant 0 : i32
    %dma_start3A_265 = tpu.memref_slice %arg2[%dma_start3A_263, %dma_start3A_264] : memref<100000x304xf32, #tpu.memory_space<hbm>> -> memref<100000x304xf32, #tpu.memory_space<hbm>>
    tpu.enqueue_indirect_dma source(%dma_start3A_265 : memref<100000x304xf32, #tpu.memory_space<hbm>>) target(%arg11 : memref<80x304xf32, #tpu.memory_space<vmem>>) offsets(%dma_start3A_262 : memref<80xi32, #tpu.memory_space<vmem>>) semaphore(%arg15 : memref<!tpu.dma_semaphore, #tpu.memory_space<semaphore_mem>>)
    %dma_wait3A_266 = arith.constant 960 : i32
    %dma_wait3A_267 = tpu.memref_slice %arg7[%dma_wait3A_266] : memref<4000xi32, #tpu.memory_space<vmem>> -> memref<80xi32, #tpu.memory_space<vmem>>
    %dma_wait3A_268 = arith.constant 0 : i32
    %dma_wait3A_269 = arith.constant 0 : i32
    %dma_wait3A_270 = tpu.memref_slice %arg2[%dma_wait3A_268, %dma_wait3A_269] : memref<100000x304xf32, #tpu.memory_space<hbm>> -> memref<100000x304xf32, #tpu.memory_space<hbm>>
    tpu.wait_indirect_dma semaphore(%arg13 : memref<!tpu.dma_semaphore, #tpu.memory_space<semaphore_mem>>) src(%dma_wait3A_270 : memref<100000x304xf32, #tpu.memory_space<hbm>>) dst(%arg9 : memref<80x304xf32, #tpu.memory_space<vmem>>)
    %add3A_271 = arith.constant 960 : i32
    %add3A_272 = arith.addi %mul3A_2, %add3A_271 : i32
    %dma_start3A_273 = arith.constant 0 : i32
    %dma_start3A_274 = tpu.memref_slice %arg5[%add3A_272, %dma_start3A_273] : memref<128000x304xf32, #tpu.memory_space<hbm>> -> memref<80x304xf32, #tpu.memory_space<hbm>>
    %dma_start3A_275 = arith.constant 0 : i32
    %dma_start3A_276 = tpu.memref_slice %arg5[%add3A_272, %dma_start3A_275] : memref<128000x304xf32, #tpu.memory_space<hbm>> -> memref<80x304xf32, #tpu.memory_space<hbm>>
    tpu.enqueue_dma source(%arg9 : memref<80x304xf32, #tpu.memory_space<vmem>>) target(%dma_start3A_276 : memref<80x304xf32, #tpu.memory_space<hbm>>) target_semaphore(%arg17 : memref<!tpu.dma_semaphore, #tpu.memory_space<semaphore_mem>>)
    %dma_wait3A_277 = arith.constant 0 : i32
    %dma_wait3A_278 = tpu.memref_slice %arg5[%add3A_252, %dma_wait3A_277] : memref<128000x304xf32, #tpu.memory_space<hbm>> -> memref<80x304xf32, #tpu.memory_space<hbm>>
    %dma_wait3A_279 = arith.constant 0 : i32
    %dma_wait3A_280 = tpu.memref_slice %arg5[%add3A_252, %dma_wait3A_279] : memref<128000x304xf32, #tpu.memory_space<hbm>> -> memref<80x304xf32, #tpu.memory_space<hbm>>
    tpu.wait_dma2 semaphore(%arg20 : memref<!tpu.dma_semaphore, #tpu.memory_space<semaphore_mem>>) src(%arg12 : memref<80x304xf32, #tpu.memory_space<vmem>>) dst(%dma_wait3A_280 : memref<80x304xf32, #tpu.memory_space<hbm>>)
    %dma_start3A_281 = arith.constant 1200 : i32
    %dma_start3A_282 = tpu.memref_slice %arg7[%dma_start3A_281] : memref<4000xi32, #tpu.memory_space<vmem>> -> memref<80xi32, #tpu.memory_space<vmem>>
    %dma_start3A_283 = arith.constant 0 : i32
    %dma_start3A_284 = arith.constant 0 : i32
    %dma_start3A_285 = tpu.memref_slice %arg2[%dma_start3A_283, %dma_start3A_284] : memref<100000x304xf32, #tpu.memory_space<hbm>> -> memref<100000x304xf32, #tpu.memory_space<hbm>>
    tpu.enqueue_indirect_dma source(%dma_start3A_285 : memref<100000x304xf32, #tpu.memory_space<hbm>>) target(%arg12 : memref<80x304xf32, #tpu.memory_space<vmem>>) offsets(%dma_start3A_282 : memref<80xi32, #tpu.memory_space<vmem>>) semaphore(%arg16 : memref<!tpu.dma_semaphore, #tpu.memory_space<semaphore_mem>>)
    %dma_wait3A_286 = arith.constant 1040 : i32
    %dma_wait3A_287 = tpu.memref_slice %arg7[%dma_wait3A_286] : memref<4000xi32, #tpu.memory_space<vmem>> -> memref<80xi32, #tpu.memory_space<vmem>>
    %dma_wait3A_288 = arith.constant 0 : i32
    %dma_wait3A_289 = arith.constant 0 : i32
    %dma_wait3A_290 = tpu.memref_slice %arg2[%dma_wait3A_288, %dma_wait3A_289] : memref<100000x304xf32, #tpu.memory_space<hbm>> -> memref<100000x304xf32, #tpu.memory_space<hbm>>
    tpu.wait_indirect_dma semaphore(%arg14 : memref<!tpu.dma_semaphore, #tpu.memory_space<semaphore_mem>>) src(%dma_wait3A_290 : memref<100000x304xf32, #tpu.memory_space<hbm>>) dst(%arg10 : memref<80x304xf32, #tpu.memory_space<vmem>>)
    %add3A_291 = arith.constant 1040 : i32
    %add3A_292 = arith.addi %mul3A_2, %add3A_291 : i32
    %dma_start3A_293 = arith.constant 0 : i32
    %dma_start3A_294 = tpu.memref_slice %arg5[%add3A_292, %dma_start3A_293] : memref<128000x304xf32, #tpu.memory_space<hbm>> -> memref<80x304xf32, #tpu.memory_space<hbm>>
    %dma_start3A_295 = arith.constant 0 : i32
    %dma_start3A_296 = tpu.memref_slice %arg5[%add3A_292, %dma_start3A_295] : memref<128000x304xf32, #tpu.memory_space<hbm>> -> memref<80x304xf32, #tpu.memory_space<hbm>>
    tpu.enqueue_dma source(%arg10 : memref<80x304xf32, #tpu.memory_space<vmem>>) target(%dma_start3A_296 : memref<80x304xf32, #tpu.memory_space<hbm>>) target_semaphore(%arg18 : memref<!tpu.dma_semaphore, #tpu.memory_space<semaphore_mem>>)
    %dma_wait3A_297 = arith.constant 0 : i32
    %dma_wait3A_298 = tpu.memref_slice %arg5[%add3A_272, %dma_wait3A_297] : memref<128000x304xf32, #tpu.memory_space<hbm>> -> memref<80x304xf32, #tpu.memory_space<hbm>>
    %dma_wait3A_299 = arith.constant 0 : i32
    %dma_wait3A_300 = tpu.memref_slice %arg5[%add3A_272, %dma_wait3A_299] : memref<128000x304xf32, #tpu.memory_space<hbm>> -> memref<80x304xf32, #tpu.memory_space<hbm>>
    tpu.wait_dma2 semaphore(%arg17 : memref<!tpu.dma_semaphore, #tpu.memory_space<semaphore_mem>>) src(%arg9 : memref<80x304xf32, #tpu.memory_space<vmem>>) dst(%dma_wait3A_300 : memref<80x304xf32, #tpu.memory_space<hbm>>)
    %dma_start3A_301 = arith.constant 1280 : i32
    %dma_start3A_302 = tpu.memref_slice %arg7[%dma_start3A_301] : memref<4000xi32, #tpu.memory_space<vmem>> -> memref<80xi32, #tpu.memory_space<vmem>>
    %dma_start3A_303 = arith.constant 0 : i32
    %dma_start3A_304 = arith.constant 0 : i32
    %dma_start3A_305 = tpu.memref_slice %arg2[%dma_start3A_303, %dma_start3A_304] : memref<100000x304xf32, #tpu.memory_space<hbm>> -> memref<100000x304xf32, #tpu.memory_space<hbm>>
    tpu.enqueue_indirect_dma source(%dma_start3A_305 : memref<100000x304xf32, #tpu.memory_space<hbm>>) target(%arg9 : memref<80x304xf32, #tpu.memory_space<vmem>>) offsets(%dma_start3A_302 : memref<80xi32, #tpu.memory_space<vmem>>) semaphore(%arg13 : memref<!tpu.dma_semaphore, #tpu.memory_space<semaphore_mem>>)
    %dma_wait3A_306 = arith.constant 1120 : i32
    %dma_wait3A_307 = tpu.memref_slice %arg7[%dma_wait3A_306] : memref<4000xi32, #tpu.memory_space<vmem>> -> memref<80xi32, #tpu.memory_space<vmem>>
    %dma_wait3A_308 = arith.constant 0 : i32
    %dma_wait3A_309 = arith.constant 0 : i32
    %dma_wait3A_310 = tpu.memref_slice %arg2[%dma_wait3A_308, %dma_wait3A_309] : memref<100000x304xf32, #tpu.memory_space<hbm>> -> memref<100000x304xf32, #tpu.memory_space<hbm>>
    tpu.wait_indirect_dma semaphore(%arg15 : memref<!tpu.dma_semaphore, #tpu.memory_space<semaphore_mem>>) src(%dma_wait3A_310 : memref<100000x304xf32, #tpu.memory_space<hbm>>) dst(%arg11 : memref<80x304xf32, #tpu.memory_space<vmem>>)
    %add3A_311 = arith.constant 1120 : i32
    %add3A_312 = arith.addi %mul3A_2, %add3A_311 : i32
    %dma_start3A_313 = arith.constant 0 : i32
    %dma_start3A_314 = tpu.memref_slice %arg5[%add3A_312, %dma_start3A_313] : memref<128000x304xf32, #tpu.memory_space<hbm>> -> memref<80x304xf32, #tpu.memory_space<hbm>>
    %dma_start3A_315 = arith.constant 0 : i32
    %dma_start3A_316 = tpu.memref_slice %arg5[%add3A_312, %dma_start3A_315] : memref<128000x304xf32, #tpu.memory_space<hbm>> -> memref<80x304xf32, #tpu.memory_space<hbm>>
    tpu.enqueue_dma source(%arg11 : memref<80x304xf32, #tpu.memory_space<vmem>>) target(%dma_start3A_316 : memref<80x304xf32, #tpu.memory_space<hbm>>) target_semaphore(%arg19 : memref<!tpu.dma_semaphore, #tpu.memory_space<semaphore_mem>>)
    %dma_wait3A_317 = arith.constant 0 : i32
    %dma_wait3A_318 = tpu.memref_slice %arg5[%add3A_292, %dma_wait3A_317] : memref<128000x304xf32, #tpu.memory_space<hbm>> -> memref<80x304xf32, #tpu.memory_space<hbm>>
    %dma_wait3A_319 = arith.constant 0 : i32
    %dma_wait3A_320 = tpu.memref_slice %arg5[%add3A_292, %dma_wait3A_319] : memref<128000x304xf32, #tpu.memory_space<hbm>> -> memref<80x304xf32, #tpu.memory_space<hbm>>
    tpu.wait_dma2 semaphore(%arg18 : memref<!tpu.dma_semaphore, #tpu.memory_space<semaphore_mem>>) src(%arg10 : memref<80x304xf32, #tpu.memory_space<vmem>>) dst(%dma_wait3A_320 : memref<80x304xf32, #tpu.memory_space<hbm>>)
    %dma_start3A_321 = arith.constant 1360 : i32
    %dma_start3A_322 = tpu.memref_slice %arg7[%dma_start3A_321] : memref<4000xi32, #tpu.memory_space<vmem>> -> memref<80xi32, #tpu.memory_space<vmem>>
    %dma_start3A_323 = arith.constant 0 : i32
    %dma_start3A_324 = arith.constant 0 : i32
    %dma_start3A_325 = tpu.memref_slice %arg2[%dma_start3A_323, %dma_start3A_324] : memref<100000x304xf32, #tpu.memory_space<hbm>> -> memref<100000x304xf32, #tpu.memory_space<hbm>>
    tpu.enqueue_indirect_dma source(%dma_start3A_325 : memref<100000x304xf32, #tpu.memory_space<hbm>>) target(%arg10 : memref<80x304xf32, #tpu.memory_space<vmem>>) offsets(%dma_start3A_322 : memref<80xi32, #tpu.memory_space<vmem>>) semaphore(%arg14 : memref<!tpu.dma_semaphore, #tpu.memory_space<semaphore_mem>>)
    %dma_wait3A_326 = arith.constant 1200 : i32
    %dma_wait3A_327 = tpu.memref_slice %arg7[%dma_wait3A_326] : memref<4000xi32, #tpu.memory_space<vmem>> -> memref<80xi32, #tpu.memory_space<vmem>>
    %dma_wait3A_328 = arith.constant 0 : i32
    %dma_wait3A_329 = arith.constant 0 : i32
    %dma_wait3A_330 = tpu.memref_slice %arg2[%dma_wait3A_328, %dma_wait3A_329] : memref<100000x304xf32, #tpu.memory_space<hbm>> -> memref<100000x304xf32, #tpu.memory_space<hbm>>
    tpu.wait_indirect_dma semaphore(%arg16 : memref<!tpu.dma_semaphore, #tpu.memory_space<semaphore_mem>>) src(%dma_wait3A_330 : memref<100000x304xf32, #tpu.memory_space<hbm>>) dst(%arg12 : memref<80x304xf32, #tpu.memory_space<vmem>>)
    %add3A_331 = arith.constant 1200 : i32
    %add3A_332 = arith.addi %mul3A_2, %add3A_331 : i32
    %dma_start3A_333 = arith.constant 0 : i32
    %dma_start3A_334 = tpu.memref_slice %arg5[%add3A_332, %dma_start3A_333] : memref<128000x304xf32, #tpu.memory_space<hbm>> -> memref<80x304xf32, #tpu.memory_space<hbm>>
    %dma_start3A_335 = arith.constant 0 : i32
    %dma_start3A_336 = tpu.memref_slice %arg5[%add3A_332, %dma_start3A_335] : memref<128000x304xf32, #tpu.memory_space<hbm>> -> memref<80x304xf32, #tpu.memory_space<hbm>>
    tpu.enqueue_dma source(%arg12 : memref<80x304xf32, #tpu.memory_space<vmem>>) target(%dma_start3A_336 : memref<80x304xf32, #tpu.memory_space<hbm>>) target_semaphore(%arg20 : memref<!tpu.dma_semaphore, #tpu.memory_space<semaphore_mem>>)
    %dma_wait3A_337 = arith.constant 0 : i32
    %dma_wait3A_338 = tpu.memref_slice %arg5[%add3A_312, %dma_wait3A_337] : memref<128000x304xf32, #tpu.memory_space<hbm>> -> memref<80x304xf32, #tpu.memory_space<hbm>>
    %dma_wait3A_339 = arith.constant 0 : i32
    %dma_wait3A_340 = tpu.memref_slice %arg5[%add3A_312, %dma_wait3A_339] : memref<128000x304xf32, #tpu.memory_space<hbm>> -> memref<80x304xf32, #tpu.memory_space<hbm>>
    tpu.wait_dma2 semaphore(%arg19 : memref<!tpu.dma_semaphore, #tpu.memory_space<semaphore_mem>>) src(%arg11 : memref<80x304xf32, #tpu.memory_space<vmem>>) dst(%dma_wait3A_340 : memref<80x304xf32, #tpu.memory_space<hbm>>)
    %dma_start3A_341 = arith.constant 1440 : i32
    %dma_start3A_342 = tpu.memref_slice %arg7[%dma_start3A_341] : memref<4000xi32, #tpu.memory_space<vmem>> -> memref<80xi32, #tpu.memory_space<vmem>>
    %dma_start3A_343 = arith.constant 0 : i32
    %dma_start3A_344 = arith.constant 0 : i32
    %dma_start3A_345 = tpu.memref_slice %arg2[%dma_start3A_343, %dma_start3A_344] : memref<100000x304xf32, #tpu.memory_space<hbm>> -> memref<100000x304xf32, #tpu.memory_space<hbm>>
    tpu.enqueue_indirect_dma source(%dma_start3A_345 : memref<100000x304xf32, #tpu.memory_space<hbm>>) target(%arg11 : memref<80x304xf32, #tpu.memory_space<vmem>>) offsets(%dma_start3A_342 : memref<80xi32, #tpu.memory_space<vmem>>) semaphore(%arg15 : memref<!tpu.dma_semaphore, #tpu.memory_space<semaphore_mem>>)
    %dma_wait3A_346 = arith.constant 1280 : i32
    %dma_wait3A_347 = tpu.memref_slice %arg7[%dma_wait3A_346] : memref<4000xi32, #tpu.memory_space<vmem>> -> memref<80xi32, #tpu.memory_space<vmem>>
    %dma_wait3A_348 = arith.constant 0 : i32
    %dma_wait3A_349 = arith.constant 0 : i32
    %dma_wait3A_350 = tpu.memref_slice %arg2[%dma_wait3A_348, %dma_wait3A_349] : memref<100000x304xf32, #tpu.memory_space<hbm>> -> memref<100000x304xf32, #tpu.memory_space<hbm>>
    tpu.wait_indirect_dma semaphore(%arg13 : memref<!tpu.dma_semaphore, #tpu.memory_space<semaphore_mem>>) src(%dma_wait3A_350 : memref<100000x304xf32, #tpu.memory_space<hbm>>) dst(%arg9 : memref<80x304xf32, #tpu.memory_space<vmem>>)
    %add3A_351 = arith.constant 1280 : i32
    %add3A_352 = arith.addi %mul3A_2, %add3A_351 : i32
    %dma_start3A_353 = arith.constant 0 : i32
    %dma_start3A_354 = tpu.memref_slice %arg5[%add3A_352, %dma_start3A_353] : memref<128000x304xf32, #tpu.memory_space<hbm>> -> memref<80x304xf32, #tpu.memory_space<hbm>>
    %dma_start3A_355 = arith.constant 0 : i32
    %dma_start3A_356 = tpu.memref_slice %arg5[%add3A_352, %dma_start3A_355] : memref<128000x304xf32, #tpu.memory_space<hbm>> -> memref<80x304xf32, #tpu.memory_space<hbm>>
    tpu.enqueue_dma source(%arg9 : memref<80x304xf32, #tpu.memory_space<vmem>>) target(%dma_start3A_356 : memref<80x304xf32, #tpu.memory_space<hbm>>) target_semaphore(%arg17 : memref<!tpu.dma_semaphore, #tpu.memory_space<semaphore_mem>>)
    %dma_wait3A_357 = arith.constant 0 : i32
    %dma_wait3A_358 = tpu.memref_slice %arg5[%add3A_332, %dma_wait3A_357] : memref<128000x304xf32, #tpu.memory_space<hbm>> -> memref<80x304xf32, #tpu.memory_space<hbm>>
    %dma_wait3A_359 = arith.constant 0 : i32
    %dma_wait3A_360 = tpu.memref_slice %arg5[%add3A_332, %dma_wait3A_359] : memref<128000x304xf32, #tpu.memory_space<hbm>> -> memref<80x304xf32, #tpu.memory_space<hbm>>
    tpu.wait_dma2 semaphore(%arg20 : memref<!tpu.dma_semaphore, #tpu.memory_space<semaphore_mem>>) src(%arg12 : memref<80x304xf32, #tpu.memory_space<vmem>>) dst(%dma_wait3A_360 : memref<80x304xf32, #tpu.memory_space<hbm>>)
    %dma_start3A_361 = arith.constant 1520 : i32
    %dma_start3A_362 = tpu.memref_slice %arg7[%dma_start3A_361] : memref<4000xi32, #tpu.memory_space<vmem>> -> memref<80xi32, #tpu.memory_space<vmem>>
    %dma_start3A_363 = arith.constant 0 : i32
    %dma_start3A_364 = arith.constant 0 : i32
    %dma_start3A_365 = tpu.memref_slice %arg2[%dma_start3A_363, %dma_start3A_364] : memref<100000x304xf32, #tpu.memory_space<hbm>> -> memref<100000x304xf32, #tpu.memory_space<hbm>>
    tpu.enqueue_indirect_dma source(%dma_start3A_365 : memref<100000x304xf32, #tpu.memory_space<hbm>>) target(%arg12 : memref<80x304xf32, #tpu.memory_space<vmem>>) offsets(%dma_start3A_362 : memref<80xi32, #tpu.memory_space<vmem>>) semaphore(%arg16 : memref<!tpu.dma_semaphore, #tpu.memory_space<semaphore_mem>>)
    %dma_wait3A_366 = arith.constant 1360 : i32
    %dma_wait3A_367 = tpu.memref_slice %arg7[%dma_wait3A_366] : memref<4000xi32, #tpu.memory_space<vmem>> -> memref<80xi32, #tpu.memory_space<vmem>>
    %dma_wait3A_368 = arith.constant 0 : i32
    %dma_wait3A_369 = arith.constant 0 : i32
    %dma_wait3A_370 = tpu.memref_slice %arg2[%dma_wait3A_368, %dma_wait3A_369] : memref<100000x304xf32, #tpu.memory_space<hbm>> -> memref<100000x304xf32, #tpu.memory_space<hbm>>
    tpu.wait_indirect_dma semaphore(%arg14 : memref<!tpu.dma_semaphore, #tpu.memory_space<semaphore_mem>>) src(%dma_wait3A_370 : memref<100000x304xf32, #tpu.memory_space<hbm>>) dst(%arg10 : memref<80x304xf32, #tpu.memory_space<vmem>>)
    %add3A_371 = arith.constant 1360 : i32
    %add3A_372 = arith.addi %mul3A_2, %add3A_371 : i32
    %dma_start3A_373 = arith.constant 0 : i32
    %dma_start3A_374 = tpu.memref_slice %arg5[%add3A_372, %dma_start3A_373] : memref<128000x304xf32, #tpu.memory_space<hbm>> -> memref<80x304xf32, #tpu.memory_space<hbm>>
    %dma_start3A_375 = arith.constant 0 : i32
    %dma_start3A_376 = tpu.memref_slice %arg5[%add3A_372, %dma_start3A_375] : memref<128000x304xf32, #tpu.memory_space<hbm>> -> memref<80x304xf32, #tpu.memory_space<hbm>>
    tpu.enqueue_dma source(%arg10 : memref<80x304xf32, #tpu.memory_space<vmem>>) target(%dma_start3A_376 : memref<80x304xf32, #tpu.memory_space<hbm>>) target_semaphore(%arg18 : memref<!tpu.dma_semaphore, #tpu.memory_space<semaphore_mem>>)
    %dma_wait3A_377 = arith.constant 0 : i32
    %dma_wait3A_378 = tpu.memref_slice %arg5[%add3A_352, %dma_wait3A_377] : memref<128000x304xf32, #tpu.memory_space<hbm>> -> memref<80x304xf32, #tpu.memory_space<hbm>>
    %dma_wait3A_379 = arith.constant 0 : i32
    %dma_wait3A_380 = tpu.memref_slice %arg5[%add3A_352, %dma_wait3A_379] : memref<128000x304xf32, #tpu.memory_space<hbm>> -> memref<80x304xf32, #tpu.memory_space<hbm>>
    tpu.wait_dma2 semaphore(%arg17 : memref<!tpu.dma_semaphore, #tpu.memory_space<semaphore_mem>>) src(%arg9 : memref<80x304xf32, #tpu.memory_space<vmem>>) dst(%dma_wait3A_380 : memref<80x304xf32, #tpu.memory_space<hbm>>)
    %dma_start3A_381 = arith.constant 1600 : i32
    %dma_start3A_382 = tpu.memref_slice %arg7[%dma_start3A_381] : memref<4000xi32, #tpu.memory_space<vmem>> -> memref<80xi32, #tpu.memory_space<vmem>>
    %dma_start3A_383 = arith.constant 0 : i32
    %dma_start3A_384 = arith.constant 0 : i32
    %dma_start3A_385 = tpu.memref_slice %arg2[%dma_start3A_383, %dma_start3A_384] : memref<100000x304xf32, #tpu.memory_space<hbm>> -> memref<100000x304xf32, #tpu.memory_space<hbm>>
    tpu.enqueue_indirect_dma source(%dma_start3A_385 : memref<100000x304xf32, #tpu.memory_space<hbm>>) target(%arg9 : memref<80x304xf32, #tpu.memory_space<vmem>>) offsets(%dma_start3A_382 : memref<80xi32, #tpu.memory_space<vmem>>) semaphore(%arg13 : memref<!tpu.dma_semaphore, #tpu.memory_space<semaphore_mem>>)
    %dma_wait3A_386 = arith.constant 1440 : i32
    %dma_wait3A_387 = tpu.memref_slice %arg7[%dma_wait3A_386] : memref<4000xi32, #tpu.memory_space<vmem>> -> memref<80xi32, #tpu.memory_space<vmem>>
    %dma_wait3A_388 = arith.constant 0 : i32
    %dma_wait3A_389 = arith.constant 0 : i32
    %dma_wait3A_390 = tpu.memref_slice %arg2[%dma_wait3A_388, %dma_wait3A_389] : memref<100000x304xf32, #tpu.memory_space<hbm>> -> memref<100000x304xf32, #tpu.memory_space<hbm>>
    tpu.wait_indirect_dma semaphore(%arg15 : memref<!tpu.dma_semaphore, #tpu.memory_space<semaphore_mem>>) src(%dma_wait3A_390 : memref<100000x304xf32, #tpu.memory_space<hbm>>) dst(%arg11 : memref<80x304xf32, #tpu.memory_space<vmem>>)
    %add3A_391 = arith.constant 1440 : i32
    %add3A_392 = arith.addi %mul3A_2, %add3A_391 : i32
    %dma_start3A_393 = arith.constant 0 : i32
    %dma_start3A_394 = tpu.memref_slice %arg5[%add3A_392, %dma_start3A_393] : memref<128000x304xf32, #tpu.memory_space<hbm>> -> memref<80x304xf32, #tpu.memory_space<hbm>>
    %dma_start3A_395 = arith.constant 0 : i32
    %dma_start3A_396 = tpu.memref_slice %arg5[%add3A_392, %dma_start3A_395] : memref<128000x304xf32, #tpu.memory_space<hbm>> -> memref<80x304xf32, #tpu.memory_space<hbm>>
    tpu.enqueue_dma source(%arg11 : memref<80x304xf32, #tpu.memory_space<vmem>>) target(%dma_start3A_396 : memref<80x304xf32, #tpu.memory_space<hbm>>) target_semaphore(%arg19 : memref<!tpu.dma_semaphore, #tpu.memory_space<semaphore_mem>>)
    %dma_wait3A_397 = arith.constant 0 : i32
    %dma_wait3A_398 = tpu.memref_slice %arg5[%add3A_372, %dma_wait3A_397] : memref<128000x304xf32, #tpu.memory_space<hbm>> -> memref<80x304xf32, #tpu.memory_space<hbm>>
    %dma_wait3A_399 = arith.constant 0 : i32
    %dma_wait3A_400 = tpu.memref_slice %arg5[%add3A_372, %dma_wait3A_399] : memref<128000x304xf32, #tpu.memory_space<hbm>> -> memref<80x304xf32, #tpu.memory_space<hbm>>
    tpu.wait_dma2 semaphore(%arg18 : memref<!tpu.dma_semaphore, #tpu.memory_space<semaphore_mem>>) src(%arg10 : memref<80x304xf32, #tpu.memory_space<vmem>>) dst(%dma_wait3A_400 : memref<80x304xf32, #tpu.memory_space<hbm>>)
    %dma_start3A_401 = arith.constant 1680 : i32
    %dma_start3A_402 = tpu.memref_slice %arg7[%dma_start3A_401] : memref<4000xi32, #tpu.memory_space<vmem>> -> memref<80xi32, #tpu.memory_space<vmem>>
    %dma_start3A_403 = arith.constant 0 : i32
    %dma_start3A_404 = arith.constant 0 : i32
    %dma_start3A_405 = tpu.memref_slice %arg2[%dma_start3A_403, %dma_start3A_404] : memref<100000x304xf32, #tpu.memory_space<hbm>> -> memref<100000x304xf32, #tpu.memory_space<hbm>>
    tpu.enqueue_indirect_dma source(%dma_start3A_405 : memref<100000x304xf32, #tpu.memory_space<hbm>>) target(%arg10 : memref<80x304xf32, #tpu.memory_space<vmem>>) offsets(%dma_start3A_402 : memref<80xi32, #tpu.memory_space<vmem>>) semaphore(%arg14 : memref<!tpu.dma_semaphore, #tpu.memory_space<semaphore_mem>>)
    %dma_wait3A_406 = arith.constant 1520 : i32
    %dma_wait3A_407 = tpu.memref_slice %arg7[%dma_wait3A_406] : memref<4000xi32, #tpu.memory_space<vmem>> -> memref<80xi32, #tpu.memory_space<vmem>>
    %dma_wait3A_408 = arith.constant 0 : i32
    %dma_wait3A_409 = arith.constant 0 : i32
    %dma_wait3A_410 = tpu.memref_slice %arg2[%dma_wait3A_408, %dma_wait3A_409] : memref<100000x304xf32, #tpu.memory_space<hbm>> -> memref<100000x304xf32, #tpu.memory_space<hbm>>
    tpu.wait_indirect_dma semaphore(%arg16 : memref<!tpu.dma_semaphore, #tpu.memory_space<semaphore_mem>>) src(%dma_wait3A_410 : memref<100000x304xf32, #tpu.memory_space<hbm>>) dst(%arg12 : memref<80x304xf32, #tpu.memory_space<vmem>>)
    %add3A_411 = arith.constant 1520 : i32
    %add3A_412 = arith.addi %mul3A_2, %add3A_411 : i32
    %dma_start3A_413 = arith.constant 0 : i32
    %dma_start3A_414 = tpu.memref_slice %arg5[%add3A_412, %dma_start3A_413] : memref<128000x304xf32, #tpu.memory_space<hbm>> -> memref<80x304xf32, #tpu.memory_space<hbm>>
    %dma_start3A_415 = arith.constant 0 : i32
    %dma_start3A_416 = tpu.memref_slice %arg5[%add3A_412, %dma_start3A_415] : memref<128000x304xf32, #tpu.memory_space<hbm>> -> memref<80x304xf32, #tpu.memory_space<hbm>>
    tpu.enqueue_dma source(%arg12 : memref<80x304xf32, #tpu.memory_space<vmem>>) target(%dma_start3A_416 : memref<80x304xf32, #tpu.memory_space<hbm>>) target_semaphore(%arg20 : memref<!tpu.dma_semaphore, #tpu.memory_space<semaphore_mem>>)
    %dma_wait3A_417 = arith.constant 0 : i32
    %dma_wait3A_418 = tpu.memref_slice %arg5[%add3A_392, %dma_wait3A_417] : memref<128000x304xf32, #tpu.memory_space<hbm>> -> memref<80x304xf32, #tpu.memory_space<hbm>>
    %dma_wait3A_419 = arith.constant 0 : i32
    %dma_wait3A_420 = tpu.memref_slice %arg5[%add3A_392, %dma_wait3A_419] : memref<128000x304xf32, #tpu.memory_space<hbm>> -> memref<80x304xf32, #tpu.memory_space<hbm>>
    tpu.wait_dma2 semaphore(%arg19 : memref<!tpu.dma_semaphore, #tpu.memory_space<semaphore_mem>>) src(%arg11 : memref<80x304xf32, #tpu.memory_space<vmem>>) dst(%dma_wait3A_420 : memref<80x304xf32, #tpu.memory_space<hbm>>)
    %dma_start3A_421 = arith.constant 1760 : i32
    %dma_start3A_422 = tpu.memref_slice %arg7[%dma_start3A_421] : memref<4000xi32, #tpu.memory_space<vmem>> -> memref<80xi32, #tpu.memory_space<vmem>>
    %dma_start3A_423 = arith.constant 0 : i32
    %dma_start3A_424 = arith.constant 0 : i32
    %dma_start3A_425 = tpu.memref_slice %arg2[%dma_start3A_423, %dma_start3A_424] : memref<100000x304xf32, #tpu.memory_space<hbm>> -> memref<100000x304xf32, #tpu.memory_space<hbm>>
    tpu.enqueue_indirect_dma source(%dma_start3A_425 : memref<100000x304xf32, #tpu.memory_space<hbm>>) target(%arg11 : memref<80x304xf32, #tpu.memory_space<vmem>>) offsets(%dma_start3A_422 : memref<80xi32, #tpu.memory_space<vmem>>) semaphore(%arg15 : memref<!tpu.dma_semaphore, #tpu.memory_space<semaphore_mem>>)
    %dma_wait3A_426 = arith.constant 1600 : i32
    %dma_wait3A_427 = tpu.memref_slice %arg7[%dma_wait3A_426] : memref<4000xi32, #tpu.memory_space<vmem>> -> memref<80xi32, #tpu.memory_space<vmem>>
    %dma_wait3A_428 = arith.constant 0 : i32
    %dma_wait3A_429 = arith.constant 0 : i32
    %dma_wait3A_430 = tpu.memref_slice %arg2[%dma_wait3A_428, %dma_wait3A_429] : memref<100000x304xf32, #tpu.memory_space<hbm>> -> memref<100000x304xf32, #tpu.memory_space<hbm>>
    tpu.wait_indirect_dma semaphore(%arg13 : memref<!tpu.dma_semaphore, #tpu.memory_space<semaphore_mem>>) src(%dma_wait3A_430 : memref<100000x304xf32, #tpu.memory_space<hbm>>) dst(%arg9 : memref<80x304xf32, #tpu.memory_space<vmem>>)
    %add3A_431 = arith.constant 1600 : i32
    %add3A_432 = arith.addi %mul3A_2, %add3A_431 : i32
    %dma_start3A_433 = arith.constant 0 : i32
    %dma_start3A_434 = tpu.memref_slice %arg5[%add3A_432, %dma_start3A_433] : memref<128000x304xf32, #tpu.memory_space<hbm>> -> memref<80x304xf32, #tpu.memory_space<hbm>>
    %dma_start3A_435 = arith.constant 0 : i32
    %dma_start3A_436 = tpu.memref_slice %arg5[%add3A_432, %dma_start3A_435] : memref<128000x304xf32, #tpu.memory_space<hbm>> -> memref<80x304xf32, #tpu.memory_space<hbm>>
    tpu.enqueue_dma source(%arg9 : memref<80x304xf32, #tpu.memory_space<vmem>>) target(%dma_start3A_436 : memref<80x304xf32, #tpu.memory_space<hbm>>) target_semaphore(%arg17 : memref<!tpu.dma_semaphore, #tpu.memory_space<semaphore_mem>>)
    %dma_wait3A_437 = arith.constant 0 : i32
    %dma_wait3A_438 = tpu.memref_slice %arg5[%add3A_412, %dma_wait3A_437] : memref<128000x304xf32, #tpu.memory_space<hbm>> -> memref<80x304xf32, #tpu.memory_space<hbm>>
    %dma_wait3A_439 = arith.constant 0 : i32
    %dma_wait3A_440 = tpu.memref_slice %arg5[%add3A_412, %dma_wait3A_439] : memref<128000x304xf32, #tpu.memory_space<hbm>> -> memref<80x304xf32, #tpu.memory_space<hbm>>
    tpu.wait_dma2 semaphore(%arg20 : memref<!tpu.dma_semaphore, #tpu.memory_space<semaphore_mem>>) src(%arg12 : memref<80x304xf32, #tpu.memory_space<vmem>>) dst(%dma_wait3A_440 : memref<80x304xf32, #tpu.memory_space<hbm>>)
    %dma_start3A_441 = arith.constant 1840 : i32
    %dma_start3A_442 = tpu.memref_slice %arg7[%dma_start3A_441] : memref<4000xi32, #tpu.memory_space<vmem>> -> memref<80xi32, #tpu.memory_space<vmem>>
    %dma_start3A_443 = arith.constant 0 : i32
    %dma_start3A_444 = arith.constant 0 : i32
    %dma_start3A_445 = tpu.memref_slice %arg2[%dma_start3A_443, %dma_start3A_444] : memref<100000x304xf32, #tpu.memory_space<hbm>> -> memref<100000x304xf32, #tpu.memory_space<hbm>>
    tpu.enqueue_indirect_dma source(%dma_start3A_445 : memref<100000x304xf32, #tpu.memory_space<hbm>>) target(%arg12 : memref<80x304xf32, #tpu.memory_space<vmem>>) offsets(%dma_start3A_442 : memref<80xi32, #tpu.memory_space<vmem>>) semaphore(%arg16 : memref<!tpu.dma_semaphore, #tpu.memory_space<semaphore_mem>>)
    %dma_wait3A_446 = arith.constant 1680 : i32
    %dma_wait3A_447 = tpu.memref_slice %arg7[%dma_wait3A_446] : memref<4000xi32, #tpu.memory_space<vmem>> -> memref<80xi32, #tpu.memory_space<vmem>>
    %dma_wait3A_448 = arith.constant 0 : i32
    %dma_wait3A_449 = arith.constant 0 : i32
    %dma_wait3A_450 = tpu.memref_slice %arg2[%dma_wait3A_448, %dma_wait3A_449] : memref<100000x304xf32, #tpu.memory_space<hbm>> -> memref<100000x304xf32, #tpu.memory_space<hbm>>
    tpu.wait_indirect_dma semaphore(%arg14 : memref<!tpu.dma_semaphore, #tpu.memory_space<semaphore_mem>>) src(%dma_wait3A_450 : memref<100000x304xf32, #tpu.memory_space<hbm>>) dst(%arg10 : memref<80x304xf32, #tpu.memory_space<vmem>>)
    %add3A_451 = arith.constant 1680 : i32
    %add3A_452 = arith.addi %mul3A_2, %add3A_451 : i32
    %dma_start3A_453 = arith.constant 0 : i32
    %dma_start3A_454 = tpu.memref_slice %arg5[%add3A_452, %dma_start3A_453] : memref<128000x304xf32, #tpu.memory_space<hbm>> -> memref<80x304xf32, #tpu.memory_space<hbm>>
    %dma_start3A_455 = arith.constant 0 : i32
    %dma_start3A_456 = tpu.memref_slice %arg5[%add3A_452, %dma_start3A_455] : memref<128000x304xf32, #tpu.memory_space<hbm>> -> memref<80x304xf32, #tpu.memory_space<hbm>>
    tpu.enqueue_dma source(%arg10 : memref<80x304xf32, #tpu.memory_space<vmem>>) target(%dma_start3A_456 : memref<80x304xf32, #tpu.memory_space<hbm>>) target_semaphore(%arg18 : memref<!tpu.dma_semaphore, #tpu.memory_space<semaphore_mem>>)
    %dma_wait3A_457 = arith.constant 0 : i32
    %dma_wait3A_458 = tpu.memref_slice %arg5[%add3A_432, %dma_wait3A_457] : memref<128000x304xf32, #tpu.memory_space<hbm>> -> memref<80x304xf32, #tpu.memory_space<hbm>>
    %dma_wait3A_459 = arith.constant 0 : i32
    %dma_wait3A_460 = tpu.memref_slice %arg5[%add3A_432, %dma_wait3A_459] : memref<128000x304xf32, #tpu.memory_space<hbm>> -> memref<80x304xf32, #tpu.memory_space<hbm>>
    tpu.wait_dma2 semaphore(%arg17 : memref<!tpu.dma_semaphore, #tpu.memory_space<semaphore_mem>>) src(%arg9 : memref<80x304xf32, #tpu.memory_space<vmem>>) dst(%dma_wait3A_460 : memref<80x304xf32, #tpu.memory_space<hbm>>)
    %dma_start3A_461 = arith.constant 1920 : i32
    %dma_start3A_462 = tpu.memref_slice %arg7[%dma_start3A_461] : memref<4000xi32, #tpu.memory_space<vmem>> -> memref<80xi32, #tpu.memory_space<vmem>>
    %dma_start3A_463 = arith.constant 0 : i32
    %dma_start3A_464 = arith.constant 0 : i32
    %dma_start3A_465 = tpu.memref_slice %arg2[%dma_start3A_463, %dma_start3A_464] : memref<100000x304xf32, #tpu.memory_space<hbm>> -> memref<100000x304xf32, #tpu.memory_space<hbm>>
    tpu.enqueue_indirect_dma source(%dma_start3A_465 : memref<100000x304xf32, #tpu.memory_space<hbm>>) target(%arg9 : memref<80x304xf32, #tpu.memory_space<vmem>>) offsets(%dma_start3A_462 : memref<80xi32, #tpu.memory_space<vmem>>) semaphore(%arg13 : memref<!tpu.dma_semaphore, #tpu.memory_space<semaphore_mem>>)
    %dma_wait3A_466 = arith.constant 1760 : i32
    %dma_wait3A_467 = tpu.memref_slice %arg7[%dma_wait3A_466] : memref<4000xi32, #tpu.memory_space<vmem>> -> memref<80xi32, #tpu.memory_space<vmem>>
    %dma_wait3A_468 = arith.constant 0 : i32
    %dma_wait3A_469 = arith.constant 0 : i32
    %dma_wait3A_470 = tpu.memref_slice %arg2[%dma_wait3A_468, %dma_wait3A_469] : memref<100000x304xf32, #tpu.memory_space<hbm>> -> memref<100000x304xf32, #tpu.memory_space<hbm>>
    tpu.wait_indirect_dma semaphore(%arg15 : memref<!tpu.dma_semaphore, #tpu.memory_space<semaphore_mem>>) src(%dma_wait3A_470 : memref<100000x304xf32, #tpu.memory_space<hbm>>) dst(%arg11 : memref<80x304xf32, #tpu.memory_space<vmem>>)
    %add3A_471 = arith.constant 1760 : i32
    %add3A_472 = arith.addi %mul3A_2, %add3A_471 : i32
    %dma_start3A_473 = arith.constant 0 : i32
    %dma_start3A_474 = tpu.memref_slice %arg5[%add3A_472, %dma_start3A_473] : memref<128000x304xf32, #tpu.memory_space<hbm>> -> memref<80x304xf32, #tpu.memory_space<hbm>>
    %dma_start3A_475 = arith.constant 0 : i32
    %dma_start3A_476 = tpu.memref_slice %arg5[%add3A_472, %dma_start3A_475] : memref<128000x304xf32, #tpu.memory_space<hbm>> -> memref<80x304xf32, #tpu.memory_space<hbm>>
    tpu.enqueue_dma source(%arg11 : memref<80x304xf32, #tpu.memory_space<vmem>>) target(%dma_start3A_476 : memref<80x304xf32, #tpu.memory_space<hbm>>) target_semaphore(%arg19 : memref<!tpu.dma_semaphore, #tpu.memory_space<semaphore_mem>>)
    %dma_wait3A_477 = arith.constant 0 : i32
    %dma_wait3A_478 = tpu.memref_slice %arg5[%add3A_452, %dma_wait3A_477] : memref<128000x304xf32, #tpu.memory_space<hbm>> -> memref<80x304xf32, #tpu.memory_space<hbm>>
    %dma_wait3A_479 = arith.constant 0 : i32
    %dma_wait3A_480 = tpu.memref_slice %arg5[%add3A_452, %dma_wait3A_479] : memref<128000x304xf32, #tpu.memory_space<hbm>> -> memref<80x304xf32, #tpu.memory_space<hbm>>
    tpu.wait_dma2 semaphore(%arg18 : memref<!tpu.dma_semaphore, #tpu.memory_space<semaphore_mem>>) src(%arg10 : memref<80x304xf32, #tpu.memory_space<vmem>>) dst(%dma_wait3A_480 : memref<80x304xf32, #tpu.memory_space<hbm>>)
    %dma_start3A_481 = arith.constant 2000 : i32
    %dma_start3A_482 = tpu.memref_slice %arg7[%dma_start3A_481] : memref<4000xi32, #tpu.memory_space<vmem>> -> memref<80xi32, #tpu.memory_space<vmem>>
    %dma_start3A_483 = arith.constant 0 : i32
    %dma_start3A_484 = arith.constant 0 : i32
    %dma_start3A_485 = tpu.memref_slice %arg2[%dma_start3A_483, %dma_start3A_484] : memref<100000x304xf32, #tpu.memory_space<hbm>> -> memref<100000x304xf32, #tpu.memory_space<hbm>>
    tpu.enqueue_indirect_dma source(%dma_start3A_485 : memref<100000x304xf32, #tpu.memory_space<hbm>>) target(%arg10 : memref<80x304xf32, #tpu.memory_space<vmem>>) offsets(%dma_start3A_482 : memref<80xi32, #tpu.memory_space<vmem>>) semaphore(%arg14 : memref<!tpu.dma_semaphore, #tpu.memory_space<semaphore_mem>>)
    %dma_wait3A_486 = arith.constant 1840 : i32
    %dma_wait3A_487 = tpu.memref_slice %arg7[%dma_wait3A_486] : memref<4000xi32, #tpu.memory_space<vmem>> -> memref<80xi32, #tpu.memory_space<vmem>>
    %dma_wait3A_488 = arith.constant 0 : i32
    %dma_wait3A_489 = arith.constant 0 : i32
    %dma_wait3A_490 = tpu.memref_slice %arg2[%dma_wait3A_488, %dma_wait3A_489] : memref<100000x304xf32, #tpu.memory_space<hbm>> -> memref<100000x304xf32, #tpu.memory_space<hbm>>
    tpu.wait_indirect_dma semaphore(%arg16 : memref<!tpu.dma_semaphore, #tpu.memory_space<semaphore_mem>>) src(%dma_wait3A_490 : memref<100000x304xf32, #tpu.memory_space<hbm>>) dst(%arg12 : memref<80x304xf32, #tpu.memory_space<vmem>>)
    %add3A_491 = arith.constant 1840 : i32
    %add3A_492 = arith.addi %mul3A_2, %add3A_491 : i32
    %dma_start3A_493 = arith.constant 0 : i32
    %dma_start3A_494 = tpu.memref_slice %arg5[%add3A_492, %dma_start3A_493] : memref<128000x304xf32, #tpu.memory_space<hbm>> -> memref<80x304xf32, #tpu.memory_space<hbm>>
    %dma_start3A_495 = arith.constant 0 : i32
    %dma_start3A_496 = tpu.memref_slice %arg5[%add3A_492, %dma_start3A_495] : memref<128000x304xf32, #tpu.memory_space<hbm>> -> memref<80x304xf32, #tpu.memory_space<hbm>>
    tpu.enqueue_dma source(%arg12 : memref<80x304xf32, #tpu.memory_space<vmem>>) target(%dma_start3A_496 : memref<80x304xf32, #tpu.memory_space<hbm>>) target_semaphore(%arg20 : memref<!tpu.dma_semaphore, #tpu.memory_space<semaphore_mem>>)
    %dma_wait3A_497 = arith.constant 0 : i32
    %dma_wait3A_498 = tpu.memref_slice %arg5[%add3A_472, %dma_wait3A_497] : memref<128000x304xf32, #tpu.memory_space<hbm>> -> memref<80x304xf32, #tpu.memory_space<hbm>>
    %dma_wait3A_499 = arith.constant 0 : i32
    %dma_wait3A_500 = tpu.memref_slice %arg5[%add3A_472, %dma_wait3A_499] : memref<128000x304xf32, #tpu.memory_space<hbm>> -> memref<80x304xf32, #tpu.memory_space<hbm>>
    tpu.wait_dma2 semaphore(%arg19 : memref<!tpu.dma_semaphore, #tpu.memory_space<semaphore_mem>>) src(%arg11 : memref<80x304xf32, #tpu.memory_space<vmem>>) dst(%dma_wait3A_500 : memref<80x304xf32, #tpu.memory_space<hbm>>)
    %dma_start3A_501 = arith.constant 2080 : i32
    %dma_start3A_502 = tpu.memref_slice %arg7[%dma_start3A_501] : memref<4000xi32, #tpu.memory_space<vmem>> -> memref<80xi32, #tpu.memory_space<vmem>>
    %dma_start3A_503 = arith.constant 0 : i32
    %dma_start3A_504 = arith.constant 0 : i32
    %dma_start3A_505 = tpu.memref_slice %arg2[%dma_start3A_503, %dma_start3A_504] : memref<100000x304xf32, #tpu.memory_space<hbm>> -> memref<100000x304xf32, #tpu.memory_space<hbm>>
    tpu.enqueue_indirect_dma source(%dma_start3A_505 : memref<100000x304xf32, #tpu.memory_space<hbm>>) target(%arg11 : memref<80x304xf32, #tpu.memory_space<vmem>>) offsets(%dma_start3A_502 : memref<80xi32, #tpu.memory_space<vmem>>) semaphore(%arg15 : memref<!tpu.dma_semaphore, #tpu.memory_space<semaphore_mem>>)
    %dma_wait3A_506 = arith.constant 1920 : i32
    %dma_wait3A_507 = tpu.memref_slice %arg7[%dma_wait3A_506] : memref<4000xi32, #tpu.memory_space<vmem>> -> memref<80xi32, #tpu.memory_space<vmem>>
    %dma_wait3A_508 = arith.constant 0 : i32
    %dma_wait3A_509 = arith.constant 0 : i32
    %dma_wait3A_510 = tpu.memref_slice %arg2[%dma_wait3A_508, %dma_wait3A_509] : memref<100000x304xf32, #tpu.memory_space<hbm>> -> memref<100000x304xf32, #tpu.memory_space<hbm>>
    tpu.wait_indirect_dma semaphore(%arg13 : memref<!tpu.dma_semaphore, #tpu.memory_space<semaphore_mem>>) src(%dma_wait3A_510 : memref<100000x304xf32, #tpu.memory_space<hbm>>) dst(%arg9 : memref<80x304xf32, #tpu.memory_space<vmem>>)
    %add3A_511 = arith.constant 1920 : i32
    %add3A_512 = arith.addi %mul3A_2, %add3A_511 : i32
    %dma_start3A_513 = arith.constant 0 : i32
    %dma_start3A_514 = tpu.memref_slice %arg5[%add3A_512, %dma_start3A_513] : memref<128000x304xf32, #tpu.memory_space<hbm>> -> memref<80x304xf32, #tpu.memory_space<hbm>>
    %dma_start3A_515 = arith.constant 0 : i32
    %dma_start3A_516 = tpu.memref_slice %arg5[%add3A_512, %dma_start3A_515] : memref<128000x304xf32, #tpu.memory_space<hbm>> -> memref<80x304xf32, #tpu.memory_space<hbm>>
    tpu.enqueue_dma source(%arg9 : memref<80x304xf32, #tpu.memory_space<vmem>>) target(%dma_start3A_516 : memref<80x304xf32, #tpu.memory_space<hbm>>) target_semaphore(%arg17 : memref<!tpu.dma_semaphore, #tpu.memory_space<semaphore_mem>>)
    %dma_wait3A_517 = arith.constant 0 : i32
    %dma_wait3A_518 = tpu.memref_slice %arg5[%add3A_492, %dma_wait3A_517] : memref<128000x304xf32, #tpu.memory_space<hbm>> -> memref<80x304xf32, #tpu.memory_space<hbm>>
    %dma_wait3A_519 = arith.constant 0 : i32
    %dma_wait3A_520 = tpu.memref_slice %arg5[%add3A_492, %dma_wait3A_519] : memref<128000x304xf32, #tpu.memory_space<hbm>> -> memref<80x304xf32, #tpu.memory_space<hbm>>
    tpu.wait_dma2 semaphore(%arg20 : memref<!tpu.dma_semaphore, #tpu.memory_space<semaphore_mem>>) src(%arg12 : memref<80x304xf32, #tpu.memory_space<vmem>>) dst(%dma_wait3A_520 : memref<80x304xf32, #tpu.memory_space<hbm>>)
    %dma_start3A_521 = arith.constant 2160 : i32
    %dma_start3A_522 = tpu.memref_slice %arg7[%dma_start3A_521] : memref<4000xi32, #tpu.memory_space<vmem>> -> memref<80xi32, #tpu.memory_space<vmem>>
    %dma_start3A_523 = arith.constant 0 : i32
    %dma_start3A_524 = arith.constant 0 : i32
    %dma_start3A_525 = tpu.memref_slice %arg2[%dma_start3A_523, %dma_start3A_524] : memref<100000x304xf32, #tpu.memory_space<hbm>> -> memref<100000x304xf32, #tpu.memory_space<hbm>>
    tpu.enqueue_indirect_dma source(%dma_start3A_525 : memref<100000x304xf32, #tpu.memory_space<hbm>>) target(%arg12 : memref<80x304xf32, #tpu.memory_space<vmem>>) offsets(%dma_start3A_522 : memref<80xi32, #tpu.memory_space<vmem>>) semaphore(%arg16 : memref<!tpu.dma_semaphore, #tpu.memory_space<semaphore_mem>>)
    %dma_wait3A_526 = arith.constant 2000 : i32
    %dma_wait3A_527 = tpu.memref_slice %arg7[%dma_wait3A_526] : memref<4000xi32, #tpu.memory_space<vmem>> -> memref<80xi32, #tpu.memory_space<vmem>>
    %dma_wait3A_528 = arith.constant 0 : i32
    %dma_wait3A_529 = arith.constant 0 : i32
    %dma_wait3A_530 = tpu.memref_slice %arg2[%dma_wait3A_528, %dma_wait3A_529] : memref<100000x304xf32, #tpu.memory_space<hbm>> -> memref<100000x304xf32, #tpu.memory_space<hbm>>
    tpu.wait_indirect_dma semaphore(%arg14 : memref<!tpu.dma_semaphore, #tpu.memory_space<semaphore_mem>>) src(%dma_wait3A_530 : memref<100000x304xf32, #tpu.memory_space<hbm>>) dst(%arg10 : memref<80x304xf32, #tpu.memory_space<vmem>>)
    %add3A_531 = arith.constant 2000 : i32
    %add3A_532 = arith.addi %mul3A_2, %add3A_531 : i32
    %dma_start3A_533 = arith.constant 0 : i32
    %dma_start3A_534 = tpu.memref_slice %arg5[%add3A_532, %dma_start3A_533] : memref<128000x304xf32, #tpu.memory_space<hbm>> -> memref<80x304xf32, #tpu.memory_space<hbm>>
    %dma_start3A_535 = arith.constant 0 : i32
    %dma_start3A_536 = tpu.memref_slice %arg5[%add3A_532, %dma_start3A_535] : memref<128000x304xf32, #tpu.memory_space<hbm>> -> memref<80x304xf32, #tpu.memory_space<hbm>>
    tpu.enqueue_dma source(%arg10 : memref<80x304xf32, #tpu.memory_space<vmem>>) target(%dma_start3A_536 : memref<80x304xf32, #tpu.memory_space<hbm>>) target_semaphore(%arg18 : memref<!tpu.dma_semaphore, #tpu.memory_space<semaphore_mem>>)
    %dma_wait3A_537 = arith.constant 0 : i32
    %dma_wait3A_538 = tpu.memref_slice %arg5[%add3A_512, %dma_wait3A_537] : memref<128000x304xf32, #tpu.memory_space<hbm>> -> memref<80x304xf32, #tpu.memory_space<hbm>>
    %dma_wait3A_539 = arith.constant 0 : i32
    %dma_wait3A_540 = tpu.memref_slice %arg5[%add3A_512, %dma_wait3A_539] : memref<128000x304xf32, #tpu.memory_space<hbm>> -> memref<80x304xf32, #tpu.memory_space<hbm>>
    tpu.wait_dma2 semaphore(%arg17 : memref<!tpu.dma_semaphore, #tpu.memory_space<semaphore_mem>>) src(%arg9 : memref<80x304xf32, #tpu.memory_space<vmem>>) dst(%dma_wait3A_540 : memref<80x304xf32, #tpu.memory_space<hbm>>)
    %dma_start3A_541 = arith.constant 2240 : i32
    %dma_start3A_542 = tpu.memref_slice %arg7[%dma_start3A_541] : memref<4000xi32, #tpu.memory_space<vmem>> -> memref<80xi32, #tpu.memory_space<vmem>>
    %dma_start3A_543 = arith.constant 0 : i32
    %dma_start3A_544 = arith.constant 0 : i32
    %dma_start3A_545 = tpu.memref_slice %arg2[%dma_start3A_543, %dma_start3A_544] : memref<100000x304xf32, #tpu.memory_space<hbm>> -> memref<100000x304xf32, #tpu.memory_space<hbm>>
    tpu.enqueue_indirect_dma source(%dma_start3A_545 : memref<100000x304xf32, #tpu.memory_space<hbm>>) target(%arg9 : memref<80x304xf32, #tpu.memory_space<vmem>>) offsets(%dma_start3A_542 : memref<80xi32, #tpu.memory_space<vmem>>) semaphore(%arg13 : memref<!tpu.dma_semaphore, #tpu.memory_space<semaphore_mem>>)
    %dma_wait3A_546 = arith.constant 2080 : i32
    %dma_wait3A_547 = tpu.memref_slice %arg7[%dma_wait3A_546] : memref<4000xi32, #tpu.memory_space<vmem>> -> memref<80xi32, #tpu.memory_space<vmem>>
    %dma_wait3A_548 = arith.constant 0 : i32
    %dma_wait3A_549 = arith.constant 0 : i32
    %dma_wait3A_550 = tpu.memref_slice %arg2[%dma_wait3A_548, %dma_wait3A_549] : memref<100000x304xf32, #tpu.memory_space<hbm>> -> memref<100000x304xf32, #tpu.memory_space<hbm>>
    tpu.wait_indirect_dma semaphore(%arg15 : memref<!tpu.dma_semaphore, #tpu.memory_space<semaphore_mem>>) src(%dma_wait3A_550 : memref<100000x304xf32, #tpu.memory_space<hbm>>) dst(%arg11 : memref<80x304xf32, #tpu.memory_space<vmem>>)
    %add3A_551 = arith.constant 2080 : i32
    %add3A_552 = arith.addi %mul3A_2, %add3A_551 : i32
    %dma_start3A_553 = arith.constant 0 : i32
    %dma_start3A_554 = tpu.memref_slice %arg5[%add3A_552, %dma_start3A_553] : memref<128000x304xf32, #tpu.memory_space<hbm>> -> memref<80x304xf32, #tpu.memory_space<hbm>>
    %dma_start3A_555 = arith.constant 0 : i32
    %dma_start3A_556 = tpu.memref_slice %arg5[%add3A_552, %dma_start3A_555] : memref<128000x304xf32, #tpu.memory_space<hbm>> -> memref<80x304xf32, #tpu.memory_space<hbm>>
    tpu.enqueue_dma source(%arg11 : memref<80x304xf32, #tpu.memory_space<vmem>>) target(%dma_start3A_556 : memref<80x304xf32, #tpu.memory_space<hbm>>) target_semaphore(%arg19 : memref<!tpu.dma_semaphore, #tpu.memory_space<semaphore_mem>>)
    %dma_wait3A_557 = arith.constant 0 : i32
    %dma_wait3A_558 = tpu.memref_slice %arg5[%add3A_532, %dma_wait3A_557] : memref<128000x304xf32, #tpu.memory_space<hbm>> -> memref<80x304xf32, #tpu.memory_space<hbm>>
    %dma_wait3A_559 = arith.constant 0 : i32
    %dma_wait3A_560 = tpu.memref_slice %arg5[%add3A_532, %dma_wait3A_559] : memref<128000x304xf32, #tpu.memory_space<hbm>> -> memref<80x304xf32, #tpu.memory_space<hbm>>
    tpu.wait_dma2 semaphore(%arg18 : memref<!tpu.dma_semaphore, #tpu.memory_space<semaphore_mem>>) src(%arg10 : memref<80x304xf32, #tpu.memory_space<vmem>>) dst(%dma_wait3A_560 : memref<80x304xf32, #tpu.memory_space<hbm>>)
    %dma_start3A_561 = arith.constant 2320 : i32
    %dma_start3A_562 = tpu.memref_slice %arg7[%dma_start3A_561] : memref<4000xi32, #tpu.memory_space<vmem>> -> memref<80xi32, #tpu.memory_space<vmem>>
    %dma_start3A_563 = arith.constant 0 : i32
    %dma_start3A_564 = arith.constant 0 : i32
    %dma_start3A_565 = tpu.memref_slice %arg2[%dma_start3A_563, %dma_start3A_564] : memref<100000x304xf32, #tpu.memory_space<hbm>> -> memref<100000x304xf32, #tpu.memory_space<hbm>>
    tpu.enqueue_indirect_dma source(%dma_start3A_565 : memref<100000x304xf32, #tpu.memory_space<hbm>>) target(%arg10 : memref<80x304xf32, #tpu.memory_space<vmem>>) offsets(%dma_start3A_562 : memref<80xi32, #tpu.memory_space<vmem>>) semaphore(%arg14 : memref<!tpu.dma_semaphore, #tpu.memory_space<semaphore_mem>>)
    %dma_wait3A_566 = arith.constant 2160 : i32
    %dma_wait3A_567 = tpu.memref_slice %arg7[%dma_wait3A_566] : memref<4000xi32, #tpu.memory_space<vmem>> -> memref<80xi32, #tpu.memory_space<vmem>>
    %dma_wait3A_568 = arith.constant 0 : i32
    %dma_wait3A_569 = arith.constant 0 : i32
    %dma_wait3A_570 = tpu.memref_slice %arg2[%dma_wait3A_568, %dma_wait3A_569] : memref<100000x304xf32, #tpu.memory_space<hbm>> -> memref<100000x304xf32, #tpu.memory_space<hbm>>
    tpu.wait_indirect_dma semaphore(%arg16 : memref<!tpu.dma_semaphore, #tpu.memory_space<semaphore_mem>>) src(%dma_wait3A_570 : memref<100000x304xf32, #tpu.memory_space<hbm>>) dst(%arg12 : memref<80x304xf32, #tpu.memory_space<vmem>>)
    %add3A_571 = arith.constant 2160 : i32
    %add3A_572 = arith.addi %mul3A_2, %add3A_571 : i32
    %dma_start3A_573 = arith.constant 0 : i32
    %dma_start3A_574 = tpu.memref_slice %arg5[%add3A_572, %dma_start3A_573] : memref<128000x304xf32, #tpu.memory_space<hbm>> -> memref<80x304xf32, #tpu.memory_space<hbm>>
    %dma_start3A_575 = arith.constant 0 : i32
    %dma_start3A_576 = tpu.memref_slice %arg5[%add3A_572, %dma_start3A_575] : memref<128000x304xf32, #tpu.memory_space<hbm>> -> memref<80x304xf32, #tpu.memory_space<hbm>>
    tpu.enqueue_dma source(%arg12 : memref<80x304xf32, #tpu.memory_space<vmem>>) target(%dma_start3A_576 : memref<80x304xf32, #tpu.memory_space<hbm>>) target_semaphore(%arg20 : memref<!tpu.dma_semaphore, #tpu.memory_space<semaphore_mem>>)
    %dma_wait3A_577 = arith.constant 0 : i32
    %dma_wait3A_578 = tpu.memref_slice %arg5[%add3A_552, %dma_wait3A_577] : memref<128000x304xf32, #tpu.memory_space<hbm>> -> memref<80x304xf32, #tpu.memory_space<hbm>>
    %dma_wait3A_579 = arith.constant 0 : i32
    %dma_wait3A_580 = tpu.memref_slice %arg5[%add3A_552, %dma_wait3A_579] : memref<128000x304xf32, #tpu.memory_space<hbm>> -> memref<80x304xf32, #tpu.memory_space<hbm>>
    tpu.wait_dma2 semaphore(%arg19 : memref<!tpu.dma_semaphore, #tpu.memory_space<semaphore_mem>>) src(%arg11 : memref<80x304xf32, #tpu.memory_space<vmem>>) dst(%dma_wait3A_580 : memref<80x304xf32, #tpu.memory_space<hbm>>)
    %dma_start3A_581 = arith.constant 2400 : i32
    %dma_start3A_582 = tpu.memref_slice %arg7[%dma_start3A_581] : memref<4000xi32, #tpu.memory_space<vmem>> -> memref<80xi32, #tpu.memory_space<vmem>>
    %dma_start3A_583 = arith.constant 0 : i32
    %dma_start3A_584 = arith.constant 0 : i32
    %dma_start3A_585 = tpu.memref_slice %arg2[%dma_start3A_583, %dma_start3A_584] : memref<100000x304xf32, #tpu.memory_space<hbm>> -> memref<100000x304xf32, #tpu.memory_space<hbm>>
    tpu.enqueue_indirect_dma source(%dma_start3A_585 : memref<100000x304xf32, #tpu.memory_space<hbm>>) target(%arg11 : memref<80x304xf32, #tpu.memory_space<vmem>>) offsets(%dma_start3A_582 : memref<80xi32, #tpu.memory_space<vmem>>) semaphore(%arg15 : memref<!tpu.dma_semaphore, #tpu.memory_space<semaphore_mem>>)
    %dma_wait3A_586 = arith.constant 2240 : i32
    %dma_wait3A_587 = tpu.memref_slice %arg7[%dma_wait3A_586] : memref<4000xi32, #tpu.memory_space<vmem>> -> memref<80xi32, #tpu.memory_space<vmem>>
    %dma_wait3A_588 = arith.constant 0 : i32
    %dma_wait3A_589 = arith.constant 0 : i32
    %dma_wait3A_590 = tpu.memref_slice %arg2[%dma_wait3A_588, %dma_wait3A_589] : memref<100000x304xf32, #tpu.memory_space<hbm>> -> memref<100000x304xf32, #tpu.memory_space<hbm>>
    tpu.wait_indirect_dma semaphore(%arg13 : memref<!tpu.dma_semaphore, #tpu.memory_space<semaphore_mem>>) src(%dma_wait3A_590 : memref<100000x304xf32, #tpu.memory_space<hbm>>) dst(%arg9 : memref<80x304xf32, #tpu.memory_space<vmem>>)
    %add3A_591 = arith.constant 2240 : i32
    %add3A_592 = arith.addi %mul3A_2, %add3A_591 : i32
    %dma_start3A_593 = arith.constant 0 : i32
    %dma_start3A_594 = tpu.memref_slice %arg5[%add3A_592, %dma_start3A_593] : memref<128000x304xf32, #tpu.memory_space<hbm>> -> memref<80x304xf32, #tpu.memory_space<hbm>>
    %dma_start3A_595 = arith.constant 0 : i32
    %dma_start3A_596 = tpu.memref_slice %arg5[%add3A_592, %dma_start3A_595] : memref<128000x304xf32, #tpu.memory_space<hbm>> -> memref<80x304xf32, #tpu.memory_space<hbm>>
    tpu.enqueue_dma source(%arg9 : memref<80x304xf32, #tpu.memory_space<vmem>>) target(%dma_start3A_596 : memref<80x304xf32, #tpu.memory_space<hbm>>) target_semaphore(%arg17 : memref<!tpu.dma_semaphore, #tpu.memory_space<semaphore_mem>>)
    %dma_wait3A_597 = arith.constant 0 : i32
    %dma_wait3A_598 = tpu.memref_slice %arg5[%add3A_572, %dma_wait3A_597] : memref<128000x304xf32, #tpu.memory_space<hbm>> -> memref<80x304xf32, #tpu.memory_space<hbm>>
    %dma_wait3A_599 = arith.constant 0 : i32
    %dma_wait3A_600 = tpu.memref_slice %arg5[%add3A_572, %dma_wait3A_599] : memref<128000x304xf32, #tpu.memory_space<hbm>> -> memref<80x304xf32, #tpu.memory_space<hbm>>
    tpu.wait_dma2 semaphore(%arg20 : memref<!tpu.dma_semaphore, #tpu.memory_space<semaphore_mem>>) src(%arg12 : memref<80x304xf32, #tpu.memory_space<vmem>>) dst(%dma_wait3A_600 : memref<80x304xf32, #tpu.memory_space<hbm>>)
    %dma_start3A_601 = arith.constant 2480 : i32
    %dma_start3A_602 = tpu.memref_slice %arg7[%dma_start3A_601] : memref<4000xi32, #tpu.memory_space<vmem>> -> memref<80xi32, #tpu.memory_space<vmem>>
    %dma_start3A_603 = arith.constant 0 : i32
    %dma_start3A_604 = arith.constant 0 : i32
    %dma_start3A_605 = tpu.memref_slice %arg2[%dma_start3A_603, %dma_start3A_604] : memref<100000x304xf32, #tpu.memory_space<hbm>> -> memref<100000x304xf32, #tpu.memory_space<hbm>>
    tpu.enqueue_indirect_dma source(%dma_start3A_605 : memref<100000x304xf32, #tpu.memory_space<hbm>>) target(%arg12 : memref<80x304xf32, #tpu.memory_space<vmem>>) offsets(%dma_start3A_602 : memref<80xi32, #tpu.memory_space<vmem>>) semaphore(%arg16 : memref<!tpu.dma_semaphore, #tpu.memory_space<semaphore_mem>>)
    %dma_wait3A_606 = arith.constant 2320 : i32
    %dma_wait3A_607 = tpu.memref_slice %arg7[%dma_wait3A_606] : memref<4000xi32, #tpu.memory_space<vmem>> -> memref<80xi32, #tpu.memory_space<vmem>>
    %dma_wait3A_608 = arith.constant 0 : i32
    %dma_wait3A_609 = arith.constant 0 : i32
    %dma_wait3A_610 = tpu.memref_slice %arg2[%dma_wait3A_608, %dma_wait3A_609] : memref<100000x304xf32, #tpu.memory_space<hbm>> -> memref<100000x304xf32, #tpu.memory_space<hbm>>
    tpu.wait_indirect_dma semaphore(%arg14 : memref<!tpu.dma_semaphore, #tpu.memory_space<semaphore_mem>>) src(%dma_wait3A_610 : memref<100000x304xf32, #tpu.memory_space<hbm>>) dst(%arg10 : memref<80x304xf32, #tpu.memory_space<vmem>>)
    %add3A_611 = arith.constant 2320 : i32
    %add3A_612 = arith.addi %mul3A_2, %add3A_611 : i32
    %dma_start3A_613 = arith.constant 0 : i32
    %dma_start3A_614 = tpu.memref_slice %arg5[%add3A_612, %dma_start3A_613] : memref<128000x304xf32, #tpu.memory_space<hbm>> -> memref<80x304xf32, #tpu.memory_space<hbm>>
    %dma_start3A_615 = arith.constant 0 : i32
    %dma_start3A_616 = tpu.memref_slice %arg5[%add3A_612, %dma_start3A_615] : memref<128000x304xf32, #tpu.memory_space<hbm>> -> memref<80x304xf32, #tpu.memory_space<hbm>>
    tpu.enqueue_dma source(%arg10 : memref<80x304xf32, #tpu.memory_space<vmem>>) target(%dma_start3A_616 : memref<80x304xf32, #tpu.memory_space<hbm>>) target_semaphore(%arg18 : memref<!tpu.dma_semaphore, #tpu.memory_space<semaphore_mem>>)
    %dma_wait3A_617 = arith.constant 0 : i32
    %dma_wait3A_618 = tpu.memref_slice %arg5[%add3A_592, %dma_wait3A_617] : memref<128000x304xf32, #tpu.memory_space<hbm>> -> memref<80x304xf32, #tpu.memory_space<hbm>>
    %dma_wait3A_619 = arith.constant 0 : i32
    %dma_wait3A_620 = tpu.memref_slice %arg5[%add3A_592, %dma_wait3A_619] : memref<128000x304xf32, #tpu.memory_space<hbm>> -> memref<80x304xf32, #tpu.memory_space<hbm>>
    tpu.wait_dma2 semaphore(%arg17 : memref<!tpu.dma_semaphore, #tpu.memory_space<semaphore_mem>>) src(%arg9 : memref<80x304xf32, #tpu.memory_space<vmem>>) dst(%dma_wait3A_620 : memref<80x304xf32, #tpu.memory_space<hbm>>)
    %dma_start3A_621 = arith.constant 2560 : i32
    %dma_start3A_622 = tpu.memref_slice %arg7[%dma_start3A_621] : memref<4000xi32, #tpu.memory_space<vmem>> -> memref<80xi32, #tpu.memory_space<vmem>>
    %dma_start3A_623 = arith.constant 0 : i32
    %dma_start3A_624 = arith.constant 0 : i32
    %dma_start3A_625 = tpu.memref_slice %arg2[%dma_start3A_623, %dma_start3A_624] : memref<100000x304xf32, #tpu.memory_space<hbm>> -> memref<100000x304xf32, #tpu.memory_space<hbm>>
    tpu.enqueue_indirect_dma source(%dma_start3A_625 : memref<100000x304xf32, #tpu.memory_space<hbm>>) target(%arg9 : memref<80x304xf32, #tpu.memory_space<vmem>>) offsets(%dma_start3A_622 : memref<80xi32, #tpu.memory_space<vmem>>) semaphore(%arg13 : memref<!tpu.dma_semaphore, #tpu.memory_space<semaphore_mem>>)
    %dma_wait3A_626 = arith.constant 2400 : i32
    %dma_wait3A_627 = tpu.memref_slice %arg7[%dma_wait3A_626] : memref<4000xi32, #tpu.memory_space<vmem>> -> memref<80xi32, #tpu.memory_space<vmem>>
    %dma_wait3A_628 = arith.constant 0 : i32
    %dma_wait3A_629 = arith.constant 0 : i32
    %dma_wait3A_630 = tpu.memref_slice %arg2[%dma_wait3A_628, %dma_wait3A_629] : memref<100000x304xf32, #tpu.memory_space<hbm>> -> memref<100000x304xf32, #tpu.memory_space<hbm>>
    tpu.wait_indirect_dma semaphore(%arg15 : memref<!tpu.dma_semaphore, #tpu.memory_space<semaphore_mem>>) src(%dma_wait3A_630 : memref<100000x304xf32, #tpu.memory_space<hbm>>) dst(%arg11 : memref<80x304xf32, #tpu.memory_space<vmem>>)
    %add3A_631 = arith.constant 2400 : i32
    %add3A_632 = arith.addi %mul3A_2, %add3A_631 : i32
    %dma_start3A_633 = arith.constant 0 : i32
    %dma_start3A_634 = tpu.memref_slice %arg5[%add3A_632, %dma_start3A_633] : memref<128000x304xf32, #tpu.memory_space<hbm>> -> memref<80x304xf32, #tpu.memory_space<hbm>>
    %dma_start3A_635 = arith.constant 0 : i32
    %dma_start3A_636 = tpu.memref_slice %arg5[%add3A_632, %dma_start3A_635] : memref<128000x304xf32, #tpu.memory_space<hbm>> -> memref<80x304xf32, #tpu.memory_space<hbm>>
    tpu.enqueue_dma source(%arg11 : memref<80x304xf32, #tpu.memory_space<vmem>>) target(%dma_start3A_636 : memref<80x304xf32, #tpu.memory_space<hbm>>) target_semaphore(%arg19 : memref<!tpu.dma_semaphore, #tpu.memory_space<semaphore_mem>>)
    %dma_wait3A_637 = arith.constant 0 : i32
    %dma_wait3A_638 = tpu.memref_slice %arg5[%add3A_612, %dma_wait3A_637] : memref<128000x304xf32, #tpu.memory_space<hbm>> -> memref<80x304xf32, #tpu.memory_space<hbm>>
    %dma_wait3A_639 = arith.constant 0 : i32
    %dma_wait3A_640 = tpu.memref_slice %arg5[%add3A_612, %dma_wait3A_639] : memref<128000x304xf32, #tpu.memory_space<hbm>> -> memref<80x304xf32, #tpu.memory_space<hbm>>
    tpu.wait_dma2 semaphore(%arg18 : memref<!tpu.dma_semaphore, #tpu.memory_space<semaphore_mem>>) src(%arg10 : memref<80x304xf32, #tpu.memory_space<vmem>>) dst(%dma_wait3A_640 : memref<80x304xf32, #tpu.memory_space<hbm>>)
    %dma_start3A_641 = arith.constant 2640 : i32
    %dma_start3A_642 = tpu.memref_slice %arg7[%dma_start3A_641] : memref<4000xi32, #tpu.memory_space<vmem>> -> memref<80xi32, #tpu.memory_space<vmem>>
    %dma_start3A_643 = arith.constant 0 : i32
    %dma_start3A_644 = arith.constant 0 : i32
    %dma_start3A_645 = tpu.memref_slice %arg2[%dma_start3A_643, %dma_start3A_644] : memref<100000x304xf32, #tpu.memory_space<hbm>> -> memref<100000x304xf32, #tpu.memory_space<hbm>>
    tpu.enqueue_indirect_dma source(%dma_start3A_645 : memref<100000x304xf32, #tpu.memory_space<hbm>>) target(%arg10 : memref<80x304xf32, #tpu.memory_space<vmem>>) offsets(%dma_start3A_642 : memref<80xi32, #tpu.memory_space<vmem>>) semaphore(%arg14 : memref<!tpu.dma_semaphore, #tpu.memory_space<semaphore_mem>>)
    %dma_wait3A_646 = arith.constant 2480 : i32
    %dma_wait3A_647 = tpu.memref_slice %arg7[%dma_wait3A_646] : memref<4000xi32, #tpu.memory_space<vmem>> -> memref<80xi32, #tpu.memory_space<vmem>>
    %dma_wait3A_648 = arith.constant 0 : i32
    %dma_wait3A_649 = arith.constant 0 : i32
    %dma_wait3A_650 = tpu.memref_slice %arg2[%dma_wait3A_648, %dma_wait3A_649] : memref<100000x304xf32, #tpu.memory_space<hbm>> -> memref<100000x304xf32, #tpu.memory_space<hbm>>
    tpu.wait_indirect_dma semaphore(%arg16 : memref<!tpu.dma_semaphore, #tpu.memory_space<semaphore_mem>>) src(%dma_wait3A_650 : memref<100000x304xf32, #tpu.memory_space<hbm>>) dst(%arg12 : memref<80x304xf32, #tpu.memory_space<vmem>>)
    %add3A_651 = arith.constant 2480 : i32
    %add3A_652 = arith.addi %mul3A_2, %add3A_651 : i32
    %dma_start3A_653 = arith.constant 0 : i32
    %dma_start3A_654 = tpu.memref_slice %arg5[%add3A_652, %dma_start3A_653] : memref<128000x304xf32, #tpu.memory_space<hbm>> -> memref<80x304xf32, #tpu.memory_space<hbm>>
    %dma_start3A_655 = arith.constant 0 : i32
    %dma_start3A_656 = tpu.memref_slice %arg5[%add3A_652, %dma_start3A_655] : memref<128000x304xf32, #tpu.memory_space<hbm>> -> memref<80x304xf32, #tpu.memory_space<hbm>>
    tpu.enqueue_dma source(%arg12 : memref<80x304xf32, #tpu.memory_space<vmem>>) target(%dma_start3A_656 : memref<80x304xf32, #tpu.memory_space<hbm>>) target_semaphore(%arg20 : memref<!tpu.dma_semaphore, #tpu.memory_space<semaphore_mem>>)
    %dma_wait3A_657 = arith.constant 0 : i32
    %dma_wait3A_658 = tpu.memref_slice %arg5[%add3A_632, %dma_wait3A_657] : memref<128000x304xf32, #tpu.memory_space<hbm>> -> memref<80x304xf32, #tpu.memory_space<hbm>>
    %dma_wait3A_659 = arith.constant 0 : i32
    %dma_wait3A_660 = tpu.memref_slice %arg5[%add3A_632, %dma_wait3A_659] : memref<128000x304xf32, #tpu.memory_space<hbm>> -> memref<80x304xf32, #tpu.memory_space<hbm>>
    tpu.wait_dma2 semaphore(%arg19 : memref<!tpu.dma_semaphore, #tpu.memory_space<semaphore_mem>>) src(%arg11 : memref<80x304xf32, #tpu.memory_space<vmem>>) dst(%dma_wait3A_660 : memref<80x304xf32, #tpu.memory_space<hbm>>)
    %dma_start3A_661 = arith.constant 2720 : i32
    %dma_start3A_662 = tpu.memref_slice %arg7[%dma_start3A_661] : memref<4000xi32, #tpu.memory_space<vmem>> -> memref<80xi32, #tpu.memory_space<vmem>>
    %dma_start3A_663 = arith.constant 0 : i32
    %dma_start3A_664 = arith.constant 0 : i32
    %dma_start3A_665 = tpu.memref_slice %arg2[%dma_start3A_663, %dma_start3A_664] : memref<100000x304xf32, #tpu.memory_space<hbm>> -> memref<100000x304xf32, #tpu.memory_space<hbm>>
    tpu.enqueue_indirect_dma source(%dma_start3A_665 : memref<100000x304xf32, #tpu.memory_space<hbm>>) target(%arg11 : memref<80x304xf32, #tpu.memory_space<vmem>>) offsets(%dma_start3A_662 : memref<80xi32, #tpu.memory_space<vmem>>) semaphore(%arg15 : memref<!tpu.dma_semaphore, #tpu.memory_space<semaphore_mem>>)
    %dma_wait3A_666 = arith.constant 2560 : i32
    %dma_wait3A_667 = tpu.memref_slice %arg7[%dma_wait3A_666] : memref<4000xi32, #tpu.memory_space<vmem>> -> memref<80xi32, #tpu.memory_space<vmem>>
    %dma_wait3A_668 = arith.constant 0 : i32
    %dma_wait3A_669 = arith.constant 0 : i32
    %dma_wait3A_670 = tpu.memref_slice %arg2[%dma_wait3A_668, %dma_wait3A_669] : memref<100000x304xf32, #tpu.memory_space<hbm>> -> memref<100000x304xf32, #tpu.memory_space<hbm>>
    tpu.wait_indirect_dma semaphore(%arg13 : memref<!tpu.dma_semaphore, #tpu.memory_space<semaphore_mem>>) src(%dma_wait3A_670 : memref<100000x304xf32, #tpu.memory_space<hbm>>) dst(%arg9 : memref<80x304xf32, #tpu.memory_space<vmem>>)
    %add3A_671 = arith.constant 2560 : i32
    %add3A_672 = arith.addi %mul3A_2, %add3A_671 : i32
    %dma_start3A_673 = arith.constant 0 : i32
    %dma_start3A_674 = tpu.memref_slice %arg5[%add3A_672, %dma_start3A_673] : memref<128000x304xf32, #tpu.memory_space<hbm>> -> memref<80x304xf32, #tpu.memory_space<hbm>>
    %dma_start3A_675 = arith.constant 0 : i32
    %dma_start3A_676 = tpu.memref_slice %arg5[%add3A_672, %dma_start3A_675] : memref<128000x304xf32, #tpu.memory_space<hbm>> -> memref<80x304xf32, #tpu.memory_space<hbm>>
    tpu.enqueue_dma source(%arg9 : memref<80x304xf32, #tpu.memory_space<vmem>>) target(%dma_start3A_676 : memref<80x304xf32, #tpu.memory_space<hbm>>) target_semaphore(%arg17 : memref<!tpu.dma_semaphore, #tpu.memory_space<semaphore_mem>>)
    %dma_wait3A_677 = arith.constant 0 : i32
    %dma_wait3A_678 = tpu.memref_slice %arg5[%add3A_652, %dma_wait3A_677] : memref<128000x304xf32, #tpu.memory_space<hbm>> -> memref<80x304xf32, #tpu.memory_space<hbm>>
    %dma_wait3A_679 = arith.constant 0 : i32
    %dma_wait3A_680 = tpu.memref_slice %arg5[%add3A_652, %dma_wait3A_679] : memref<128000x304xf32, #tpu.memory_space<hbm>> -> memref<80x304xf32, #tpu.memory_space<hbm>>
    tpu.wait_dma2 semaphore(%arg20 : memref<!tpu.dma_semaphore, #tpu.memory_space<semaphore_mem>>) src(%arg12 : memref<80x304xf32, #tpu.memory_space<vmem>>) dst(%dma_wait3A_680 : memref<80x304xf32, #tpu.memory_space<hbm>>)
    %dma_start3A_681 = arith.constant 2800 : i32
    %dma_start3A_682 = tpu.memref_slice %arg7[%dma_start3A_681] : memref<4000xi32, #tpu.memory_space<vmem>> -> memref<80xi32, #tpu.memory_space<vmem>>
    %dma_start3A_683 = arith.constant 0 : i32
    %dma_start3A_684 = arith.constant 0 : i32
    %dma_start3A_685 = tpu.memref_slice %arg2[%dma_start3A_683, %dma_start3A_684] : memref<100000x304xf32, #tpu.memory_space<hbm>> -> memref<100000x304xf32, #tpu.memory_space<hbm>>
    tpu.enqueue_indirect_dma source(%dma_start3A_685 : memref<100000x304xf32, #tpu.memory_space<hbm>>) target(%arg12 : memref<80x304xf32, #tpu.memory_space<vmem>>) offsets(%dma_start3A_682 : memref<80xi32, #tpu.memory_space<vmem>>) semaphore(%arg16 : memref<!tpu.dma_semaphore, #tpu.memory_space<semaphore_mem>>)
    %dma_wait3A_686 = arith.constant 2640 : i32
    %dma_wait3A_687 = tpu.memref_slice %arg7[%dma_wait3A_686] : memref<4000xi32, #tpu.memory_space<vmem>> -> memref<80xi32, #tpu.memory_space<vmem>>
    %dma_wait3A_688 = arith.constant 0 : i32
    %dma_wait3A_689 = arith.constant 0 : i32
    %dma_wait3A_690 = tpu.memref_slice %arg2[%dma_wait3A_688, %dma_wait3A_689] : memref<100000x304xf32, #tpu.memory_space<hbm>> -> memref<100000x304xf32, #tpu.memory_space<hbm>>
    tpu.wait_indirect_dma semaphore(%arg14 : memref<!tpu.dma_semaphore, #tpu.memory_space<semaphore_mem>>) src(%dma_wait3A_690 : memref<100000x304xf32, #tpu.memory_space<hbm>>) dst(%arg10 : memref<80x304xf32, #tpu.memory_space<vmem>>)
    %add3A_691 = arith.constant 2640 : i32
    %add3A_692 = arith.addi %mul3A_2, %add3A_691 : i32
    %dma_start3A_693 = arith.constant 0 : i32
    %dma_start3A_694 = tpu.memref_slice %arg5[%add3A_692, %dma_start3A_693] : memref<128000x304xf32, #tpu.memory_space<hbm>> -> memref<80x304xf32, #tpu.memory_space<hbm>>
    %dma_start3A_695 = arith.constant 0 : i32
    %dma_start3A_696 = tpu.memref_slice %arg5[%add3A_692, %dma_start3A_695] : memref<128000x304xf32, #tpu.memory_space<hbm>> -> memref<80x304xf32, #tpu.memory_space<hbm>>
    tpu.enqueue_dma source(%arg10 : memref<80x304xf32, #tpu.memory_space<vmem>>) target(%dma_start3A_696 : memref<80x304xf32, #tpu.memory_space<hbm>>) target_semaphore(%arg18 : memref<!tpu.dma_semaphore, #tpu.memory_space<semaphore_mem>>)
    %dma_wait3A_697 = arith.constant 0 : i32
    %dma_wait3A_698 = tpu.memref_slice %arg5[%add3A_672, %dma_wait3A_697] : memref<128000x304xf32, #tpu.memory_space<hbm>> -> memref<80x304xf32, #tpu.memory_space<hbm>>
    %dma_wait3A_699 = arith.constant 0 : i32
    %dma_wait3A_700 = tpu.memref_slice %arg5[%add3A_672, %dma_wait3A_699] : memref<128000x304xf32, #tpu.memory_space<hbm>> -> memref<80x304xf32, #tpu.memory_space<hbm>>
    tpu.wait_dma2 semaphore(%arg17 : memref<!tpu.dma_semaphore, #tpu.memory_space<semaphore_mem>>) src(%arg9 : memref<80x304xf32, #tpu.memory_space<vmem>>) dst(%dma_wait3A_700 : memref<80x304xf32, #tpu.memory_space<hbm>>)
    %dma_start3A_701 = arith.constant 2880 : i32
    %dma_start3A_702 = tpu.memref_slice %arg7[%dma_start3A_701] : memref<4000xi32, #tpu.memory_space<vmem>> -> memref<80xi32, #tpu.memory_space<vmem>>
    %dma_start3A_703 = arith.constant 0 : i32
    %dma_start3A_704 = arith.constant 0 : i32
    %dma_start3A_705 = tpu.memref_slice %arg2[%dma_start3A_703, %dma_start3A_704] : memref<100000x304xf32, #tpu.memory_space<hbm>> -> memref<100000x304xf32, #tpu.memory_space<hbm>>
    tpu.enqueue_indirect_dma source(%dma_start3A_705 : memref<100000x304xf32, #tpu.memory_space<hbm>>) target(%arg9 : memref<80x304xf32, #tpu.memory_space<vmem>>) offsets(%dma_start3A_702 : memref<80xi32, #tpu.memory_space<vmem>>) semaphore(%arg13 : memref<!tpu.dma_semaphore, #tpu.memory_space<semaphore_mem>>)
    %dma_wait3A_706 = arith.constant 2720 : i32
    %dma_wait3A_707 = tpu.memref_slice %arg7[%dma_wait3A_706] : memref<4000xi32, #tpu.memory_space<vmem>> -> memref<80xi32, #tpu.memory_space<vmem>>
    %dma_wait3A_708 = arith.constant 0 : i32
    %dma_wait3A_709 = arith.constant 0 : i32
    %dma_wait3A_710 = tpu.memref_slice %arg2[%dma_wait3A_708, %dma_wait3A_709] : memref<100000x304xf32, #tpu.memory_space<hbm>> -> memref<100000x304xf32, #tpu.memory_space<hbm>>
    tpu.wait_indirect_dma semaphore(%arg15 : memref<!tpu.dma_semaphore, #tpu.memory_space<semaphore_mem>>) src(%dma_wait3A_710 : memref<100000x304xf32, #tpu.memory_space<hbm>>) dst(%arg11 : memref<80x304xf32, #tpu.memory_space<vmem>>)
    %add3A_711 = arith.constant 2720 : i32
    %add3A_712 = arith.addi %mul3A_2, %add3A_711 : i32
    %dma_start3A_713 = arith.constant 0 : i32
    %dma_start3A_714 = tpu.memref_slice %arg5[%add3A_712, %dma_start3A_713] : memref<128000x304xf32, #tpu.memory_space<hbm>> -> memref<80x304xf32, #tpu.memory_space<hbm>>
    %dma_start3A_715 = arith.constant 0 : i32
    %dma_start3A_716 = tpu.memref_slice %arg5[%add3A_712, %dma_start3A_715] : memref<128000x304xf32, #tpu.memory_space<hbm>> -> memref<80x304xf32, #tpu.memory_space<hbm>>
    tpu.enqueue_dma source(%arg11 : memref<80x304xf32, #tpu.memory_space<vmem>>) target(%dma_start3A_716 : memref<80x304xf32, #tpu.memory_space<hbm>>) target_semaphore(%arg19 : memref<!tpu.dma_semaphore, #tpu.memory_space<semaphore_mem>>)
    %dma_wait3A_717 = arith.constant 0 : i32
    %dma_wait3A_718 = tpu.memref_slice %arg5[%add3A_692, %dma_wait3A_717] : memref<128000x304xf32, #tpu.memory_space<hbm>> -> memref<80x304xf32, #tpu.memory_space<hbm>>
    %dma_wait3A_719 = arith.constant 0 : i32
    %dma_wait3A_720 = tpu.memref_slice %arg5[%add3A_692, %dma_wait3A_719] : memref<128000x304xf32, #tpu.memory_space<hbm>> -> memref<80x304xf32, #tpu.memory_space<hbm>>
    tpu.wait_dma2 semaphore(%arg18 : memref<!tpu.dma_semaphore, #tpu.memory_space<semaphore_mem>>) src(%arg10 : memref<80x304xf32, #tpu.memory_space<vmem>>) dst(%dma_wait3A_720 : memref<80x304xf32, #tpu.memory_space<hbm>>)
    %dma_start3A_721 = arith.constant 2960 : i32
    %dma_start3A_722 = tpu.memref_slice %arg7[%dma_start3A_721] : memref<4000xi32, #tpu.memory_space<vmem>> -> memref<80xi32, #tpu.memory_space<vmem>>
    %dma_start3A_723 = arith.constant 0 : i32
    %dma_start3A_724 = arith.constant 0 : i32
    %dma_start3A_725 = tpu.memref_slice %arg2[%dma_start3A_723, %dma_start3A_724] : memref<100000x304xf32, #tpu.memory_space<hbm>> -> memref<100000x304xf32, #tpu.memory_space<hbm>>
    tpu.enqueue_indirect_dma source(%dma_start3A_725 : memref<100000x304xf32, #tpu.memory_space<hbm>>) target(%arg10 : memref<80x304xf32, #tpu.memory_space<vmem>>) offsets(%dma_start3A_722 : memref<80xi32, #tpu.memory_space<vmem>>) semaphore(%arg14 : memref<!tpu.dma_semaphore, #tpu.memory_space<semaphore_mem>>)
    %dma_wait3A_726 = arith.constant 2800 : i32
    %dma_wait3A_727 = tpu.memref_slice %arg7[%dma_wait3A_726] : memref<4000xi32, #tpu.memory_space<vmem>> -> memref<80xi32, #tpu.memory_space<vmem>>
    %dma_wait3A_728 = arith.constant 0 : i32
    %dma_wait3A_729 = arith.constant 0 : i32
    %dma_wait3A_730 = tpu.memref_slice %arg2[%dma_wait3A_728, %dma_wait3A_729] : memref<100000x304xf32, #tpu.memory_space<hbm>> -> memref<100000x304xf32, #tpu.memory_space<hbm>>
    tpu.wait_indirect_dma semaphore(%arg16 : memref<!tpu.dma_semaphore, #tpu.memory_space<semaphore_mem>>) src(%dma_wait3A_730 : memref<100000x304xf32, #tpu.memory_space<hbm>>) dst(%arg12 : memref<80x304xf32, #tpu.memory_space<vmem>>)
    %add3A_731 = arith.constant 2800 : i32
    %add3A_732 = arith.addi %mul3A_2, %add3A_731 : i32
    %dma_start3A_733 = arith.constant 0 : i32
    %dma_start3A_734 = tpu.memref_slice %arg5[%add3A_732, %dma_start3A_733] : memref<128000x304xf32, #tpu.memory_space<hbm>> -> memref<80x304xf32, #tpu.memory_space<hbm>>
    %dma_start3A_735 = arith.constant 0 : i32
    %dma_start3A_736 = tpu.memref_slice %arg5[%add3A_732, %dma_start3A_735] : memref<128000x304xf32, #tpu.memory_space<hbm>> -> memref<80x304xf32, #tpu.memory_space<hbm>>
    tpu.enqueue_dma source(%arg12 : memref<80x304xf32, #tpu.memory_space<vmem>>) target(%dma_start3A_736 : memref<80x304xf32, #tpu.memory_space<hbm>>) target_semaphore(%arg20 : memref<!tpu.dma_semaphore, #tpu.memory_space<semaphore_mem>>)
    %dma_wait3A_737 = arith.constant 0 : i32
    %dma_wait3A_738 = tpu.memref_slice %arg5[%add3A_712, %dma_wait3A_737] : memref<128000x304xf32, #tpu.memory_space<hbm>> -> memref<80x304xf32, #tpu.memory_space<hbm>>
    %dma_wait3A_739 = arith.constant 0 : i32
    %dma_wait3A_740 = tpu.memref_slice %arg5[%add3A_712, %dma_wait3A_739] : memref<128000x304xf32, #tpu.memory_space<hbm>> -> memref<80x304xf32, #tpu.memory_space<hbm>>
    tpu.wait_dma2 semaphore(%arg19 : memref<!tpu.dma_semaphore, #tpu.memory_space<semaphore_mem>>) src(%arg11 : memref<80x304xf32, #tpu.memory_space<vmem>>) dst(%dma_wait3A_740 : memref<80x304xf32, #tpu.memory_space<hbm>>)
    %dma_start3A_741 = arith.constant 3040 : i32
    %dma_start3A_742 = tpu.memref_slice %arg7[%dma_start3A_741] : memref<4000xi32, #tpu.memory_space<vmem>> -> memref<80xi32, #tpu.memory_space<vmem>>
    %dma_start3A_743 = arith.constant 0 : i32
    %dma_start3A_744 = arith.constant 0 : i32
    %dma_start3A_745 = tpu.memref_slice %arg2[%dma_start3A_743, %dma_start3A_744] : memref<100000x304xf32, #tpu.memory_space<hbm>> -> memref<100000x304xf32, #tpu.memory_space<hbm>>
    tpu.enqueue_indirect_dma source(%dma_start3A_745 : memref<100000x304xf32, #tpu.memory_space<hbm>>) target(%arg11 : memref<80x304xf32, #tpu.memory_space<vmem>>) offsets(%dma_start3A_742 : memref<80xi32, #tpu.memory_space<vmem>>) semaphore(%arg15 : memref<!tpu.dma_semaphore, #tpu.memory_space<semaphore_mem>>)
    %dma_wait3A_746 = arith.constant 2880 : i32
    %dma_wait3A_747 = tpu.memref_slice %arg7[%dma_wait3A_746] : memref<4000xi32, #tpu.memory_space<vmem>> -> memref<80xi32, #tpu.memory_space<vmem>>
    %dma_wait3A_748 = arith.constant 0 : i32
    %dma_wait3A_749 = arith.constant 0 : i32
    %dma_wait3A_750 = tpu.memref_slice %arg2[%dma_wait3A_748, %dma_wait3A_749] : memref<100000x304xf32, #tpu.memory_space<hbm>> -> memref<100000x304xf32, #tpu.memory_space<hbm>>
    tpu.wait_indirect_dma semaphore(%arg13 : memref<!tpu.dma_semaphore, #tpu.memory_space<semaphore_mem>>) src(%dma_wait3A_750 : memref<100000x304xf32, #tpu.memory_space<hbm>>) dst(%arg9 : memref<80x304xf32, #tpu.memory_space<vmem>>)
    %add3A_751 = arith.constant 2880 : i32
    %add3A_752 = arith.addi %mul3A_2, %add3A_751 : i32
    %dma_start3A_753 = arith.constant 0 : i32
    %dma_start3A_754 = tpu.memref_slice %arg5[%add3A_752, %dma_start3A_753] : memref<128000x304xf32, #tpu.memory_space<hbm>> -> memref<80x304xf32, #tpu.memory_space<hbm>>
    %dma_start3A_755 = arith.constant 0 : i32
    %dma_start3A_756 = tpu.memref_slice %arg5[%add3A_752, %dma_start3A_755] : memref<128000x304xf32, #tpu.memory_space<hbm>> -> memref<80x304xf32, #tpu.memory_space<hbm>>
    tpu.enqueue_dma source(%arg9 : memref<80x304xf32, #tpu.memory_space<vmem>>) target(%dma_start3A_756 : memref<80x304xf32, #tpu.memory_space<hbm>>) target_semaphore(%arg17 : memref<!tpu.dma_semaphore, #tpu.memory_space<semaphore_mem>>)
    %dma_wait3A_757 = arith.constant 0 : i32
    %dma_wait3A_758 = tpu.memref_slice %arg5[%add3A_732, %dma_wait3A_757] : memref<128000x304xf32, #tpu.memory_space<hbm>> -> memref<80x304xf32, #tpu.memory_space<hbm>>
    %dma_wait3A_759 = arith.constant 0 : i32
    %dma_wait3A_760 = tpu.memref_slice %arg5[%add3A_732, %dma_wait3A_759] : memref<128000x304xf32, #tpu.memory_space<hbm>> -> memref<80x304xf32, #tpu.memory_space<hbm>>
    tpu.wait_dma2 semaphore(%arg20 : memref<!tpu.dma_semaphore, #tpu.memory_space<semaphore_mem>>) src(%arg12 : memref<80x304xf32, #tpu.memory_space<vmem>>) dst(%dma_wait3A_760 : memref<80x304xf32, #tpu.memory_space<hbm>>)
    %dma_start3A_761 = arith.constant 3120 : i32
    %dma_start3A_762 = tpu.memref_slice %arg7[%dma_start3A_761] : memref<4000xi32, #tpu.memory_space<vmem>> -> memref<80xi32, #tpu.memory_space<vmem>>
    %dma_start3A_763 = arith.constant 0 : i32
    %dma_start3A_764 = arith.constant 0 : i32
    %dma_start3A_765 = tpu.memref_slice %arg2[%dma_start3A_763, %dma_start3A_764] : memref<100000x304xf32, #tpu.memory_space<hbm>> -> memref<100000x304xf32, #tpu.memory_space<hbm>>
    tpu.enqueue_indirect_dma source(%dma_start3A_765 : memref<100000x304xf32, #tpu.memory_space<hbm>>) target(%arg12 : memref<80x304xf32, #tpu.memory_space<vmem>>) offsets(%dma_start3A_762 : memref<80xi32, #tpu.memory_space<vmem>>) semaphore(%arg16 : memref<!tpu.dma_semaphore, #tpu.memory_space<semaphore_mem>>)
    %dma_wait3A_766 = arith.constant 2960 : i32
    %dma_wait3A_767 = tpu.memref_slice %arg7[%dma_wait3A_766] : memref<4000xi32, #tpu.memory_space<vmem>> -> memref<80xi32, #tpu.memory_space<vmem>>
    %dma_wait3A_768 = arith.constant 0 : i32
    %dma_wait3A_769 = arith.constant 0 : i32
    %dma_wait3A_770 = tpu.memref_slice %arg2[%dma_wait3A_768, %dma_wait3A_769] : memref<100000x304xf32, #tpu.memory_space<hbm>> -> memref<100000x304xf32, #tpu.memory_space<hbm>>
    tpu.wait_indirect_dma semaphore(%arg14 : memref<!tpu.dma_semaphore, #tpu.memory_space<semaphore_mem>>) src(%dma_wait3A_770 : memref<100000x304xf32, #tpu.memory_space<hbm>>) dst(%arg10 : memref<80x304xf32, #tpu.memory_space<vmem>>)
    %add3A_771 = arith.constant 2960 : i32
    %add3A_772 = arith.addi %mul3A_2, %add3A_771 : i32
    %dma_start3A_773 = arith.constant 0 : i32
    %dma_start3A_774 = tpu.memref_slice %arg5[%add3A_772, %dma_start3A_773] : memref<128000x304xf32, #tpu.memory_space<hbm>> -> memref<80x304xf32, #tpu.memory_space<hbm>>
    %dma_start3A_775 = arith.constant 0 : i32
    %dma_start3A_776 = tpu.memref_slice %arg5[%add3A_772, %dma_start3A_775] : memref<128000x304xf32, #tpu.memory_space<hbm>> -> memref<80x304xf32, #tpu.memory_space<hbm>>
    tpu.enqueue_dma source(%arg10 : memref<80x304xf32, #tpu.memory_space<vmem>>) target(%dma_start3A_776 : memref<80x304xf32, #tpu.memory_space<hbm>>) target_semaphore(%arg18 : memref<!tpu.dma_semaphore, #tpu.memory_space<semaphore_mem>>)
    %dma_wait3A_777 = arith.constant 0 : i32
    %dma_wait3A_778 = tpu.memref_slice %arg5[%add3A_752, %dma_wait3A_777] : memref<128000x304xf32, #tpu.memory_space<hbm>> -> memref<80x304xf32, #tpu.memory_space<hbm>>
    %dma_wait3A_779 = arith.constant 0 : i32
    %dma_wait3A_780 = tpu.memref_slice %arg5[%add3A_752, %dma_wait3A_779] : memref<128000x304xf32, #tpu.memory_space<hbm>> -> memref<80x304xf32, #tpu.memory_space<hbm>>
    tpu.wait_dma2 semaphore(%arg17 : memref<!tpu.dma_semaphore, #tpu.memory_space<semaphore_mem>>) src(%arg9 : memref<80x304xf32, #tpu.memory_space<vmem>>) dst(%dma_wait3A_780 : memref<80x304xf32, #tpu.memory_space<hbm>>)
    %dma_start3A_781 = arith.constant 3200 : i32
    %dma_start3A_782 = tpu.memref_slice %arg7[%dma_start3A_781] : memref<4000xi32, #tpu.memory_space<vmem>> -> memref<80xi32, #tpu.memory_space<vmem>>
    %dma_start3A_783 = arith.constant 0 : i32
    %dma_start3A_784 = arith.constant 0 : i32
    %dma_start3A_785 = tpu.memref_slice %arg2[%dma_start3A_783, %dma_start3A_784] : memref<100000x304xf32, #tpu.memory_space<hbm>> -> memref<100000x304xf32, #tpu.memory_space<hbm>>
    tpu.enqueue_indirect_dma source(%dma_start3A_785 : memref<100000x304xf32, #tpu.memory_space<hbm>>) target(%arg9 : memref<80x304xf32, #tpu.memory_space<vmem>>) offsets(%dma_start3A_782 : memref<80xi32, #tpu.memory_space<vmem>>) semaphore(%arg13 : memref<!tpu.dma_semaphore, #tpu.memory_space<semaphore_mem>>)
    %dma_wait3A_786 = arith.constant 3040 : i32
    %dma_wait3A_787 = tpu.memref_slice %arg7[%dma_wait3A_786] : memref<4000xi32, #tpu.memory_space<vmem>> -> memref<80xi32, #tpu.memory_space<vmem>>
    %dma_wait3A_788 = arith.constant 0 : i32
    %dma_wait3A_789 = arith.constant 0 : i32
    %dma_wait3A_790 = tpu.memref_slice %arg2[%dma_wait3A_788, %dma_wait3A_789] : memref<100000x304xf32, #tpu.memory_space<hbm>> -> memref<100000x304xf32, #tpu.memory_space<hbm>>
    tpu.wait_indirect_dma semaphore(%arg15 : memref<!tpu.dma_semaphore, #tpu.memory_space<semaphore_mem>>) src(%dma_wait3A_790 : memref<100000x304xf32, #tpu.memory_space<hbm>>) dst(%arg11 : memref<80x304xf32, #tpu.memory_space<vmem>>)
    %add3A_791 = arith.constant 3040 : i32
    %add3A_792 = arith.addi %mul3A_2, %add3A_791 : i32
    %dma_start3A_793 = arith.constant 0 : i32
    %dma_start3A_794 = tpu.memref_slice %arg5[%add3A_792, %dma_start3A_793] : memref<128000x304xf32, #tpu.memory_space<hbm>> -> memref<80x304xf32, #tpu.memory_space<hbm>>
    %dma_start3A_795 = arith.constant 0 : i32
    %dma_start3A_796 = tpu.memref_slice %arg5[%add3A_792, %dma_start3A_795] : memref<128000x304xf32, #tpu.memory_space<hbm>> -> memref<80x304xf32, #tpu.memory_space<hbm>>
    tpu.enqueue_dma source(%arg11 : memref<80x304xf32, #tpu.memory_space<vmem>>) target(%dma_start3A_796 : memref<80x304xf32, #tpu.memory_space<hbm>>) target_semaphore(%arg19 : memref<!tpu.dma_semaphore, #tpu.memory_space<semaphore_mem>>)
    %dma_wait3A_797 = arith.constant 0 : i32
    %dma_wait3A_798 = tpu.memref_slice %arg5[%add3A_772, %dma_wait3A_797] : memref<128000x304xf32, #tpu.memory_space<hbm>> -> memref<80x304xf32, #tpu.memory_space<hbm>>
    %dma_wait3A_799 = arith.constant 0 : i32
    %dma_wait3A_800 = tpu.memref_slice %arg5[%add3A_772, %dma_wait3A_799] : memref<128000x304xf32, #tpu.memory_space<hbm>> -> memref<80x304xf32, #tpu.memory_space<hbm>>
    tpu.wait_dma2 semaphore(%arg18 : memref<!tpu.dma_semaphore, #tpu.memory_space<semaphore_mem>>) src(%arg10 : memref<80x304xf32, #tpu.memory_space<vmem>>) dst(%dma_wait3A_800 : memref<80x304xf32, #tpu.memory_space<hbm>>)
    %dma_start3A_801 = arith.constant 3280 : i32
    %dma_start3A_802 = tpu.memref_slice %arg7[%dma_start3A_801] : memref<4000xi32, #tpu.memory_space<vmem>> -> memref<80xi32, #tpu.memory_space<vmem>>
    %dma_start3A_803 = arith.constant 0 : i32
    %dma_start3A_804 = arith.constant 0 : i32
    %dma_start3A_805 = tpu.memref_slice %arg2[%dma_start3A_803, %dma_start3A_804] : memref<100000x304xf32, #tpu.memory_space<hbm>> -> memref<100000x304xf32, #tpu.memory_space<hbm>>
    tpu.enqueue_indirect_dma source(%dma_start3A_805 : memref<100000x304xf32, #tpu.memory_space<hbm>>) target(%arg10 : memref<80x304xf32, #tpu.memory_space<vmem>>) offsets(%dma_start3A_802 : memref<80xi32, #tpu.memory_space<vmem>>) semaphore(%arg14 : memref<!tpu.dma_semaphore, #tpu.memory_space<semaphore_mem>>)
    %dma_wait3A_806 = arith.constant 3120 : i32
    %dma_wait3A_807 = tpu.memref_slice %arg7[%dma_wait3A_806] : memref<4000xi32, #tpu.memory_space<vmem>> -> memref<80xi32, #tpu.memory_space<vmem>>
    %dma_wait3A_808 = arith.constant 0 : i32
    %dma_wait3A_809 = arith.constant 0 : i32
    %dma_wait3A_810 = tpu.memref_slice %arg2[%dma_wait3A_808, %dma_wait3A_809] : memref<100000x304xf32, #tpu.memory_space<hbm>> -> memref<100000x304xf32, #tpu.memory_space<hbm>>
    tpu.wait_indirect_dma semaphore(%arg16 : memref<!tpu.dma_semaphore, #tpu.memory_space<semaphore_mem>>) src(%dma_wait3A_810 : memref<100000x304xf32, #tpu.memory_space<hbm>>) dst(%arg12 : memref<80x304xf32, #tpu.memory_space<vmem>>)
    %add3A_811 = arith.constant 3120 : i32
    %add3A_812 = arith.addi %mul3A_2, %add3A_811 : i32
    %dma_start3A_813 = arith.constant 0 : i32
    %dma_start3A_814 = tpu.memref_slice %arg5[%add3A_812, %dma_start3A_813] : memref<128000x304xf32, #tpu.memory_space<hbm>> -> memref<80x304xf32, #tpu.memory_space<hbm>>
    %dma_start3A_815 = arith.constant 0 : i32
    %dma_start3A_816 = tpu.memref_slice %arg5[%add3A_812, %dma_start3A_815] : memref<128000x304xf32, #tpu.memory_space<hbm>> -> memref<80x304xf32, #tpu.memory_space<hbm>>
    tpu.enqueue_dma source(%arg12 : memref<80x304xf32, #tpu.memory_space<vmem>>) target(%dma_start3A_816 : memref<80x304xf32, #tpu.memory_space<hbm>>) target_semaphore(%arg20 : memref<!tpu.dma_semaphore, #tpu.memory_space<semaphore_mem>>)
    %dma_wait3A_817 = arith.constant 0 : i32
    %dma_wait3A_818 = tpu.memref_slice %arg5[%add3A_792, %dma_wait3A_817] : memref<128000x304xf32, #tpu.memory_space<hbm>> -> memref<80x304xf32, #tpu.memory_space<hbm>>
    %dma_wait3A_819 = arith.constant 0 : i32
    %dma_wait3A_820 = tpu.memref_slice %arg5[%add3A_792, %dma_wait3A_819] : memref<128000x304xf32, #tpu.memory_space<hbm>> -> memref<80x304xf32, #tpu.memory_space<hbm>>
    tpu.wait_dma2 semaphore(%arg19 : memref<!tpu.dma_semaphore, #tpu.memory_space<semaphore_mem>>) src(%arg11 : memref<80x304xf32, #tpu.memory_space<vmem>>) dst(%dma_wait3A_820 : memref<80x304xf32, #tpu.memory_space<hbm>>)
    %dma_start3A_821 = arith.constant 3360 : i32
    %dma_start3A_822 = tpu.memref_slice %arg7[%dma_start3A_821] : memref<4000xi32, #tpu.memory_space<vmem>> -> memref<80xi32, #tpu.memory_space<vmem>>
    %dma_start3A_823 = arith.constant 0 : i32
    %dma_start3A_824 = arith.constant 0 : i32
    %dma_start3A_825 = tpu.memref_slice %arg2[%dma_start3A_823, %dma_start3A_824] : memref<100000x304xf32, #tpu.memory_space<hbm>> -> memref<100000x304xf32, #tpu.memory_space<hbm>>
    tpu.enqueue_indirect_dma source(%dma_start3A_825 : memref<100000x304xf32, #tpu.memory_space<hbm>>) target(%arg11 : memref<80x304xf32, #tpu.memory_space<vmem>>) offsets(%dma_start3A_822 : memref<80xi32, #tpu.memory_space<vmem>>) semaphore(%arg15 : memref<!tpu.dma_semaphore, #tpu.memory_space<semaphore_mem>>)
    %dma_wait3A_826 = arith.constant 3200 : i32
    %dma_wait3A_827 = tpu.memref_slice %arg7[%dma_wait3A_826] : memref<4000xi32, #tpu.memory_space<vmem>> -> memref<80xi32, #tpu.memory_space<vmem>>
    %dma_wait3A_828 = arith.constant 0 : i32
    %dma_wait3A_829 = arith.constant 0 : i32
    %dma_wait3A_830 = tpu.memref_slice %arg2[%dma_wait3A_828, %dma_wait3A_829] : memref<100000x304xf32, #tpu.memory_space<hbm>> -> memref<100000x304xf32, #tpu.memory_space<hbm>>
    tpu.wait_indirect_dma semaphore(%arg13 : memref<!tpu.dma_semaphore, #tpu.memory_space<semaphore_mem>>) src(%dma_wait3A_830 : memref<100000x304xf32, #tpu.memory_space<hbm>>) dst(%arg9 : memref<80x304xf32, #tpu.memory_space<vmem>>)
    %add3A_831 = arith.constant 3200 : i32
    %add3A_832 = arith.addi %mul3A_2, %add3A_831 : i32
    %dma_start3A_833 = arith.constant 0 : i32
    %dma_start3A_834 = tpu.memref_slice %arg5[%add3A_832, %dma_start3A_833] : memref<128000x304xf32, #tpu.memory_space<hbm>> -> memref<80x304xf32, #tpu.memory_space<hbm>>
    %dma_start3A_835 = arith.constant 0 : i32
    %dma_start3A_836 = tpu.memref_slice %arg5[%add3A_832, %dma_start3A_835] : memref<128000x304xf32, #tpu.memory_space<hbm>> -> memref<80x304xf32, #tpu.memory_space<hbm>>
    tpu.enqueue_dma source(%arg9 : memref<80x304xf32, #tpu.memory_space<vmem>>) target(%dma_start3A_836 : memref<80x304xf32, #tpu.memory_space<hbm>>) target_semaphore(%arg17 : memref<!tpu.dma_semaphore, #tpu.memory_space<semaphore_mem>>)
    %dma_wait3A_837 = arith.constant 0 : i32
    %dma_wait3A_838 = tpu.memref_slice %arg5[%add3A_812, %dma_wait3A_837] : memref<128000x304xf32, #tpu.memory_space<hbm>> -> memref<80x304xf32, #tpu.memory_space<hbm>>
    %dma_wait3A_839 = arith.constant 0 : i32
    %dma_wait3A_840 = tpu.memref_slice %arg5[%add3A_812, %dma_wait3A_839] : memref<128000x304xf32, #tpu.memory_space<hbm>> -> memref<80x304xf32, #tpu.memory_space<hbm>>
    tpu.wait_dma2 semaphore(%arg20 : memref<!tpu.dma_semaphore, #tpu.memory_space<semaphore_mem>>) src(%arg12 : memref<80x304xf32, #tpu.memory_space<vmem>>) dst(%dma_wait3A_840 : memref<80x304xf32, #tpu.memory_space<hbm>>)
    %dma_start3A_841 = arith.constant 3440 : i32
    %dma_start3A_842 = tpu.memref_slice %arg7[%dma_start3A_841] : memref<4000xi32, #tpu.memory_space<vmem>> -> memref<80xi32, #tpu.memory_space<vmem>>
    %dma_start3A_843 = arith.constant 0 : i32
    %dma_start3A_844 = arith.constant 0 : i32
    %dma_start3A_845 = tpu.memref_slice %arg2[%dma_start3A_843, %dma_start3A_844] : memref<100000x304xf32, #tpu.memory_space<hbm>> -> memref<100000x304xf32, #tpu.memory_space<hbm>>
    tpu.enqueue_indirect_dma source(%dma_start3A_845 : memref<100000x304xf32, #tpu.memory_space<hbm>>) target(%arg12 : memref<80x304xf32, #tpu.memory_space<vmem>>) offsets(%dma_start3A_842 : memref<80xi32, #tpu.memory_space<vmem>>) semaphore(%arg16 : memref<!tpu.dma_semaphore, #tpu.memory_space<semaphore_mem>>)
    %dma_wait3A_846 = arith.constant 3280 : i32
    %dma_wait3A_847 = tpu.memref_slice %arg7[%dma_wait3A_846] : memref<4000xi32, #tpu.memory_space<vmem>> -> memref<80xi32, #tpu.memory_space<vmem>>
    %dma_wait3A_848 = arith.constant 0 : i32
    %dma_wait3A_849 = arith.constant 0 : i32
    %dma_wait3A_850 = tpu.memref_slice %arg2[%dma_wait3A_848, %dma_wait3A_849] : memref<100000x304xf32, #tpu.memory_space<hbm>> -> memref<100000x304xf32, #tpu.memory_space<hbm>>
    tpu.wait_indirect_dma semaphore(%arg14 : memref<!tpu.dma_semaphore, #tpu.memory_space<semaphore_mem>>) src(%dma_wait3A_850 : memref<100000x304xf32, #tpu.memory_space<hbm>>) dst(%arg10 : memref<80x304xf32, #tpu.memory_space<vmem>>)
    %add3A_851 = arith.constant 3280 : i32
    %add3A_852 = arith.addi %mul3A_2, %add3A_851 : i32
    %dma_start3A_853 = arith.constant 0 : i32
    %dma_start3A_854 = tpu.memref_slice %arg5[%add3A_852, %dma_start3A_853] : memref<128000x304xf32, #tpu.memory_space<hbm>> -> memref<80x304xf32, #tpu.memory_space<hbm>>
    %dma_start3A_855 = arith.constant 0 : i32
    %dma_start3A_856 = tpu.memref_slice %arg5[%add3A_852, %dma_start3A_855] : memref<128000x304xf32, #tpu.memory_space<hbm>> -> memref<80x304xf32, #tpu.memory_space<hbm>>
    tpu.enqueue_dma source(%arg10 : memref<80x304xf32, #tpu.memory_space<vmem>>) target(%dma_start3A_856 : memref<80x304xf32, #tpu.memory_space<hbm>>) target_semaphore(%arg18 : memref<!tpu.dma_semaphore, #tpu.memory_space<semaphore_mem>>)
    %dma_wait3A_857 = arith.constant 0 : i32
    %dma_wait3A_858 = tpu.memref_slice %arg5[%add3A_832, %dma_wait3A_857] : memref<128000x304xf32, #tpu.memory_space<hbm>> -> memref<80x304xf32, #tpu.memory_space<hbm>>
    %dma_wait3A_859 = arith.constant 0 : i32
    %dma_wait3A_860 = tpu.memref_slice %arg5[%add3A_832, %dma_wait3A_859] : memref<128000x304xf32, #tpu.memory_space<hbm>> -> memref<80x304xf32, #tpu.memory_space<hbm>>
    tpu.wait_dma2 semaphore(%arg17 : memref<!tpu.dma_semaphore, #tpu.memory_space<semaphore_mem>>) src(%arg9 : memref<80x304xf32, #tpu.memory_space<vmem>>) dst(%dma_wait3A_860 : memref<80x304xf32, #tpu.memory_space<hbm>>)
    %dma_start3A_861 = arith.constant 3520 : i32
    %dma_start3A_862 = tpu.memref_slice %arg7[%dma_start3A_861] : memref<4000xi32, #tpu.memory_space<vmem>> -> memref<80xi32, #tpu.memory_space<vmem>>
    %dma_start3A_863 = arith.constant 0 : i32
    %dma_start3A_864 = arith.constant 0 : i32
    %dma_start3A_865 = tpu.memref_slice %arg2[%dma_start3A_863, %dma_start3A_864] : memref<100000x304xf32, #tpu.memory_space<hbm>> -> memref<100000x304xf32, #tpu.memory_space<hbm>>
    tpu.enqueue_indirect_dma source(%dma_start3A_865 : memref<100000x304xf32, #tpu.memory_space<hbm>>) target(%arg9 : memref<80x304xf32, #tpu.memory_space<vmem>>) offsets(%dma_start3A_862 : memref<80xi32, #tpu.memory_space<vmem>>) semaphore(%arg13 : memref<!tpu.dma_semaphore, #tpu.memory_space<semaphore_mem>>)
    %dma_wait3A_866 = arith.constant 3360 : i32
    %dma_wait3A_867 = tpu.memref_slice %arg7[%dma_wait3A_866] : memref<4000xi32, #tpu.memory_space<vmem>> -> memref<80xi32, #tpu.memory_space<vmem>>
    %dma_wait3A_868 = arith.constant 0 : i32
    %dma_wait3A_869 = arith.constant 0 : i32
    %dma_wait3A_870 = tpu.memref_slice %arg2[%dma_wait3A_868, %dma_wait3A_869] : memref<100000x304xf32, #tpu.memory_space<hbm>> -> memref<100000x304xf32, #tpu.memory_space<hbm>>
    tpu.wait_indirect_dma semaphore(%arg15 : memref<!tpu.dma_semaphore, #tpu.memory_space<semaphore_mem>>) src(%dma_wait3A_870 : memref<100000x304xf32, #tpu.memory_space<hbm>>) dst(%arg11 : memref<80x304xf32, #tpu.memory_space<vmem>>)
    %add3A_871 = arith.constant 3360 : i32
    %add3A_872 = arith.addi %mul3A_2, %add3A_871 : i32
    %dma_start3A_873 = arith.constant 0 : i32
    %dma_start3A_874 = tpu.memref_slice %arg5[%add3A_872, %dma_start3A_873] : memref<128000x304xf32, #tpu.memory_space<hbm>> -> memref<80x304xf32, #tpu.memory_space<hbm>>
    %dma_start3A_875 = arith.constant 0 : i32
    %dma_start3A_876 = tpu.memref_slice %arg5[%add3A_872, %dma_start3A_875] : memref<128000x304xf32, #tpu.memory_space<hbm>> -> memref<80x304xf32, #tpu.memory_space<hbm>>
    tpu.enqueue_dma source(%arg11 : memref<80x304xf32, #tpu.memory_space<vmem>>) target(%dma_start3A_876 : memref<80x304xf32, #tpu.memory_space<hbm>>) target_semaphore(%arg19 : memref<!tpu.dma_semaphore, #tpu.memory_space<semaphore_mem>>)
    %dma_wait3A_877 = arith.constant 0 : i32
    %dma_wait3A_878 = tpu.memref_slice %arg5[%add3A_852, %dma_wait3A_877] : memref<128000x304xf32, #tpu.memory_space<hbm>> -> memref<80x304xf32, #tpu.memory_space<hbm>>
    %dma_wait3A_879 = arith.constant 0 : i32
    %dma_wait3A_880 = tpu.memref_slice %arg5[%add3A_852, %dma_wait3A_879] : memref<128000x304xf32, #tpu.memory_space<hbm>> -> memref<80x304xf32, #tpu.memory_space<hbm>>
    tpu.wait_dma2 semaphore(%arg18 : memref<!tpu.dma_semaphore, #tpu.memory_space<semaphore_mem>>) src(%arg10 : memref<80x304xf32, #tpu.memory_space<vmem>>) dst(%dma_wait3A_880 : memref<80x304xf32, #tpu.memory_space<hbm>>)
    %dma_start3A_881 = arith.constant 3600 : i32
    %dma_start3A_882 = tpu.memref_slice %arg7[%dma_start3A_881] : memref<4000xi32, #tpu.memory_space<vmem>> -> memref<80xi32, #tpu.memory_space<vmem>>
    %dma_start3A_883 = arith.constant 0 : i32
    %dma_start3A_884 = arith.constant 0 : i32
    %dma_start3A_885 = tpu.memref_slice %arg2[%dma_start3A_883, %dma_start3A_884] : memref<100000x304xf32, #tpu.memory_space<hbm>> -> memref<100000x304xf32, #tpu.memory_space<hbm>>
    tpu.enqueue_indirect_dma source(%dma_start3A_885 : memref<100000x304xf32, #tpu.memory_space<hbm>>) target(%arg10 : memref<80x304xf32, #tpu.memory_space<vmem>>) offsets(%dma_start3A_882 : memref<80xi32, #tpu.memory_space<vmem>>) semaphore(%arg14 : memref<!tpu.dma_semaphore, #tpu.memory_space<semaphore_mem>>)
    %dma_wait3A_886 = arith.constant 3440 : i32
    %dma_wait3A_887 = tpu.memref_slice %arg7[%dma_wait3A_886] : memref<4000xi32, #tpu.memory_space<vmem>> -> memref<80xi32, #tpu.memory_space<vmem>>
    %dma_wait3A_888 = arith.constant 0 : i32
    %dma_wait3A_889 = arith.constant 0 : i32
    %dma_wait3A_890 = tpu.memref_slice %arg2[%dma_wait3A_888, %dma_wait3A_889] : memref<100000x304xf32, #tpu.memory_space<hbm>> -> memref<100000x304xf32, #tpu.memory_space<hbm>>
    tpu.wait_indirect_dma semaphore(%arg16 : memref<!tpu.dma_semaphore, #tpu.memory_space<semaphore_mem>>) src(%dma_wait3A_890 : memref<100000x304xf32, #tpu.memory_space<hbm>>) dst(%arg12 : memref<80x304xf32, #tpu.memory_space<vmem>>)
    %add3A_891 = arith.constant 3440 : i32
    %add3A_892 = arith.addi %mul3A_2, %add3A_891 : i32
    %dma_start3A_893 = arith.constant 0 : i32
    %dma_start3A_894 = tpu.memref_slice %arg5[%add3A_892, %dma_start3A_893] : memref<128000x304xf32, #tpu.memory_space<hbm>> -> memref<80x304xf32, #tpu.memory_space<hbm>>
    %dma_start3A_895 = arith.constant 0 : i32
    %dma_start3A_896 = tpu.memref_slice %arg5[%add3A_892, %dma_start3A_895] : memref<128000x304xf32, #tpu.memory_space<hbm>> -> memref<80x304xf32, #tpu.memory_space<hbm>>
    tpu.enqueue_dma source(%arg12 : memref<80x304xf32, #tpu.memory_space<vmem>>) target(%dma_start3A_896 : memref<80x304xf32, #tpu.memory_space<hbm>>) target_semaphore(%arg20 : memref<!tpu.dma_semaphore, #tpu.memory_space<semaphore_mem>>)
    %dma_wait3A_897 = arith.constant 0 : i32
    %dma_wait3A_898 = tpu.memref_slice %arg5[%add3A_872, %dma_wait3A_897] : memref<128000x304xf32, #tpu.memory_space<hbm>> -> memref<80x304xf32, #tpu.memory_space<hbm>>
    %dma_wait3A_899 = arith.constant 0 : i32
    %dma_wait3A_900 = tpu.memref_slice %arg5[%add3A_872, %dma_wait3A_899] : memref<128000x304xf32, #tpu.memory_space<hbm>> -> memref<80x304xf32, #tpu.memory_space<hbm>>
    tpu.wait_dma2 semaphore(%arg19 : memref<!tpu.dma_semaphore, #tpu.memory_space<semaphore_mem>>) src(%arg11 : memref<80x304xf32, #tpu.memory_space<vmem>>) dst(%dma_wait3A_900 : memref<80x304xf32, #tpu.memory_space<hbm>>)
    %dma_start3A_901 = arith.constant 3680 : i32
    %dma_start3A_902 = tpu.memref_slice %arg7[%dma_start3A_901] : memref<4000xi32, #tpu.memory_space<vmem>> -> memref<80xi32, #tpu.memory_space<vmem>>
    %dma_start3A_903 = arith.constant 0 : i32
    %dma_start3A_904 = arith.constant 0 : i32
    %dma_start3A_905 = tpu.memref_slice %arg2[%dma_start3A_903, %dma_start3A_904] : memref<100000x304xf32, #tpu.memory_space<hbm>> -> memref<100000x304xf32, #tpu.memory_space<hbm>>
    tpu.enqueue_indirect_dma source(%dma_start3A_905 : memref<100000x304xf32, #tpu.memory_space<hbm>>) target(%arg11 : memref<80x304xf32, #tpu.memory_space<vmem>>) offsets(%dma_start3A_902 : memref<80xi32, #tpu.memory_space<vmem>>) semaphore(%arg15 : memref<!tpu.dma_semaphore, #tpu.memory_space<semaphore_mem>>)
    %dma_wait3A_906 = arith.constant 3520 : i32
    %dma_wait3A_907 = tpu.memref_slice %arg7[%dma_wait3A_906] : memref<4000xi32, #tpu.memory_space<vmem>> -> memref<80xi32, #tpu.memory_space<vmem>>
    %dma_wait3A_908 = arith.constant 0 : i32
    %dma_wait3A_909 = arith.constant 0 : i32
    %dma_wait3A_910 = tpu.memref_slice %arg2[%dma_wait3A_908, %dma_wait3A_909] : memref<100000x304xf32, #tpu.memory_space<hbm>> -> memref<100000x304xf32, #tpu.memory_space<hbm>>
    tpu.wait_indirect_dma semaphore(%arg13 : memref<!tpu.dma_semaphore, #tpu.memory_space<semaphore_mem>>) src(%dma_wait3A_910 : memref<100000x304xf32, #tpu.memory_space<hbm>>) dst(%arg9 : memref<80x304xf32, #tpu.memory_space<vmem>>)
    %add3A_911 = arith.constant 3520 : i32
    %add3A_912 = arith.addi %mul3A_2, %add3A_911 : i32
    %dma_start3A_913 = arith.constant 0 : i32
    %dma_start3A_914 = tpu.memref_slice %arg5[%add3A_912, %dma_start3A_913] : memref<128000x304xf32, #tpu.memory_space<hbm>> -> memref<80x304xf32, #tpu.memory_space<hbm>>
    %dma_start3A_915 = arith.constant 0 : i32
    %dma_start3A_916 = tpu.memref_slice %arg5[%add3A_912, %dma_start3A_915] : memref<128000x304xf32, #tpu.memory_space<hbm>> -> memref<80x304xf32, #tpu.memory_space<hbm>>
    tpu.enqueue_dma source(%arg9 : memref<80x304xf32, #tpu.memory_space<vmem>>) target(%dma_start3A_916 : memref<80x304xf32, #tpu.memory_space<hbm>>) target_semaphore(%arg17 : memref<!tpu.dma_semaphore, #tpu.memory_space<semaphore_mem>>)
    %dma_wait3A_917 = arith.constant 0 : i32
    %dma_wait3A_918 = tpu.memref_slice %arg5[%add3A_892, %dma_wait3A_917] : memref<128000x304xf32, #tpu.memory_space<hbm>> -> memref<80x304xf32, #tpu.memory_space<hbm>>
    %dma_wait3A_919 = arith.constant 0 : i32
    %dma_wait3A_920 = tpu.memref_slice %arg5[%add3A_892, %dma_wait3A_919] : memref<128000x304xf32, #tpu.memory_space<hbm>> -> memref<80x304xf32, #tpu.memory_space<hbm>>
    tpu.wait_dma2 semaphore(%arg20 : memref<!tpu.dma_semaphore, #tpu.memory_space<semaphore_mem>>) src(%arg12 : memref<80x304xf32, #tpu.memory_space<vmem>>) dst(%dma_wait3A_920 : memref<80x304xf32, #tpu.memory_space<hbm>>)
    %dma_start3A_921 = arith.constant 3760 : i32
    %dma_start3A_922 = tpu.memref_slice %arg7[%dma_start3A_921] : memref<4000xi32, #tpu.memory_space<vmem>> -> memref<80xi32, #tpu.memory_space<vmem>>
    %dma_start3A_923 = arith.constant 0 : i32
    %dma_start3A_924 = arith.constant 0 : i32
    %dma_start3A_925 = tpu.memref_slice %arg2[%dma_start3A_923, %dma_start3A_924] : memref<100000x304xf32, #tpu.memory_space<hbm>> -> memref<100000x304xf32, #tpu.memory_space<hbm>>
    tpu.enqueue_indirect_dma source(%dma_start3A_925 : memref<100000x304xf32, #tpu.memory_space<hbm>>) target(%arg12 : memref<80x304xf32, #tpu.memory_space<vmem>>) offsets(%dma_start3A_922 : memref<80xi32, #tpu.memory_space<vmem>>) semaphore(%arg16 : memref<!tpu.dma_semaphore, #tpu.memory_space<semaphore_mem>>)
    %dma_wait3A_926 = arith.constant 3600 : i32
    %dma_wait3A_927 = tpu.memref_slice %arg7[%dma_wait3A_926] : memref<4000xi32, #tpu.memory_space<vmem>> -> memref<80xi32, #tpu.memory_space<vmem>>
    %dma_wait3A_928 = arith.constant 0 : i32
    %dma_wait3A_929 = arith.constant 0 : i32
    %dma_wait3A_930 = tpu.memref_slice %arg2[%dma_wait3A_928, %dma_wait3A_929] : memref<100000x304xf32, #tpu.memory_space<hbm>> -> memref<100000x304xf32, #tpu.memory_space<hbm>>
    tpu.wait_indirect_dma semaphore(%arg14 : memref<!tpu.dma_semaphore, #tpu.memory_space<semaphore_mem>>) src(%dma_wait3A_930 : memref<100000x304xf32, #tpu.memory_space<hbm>>) dst(%arg10 : memref<80x304xf32, #tpu.memory_space<vmem>>)
    %add3A_931 = arith.constant 3600 : i32
    %add3A_932 = arith.addi %mul3A_2, %add3A_931 : i32
    %dma_start3A_933 = arith.constant 0 : i32
    %dma_start3A_934 = tpu.memref_slice %arg5[%add3A_932, %dma_start3A_933] : memref<128000x304xf32, #tpu.memory_space<hbm>> -> memref<80x304xf32, #tpu.memory_space<hbm>>
    %dma_start3A_935 = arith.constant 0 : i32
    %dma_start3A_936 = tpu.memref_slice %arg5[%add3A_932, %dma_start3A_935] : memref<128000x304xf32, #tpu.memory_space<hbm>> -> memref<80x304xf32, #tpu.memory_space<hbm>>
    tpu.enqueue_dma source(%arg10 : memref<80x304xf32, #tpu.memory_space<vmem>>) target(%dma_start3A_936 : memref<80x304xf32, #tpu.memory_space<hbm>>) target_semaphore(%arg18 : memref<!tpu.dma_semaphore, #tpu.memory_space<semaphore_mem>>)
    %dma_wait3A_937 = arith.constant 0 : i32
    %dma_wait3A_938 = tpu.memref_slice %arg5[%add3A_912, %dma_wait3A_937] : memref<128000x304xf32, #tpu.memory_space<hbm>> -> memref<80x304xf32, #tpu.memory_space<hbm>>
    %dma_wait3A_939 = arith.constant 0 : i32
    %dma_wait3A_940 = tpu.memref_slice %arg5[%add3A_912, %dma_wait3A_939] : memref<128000x304xf32, #tpu.memory_space<hbm>> -> memref<80x304xf32, #tpu.memory_space<hbm>>
    tpu.wait_dma2 semaphore(%arg17 : memref<!tpu.dma_semaphore, #tpu.memory_space<semaphore_mem>>) src(%arg9 : memref<80x304xf32, #tpu.memory_space<vmem>>) dst(%dma_wait3A_940 : memref<80x304xf32, #tpu.memory_space<hbm>>)
    %dma_start3A_941 = arith.constant 3840 : i32
    %dma_start3A_942 = tpu.memref_slice %arg7[%dma_start3A_941] : memref<4000xi32, #tpu.memory_space<vmem>> -> memref<80xi32, #tpu.memory_space<vmem>>
    %dma_start3A_943 = arith.constant 0 : i32
    %dma_start3A_944 = arith.constant 0 : i32
    %dma_start3A_945 = tpu.memref_slice %arg2[%dma_start3A_943, %dma_start3A_944] : memref<100000x304xf32, #tpu.memory_space<hbm>> -> memref<100000x304xf32, #tpu.memory_space<hbm>>
    tpu.enqueue_indirect_dma source(%dma_start3A_945 : memref<100000x304xf32, #tpu.memory_space<hbm>>) target(%arg9 : memref<80x304xf32, #tpu.memory_space<vmem>>) offsets(%dma_start3A_942 : memref<80xi32, #tpu.memory_space<vmem>>) semaphore(%arg13 : memref<!tpu.dma_semaphore, #tpu.memory_space<semaphore_mem>>)
    %dma_wait3A_946 = arith.constant 3680 : i32
    %dma_wait3A_947 = tpu.memref_slice %arg7[%dma_wait3A_946] : memref<4000xi32, #tpu.memory_space<vmem>> -> memref<80xi32, #tpu.memory_space<vmem>>
    %dma_wait3A_948 = arith.constant 0 : i32
    %dma_wait3A_949 = arith.constant 0 : i32
    %dma_wait3A_950 = tpu.memref_slice %arg2[%dma_wait3A_948, %dma_wait3A_949] : memref<100000x304xf32, #tpu.memory_space<hbm>> -> memref<100000x304xf32, #tpu.memory_space<hbm>>
    tpu.wait_indirect_dma semaphore(%arg15 : memref<!tpu.dma_semaphore, #tpu.memory_space<semaphore_mem>>) src(%dma_wait3A_950 : memref<100000x304xf32, #tpu.memory_space<hbm>>) dst(%arg11 : memref<80x304xf32, #tpu.memory_space<vmem>>)
    %add3A_951 = arith.constant 3680 : i32
    %add3A_952 = arith.addi %mul3A_2, %add3A_951 : i32
    %dma_start3A_953 = arith.constant 0 : i32
    %dma_start3A_954 = tpu.memref_slice %arg5[%add3A_952, %dma_start3A_953] : memref<128000x304xf32, #tpu.memory_space<hbm>> -> memref<80x304xf32, #tpu.memory_space<hbm>>
    %dma_start3A_955 = arith.constant 0 : i32
    %dma_start3A_956 = tpu.memref_slice %arg5[%add3A_952, %dma_start3A_955] : memref<128000x304xf32, #tpu.memory_space<hbm>> -> memref<80x304xf32, #tpu.memory_space<hbm>>
    tpu.enqueue_dma source(%arg11 : memref<80x304xf32, #tpu.memory_space<vmem>>) target(%dma_start3A_956 : memref<80x304xf32, #tpu.memory_space<hbm>>) target_semaphore(%arg19 : memref<!tpu.dma_semaphore, #tpu.memory_space<semaphore_mem>>)
    %dma_wait3A_957 = arith.constant 0 : i32
    %dma_wait3A_958 = tpu.memref_slice %arg5[%add3A_932, %dma_wait3A_957] : memref<128000x304xf32, #tpu.memory_space<hbm>> -> memref<80x304xf32, #tpu.memory_space<hbm>>
    %dma_wait3A_959 = arith.constant 0 : i32
    %dma_wait3A_960 = tpu.memref_slice %arg5[%add3A_932, %dma_wait3A_959] : memref<128000x304xf32, #tpu.memory_space<hbm>> -> memref<80x304xf32, #tpu.memory_space<hbm>>
    tpu.wait_dma2 semaphore(%arg18 : memref<!tpu.dma_semaphore, #tpu.memory_space<semaphore_mem>>) src(%arg10 : memref<80x304xf32, #tpu.memory_space<vmem>>) dst(%dma_wait3A_960 : memref<80x304xf32, #tpu.memory_space<hbm>>)
    %dma_start3A_961 = arith.constant 3920 : i32
    %dma_start3A_962 = tpu.memref_slice %arg7[%dma_start3A_961] : memref<4000xi32, #tpu.memory_space<vmem>> -> memref<80xi32, #tpu.memory_space<vmem>>
    %dma_start3A_963 = arith.constant 0 : i32
    %dma_start3A_964 = arith.constant 0 : i32
    %dma_start3A_965 = tpu.memref_slice %arg2[%dma_start3A_963, %dma_start3A_964] : memref<100000x304xf32, #tpu.memory_space<hbm>> -> memref<100000x304xf32, #tpu.memory_space<hbm>>
    tpu.enqueue_indirect_dma source(%dma_start3A_965 : memref<100000x304xf32, #tpu.memory_space<hbm>>) target(%arg10 : memref<80x304xf32, #tpu.memory_space<vmem>>) offsets(%dma_start3A_962 : memref<80xi32, #tpu.memory_space<vmem>>) semaphore(%arg14 : memref<!tpu.dma_semaphore, #tpu.memory_space<semaphore_mem>>)
    %dma_wait3A_966 = arith.constant 3760 : i32
    %dma_wait3A_967 = tpu.memref_slice %arg7[%dma_wait3A_966] : memref<4000xi32, #tpu.memory_space<vmem>> -> memref<80xi32, #tpu.memory_space<vmem>>
    %dma_wait3A_968 = arith.constant 0 : i32
    %dma_wait3A_969 = arith.constant 0 : i32
    %dma_wait3A_970 = tpu.memref_slice %arg2[%dma_wait3A_968, %dma_wait3A_969] : memref<100000x304xf32, #tpu.memory_space<hbm>> -> memref<100000x304xf32, #tpu.memory_space<hbm>>
    tpu.wait_indirect_dma semaphore(%arg16 : memref<!tpu.dma_semaphore, #tpu.memory_space<semaphore_mem>>) src(%dma_wait3A_970 : memref<100000x304xf32, #tpu.memory_space<hbm>>) dst(%arg12 : memref<80x304xf32, #tpu.memory_space<vmem>>)
    %add3A_971 = arith.constant 3760 : i32
    %add3A_972 = arith.addi %mul3A_2, %add3A_971 : i32
    %dma_start3A_973 = arith.constant 0 : i32
    %dma_start3A_974 = tpu.memref_slice %arg5[%add3A_972, %dma_start3A_973] : memref<128000x304xf32, #tpu.memory_space<hbm>> -> memref<80x304xf32, #tpu.memory_space<hbm>>
    %dma_start3A_975 = arith.constant 0 : i32
    %dma_start3A_976 = tpu.memref_slice %arg5[%add3A_972, %dma_start3A_975] : memref<128000x304xf32, #tpu.memory_space<hbm>> -> memref<80x304xf32, #tpu.memory_space<hbm>>
    tpu.enqueue_dma source(%arg12 : memref<80x304xf32, #tpu.memory_space<vmem>>) target(%dma_start3A_976 : memref<80x304xf32, #tpu.memory_space<hbm>>) target_semaphore(%arg20 : memref<!tpu.dma_semaphore, #tpu.memory_space<semaphore_mem>>)
    %dma_wait3A_977 = arith.constant 3840 : i32
    %dma_wait3A_978 = tpu.memref_slice %arg7[%dma_wait3A_977] : memref<4000xi32, #tpu.memory_space<vmem>> -> memref<80xi32, #tpu.memory_space<vmem>>
    %dma_wait3A_979 = arith.constant 0 : i32
    %dma_wait3A_980 = arith.constant 0 : i32
    %dma_wait3A_981 = tpu.memref_slice %arg2[%dma_wait3A_979, %dma_wait3A_980] : memref<100000x304xf32, #tpu.memory_space<hbm>> -> memref<100000x304xf32, #tpu.memory_space<hbm>>
    tpu.wait_indirect_dma semaphore(%arg13 : memref<!tpu.dma_semaphore, #tpu.memory_space<semaphore_mem>>) src(%dma_wait3A_981 : memref<100000x304xf32, #tpu.memory_space<hbm>>) dst(%arg9 : memref<80x304xf32, #tpu.memory_space<vmem>>)
    %add3A_982 = arith.constant 3840 : i32
    %add3A_983 = arith.addi %mul3A_2, %add3A_982 : i32
    %dma_start3A_984 = arith.constant 0 : i32
    %dma_start3A_985 = tpu.memref_slice %arg5[%add3A_983, %dma_start3A_984] : memref<128000x304xf32, #tpu.memory_space<hbm>> -> memref<80x304xf32, #tpu.memory_space<hbm>>
    %dma_start3A_986 = arith.constant 0 : i32
    %dma_start3A_987 = tpu.memref_slice %arg5[%add3A_983, %dma_start3A_986] : memref<128000x304xf32, #tpu.memory_space<hbm>> -> memref<80x304xf32, #tpu.memory_space<hbm>>
    tpu.enqueue_dma source(%arg9 : memref<80x304xf32, #tpu.memory_space<vmem>>) target(%dma_start3A_987 : memref<80x304xf32, #tpu.memory_space<hbm>>) target_semaphore(%arg17 : memref<!tpu.dma_semaphore, #tpu.memory_space<semaphore_mem>>)
    %dma_wait3A_988 = arith.constant 3920 : i32
    %dma_wait3A_989 = tpu.memref_slice %arg7[%dma_wait3A_988] : memref<4000xi32, #tpu.memory_space<vmem>> -> memref<80xi32, #tpu.memory_space<vmem>>
    %dma_wait3A_990 = arith.constant 0 : i32
    %dma_wait3A_991 = arith.constant 0 : i32
    %dma_wait3A_992 = tpu.memref_slice %arg2[%dma_wait3A_990, %dma_wait3A_991] : memref<100000x304xf32, #tpu.memory_space<hbm>> -> memref<100000x304xf32, #tpu.memory_space<hbm>>
    tpu.wait_indirect_dma semaphore(%arg14 : memref<!tpu.dma_semaphore, #tpu.memory_space<semaphore_mem>>) src(%dma_wait3A_992 : memref<100000x304xf32, #tpu.memory_space<hbm>>) dst(%arg10 : memref<80x304xf32, #tpu.memory_space<vmem>>)
    %add3A_993 = arith.constant 3920 : i32
    %add3A_994 = arith.addi %mul3A_2, %add3A_993 : i32
    %dma_start3A_995 = arith.constant 0 : i32
    %dma_start3A_996 = tpu.memref_slice %arg5[%add3A_994, %dma_start3A_995] : memref<128000x304xf32, #tpu.memory_space<hbm>> -> memref<80x304xf32, #tpu.memory_space<hbm>>
    %dma_start3A_997 = arith.constant 0 : i32
    %dma_start3A_998 = tpu.memref_slice %arg5[%add3A_994, %dma_start3A_997] : memref<128000x304xf32, #tpu.memory_space<hbm>> -> memref<80x304xf32, #tpu.memory_space<hbm>>
    tpu.enqueue_dma source(%arg10 : memref<80x304xf32, #tpu.memory_space<vmem>>) target(%dma_start3A_998 : memref<80x304xf32, #tpu.memory_space<hbm>>) target_semaphore(%arg18 : memref<!tpu.dma_semaphore, #tpu.memory_space<semaphore_mem>>)
    %dma_wait3A_999 = arith.constant 0 : i32
    %dma_wait3A_1000 = tpu.memref_slice %arg5[%add3A_952, %dma_wait3A_999] : memref<128000x304xf32, #tpu.memory_space<hbm>> -> memref<80x304xf32, #tpu.memory_space<hbm>>
    %dma_wait3A_1001 = arith.constant 0 : i32
    %dma_wait3A_1002 = tpu.memref_slice %arg5[%add3A_952, %dma_wait3A_1001] : memref<128000x304xf32, #tpu.memory_space<hbm>> -> memref<80x304xf32, #tpu.memory_space<hbm>>
    tpu.wait_dma2 semaphore(%arg19 : memref<!tpu.dma_semaphore, #tpu.memory_space<semaphore_mem>>) src(%arg11 : memref<80x304xf32, #tpu.memory_space<vmem>>) dst(%dma_wait3A_1002 : memref<80x304xf32, #tpu.memory_space<hbm>>)
    %dma_wait3A_1003 = arith.constant 0 : i32
    %dma_wait3A_1004 = tpu.memref_slice %arg5[%add3A_972, %dma_wait3A_1003] : memref<128000x304xf32, #tpu.memory_space<hbm>> -> memref<80x304xf32, #tpu.memory_space<hbm>>
    %dma_wait3A_1005 = arith.constant 0 : i32
    %dma_wait3A_1006 = tpu.memref_slice %arg5[%add3A_972, %dma_wait3A_1005] : memref<128000x304xf32, #tpu.memory_space<hbm>> -> memref<80x304xf32, #tpu.memory_space<hbm>>
    tpu.wait_dma2 semaphore(%arg20 : memref<!tpu.dma_semaphore, #tpu.memory_space<semaphore_mem>>) src(%arg12 : memref<80x304xf32, #tpu.memory_space<vmem>>) dst(%dma_wait3A_1006 : memref<80x304xf32, #tpu.memory_space<hbm>>)
    %dma_wait3A_1007 = arith.constant 0 : i32
    %dma_wait3A_1008 = tpu.memref_slice %arg5[%add3A_983, %dma_wait3A_1007] : memref<128000x304xf32, #tpu.memory_space<hbm>> -> memref<80x304xf32, #tpu.memory_space<hbm>>
    %dma_wait3A_1009 = arith.constant 0 : i32
    %dma_wait3A_1010 = tpu.memref_slice %arg5[%add3A_983, %dma_wait3A_1009] : memref<128000x304xf32, #tpu.memory_space<hbm>> -> memref<80x304xf32, #tpu.memory_space<hbm>>
    tpu.wait_dma2 semaphore(%arg17 : memref<!tpu.dma_semaphore, #tpu.memory_space<semaphore_mem>>) src(%arg9 : memref<80x304xf32, #tpu.memory_space<vmem>>) dst(%dma_wait3A_1010 : memref<80x304xf32, #tpu.memory_space<hbm>>)
    %dma_wait3A_1011 = arith.constant 0 : i32
    %dma_wait3A_1012 = tpu.memref_slice %arg5[%add3A_994, %dma_wait3A_1011] : memref<128000x304xf32, #tpu.memory_space<hbm>> -> memref<80x304xf32, #tpu.memory_space<hbm>>
    %dma_wait3A_1013 = arith.constant 0 : i32
    %dma_wait3A_1014 = tpu.memref_slice %arg5[%add3A_994, %dma_wait3A_1013] : memref<128000x304xf32, #tpu.memory_space<hbm>> -> memref<80x304xf32, #tpu.memory_space<hbm>>
    tpu.wait_dma2 semaphore(%arg18 : memref<!tpu.dma_semaphore, #tpu.memory_space<semaphore_mem>>) src(%arg10 : memref<80x304xf32, #tpu.memory_space<vmem>>) dst(%dma_wait3A_1014 : memref<80x304xf32, #tpu.memory_space<hbm>>)
    return
  }
}

module attributes {stable_mosaic.version = 14 : i64} {
  func.func @_pad_body(%arg0: i32, %arg1: memref<2000x300xf32, #tpu.memory_space<vmem>>, %arg2: memref<2000x304xf32, #tpu.memory_space<vmem>>) attributes {dimension_semantics = [#tpu.dimension_semantics<arbitrary>], iteration_bounds = array<i64: 50>, scalar_prefetch = 0 : i64, scratch_operands = 0 : i64, tpu.core_type = #tpu.core_type<tc>, window_params = [{transform_indices = @transform_0, window_bounds = array<i64: 2000, 300>}, {transform_indices = @transform_1, window_bounds = array<i64: 2000, 304>}]} {
    %get3A = arith.constant 0 : index
    %get3A_0 = arith.constant 0 : index
    %get3A_1 = vector.load %arg1[%get3A, %get3A_0] : memref<2000x300xf32, #tpu.memory_space<vmem>>, vector<2000x300xf32>
    %swap3A = arith.constant 0 : index
    %swap3A_2 = arith.constant 0 : index
    %swap3A_3 = vector.load %arg2[%swap3A, %swap3A_2] : memref<2000x304xf32, #tpu.memory_space<vmem>>, vector<2000x300xf32>
    tpu.vector_store %arg2[%swap3A, %swap3A_2], %get3A_1 {strides = array<i32>} : memref<2000x304xf32, #tpu.memory_space<vmem>>, vector<2000x300xf32>,
    %broadcast_in_dim3A = arith.constant 0.000000e+00 : f32
    %broadcast_in_dim3A_4 = vector.broadcast %broadcast_in_dim3A : f32 to vector<2000x4xf32>
    %swap3A_5 = arith.constant 0 : index
    %swap3A_6 = arith.constant 300 : index
    %swap3A_7 = vector.load %arg2[%swap3A_5, %swap3A_6] : memref<2000x304xf32, #tpu.memory_space<vmem>>, vector<2000x4xf32>
    tpu.vector_store %arg2[%swap3A_5, %swap3A_6], %broadcast_in_dim3A_4 {strides = array<i32>} : memref<2000x304xf32, #tpu.memory_space<vmem>>, vector<2000x4xf32>,
    return
  }
  func.func @transform_0(%arg0: i32) -> (i32, i32) {
    %c0_i32 = arith.constant 0 : i32
    %c0_i32_0 = arith.constant 0 : i32
    return %arg0, %c0_i32 : i32, i32
  }
  func.func @transform_1(%arg0: i32) -> (i32, i32) {
    %c0_i32 = arith.constant 0 : i32
    %c0_i32_0 = arith.constant 0 : i32
    return %arg0, %c0_i32 : i32, i32
  }
}

module attributes {stable_mosaic.version = 14 : i64} {
  func.func @_tc_body(%arg0: i32, %arg1: memref<4000x304xf32, #tpu.memory_space<vmem>>, %arg2: memref<16x304xf32, #tpu.memory_space<vmem>>, %arg3: memref<1x304xf32, #tpu.memory_space<vmem>>, %arg4: memref<1x16xf32, #tpu.memory_space<vmem>>, %arg5: memref<1x1x8xf32, #tpu.memory_space<vmem>>) attributes {dimension_semantics = [#tpu.dimension_semantics<arbitrary>], iteration_bounds = array<i64: 32>, scalar_prefetch = 0 : i64, scratch_operands = 0 : i64, tpu.core_type = #tpu.core_type<tc>, window_params = [{transform_indices = @transform_0, window_bounds = array<i64: 4000, 304>}, {transform_indices = @transform_1, window_bounds = array<i64: 16, 304>}, {pipeline_mode = #tpu.pipeline_mode<synchronous>, transform_indices = @transform_2, window_bounds = array<i64: 1, 304>}, {pipeline_mode = #tpu.pipeline_mode<synchronous>, transform_indices = @transform_3, window_bounds = array<i64: 1, 16>}, {transform_indices = @transform_4, window_bounds = array<i64: 1, 1, 8>}]} {
    %get3A = arith.constant 0 : index
    %get3A_0 = arith.constant 0 : index
    %get3A_1 = vector.load %arg1[%get3A, %get3A_0] : memref<4000x304xf32, #tpu.memory_space<vmem>>, vector<4000x304xf32>
    %get3A_2 = arith.constant 0 : index
    %get3A_3 = arith.constant 0 : index
    %get3A_4 = vector.load %arg2[%get3A_2, %get3A_3] : memref<16x304xf32, #tpu.memory_space<vmem>>, vector<15x304xf32>
    %dot_general3A = arith.constant dense<0.000000e+00> : vector<4000x15xf32>
    %dot_general3A_5 = tpu.matmul %get3A_1, %get3A_4, %dot_general3A {dimension_numbers = #tpu.dot_dimension_numbers<[1], [1], [0], [0], [0, 0, 1, 0], [], []>, transpose_lhs_hint = false} : vector<4000x304xf32>, vector<15x304xf32>, vector<4000x15xf32> -> vector<4000x15xf32>
    %mul3A = arith.mulf %get3A_1, %get3A_1 : vector<4000x304xf32>
    %reduce_sum3A = arith.constant dense<0.000000e+00> : vector<4000xf32>
    %reduce_sum3A_6 = vector.multi_reduction <add>, %mul3A, %reduce_sum3A [1] : vector<4000x304xf32> to vector<4000xf32>
    %broadcast_in_dim3A = vector.shape_cast %reduce_sum3A_6 : vector<4000xf32> to vector<4000x1xf32>
    %sqrt3A = math.sqrt %broadcast_in_dim3A : vector<4000x1xf32>
    %mul3A_7 = arith.mulf %get3A_4, %get3A_4 : vector<15x304xf32>
    %reduce_sum3A_8 = arith.constant dense<0.000000e+00> : vector<15xf32>
    %reduce_sum3A_9 = vector.multi_reduction <add>, %mul3A_7, %reduce_sum3A_8 [1] : vector<15x304xf32> to vector<15xf32>
    %sqrt3A_10 = math.sqrt %reduce_sum3A_9 : vector<15xf32>
    %broadcast_in_dim3A_11 = vector.shape_cast %sqrt3A_10 : vector<15xf32> to vector<1x15xf32>
    %mul3A_12 = vector.broadcast %sqrt3A : vector<4000x1xf32> to vector<4000x15xf32>
    %mul3A_13 = vector.broadcast %broadcast_in_dim3A_11 : vector<1x15xf32> to vector<4000x15xf32>
    %mul3A_14 = arith.mulf %mul3A_12, %mul3A_13 : vector<4000x15xf32>
    %max3A = arith.constant 9.99999993E-9 : f32
    %max3A_15 = vector.broadcast %max3A : f32 to vector<4000x15xf32>
    %max3A_16 = arith.maximumf %mul3A_14, %max3A_15 : vector<4000x15xf32>
    %div3A = arith.divf %dot_general3A_5, %max3A_16 : vector<4000x15xf32>
    %jit3A = arith.constant -1.000000e+00 : f32
    %jit3A_17 = arith.constant 1.000000e+00 : f32
    %max3A_18 = vector.broadcast %jit3A : f32 to vector<4000x15xf32>
    %max3A_19 = arith.maximumf %max3A_18, %div3A : vector<4000x15xf32>
    %min3A = vector.broadcast %jit3A_17 : f32 to vector<4000x15xf32>
    %min3A_20 = arith.minimumf %min3A, %max3A_19 : vector<4000x15xf32>
    %convert_element_type3A = arith.truncf %get3A_4 : vector<15x304xf32> to vector<15x304xbf16>
    %convert_element_type3A_21 = arith.extf %convert_element_type3A : vector<15x304xbf16> to vector<15x304xf32>
    %get3A_22 = arith.constant 0 : index
    %get3A_23 = arith.constant 0 : index
    %get3A_24 = vector.load %arg3[%get3A_22, %get3A_23] : memref<1x304xf32, #tpu.memory_space<vmem>>, vector<1x304xf32>
    %convert_element_type3A_25 = arith.truncf %get3A_24 : vector<1x304xf32> to vector<1x304xbf16>
    %convert_element_type3A_26 = arith.extf %convert_element_type3A_25 : vector<1x304xbf16> to vector<1x304xf32>
    %mul3A_27 = vector.broadcast %convert_element_type3A_26 : vector<1x304xf32> to vector<15x304xf32>
    %mul3A_28 = arith.mulf %convert_element_type3A_21, %mul3A_27 : vector<15x304xf32>
    %reduce_sum3A_29 = arith.constant dense<0.000000e+00> : vector<15xf32>
    %reduce_sum3A_30 = vector.multi_reduction <add>, %mul3A_28, %reduce_sum3A_29 [1] : vector<15x304xf32> to vector<15xf32>
    %get3A_31 = arith.constant 0 : index
    %get3A_32 = arith.constant 10 : index
    %get3A_33 = vector.load %arg4[%get3A_31, %get3A_32] : memref<1x16xf32, #tpu.memory_space<vmem>>, vector<1x1xf32>
    %get3A_34 = vector.extract %get3A_33[0, 0] : f32 from vector<1x1xf32>
    %add3A = vector.broadcast %get3A_34 : f32 to vector<15xf32>
    %add3A_35 = arith.addf %reduce_sum3A_30, %add3A : vector<15xf32>
    %reduce_max3A = vector.shape_cast %add3A_35 : vector<15xf32> to vector<1x15xf32>
    %reduce_max3A_36 = arith.constant dense<0xFF800000> : vector<1xf32>
    %reduce_max3A_37 = vector.multi_reduction <maximumf>, %reduce_max3A, %reduce_max3A_36 [1] : vector<1x15xf32> to vector<1xf32>
    %reduce_max3A_38 = vector.shape_cast %reduce_max3A_37 : vector<1xf32> to vector<1x1xf32>
    %reduce_max3A_39 = vector.extract %reduce_max3A_38[0, 0] : f32 from vector<1x1xf32>
    %sub3A = vector.broadcast %reduce_max3A_39 : f32 to vector<15xf32>
    %sub3A_40 = arith.subf %add3A_35, %sub3A : vector<15xf32>
    %exp3A = math.exp %sub3A_40 : vector<15xf32>
    %reduce_sum3A_41 = vector.shape_cast %exp3A : vector<15xf32> to vector<1x15xf32>
    %reduce_sum3A_42 = arith.constant dense<0.000000e+00> : vector<1xf32>
    %reduce_sum3A_43 = vector.multi_reduction <add>, %reduce_sum3A_41, %reduce_sum3A_42 [1] : vector<1x15xf32> to vector<1xf32>
    %reduce_sum3A_44 = vector.shape_cast %reduce_sum3A_43 : vector<1xf32> to vector<1x1xf32>
    %reduce_sum3A_45 = vector.extract %reduce_sum3A_44[0, 0] : f32 from vector<1x1xf32>
    %div3A_46 = vector.broadcast %reduce_sum3A_45 : f32 to vector<15xf32>
    %div3A_47 = arith.divf %exp3A, %div3A_46 : vector<15xf32>
    %slice3A = vector.extract_strided_slice %min3A_20 {offsets = [0, 0], sizes = [500, 15], strides = [1, 1]} : vector<4000x15xf32> to vector<500x15xf32>
    %ge3A = arith.constant -5.000000e-01 : f32
    %ge3A_48 = vector.broadcast %ge3A : f32 to vector<500x15xf32>
    %ge3A_49 = arith.cmpf oge, %slice3A, %ge3A_48 : vector<500x15xf32>
    %convert_element_type3A_50 = arith.extui %ge3A_49 : vector<500x15xi1> to vector<500x15xi32>
    %convert_element_type3A_51 = arith.sitofp %convert_element_type3A_50 : vector<500x15xi32> to vector<500x15xf32>
    %reduce_sum3A_52 = arith.constant dense<0.000000e+00> : vector<15xf32>
    %reduce_sum3A_53 = vector.multi_reduction <add>, %convert_element_type3A_51, %reduce_sum3A_52 [0] : vector<500x15xf32> to vector<15xf32>
    %ge3A_54 = arith.constant 0.000000e+00 : f32
    %ge3A_55 = vector.broadcast %ge3A_54 : f32 to vector<500x15xf32>
    %ge3A_56 = arith.cmpf oge, %slice3A, %ge3A_55 : vector<500x15xf32>
    %convert_element_type3A_57 = arith.extui %ge3A_56 : vector<500x15xi1> to vector<500x15xi32>
    %convert_element_type3A_58 = arith.sitofp %convert_element_type3A_57 : vector<500x15xi32> to vector<500x15xf32>
    %reduce_sum3A_59 = arith.constant dense<0.000000e+00> : vector<15xf32>
    %reduce_sum3A_60 = vector.multi_reduction <add>, %convert_element_type3A_58, %reduce_sum3A_59 [0] : vector<500x15xf32> to vector<15xf32>
    %ge3A_61 = arith.constant 5.000000e-01 : f32
    %ge3A_62 = vector.broadcast %ge3A_61 : f32 to vector<500x15xf32>
    %ge3A_63 = arith.cmpf oge, %slice3A, %ge3A_62 : vector<500x15xf32>
    %convert_element_type3A_64 = arith.extui %ge3A_63 : vector<500x15xi1> to vector<500x15xi32>
    %convert_element_type3A_65 = arith.sitofp %convert_element_type3A_64 : vector<500x15xi32> to vector<500x15xf32>
    %reduce_sum3A_66 = arith.constant dense<0.000000e+00> : vector<15xf32>
    %reduce_sum3A_67 = vector.multi_reduction <add>, %convert_element_type3A_65, %reduce_sum3A_66 [0] : vector<500x15xf32> to vector<15xf32>
    %ge3A_68 = arith.constant 1.000000e+00 : f32
    %ge3A_69 = vector.broadcast %ge3A_68 : f32 to vector<500x15xf32>
    %ge3A_70 = arith.cmpf oge, %slice3A, %ge3A_69 : vector<500x15xf32>
    %convert_element_type3A_71 = arith.extui %ge3A_70 : vector<500x15xi1> to vector<500x15xi32>
    %convert_element_type3A_72 = arith.sitofp %convert_element_type3A_71 : vector<500x15xi32> to vector<500x15xf32>
    %reduce_sum3A_73 = arith.constant dense<0.000000e+00> : vector<15xf32>
    %reduce_sum3A_74 = vector.multi_reduction <add>, %convert_element_type3A_72, %reduce_sum3A_73 [0] : vector<500x15xf32> to vector<15xf32>
    %sub3A_75 = arith.constant 5.000000e+02 : f32
    %sub3A_76 = vector.broadcast %sub3A_75 : f32 to vector<15xf32>
    %sub3A_77 = arith.subf %sub3A_76, %reduce_sum3A_53 : vector<15xf32>
    %sub3A_78 = arith.subf %reduce_sum3A_53, %reduce_sum3A_60 : vector<15xf32>
    %sub3A_79 = arith.subf %reduce_sum3A_60, %reduce_sum3A_67 : vector<15xf32>
    %sub3A_80 = arith.subf %reduce_sum3A_67, %reduce_sum3A_74 : vector<15xf32>
    %convert_element_type3A_81 = arith.truncf %sub3A_77 : vector<15xf32> to vector<15xbf16>
    %convert_element_type3A_82 = arith.extf %convert_element_type3A_81 : vector<15xbf16> to vector<15xf32>
    %get3A_83 = arith.constant 0 : index
    %get3A_84 = arith.constant 0 : index
    %get3A_85 = vector.load %arg4[%get3A_83, %get3A_84] : memref<1x16xf32, #tpu.memory_space<vmem>>, vector<1x1xf32>
    %get3A_86 = vector.extract %get3A_85[0, 0] : f32 from vector<1x1xf32>
    %convert_element_type3A_87 = arith.truncf %get3A_86 : f32 to bf16
    %convert_element_type3A_88 = arith.extf %convert_element_type3A_87 : bf16 to f32
    %mul3A_89 = vector.broadcast %convert_element_type3A_88 : f32 to vector<15xf32>
    %mul3A_90 = arith.mulf %convert_element_type3A_82, %mul3A_89 : vector<15xf32>
    %add3A_91 = arith.constant 0.000000e+00 : f32
    %add3A_92 = vector.broadcast %add3A_91 : f32 to vector<15xf32>
    %add3A_93 = arith.addf %add3A_92, %mul3A_90 : vector<15xf32>
    %convert_element_type3A_94 = arith.truncf %sub3A_78 : vector<15xf32> to vector<15xbf16>
    %convert_element_type3A_95 = arith.extf %convert_element_type3A_94 : vector<15xbf16> to vector<15xf32>
    %get3A_96 = arith.constant 0 : index
    %get3A_97 = arith.constant 1 : index
    %get3A_98 = vector.load %arg4[%get3A_96, %get3A_97] : memref<1x16xf32, #tpu.memory_space<vmem>>, vector<1x1xf32>
    %get3A_99 = vector.extract %get3A_98[0, 0] : f32 from vector<1x1xf32>
    %convert_element_type3A_100 = arith.truncf %get3A_99 : f32 to bf16
    %convert_element_type3A_101 = arith.extf %convert_element_type3A_100 : bf16 to f32
    %mul3A_102 = vector.broadcast %convert_element_type3A_101 : f32 to vector<15xf32>
    %mul3A_103 = arith.mulf %convert_element_type3A_95, %mul3A_102 : vector<15xf32>
    %add3A_104 = arith.addf %add3A_93, %mul3A_103 : vector<15xf32>
    %convert_element_type3A_105 = arith.truncf %sub3A_79 : vector<15xf32> to vector<15xbf16>
    %convert_element_type3A_106 = arith.extf %convert_element_type3A_105 : vector<15xbf16> to vector<15xf32>
    %get3A_107 = arith.constant 0 : index
    %get3A_108 = arith.constant 2 : index
    %get3A_109 = vector.load %arg4[%get3A_107, %get3A_108] : memref<1x16xf32, #tpu.memory_space<vmem>>, vector<1x1xf32>
    %get3A_110 = vector.extract %get3A_109[0, 0] : f32 from vector<1x1xf32>
    %convert_element_type3A_111 = arith.truncf %get3A_110 : f32 to bf16
    %convert_element_type3A_112 = arith.extf %convert_element_type3A_111 : bf16 to f32
    %mul3A_113 = vector.broadcast %convert_element_type3A_112 : f32 to vector<15xf32>
    %mul3A_114 = arith.mulf %convert_element_type3A_106, %mul3A_113 : vector<15xf32>
    %add3A_115 = arith.addf %add3A_104, %mul3A_114 : vector<15xf32>
    %convert_element_type3A_116 = arith.truncf %sub3A_80 : vector<15xf32> to vector<15xbf16>
    %convert_element_type3A_117 = arith.extf %convert_element_type3A_116 : vector<15xbf16> to vector<15xf32>
    %get3A_118 = arith.constant 0 : index
    %get3A_119 = arith.constant 3 : index
    %get3A_120 = vector.load %arg4[%get3A_118, %get3A_119] : memref<1x16xf32, #tpu.memory_space<vmem>>, vector<1x1xf32>
    %get3A_121 = vector.extract %get3A_120[0, 0] : f32 from vector<1x1xf32>
    %convert_element_type3A_122 = arith.truncf %get3A_121 : f32 to bf16
    %convert_element_type3A_123 = arith.extf %convert_element_type3A_122 : bf16 to f32
    %mul3A_124 = vector.broadcast %convert_element_type3A_123 : f32 to vector<15xf32>
    %mul3A_125 = arith.mulf %convert_element_type3A_117, %mul3A_124 : vector<15xf32>
    %add3A_126 = arith.addf %add3A_115, %mul3A_125 : vector<15xf32>
    %convert_element_type3A_127 = arith.truncf %reduce_sum3A_74 : vector<15xf32> to vector<15xbf16>
    %convert_element_type3A_128 = arith.extf %convert_element_type3A_127 : vector<15xbf16> to vector<15xf32>
    %get3A_129 = arith.constant 0 : index
    %get3A_130 = arith.constant 4 : index
    %get3A_131 = vector.load %arg4[%get3A_129, %get3A_130] : memref<1x16xf32, #tpu.memory_space<vmem>>, vector<1x1xf32>
    %get3A_132 = vector.extract %get3A_131[0, 0] : f32 from vector<1x1xf32>
    %convert_element_type3A_133 = arith.truncf %get3A_132 : f32 to bf16
    %convert_element_type3A_134 = arith.extf %convert_element_type3A_133 : bf16 to f32
    %mul3A_135 = vector.broadcast %convert_element_type3A_134 : f32 to vector<15xf32>
    %mul3A_136 = arith.mulf %convert_element_type3A_128, %mul3A_135 : vector<15xf32>
    %add3A_137 = arith.addf %add3A_126, %mul3A_136 : vector<15xf32>
    %get3A_138 = arith.constant 0 : index
    %get3A_139 = arith.constant 5 : index
    %get3A_140 = vector.load %arg4[%get3A_138, %get3A_139] : memref<1x16xf32, #tpu.memory_space<vmem>>, vector<1x1xf32>
    %get3A_141 = vector.extract %get3A_140[0, 0] : f32 from vector<1x1xf32>
    %add3A_142 = vector.broadcast %get3A_141 : f32 to vector<15xf32>
    %add3A_143 = arith.addf %add3A_137, %add3A_142 : vector<15xf32>
    %convert_element_type3A_144 = arith.truncf %add3A_143 : vector<15xf32> to vector<15xbf16>
    %convert_element_type3A_145 = arith.extf %convert_element_type3A_144 : vector<15xbf16> to vector<15xf32>
    %get3A_146 = arith.constant 0 : index
    %get3A_147 = arith.constant 6 : index
    %get3A_148 = vector.load %arg4[%get3A_146, %get3A_147] : memref<1x16xf32, #tpu.memory_space<vmem>>, vector<1x1xf32>
    %get3A_149 = vector.extract %get3A_148[0, 0] : f32 from vector<1x1xf32>
    %convert_element_type3A_150 = arith.truncf %get3A_149 : f32 to bf16
    %convert_element_type3A_151 = arith.extf %convert_element_type3A_150 : bf16 to f32
    %mul3A_152 = vector.broadcast %convert_element_type3A_151 : f32 to vector<15xf32>
    %mul3A_153 = arith.mulf %convert_element_type3A_145, %mul3A_152 : vector<15xf32>
    %get3A_154 = arith.constant 0 : index
    %get3A_155 = arith.constant 7 : index
    %get3A_156 = vector.load %arg4[%get3A_154, %get3A_155] : memref<1x16xf32, #tpu.memory_space<vmem>>, vector<1x1xf32>
    %get3A_157 = vector.extract %get3A_156[0, 0] : f32 from vector<1x1xf32>
    %add3A_158 = vector.broadcast %get3A_157 : f32 to vector<15xf32>
    %add3A_159 = arith.addf %mul3A_153, %add3A_158 : vector<15xf32>
    %mul3A_160 = arith.mulf %add3A_159, %div3A_47 : vector<15xf32>
    %reduce_sum3A_161 = vector.shape_cast %mul3A_160 : vector<15xf32> to vector<1x15xf32>
    %reduce_sum3A_162 = arith.constant dense<0.000000e+00> : vector<1xf32>
    %reduce_sum3A_163 = vector.multi_reduction <add>, %reduce_sum3A_161, %reduce_sum3A_162 [1] : vector<1x15xf32> to vector<1xf32>
    %reduce_sum3A_164 = vector.shape_cast %reduce_sum3A_163 : vector<1xf32> to vector<1x1xf32>
    %reduce_sum3A_165 = vector.extract %reduce_sum3A_164[0, 0] : f32 from vector<1x1xf32>
    %convert_element_type3A_166 = arith.truncf %reduce_sum3A_165 : f32 to bf16
    %convert_element_type3A_167 = arith.extf %convert_element_type3A_166 : bf16 to f32
    %get3A_168 = arith.constant 0 : index
    %get3A_169 = arith.constant 8 : index
    %get3A_170 = vector.load %arg4[%get3A_168, %get3A_169] : memref<1x16xf32, #tpu.memory_space<vmem>>, vector<1x1xf32>
    %get3A_171 = vector.extract %get3A_170[0, 0] : f32 from vector<1x1xf32>
    %convert_element_type3A_172 = arith.truncf %get3A_171 : f32 to bf16
    %convert_element_type3A_173 = arith.extf %convert_element_type3A_172 : bf16 to f32
    %mul3A_174 = arith.mulf %convert_element_type3A_167, %convert_element_type3A_173 : f32
    %get3A_175 = arith.constant 0 : index
    %get3A_176 = arith.constant 9 : index
    %get3A_177 = vector.load %arg4[%get3A_175, %get3A_176] : memref<1x16xf32, #tpu.memory_space<vmem>>, vector<1x1xf32>
    %get3A_178 = vector.extract %get3A_177[0, 0] : f32 from vector<1x1xf32>
    %add3A_179 = arith.addf %mul3A_174, %get3A_178 : f32
    %slice3A_180 = vector.extract_strided_slice %min3A_20 {offsets = [500, 0], sizes = [500, 15], strides = [1, 1]} : vector<4000x15xf32> to vector<500x15xf32>
    %ge3A_181 = arith.constant -5.000000e-01 : f32
    %ge3A_182 = vector.broadcast %ge3A_181 : f32 to vector<500x15xf32>
    %ge3A_183 = arith.cmpf oge, %slice3A_180, %ge3A_182 : vector<500x15xf32>
    %convert_element_type3A_184 = arith.extui %ge3A_183 : vector<500x15xi1> to vector<500x15xi32>
    %convert_element_type3A_185 = arith.sitofp %convert_element_type3A_184 : vector<500x15xi32> to vector<500x15xf32>
    %reduce_sum3A_186 = arith.constant dense<0.000000e+00> : vector<15xf32>
    %reduce_sum3A_187 = vector.multi_reduction <add>, %convert_element_type3A_185, %reduce_sum3A_186 [0] : vector<500x15xf32> to vector<15xf32>
    %ge3A_188 = arith.constant 0.000000e+00 : f32
    %ge3A_189 = vector.broadcast %ge3A_188 : f32 to vector<500x15xf32>
    %ge3A_190 = arith.cmpf oge, %slice3A_180, %ge3A_189 : vector<500x15xf32>
    %convert_element_type3A_191 = arith.extui %ge3A_190 : vector<500x15xi1> to vector<500x15xi32>
    %convert_element_type3A_192 = arith.sitofp %convert_element_type3A_191 : vector<500x15xi32> to vector<500x15xf32>
    %reduce_sum3A_193 = arith.constant dense<0.000000e+00> : vector<15xf32>
    %reduce_sum3A_194 = vector.multi_reduction <add>, %convert_element_type3A_192, %reduce_sum3A_193 [0] : vector<500x15xf32> to vector<15xf32>
    %ge3A_195 = arith.constant 5.000000e-01 : f32
    %ge3A_196 = vector.broadcast %ge3A_195 : f32 to vector<500x15xf32>
    %ge3A_197 = arith.cmpf oge, %slice3A_180, %ge3A_196 : vector<500x15xf32>
    %convert_element_type3A_198 = arith.extui %ge3A_197 : vector<500x15xi1> to vector<500x15xi32>
    %convert_element_type3A_199 = arith.sitofp %convert_element_type3A_198 : vector<500x15xi32> to vector<500x15xf32>
    %reduce_sum3A_200 = arith.constant dense<0.000000e+00> : vector<15xf32>
    %reduce_sum3A_201 = vector.multi_reduction <add>, %convert_element_type3A_199, %reduce_sum3A_200 [0] : vector<500x15xf32> to vector<15xf32>
    %ge3A_202 = arith.constant 1.000000e+00 : f32
    %ge3A_203 = vector.broadcast %ge3A_202 : f32 to vector<500x15xf32>
    %ge3A_204 = arith.cmpf oge, %slice3A_180, %ge3A_203 : vector<500x15xf32>
    %convert_element_type3A_205 = arith.extui %ge3A_204 : vector<500x15xi1> to vector<500x15xi32>
    %convert_element_type3A_206 = arith.sitofp %convert_element_type3A_205 : vector<500x15xi32> to vector<500x15xf32>
    %reduce_sum3A_207 = arith.constant dense<0.000000e+00> : vector<15xf32>
    %reduce_sum3A_208 = vector.multi_reduction <add>, %convert_element_type3A_206, %reduce_sum3A_207 [0] : vector<500x15xf32> to vector<15xf32>
    %sub3A_209 = arith.constant 5.000000e+02 : f32
    %sub3A_210 = vector.broadcast %sub3A_209 : f32 to vector<15xf32>
    %sub3A_211 = arith.subf %sub3A_210, %reduce_sum3A_187 : vector<15xf32>
    %sub3A_212 = arith.subf %reduce_sum3A_187, %reduce_sum3A_194 : vector<15xf32>
    %sub3A_213 = arith.subf %reduce_sum3A_194, %reduce_sum3A_201 : vector<15xf32>
    %sub3A_214 = arith.subf %reduce_sum3A_201, %reduce_sum3A_208 : vector<15xf32>
    %convert_element_type3A_215 = arith.truncf %sub3A_211 : vector<15xf32> to vector<15xbf16>
    %convert_element_type3A_216 = arith.extf %convert_element_type3A_215 : vector<15xbf16> to vector<15xf32>
    %get3A_217 = arith.constant 0 : index
    %get3A_218 = arith.constant 0 : index
    %get3A_219 = vector.load %arg4[%get3A_217, %get3A_218] : memref<1x16xf32, #tpu.memory_space<vmem>>, vector<1x1xf32>
    %get3A_220 = vector.extract %get3A_219[0, 0] : f32 from vector<1x1xf32>
    %convert_element_type3A_221 = arith.truncf %get3A_220 : f32 to bf16
    %convert_element_type3A_222 = arith.extf %convert_element_type3A_221 : bf16 to f32
    %mul3A_223 = vector.broadcast %convert_element_type3A_222 : f32 to vector<15xf32>
    %mul3A_224 = arith.mulf %convert_element_type3A_216, %mul3A_223 : vector<15xf32>
    %add3A_225 = arith.constant 0.000000e+00 : f32
    %add3A_226 = vector.broadcast %add3A_225 : f32 to vector<15xf32>
    %add3A_227 = arith.addf %add3A_226, %mul3A_224 : vector<15xf32>
    %convert_element_type3A_228 = arith.truncf %sub3A_212 : vector<15xf32> to vector<15xbf16>
    %convert_element_type3A_229 = arith.extf %convert_element_type3A_228 : vector<15xbf16> to vector<15xf32>
    %get3A_230 = arith.constant 0 : index
    %get3A_231 = arith.constant 1 : index
    %get3A_232 = vector.load %arg4[%get3A_230, %get3A_231] : memref<1x16xf32, #tpu.memory_space<vmem>>, vector<1x1xf32>
    %get3A_233 = vector.extract %get3A_232[0, 0] : f32 from vector<1x1xf32>
    %convert_element_type3A_234 = arith.truncf %get3A_233 : f32 to bf16
    %convert_element_type3A_235 = arith.extf %convert_element_type3A_234 : bf16 to f32
    %mul3A_236 = vector.broadcast %convert_element_type3A_235 : f32 to vector<15xf32>
    %mul3A_237 = arith.mulf %convert_element_type3A_229, %mul3A_236 : vector<15xf32>
    %add3A_238 = arith.addf %add3A_227, %mul3A_237 : vector<15xf32>
    %convert_element_type3A_239 = arith.truncf %sub3A_213 : vector<15xf32> to vector<15xbf16>
    %convert_element_type3A_240 = arith.extf %convert_element_type3A_239 : vector<15xbf16> to vector<15xf32>
    %get3A_241 = arith.constant 0 : index
    %get3A_242 = arith.constant 2 : index
    %get3A_243 = vector.load %arg4[%get3A_241, %get3A_242] : memref<1x16xf32, #tpu.memory_space<vmem>>, vector<1x1xf32>
    %get3A_244 = vector.extract %get3A_243[0, 0] : f32 from vector<1x1xf32>
    %convert_element_type3A_245 = arith.truncf %get3A_244 : f32 to bf16
    %convert_element_type3A_246 = arith.extf %convert_element_type3A_245 : bf16 to f32
    %mul3A_247 = vector.broadcast %convert_element_type3A_246 : f32 to vector<15xf32>
    %mul3A_248 = arith.mulf %convert_element_type3A_240, %mul3A_247 : vector<15xf32>
    %add3A_249 = arith.addf %add3A_238, %mul3A_248 : vector<15xf32>
    %convert_element_type3A_250 = arith.truncf %sub3A_214 : vector<15xf32> to vector<15xbf16>
    %convert_element_type3A_251 = arith.extf %convert_element_type3A_250 : vector<15xbf16> to vector<15xf32>
    %get3A_252 = arith.constant 0 : index
    %get3A_253 = arith.constant 3 : index
    %get3A_254 = vector.load %arg4[%get3A_252, %get3A_253] : memref<1x16xf32, #tpu.memory_space<vmem>>, vector<1x1xf32>
    %get3A_255 = vector.extract %get3A_254[0, 0] : f32 from vector<1x1xf32>
    %convert_element_type3A_256 = arith.truncf %get3A_255 : f32 to bf16
    %convert_element_type3A_257 = arith.extf %convert_element_type3A_256 : bf16 to f32
    %mul3A_258 = vector.broadcast %convert_element_type3A_257 : f32 to vector<15xf32>
    %mul3A_259 = arith.mulf %convert_element_type3A_251, %mul3A_258 : vector<15xf32>
    %add3A_260 = arith.addf %add3A_249, %mul3A_259 : vector<15xf32>
    %convert_element_type3A_261 = arith.truncf %reduce_sum3A_208 : vector<15xf32> to vector<15xbf16>
    %convert_element_type3A_262 = arith.extf %convert_element_type3A_261 : vector<15xbf16> to vector<15xf32>
    %get3A_263 = arith.constant 0 : index
    %get3A_264 = arith.constant 4 : index
    %get3A_265 = vector.load %arg4[%get3A_263, %get3A_264] : memref<1x16xf32, #tpu.memory_space<vmem>>, vector<1x1xf32>
    %get3A_266 = vector.extract %get3A_265[0, 0] : f32 from vector<1x1xf32>
    %convert_element_type3A_267 = arith.truncf %get3A_266 : f32 to bf16
    %convert_element_type3A_268 = arith.extf %convert_element_type3A_267 : bf16 to f32
    %mul3A_269 = vector.broadcast %convert_element_type3A_268 : f32 to vector<15xf32>
    %mul3A_270 = arith.mulf %convert_element_type3A_262, %mul3A_269 : vector<15xf32>
    %add3A_271 = arith.addf %add3A_260, %mul3A_270 : vector<15xf32>
    %get3A_272 = arith.constant 0 : index
    %get3A_273 = arith.constant 5 : index
    %get3A_274 = vector.load %arg4[%get3A_272, %get3A_273] : memref<1x16xf32, #tpu.memory_space<vmem>>, vector<1x1xf32>
    %get3A_275 = vector.extract %get3A_274[0, 0] : f32 from vector<1x1xf32>
    %add3A_276 = vector.broadcast %get3A_275 : f32 to vector<15xf32>
    %add3A_277 = arith.addf %add3A_271, %add3A_276 : vector<15xf32>
    %convert_element_type3A_278 = arith.truncf %add3A_277 : vector<15xf32> to vector<15xbf16>
    %convert_element_type3A_279 = arith.extf %convert_element_type3A_278 : vector<15xbf16> to vector<15xf32>
    %get3A_280 = arith.constant 0 : index
    %get3A_281 = arith.constant 6 : index
    %get3A_282 = vector.load %arg4[%get3A_280, %get3A_281] : memref<1x16xf32, #tpu.memory_space<vmem>>, vector<1x1xf32>
    %get3A_283 = vector.extract %get3A_282[0, 0] : f32 from vector<1x1xf32>
    %convert_element_type3A_284 = arith.truncf %get3A_283 : f32 to bf16
    %convert_element_type3A_285 = arith.extf %convert_element_type3A_284 : bf16 to f32
    %mul3A_286 = vector.broadcast %convert_element_type3A_285 : f32 to vector<15xf32>
    %mul3A_287 = arith.mulf %convert_element_type3A_279, %mul3A_286 : vector<15xf32>
    %get3A_288 = arith.constant 0 : index
    %get3A_289 = arith.constant 7 : index
    %get3A_290 = vector.load %arg4[%get3A_288, %get3A_289] : memref<1x16xf32, #tpu.memory_space<vmem>>, vector<1x1xf32>
    %get3A_291 = vector.extract %get3A_290[0, 0] : f32 from vector<1x1xf32>
    %add3A_292 = vector.broadcast %get3A_291 : f32 to vector<15xf32>
    %add3A_293 = arith.addf %mul3A_287, %add3A_292 : vector<15xf32>
    %mul3A_294 = arith.mulf %add3A_293, %div3A_47 : vector<15xf32>
    %reduce_sum3A_295 = vector.shape_cast %mul3A_294 : vector<15xf32> to vector<1x15xf32>
    %reduce_sum3A_296 = arith.constant dense<0.000000e+00> : vector<1xf32>
    %reduce_sum3A_297 = vector.multi_reduction <add>, %reduce_sum3A_295, %reduce_sum3A_296 [1] : vector<1x15xf32> to vector<1xf32>
    %reduce_sum3A_298 = vector.shape_cast %reduce_sum3A_297 : vector<1xf32> to vector<1x1xf32>
    %reduce_sum3A_299 = vector.extract %reduce_sum3A_298[0, 0] : f32 from vector<1x1xf32>
    %convert_element_type3A_300 = arith.truncf %reduce_sum3A_299 : f32 to bf16
    %convert_element_type3A_301 = arith.extf %convert_element_type3A_300 : bf16 to f32
    %get3A_302 = arith.constant 0 : index
    %get3A_303 = arith.constant 8 : index
    %get3A_304 = vector.load %arg4[%get3A_302, %get3A_303] : memref<1x16xf32, #tpu.memory_space<vmem>>, vector<1x1xf32>
    %get3A_305 = vector.extract %get3A_304[0, 0] : f32 from vector<1x1xf32>
    %convert_element_type3A_306 = arith.truncf %get3A_305 : f32 to bf16
    %convert_element_type3A_307 = arith.extf %convert_element_type3A_306 : bf16 to f32
    %mul3A_308 = arith.mulf %convert_element_type3A_301, %convert_element_type3A_307 : f32
    %get3A_309 = arith.constant 0 : index
    %get3A_310 = arith.constant 9 : index
    %get3A_311 = vector.load %arg4[%get3A_309, %get3A_310] : memref<1x16xf32, #tpu.memory_space<vmem>>, vector<1x1xf32>
    %get3A_312 = vector.extract %get3A_311[0, 0] : f32 from vector<1x1xf32>
    %add3A_313 = arith.addf %mul3A_308, %get3A_312 : f32
    %slice3A_314 = vector.extract_strided_slice %min3A_20 {offsets = [1000, 0], sizes = [500, 15], strides = [1, 1]} : vector<4000x15xf32> to vector<500x15xf32>
    %ge3A_315 = arith.constant -5.000000e-01 : f32
    %ge3A_316 = vector.broadcast %ge3A_315 : f32 to vector<500x15xf32>
    %ge3A_317 = arith.cmpf oge, %slice3A_314, %ge3A_316 : vector<500x15xf32>
    %convert_element_type3A_318 = arith.extui %ge3A_317 : vector<500x15xi1> to vector<500x15xi32>
    %convert_element_type3A_319 = arith.sitofp %convert_element_type3A_318 : vector<500x15xi32> to vector<500x15xf32>
    %reduce_sum3A_320 = arith.constant dense<0.000000e+00> : vector<15xf32>
    %reduce_sum3A_321 = vector.multi_reduction <add>, %convert_element_type3A_319, %reduce_sum3A_320 [0] : vector<500x15xf32> to vector<15xf32>
    %ge3A_322 = arith.constant 0.000000e+00 : f32
    %ge3A_323 = vector.broadcast %ge3A_322 : f32 to vector<500x15xf32>
    %ge3A_324 = arith.cmpf oge, %slice3A_314, %ge3A_323 : vector<500x15xf32>
    %convert_element_type3A_325 = arith.extui %ge3A_324 : vector<500x15xi1> to vector<500x15xi32>
    %convert_element_type3A_326 = arith.sitofp %convert_element_type3A_325 : vector<500x15xi32> to vector<500x15xf32>
    %reduce_sum3A_327 = arith.constant dense<0.000000e+00> : vector<15xf32>
    %reduce_sum3A_328 = vector.multi_reduction <add>, %convert_element_type3A_326, %reduce_sum3A_327 [0] : vector<500x15xf32> to vector<15xf32>
    %ge3A_329 = arith.constant 5.000000e-01 : f32
    %ge3A_330 = vector.broadcast %ge3A_329 : f32 to vector<500x15xf32>
    %ge3A_331 = arith.cmpf oge, %slice3A_314, %ge3A_330 : vector<500x15xf32>
    %convert_element_type3A_332 = arith.extui %ge3A_331 : vector<500x15xi1> to vector<500x15xi32>
    %convert_element_type3A_333 = arith.sitofp %convert_element_type3A_332 : vector<500x15xi32> to vector<500x15xf32>
    %reduce_sum3A_334 = arith.constant dense<0.000000e+00> : vector<15xf32>
    %reduce_sum3A_335 = vector.multi_reduction <add>, %convert_element_type3A_333, %reduce_sum3A_334 [0] : vector<500x15xf32> to vector<15xf32>
    %ge3A_336 = arith.constant 1.000000e+00 : f32
    %ge3A_337 = vector.broadcast %ge3A_336 : f32 to vector<500x15xf32>
    %ge3A_338 = arith.cmpf oge, %slice3A_314, %ge3A_337 : vector<500x15xf32>
    %convert_element_type3A_339 = arith.extui %ge3A_338 : vector<500x15xi1> to vector<500x15xi32>
    %convert_element_type3A_340 = arith.sitofp %convert_element_type3A_339 : vector<500x15xi32> to vector<500x15xf32>
    %reduce_sum3A_341 = arith.constant dense<0.000000e+00> : vector<15xf32>
    %reduce_sum3A_342 = vector.multi_reduction <add>, %convert_element_type3A_340, %reduce_sum3A_341 [0] : vector<500x15xf32> to vector<15xf32>
    %sub3A_343 = arith.constant 5.000000e+02 : f32
    %sub3A_344 = vector.broadcast %sub3A_343 : f32 to vector<15xf32>
    %sub3A_345 = arith.subf %sub3A_344, %reduce_sum3A_321 : vector<15xf32>
    %sub3A_346 = arith.subf %reduce_sum3A_321, %reduce_sum3A_328 : vector<15xf32>
    %sub3A_347 = arith.subf %reduce_sum3A_328, %reduce_sum3A_335 : vector<15xf32>
    %sub3A_348 = arith.subf %reduce_sum3A_335, %reduce_sum3A_342 : vector<15xf32>
    %convert_element_type3A_349 = arith.truncf %sub3A_345 : vector<15xf32> to vector<15xbf16>
    %convert_element_type3A_350 = arith.extf %convert_element_type3A_349 : vector<15xbf16> to vector<15xf32>
    %get3A_351 = arith.constant 0 : index
    %get3A_352 = arith.constant 0 : index
    %get3A_353 = vector.load %arg4[%get3A_351, %get3A_352] : memref<1x16xf32, #tpu.memory_space<vmem>>, vector<1x1xf32>
    %get3A_354 = vector.extract %get3A_353[0, 0] : f32 from vector<1x1xf32>
    %convert_element_type3A_355 = arith.truncf %get3A_354 : f32 to bf16
    %convert_element_type3A_356 = arith.extf %convert_element_type3A_355 : bf16 to f32
    %mul3A_357 = vector.broadcast %convert_element_type3A_356 : f32 to vector<15xf32>
    %mul3A_358 = arith.mulf %convert_element_type3A_350, %mul3A_357 : vector<15xf32>
    %add3A_359 = arith.constant 0.000000e+00 : f32
    %add3A_360 = vector.broadcast %add3A_359 : f32 to vector<15xf32>
    %add3A_361 = arith.addf %add3A_360, %mul3A_358 : vector<15xf32>
    %convert_element_type3A_362 = arith.truncf %sub3A_346 : vector<15xf32> to vector<15xbf16>
    %convert_element_type3A_363 = arith.extf %convert_element_type3A_362 : vector<15xbf16> to vector<15xf32>
    %get3A_364 = arith.constant 0 : index
    %get3A_365 = arith.constant 1 : index
    %get3A_366 = vector.load %arg4[%get3A_364, %get3A_365] : memref<1x16xf32, #tpu.memory_space<vmem>>, vector<1x1xf32>
    %get3A_367 = vector.extract %get3A_366[0, 0] : f32 from vector<1x1xf32>
    %convert_element_type3A_368 = arith.truncf %get3A_367 : f32 to bf16
    %convert_element_type3A_369 = arith.extf %convert_element_type3A_368 : bf16 to f32
    %mul3A_370 = vector.broadcast %convert_element_type3A_369 : f32 to vector<15xf32>
    %mul3A_371 = arith.mulf %convert_element_type3A_363, %mul3A_370 : vector<15xf32>
    %add3A_372 = arith.addf %add3A_361, %mul3A_371 : vector<15xf32>
    %convert_element_type3A_373 = arith.truncf %sub3A_347 : vector<15xf32> to vector<15xbf16>
    %convert_element_type3A_374 = arith.extf %convert_element_type3A_373 : vector<15xbf16> to vector<15xf32>
    %get3A_375 = arith.constant 0 : index
    %get3A_376 = arith.constant 2 : index
    %get3A_377 = vector.load %arg4[%get3A_375, %get3A_376] : memref<1x16xf32, #tpu.memory_space<vmem>>, vector<1x1xf32>
    %get3A_378 = vector.extract %get3A_377[0, 0] : f32 from vector<1x1xf32>
    %convert_element_type3A_379 = arith.truncf %get3A_378 : f32 to bf16
    %convert_element_type3A_380 = arith.extf %convert_element_type3A_379 : bf16 to f32
    %mul3A_381 = vector.broadcast %convert_element_type3A_380 : f32 to vector<15xf32>
    %mul3A_382 = arith.mulf %convert_element_type3A_374, %mul3A_381 : vector<15xf32>
    %add3A_383 = arith.addf %add3A_372, %mul3A_382 : vector<15xf32>
    %convert_element_type3A_384 = arith.truncf %sub3A_348 : vector<15xf32> to vector<15xbf16>
    %convert_element_type3A_385 = arith.extf %convert_element_type3A_384 : vector<15xbf16> to vector<15xf32>
    %get3A_386 = arith.constant 0 : index
    %get3A_387 = arith.constant 3 : index
    %get3A_388 = vector.load %arg4[%get3A_386, %get3A_387] : memref<1x16xf32, #tpu.memory_space<vmem>>, vector<1x1xf32>
    %get3A_389 = vector.extract %get3A_388[0, 0] : f32 from vector<1x1xf32>
    %convert_element_type3A_390 = arith.truncf %get3A_389 : f32 to bf16
    %convert_element_type3A_391 = arith.extf %convert_element_type3A_390 : bf16 to f32
    %mul3A_392 = vector.broadcast %convert_element_type3A_391 : f32 to vector<15xf32>
    %mul3A_393 = arith.mulf %convert_element_type3A_385, %mul3A_392 : vector<15xf32>
    %add3A_394 = arith.addf %add3A_383, %mul3A_393 : vector<15xf32>
    %convert_element_type3A_395 = arith.truncf %reduce_sum3A_342 : vector<15xf32> to vector<15xbf16>
    %convert_element_type3A_396 = arith.extf %convert_element_type3A_395 : vector<15xbf16> to vector<15xf32>
    %get3A_397 = arith.constant 0 : index
    %get3A_398 = arith.constant 4 : index
    %get3A_399 = vector.load %arg4[%get3A_397, %get3A_398] : memref<1x16xf32, #tpu.memory_space<vmem>>, vector<1x1xf32>
    %get3A_400 = vector.extract %get3A_399[0, 0] : f32 from vector<1x1xf32>
    %convert_element_type3A_401 = arith.truncf %get3A_400 : f32 to bf16
    %convert_element_type3A_402 = arith.extf %convert_element_type3A_401 : bf16 to f32
    %mul3A_403 = vector.broadcast %convert_element_type3A_402 : f32 to vector<15xf32>
    %mul3A_404 = arith.mulf %convert_element_type3A_396, %mul3A_403 : vector<15xf32>
    %add3A_405 = arith.addf %add3A_394, %mul3A_404 : vector<15xf32>
    %get3A_406 = arith.constant 0 : index
    %get3A_407 = arith.constant 5 : index
    %get3A_408 = vector.load %arg4[%get3A_406, %get3A_407] : memref<1x16xf32, #tpu.memory_space<vmem>>, vector<1x1xf32>
    %get3A_409 = vector.extract %get3A_408[0, 0] : f32 from vector<1x1xf32>
    %add3A_410 = vector.broadcast %get3A_409 : f32 to vector<15xf32>
    %add3A_411 = arith.addf %add3A_405, %add3A_410 : vector<15xf32>
    %convert_element_type3A_412 = arith.truncf %add3A_411 : vector<15xf32> to vector<15xbf16>
    %convert_element_type3A_413 = arith.extf %convert_element_type3A_412 : vector<15xbf16> to vector<15xf32>
    %get3A_414 = arith.constant 0 : index
    %get3A_415 = arith.constant 6 : index
    %get3A_416 = vector.load %arg4[%get3A_414, %get3A_415] : memref<1x16xf32, #tpu.memory_space<vmem>>, vector<1x1xf32>
    %get3A_417 = vector.extract %get3A_416[0, 0] : f32 from vector<1x1xf32>
    %convert_element_type3A_418 = arith.truncf %get3A_417 : f32 to bf16
    %convert_element_type3A_419 = arith.extf %convert_element_type3A_418 : bf16 to f32
    %mul3A_420 = vector.broadcast %convert_element_type3A_419 : f32 to vector<15xf32>
    %mul3A_421 = arith.mulf %convert_element_type3A_413, %mul3A_420 : vector<15xf32>
    %get3A_422 = arith.constant 0 : index
    %get3A_423 = arith.constant 7 : index
    %get3A_424 = vector.load %arg4[%get3A_422, %get3A_423] : memref<1x16xf32, #tpu.memory_space<vmem>>, vector<1x1xf32>
    %get3A_425 = vector.extract %get3A_424[0, 0] : f32 from vector<1x1xf32>
    %add3A_426 = vector.broadcast %get3A_425 : f32 to vector<15xf32>
    %add3A_427 = arith.addf %mul3A_421, %add3A_426 : vector<15xf32>
    %mul3A_428 = arith.mulf %add3A_427, %div3A_47 : vector<15xf32>
    %reduce_sum3A_429 = vector.shape_cast %mul3A_428 : vector<15xf32> to vector<1x15xf32>
    %reduce_sum3A_430 = arith.constant dense<0.000000e+00> : vector<1xf32>
    %reduce_sum3A_431 = vector.multi_reduction <add>, %reduce_sum3A_429, %reduce_sum3A_430 [1] : vector<1x15xf32> to vector<1xf32>
    %reduce_sum3A_432 = vector.shape_cast %reduce_sum3A_431 : vector<1xf32> to vector<1x1xf32>
    %reduce_sum3A_433 = vector.extract %reduce_sum3A_432[0, 0] : f32 from vector<1x1xf32>
    %convert_element_type3A_434 = arith.truncf %reduce_sum3A_433 : f32 to bf16
    %convert_element_type3A_435 = arith.extf %convert_element_type3A_434 : bf16 to f32
    %get3A_436 = arith.constant 0 : index
    %get3A_437 = arith.constant 8 : index
    %get3A_438 = vector.load %arg4[%get3A_436, %get3A_437] : memref<1x16xf32, #tpu.memory_space<vmem>>, vector<1x1xf32>
    %get3A_439 = vector.extract %get3A_438[0, 0] : f32 from vector<1x1xf32>
    %convert_element_type3A_440 = arith.truncf %get3A_439 : f32 to bf16
    %convert_element_type3A_441 = arith.extf %convert_element_type3A_440 : bf16 to f32
    %mul3A_442 = arith.mulf %convert_element_type3A_435, %convert_element_type3A_441 : f32
    %get3A_443 = arith.constant 0 : index
    %get3A_444 = arith.constant 9 : index
    %get3A_445 = vector.load %arg4[%get3A_443, %get3A_444] : memref<1x16xf32, #tpu.memory_space<vmem>>, vector<1x1xf32>
    %get3A_446 = vector.extract %get3A_445[0, 0] : f32 from vector<1x1xf32>
    %add3A_447 = arith.addf %mul3A_442, %get3A_446 : f32
    %slice3A_448 = vector.extract_strided_slice %min3A_20 {offsets = [1500, 0], sizes = [500, 15], strides = [1, 1]} : vector<4000x15xf32> to vector<500x15xf32>
    %ge3A_449 = arith.constant -5.000000e-01 : f32
    %ge3A_450 = vector.broadcast %ge3A_449 : f32 to vector<500x15xf32>
    %ge3A_451 = arith.cmpf oge, %slice3A_448, %ge3A_450 : vector<500x15xf32>
    %convert_element_type3A_452 = arith.extui %ge3A_451 : vector<500x15xi1> to vector<500x15xi32>
    %convert_element_type3A_453 = arith.sitofp %convert_element_type3A_452 : vector<500x15xi32> to vector<500x15xf32>
    %reduce_sum3A_454 = arith.constant dense<0.000000e+00> : vector<15xf32>
    %reduce_sum3A_455 = vector.multi_reduction <add>, %convert_element_type3A_453, %reduce_sum3A_454 [0] : vector<500x15xf32> to vector<15xf32>
    %ge3A_456 = arith.constant 0.000000e+00 : f32
    %ge3A_457 = vector.broadcast %ge3A_456 : f32 to vector<500x15xf32>
    %ge3A_458 = arith.cmpf oge, %slice3A_448, %ge3A_457 : vector<500x15xf32>
    %convert_element_type3A_459 = arith.extui %ge3A_458 : vector<500x15xi1> to vector<500x15xi32>
    %convert_element_type3A_460 = arith.sitofp %convert_element_type3A_459 : vector<500x15xi32> to vector<500x15xf32>
    %reduce_sum3A_461 = arith.constant dense<0.000000e+00> : vector<15xf32>
    %reduce_sum3A_462 = vector.multi_reduction <add>, %convert_element_type3A_460, %reduce_sum3A_461 [0] : vector<500x15xf32> to vector<15xf32>
    %ge3A_463 = arith.constant 5.000000e-01 : f32
    %ge3A_464 = vector.broadcast %ge3A_463 : f32 to vector<500x15xf32>
    %ge3A_465 = arith.cmpf oge, %slice3A_448, %ge3A_464 : vector<500x15xf32>
    %convert_element_type3A_466 = arith.extui %ge3A_465 : vector<500x15xi1> to vector<500x15xi32>
    %convert_element_type3A_467 = arith.sitofp %convert_element_type3A_466 : vector<500x15xi32> to vector<500x15xf32>
    %reduce_sum3A_468 = arith.constant dense<0.000000e+00> : vector<15xf32>
    %reduce_sum3A_469 = vector.multi_reduction <add>, %convert_element_type3A_467, %reduce_sum3A_468 [0] : vector<500x15xf32> to vector<15xf32>
    %ge3A_470 = arith.constant 1.000000e+00 : f32
    %ge3A_471 = vector.broadcast %ge3A_470 : f32 to vector<500x15xf32>
    %ge3A_472 = arith.cmpf oge, %slice3A_448, %ge3A_471 : vector<500x15xf32>
    %convert_element_type3A_473 = arith.extui %ge3A_472 : vector<500x15xi1> to vector<500x15xi32>
    %convert_element_type3A_474 = arith.sitofp %convert_element_type3A_473 : vector<500x15xi32> to vector<500x15xf32>
    %reduce_sum3A_475 = arith.constant dense<0.000000e+00> : vector<15xf32>
    %reduce_sum3A_476 = vector.multi_reduction <add>, %convert_element_type3A_474, %reduce_sum3A_475 [0] : vector<500x15xf32> to vector<15xf32>
    %sub3A_477 = arith.constant 5.000000e+02 : f32
    %sub3A_478 = vector.broadcast %sub3A_477 : f32 to vector<15xf32>
    %sub3A_479 = arith.subf %sub3A_478, %reduce_sum3A_455 : vector<15xf32>
    %sub3A_480 = arith.subf %reduce_sum3A_455, %reduce_sum3A_462 : vector<15xf32>
    %sub3A_481 = arith.subf %reduce_sum3A_462, %reduce_sum3A_469 : vector<15xf32>
    %sub3A_482 = arith.subf %reduce_sum3A_469, %reduce_sum3A_476 : vector<15xf32>
    %convert_element_type3A_483 = arith.truncf %sub3A_479 : vector<15xf32> to vector<15xbf16>
    %convert_element_type3A_484 = arith.extf %convert_element_type3A_483 : vector<15xbf16> to vector<15xf32>
    %get3A_485 = arith.constant 0 : index
    %get3A_486 = arith.constant 0 : index
    %get3A_487 = vector.load %arg4[%get3A_485, %get3A_486] : memref<1x16xf32, #tpu.memory_space<vmem>>, vector<1x1xf32>
    %get3A_488 = vector.extract %get3A_487[0, 0] : f32 from vector<1x1xf32>
    %convert_element_type3A_489 = arith.truncf %get3A_488 : f32 to bf16
    %convert_element_type3A_490 = arith.extf %convert_element_type3A_489 : bf16 to f32
    %mul3A_491 = vector.broadcast %convert_element_type3A_490 : f32 to vector<15xf32>
    %mul3A_492 = arith.mulf %convert_element_type3A_484, %mul3A_491 : vector<15xf32>
    %add3A_493 = arith.constant 0.000000e+00 : f32
    %add3A_494 = vector.broadcast %add3A_493 : f32 to vector<15xf32>
    %add3A_495 = arith.addf %add3A_494, %mul3A_492 : vector<15xf32>
    %convert_element_type3A_496 = arith.truncf %sub3A_480 : vector<15xf32> to vector<15xbf16>
    %convert_element_type3A_497 = arith.extf %convert_element_type3A_496 : vector<15xbf16> to vector<15xf32>
    %get3A_498 = arith.constant 0 : index
    %get3A_499 = arith.constant 1 : index
    %get3A_500 = vector.load %arg4[%get3A_498, %get3A_499] : memref<1x16xf32, #tpu.memory_space<vmem>>, vector<1x1xf32>
    %get3A_501 = vector.extract %get3A_500[0, 0] : f32 from vector<1x1xf32>
    %convert_element_type3A_502 = arith.truncf %get3A_501 : f32 to bf16
    %convert_element_type3A_503 = arith.extf %convert_element_type3A_502 : bf16 to f32
    %mul3A_504 = vector.broadcast %convert_element_type3A_503 : f32 to vector<15xf32>
    %mul3A_505 = arith.mulf %convert_element_type3A_497, %mul3A_504 : vector<15xf32>
    %add3A_506 = arith.addf %add3A_495, %mul3A_505 : vector<15xf32>
    %convert_element_type3A_507 = arith.truncf %sub3A_481 : vector<15xf32> to vector<15xbf16>
    %convert_element_type3A_508 = arith.extf %convert_element_type3A_507 : vector<15xbf16> to vector<15xf32>
    %get3A_509 = arith.constant 0 : index
    %get3A_510 = arith.constant 2 : index
    %get3A_511 = vector.load %arg4[%get3A_509, %get3A_510] : memref<1x16xf32, #tpu.memory_space<vmem>>, vector<1x1xf32>
    %get3A_512 = vector.extract %get3A_511[0, 0] : f32 from vector<1x1xf32>
    %convert_element_type3A_513 = arith.truncf %get3A_512 : f32 to bf16
    %convert_element_type3A_514 = arith.extf %convert_element_type3A_513 : bf16 to f32
    %mul3A_515 = vector.broadcast %convert_element_type3A_514 : f32 to vector<15xf32>
    %mul3A_516 = arith.mulf %convert_element_type3A_508, %mul3A_515 : vector<15xf32>
    %add3A_517 = arith.addf %add3A_506, %mul3A_516 : vector<15xf32>
    %convert_element_type3A_518 = arith.truncf %sub3A_482 : vector<15xf32> to vector<15xbf16>
    %convert_element_type3A_519 = arith.extf %convert_element_type3A_518 : vector<15xbf16> to vector<15xf32>
    %get3A_520 = arith.constant 0 : index
    %get3A_521 = arith.constant 3 : index
    %get3A_522 = vector.load %arg4[%get3A_520, %get3A_521] : memref<1x16xf32, #tpu.memory_space<vmem>>, vector<1x1xf32>
    %get3A_523 = vector.extract %get3A_522[0, 0] : f32 from vector<1x1xf32>
    %convert_element_type3A_524 = arith.truncf %get3A_523 : f32 to bf16
    %convert_element_type3A_525 = arith.extf %convert_element_type3A_524 : bf16 to f32
    %mul3A_526 = vector.broadcast %convert_element_type3A_525 : f32 to vector<15xf32>
    %mul3A_527 = arith.mulf %convert_element_type3A_519, %mul3A_526 : vector<15xf32>
    %add3A_528 = arith.addf %add3A_517, %mul3A_527 : vector<15xf32>
    %convert_element_type3A_529 = arith.truncf %reduce_sum3A_476 : vector<15xf32> to vector<15xbf16>
    %convert_element_type3A_530 = arith.extf %convert_element_type3A_529 : vector<15xbf16> to vector<15xf32>
    %get3A_531 = arith.constant 0 : index
    %get3A_532 = arith.constant 4 : index
    %get3A_533 = vector.load %arg4[%get3A_531, %get3A_532] : memref<1x16xf32, #tpu.memory_space<vmem>>, vector<1x1xf32>
    %get3A_534 = vector.extract %get3A_533[0, 0] : f32 from vector<1x1xf32>
    %convert_element_type3A_535 = arith.truncf %get3A_534 : f32 to bf16
    %convert_element_type3A_536 = arith.extf %convert_element_type3A_535 : bf16 to f32
    %mul3A_537 = vector.broadcast %convert_element_type3A_536 : f32 to vector<15xf32>
    %mul3A_538 = arith.mulf %convert_element_type3A_530, %mul3A_537 : vector<15xf32>
    %add3A_539 = arith.addf %add3A_528, %mul3A_538 : vector<15xf32>
    %get3A_540 = arith.constant 0 : index
    %get3A_541 = arith.constant 5 : index
    %get3A_542 = vector.load %arg4[%get3A_540, %get3A_541] : memref<1x16xf32, #tpu.memory_space<vmem>>, vector<1x1xf32>
    %get3A_543 = vector.extract %get3A_542[0, 0] : f32 from vector<1x1xf32>
    %add3A_544 = vector.broadcast %get3A_543 : f32 to vector<15xf32>
    %add3A_545 = arith.addf %add3A_539, %add3A_544 : vector<15xf32>
    %convert_element_type3A_546 = arith.truncf %add3A_545 : vector<15xf32> to vector<15xbf16>
    %convert_element_type3A_547 = arith.extf %convert_element_type3A_546 : vector<15xbf16> to vector<15xf32>
    %get3A_548 = arith.constant 0 : index
    %get3A_549 = arith.constant 6 : index
    %get3A_550 = vector.load %arg4[%get3A_548, %get3A_549] : memref<1x16xf32, #tpu.memory_space<vmem>>, vector<1x1xf32>
    %get3A_551 = vector.extract %get3A_550[0, 0] : f32 from vector<1x1xf32>
    %convert_element_type3A_552 = arith.truncf %get3A_551 : f32 to bf16
    %convert_element_type3A_553 = arith.extf %convert_element_type3A_552 : bf16 to f32
    %mul3A_554 = vector.broadcast %convert_element_type3A_553 : f32 to vector<15xf32>
    %mul3A_555 = arith.mulf %convert_element_type3A_547, %mul3A_554 : vector<15xf32>
    %get3A_556 = arith.constant 0 : index
    %get3A_557 = arith.constant 7 : index
    %get3A_558 = vector.load %arg4[%get3A_556, %get3A_557] : memref<1x16xf32, #tpu.memory_space<vmem>>, vector<1x1xf32>
    %get3A_559 = vector.extract %get3A_558[0, 0] : f32 from vector<1x1xf32>
    %add3A_560 = vector.broadcast %get3A_559 : f32 to vector<15xf32>
    %add3A_561 = arith.addf %mul3A_555, %add3A_560 : vector<15xf32>
    %mul3A_562 = arith.mulf %add3A_561, %div3A_47 : vector<15xf32>
    %reduce_sum3A_563 = vector.shape_cast %mul3A_562 : vector<15xf32> to vector<1x15xf32>
    %reduce_sum3A_564 = arith.constant dense<0.000000e+00> : vector<1xf32>
    %reduce_sum3A_565 = vector.multi_reduction <add>, %reduce_sum3A_563, %reduce_sum3A_564 [1] : vector<1x15xf32> to vector<1xf32>
    %reduce_sum3A_566 = vector.shape_cast %reduce_sum3A_565 : vector<1xf32> to vector<1x1xf32>
    %reduce_sum3A_567 = vector.extract %reduce_sum3A_566[0, 0] : f32 from vector<1x1xf32>
    %convert_element_type3A_568 = arith.truncf %reduce_sum3A_567 : f32 to bf16
    %convert_element_type3A_569 = arith.extf %convert_element_type3A_568 : bf16 to f32
    %get3A_570 = arith.constant 0 : index
    %get3A_571 = arith.constant 8 : index
    %get3A_572 = vector.load %arg4[%get3A_570, %get3A_571] : memref<1x16xf32, #tpu.memory_space<vmem>>, vector<1x1xf32>
    %get3A_573 = vector.extract %get3A_572[0, 0] : f32 from vector<1x1xf32>
    %convert_element_type3A_574 = arith.truncf %get3A_573 : f32 to bf16
    %convert_element_type3A_575 = arith.extf %convert_element_type3A_574 : bf16 to f32
    %mul3A_576 = arith.mulf %convert_element_type3A_569, %convert_element_type3A_575 : f32
    %get3A_577 = arith.constant 0 : index
    %get3A_578 = arith.constant 9 : index
    %get3A_579 = vector.load %arg4[%get3A_577, %get3A_578] : memref<1x16xf32, #tpu.memory_space<vmem>>, vector<1x1xf32>
    %get3A_580 = vector.extract %get3A_579[0, 0] : f32 from vector<1x1xf32>
    %add3A_581 = arith.addf %mul3A_576, %get3A_580 : f32
    %slice3A_582 = vector.extract_strided_slice %min3A_20 {offsets = [2000, 0], sizes = [500, 15], strides = [1, 1]} : vector<4000x15xf32> to vector<500x15xf32>
    %ge3A_583 = arith.constant -5.000000e-01 : f32
    %ge3A_584 = vector.broadcast %ge3A_583 : f32 to vector<500x15xf32>
    %ge3A_585 = arith.cmpf oge, %slice3A_582, %ge3A_584 : vector<500x15xf32>
    %convert_element_type3A_586 = arith.extui %ge3A_585 : vector<500x15xi1> to vector<500x15xi32>
    %convert_element_type3A_587 = arith.sitofp %convert_element_type3A_586 : vector<500x15xi32> to vector<500x15xf32>
    %reduce_sum3A_588 = arith.constant dense<0.000000e+00> : vector<15xf32>
    %reduce_sum3A_589 = vector.multi_reduction <add>, %convert_element_type3A_587, %reduce_sum3A_588 [0] : vector<500x15xf32> to vector<15xf32>
    %ge3A_590 = arith.constant 0.000000e+00 : f32
    %ge3A_591 = vector.broadcast %ge3A_590 : f32 to vector<500x15xf32>
    %ge3A_592 = arith.cmpf oge, %slice3A_582, %ge3A_591 : vector<500x15xf32>
    %convert_element_type3A_593 = arith.extui %ge3A_592 : vector<500x15xi1> to vector<500x15xi32>
    %convert_element_type3A_594 = arith.sitofp %convert_element_type3A_593 : vector<500x15xi32> to vector<500x15xf32>
    %reduce_sum3A_595 = arith.constant dense<0.000000e+00> : vector<15xf32>
    %reduce_sum3A_596 = vector.multi_reduction <add>, %convert_element_type3A_594, %reduce_sum3A_595 [0] : vector<500x15xf32> to vector<15xf32>
    %ge3A_597 = arith.constant 5.000000e-01 : f32
    %ge3A_598 = vector.broadcast %ge3A_597 : f32 to vector<500x15xf32>
    %ge3A_599 = arith.cmpf oge, %slice3A_582, %ge3A_598 : vector<500x15xf32>
    %convert_element_type3A_600 = arith.extui %ge3A_599 : vector<500x15xi1> to vector<500x15xi32>
    %convert_element_type3A_601 = arith.sitofp %convert_element_type3A_600 : vector<500x15xi32> to vector<500x15xf32>
    %reduce_sum3A_602 = arith.constant dense<0.000000e+00> : vector<15xf32>
    %reduce_sum3A_603 = vector.multi_reduction <add>, %convert_element_type3A_601, %reduce_sum3A_602 [0] : vector<500x15xf32> to vector<15xf32>
    %ge3A_604 = arith.constant 1.000000e+00 : f32
    %ge3A_605 = vector.broadcast %ge3A_604 : f32 to vector<500x15xf32>
    %ge3A_606 = arith.cmpf oge, %slice3A_582, %ge3A_605 : vector<500x15xf32>
    %convert_element_type3A_607 = arith.extui %ge3A_606 : vector<500x15xi1> to vector<500x15xi32>
    %convert_element_type3A_608 = arith.sitofp %convert_element_type3A_607 : vector<500x15xi32> to vector<500x15xf32>
    %reduce_sum3A_609 = arith.constant dense<0.000000e+00> : vector<15xf32>
    %reduce_sum3A_610 = vector.multi_reduction <add>, %convert_element_type3A_608, %reduce_sum3A_609 [0] : vector<500x15xf32> to vector<15xf32>
    %sub3A_611 = arith.constant 5.000000e+02 : f32
    %sub3A_612 = vector.broadcast %sub3A_611 : f32 to vector<15xf32>
    %sub3A_613 = arith.subf %sub3A_612, %reduce_sum3A_589 : vector<15xf32>
    %sub3A_614 = arith.subf %reduce_sum3A_589, %reduce_sum3A_596 : vector<15xf32>
    %sub3A_615 = arith.subf %reduce_sum3A_596, %reduce_sum3A_603 : vector<15xf32>
    %sub3A_616 = arith.subf %reduce_sum3A_603, %reduce_sum3A_610 : vector<15xf32>
    %convert_element_type3A_617 = arith.truncf %sub3A_613 : vector<15xf32> to vector<15xbf16>
    %convert_element_type3A_618 = arith.extf %convert_element_type3A_617 : vector<15xbf16> to vector<15xf32>
    %get3A_619 = arith.constant 0 : index
    %get3A_620 = arith.constant 0 : index
    %get3A_621 = vector.load %arg4[%get3A_619, %get3A_620] : memref<1x16xf32, #tpu.memory_space<vmem>>, vector<1x1xf32>
    %get3A_622 = vector.extract %get3A_621[0, 0] : f32 from vector<1x1xf32>
    %convert_element_type3A_623 = arith.truncf %get3A_622 : f32 to bf16
    %convert_element_type3A_624 = arith.extf %convert_element_type3A_623 : bf16 to f32
    %mul3A_625 = vector.broadcast %convert_element_type3A_624 : f32 to vector<15xf32>
    %mul3A_626 = arith.mulf %convert_element_type3A_618, %mul3A_625 : vector<15xf32>
    %add3A_627 = arith.constant 0.000000e+00 : f32
    %add3A_628 = vector.broadcast %add3A_627 : f32 to vector<15xf32>
    %add3A_629 = arith.addf %add3A_628, %mul3A_626 : vector<15xf32>
    %convert_element_type3A_630 = arith.truncf %sub3A_614 : vector<15xf32> to vector<15xbf16>
    %convert_element_type3A_631 = arith.extf %convert_element_type3A_630 : vector<15xbf16> to vector<15xf32>
    %get3A_632 = arith.constant 0 : index
    %get3A_633 = arith.constant 1 : index
    %get3A_634 = vector.load %arg4[%get3A_632, %get3A_633] : memref<1x16xf32, #tpu.memory_space<vmem>>, vector<1x1xf32>
    %get3A_635 = vector.extract %get3A_634[0, 0] : f32 from vector<1x1xf32>
    %convert_element_type3A_636 = arith.truncf %get3A_635 : f32 to bf16
    %convert_element_type3A_637 = arith.extf %convert_element_type3A_636 : bf16 to f32
    %mul3A_638 = vector.broadcast %convert_element_type3A_637 : f32 to vector<15xf32>
    %mul3A_639 = arith.mulf %convert_element_type3A_631, %mul3A_638 : vector<15xf32>
    %add3A_640 = arith.addf %add3A_629, %mul3A_639 : vector<15xf32>
    %convert_element_type3A_641 = arith.truncf %sub3A_615 : vector<15xf32> to vector<15xbf16>
    %convert_element_type3A_642 = arith.extf %convert_element_type3A_641 : vector<15xbf16> to vector<15xf32>
    %get3A_643 = arith.constant 0 : index
    %get3A_644 = arith.constant 2 : index
    %get3A_645 = vector.load %arg4[%get3A_643, %get3A_644] : memref<1x16xf32, #tpu.memory_space<vmem>>, vector<1x1xf32>
    %get3A_646 = vector.extract %get3A_645[0, 0] : f32 from vector<1x1xf32>
    %convert_element_type3A_647 = arith.truncf %get3A_646 : f32 to bf16
    %convert_element_type3A_648 = arith.extf %convert_element_type3A_647 : bf16 to f32
    %mul3A_649 = vector.broadcast %convert_element_type3A_648 : f32 to vector<15xf32>
    %mul3A_650 = arith.mulf %convert_element_type3A_642, %mul3A_649 : vector<15xf32>
    %add3A_651 = arith.addf %add3A_640, %mul3A_650 : vector<15xf32>
    %convert_element_type3A_652 = arith.truncf %sub3A_616 : vector<15xf32> to vector<15xbf16>
    %convert_element_type3A_653 = arith.extf %convert_element_type3A_652 : vector<15xbf16> to vector<15xf32>
    %get3A_654 = arith.constant 0 : index
    %get3A_655 = arith.constant 3 : index
    %get3A_656 = vector.load %arg4[%get3A_654, %get3A_655] : memref<1x16xf32, #tpu.memory_space<vmem>>, vector<1x1xf32>
    %get3A_657 = vector.extract %get3A_656[0, 0] : f32 from vector<1x1xf32>
    %convert_element_type3A_658 = arith.truncf %get3A_657 : f32 to bf16
    %convert_element_type3A_659 = arith.extf %convert_element_type3A_658 : bf16 to f32
    %mul3A_660 = vector.broadcast %convert_element_type3A_659 : f32 to vector<15xf32>
    %mul3A_661 = arith.mulf %convert_element_type3A_653, %mul3A_660 : vector<15xf32>
    %add3A_662 = arith.addf %add3A_651, %mul3A_661 : vector<15xf32>
    %convert_element_type3A_663 = arith.truncf %reduce_sum3A_610 : vector<15xf32> to vector<15xbf16>
    %convert_element_type3A_664 = arith.extf %convert_element_type3A_663 : vector<15xbf16> to vector<15xf32>
    %get3A_665 = arith.constant 0 : index
    %get3A_666 = arith.constant 4 : index
    %get3A_667 = vector.load %arg4[%get3A_665, %get3A_666] : memref<1x16xf32, #tpu.memory_space<vmem>>, vector<1x1xf32>
    %get3A_668 = vector.extract %get3A_667[0, 0] : f32 from vector<1x1xf32>
    %convert_element_type3A_669 = arith.truncf %get3A_668 : f32 to bf16
    %convert_element_type3A_670 = arith.extf %convert_element_type3A_669 : bf16 to f32
    %mul3A_671 = vector.broadcast %convert_element_type3A_670 : f32 to vector<15xf32>
    %mul3A_672 = arith.mulf %convert_element_type3A_664, %mul3A_671 : vector<15xf32>
    %add3A_673 = arith.addf %add3A_662, %mul3A_672 : vector<15xf32>
    %get3A_674 = arith.constant 0 : index
    %get3A_675 = arith.constant 5 : index
    %get3A_676 = vector.load %arg4[%get3A_674, %get3A_675] : memref<1x16xf32, #tpu.memory_space<vmem>>, vector<1x1xf32>
    %get3A_677 = vector.extract %get3A_676[0, 0] : f32 from vector<1x1xf32>
    %add3A_678 = vector.broadcast %get3A_677 : f32 to vector<15xf32>
    %add3A_679 = arith.addf %add3A_673, %add3A_678 : vector<15xf32>
    %convert_element_type3A_680 = arith.truncf %add3A_679 : vector<15xf32> to vector<15xbf16>
    %convert_element_type3A_681 = arith.extf %convert_element_type3A_680 : vector<15xbf16> to vector<15xf32>
    %get3A_682 = arith.constant 0 : index
    %get3A_683 = arith.constant 6 : index
    %get3A_684 = vector.load %arg4[%get3A_682, %get3A_683] : memref<1x16xf32, #tpu.memory_space<vmem>>, vector<1x1xf32>
    %get3A_685 = vector.extract %get3A_684[0, 0] : f32 from vector<1x1xf32>
    %convert_element_type3A_686 = arith.truncf %get3A_685 : f32 to bf16
    %convert_element_type3A_687 = arith.extf %convert_element_type3A_686 : bf16 to f32
    %mul3A_688 = vector.broadcast %convert_element_type3A_687 : f32 to vector<15xf32>
    %mul3A_689 = arith.mulf %convert_element_type3A_681, %mul3A_688 : vector<15xf32>
    %get3A_690 = arith.constant 0 : index
    %get3A_691 = arith.constant 7 : index
    %get3A_692 = vector.load %arg4[%get3A_690, %get3A_691] : memref<1x16xf32, #tpu.memory_space<vmem>>, vector<1x1xf32>
    %get3A_693 = vector.extract %get3A_692[0, 0] : f32 from vector<1x1xf32>
    %add3A_694 = vector.broadcast %get3A_693 : f32 to vector<15xf32>
    %add3A_695 = arith.addf %mul3A_689, %add3A_694 : vector<15xf32>
    %mul3A_696 = arith.mulf %add3A_695, %div3A_47 : vector<15xf32>
    %reduce_sum3A_697 = vector.shape_cast %mul3A_696 : vector<15xf32> to vector<1x15xf32>
    %reduce_sum3A_698 = arith.constant dense<0.000000e+00> : vector<1xf32>
    %reduce_sum3A_699 = vector.multi_reduction <add>, %reduce_sum3A_697, %reduce_sum3A_698 [1] : vector<1x15xf32> to vector<1xf32>
    %reduce_sum3A_700 = vector.shape_cast %reduce_sum3A_699 : vector<1xf32> to vector<1x1xf32>
    %reduce_sum3A_701 = vector.extract %reduce_sum3A_700[0, 0] : f32 from vector<1x1xf32>
    %convert_element_type3A_702 = arith.truncf %reduce_sum3A_701 : f32 to bf16
    %convert_element_type3A_703 = arith.extf %convert_element_type3A_702 : bf16 to f32
    %get3A_704 = arith.constant 0 : index
    %get3A_705 = arith.constant 8 : index
    %get3A_706 = vector.load %arg4[%get3A_704, %get3A_705] : memref<1x16xf32, #tpu.memory_space<vmem>>, vector<1x1xf32>
    %get3A_707 = vector.extract %get3A_706[0, 0] : f32 from vector<1x1xf32>
    %convert_element_type3A_708 = arith.truncf %get3A_707 : f32 to bf16
    %convert_element_type3A_709 = arith.extf %convert_element_type3A_708 : bf16 to f32
    %mul3A_710 = arith.mulf %convert_element_type3A_703, %convert_element_type3A_709 : f32
    %get3A_711 = arith.constant 0 : index
    %get3A_712 = arith.constant 9 : index
    %get3A_713 = vector.load %arg4[%get3A_711, %get3A_712] : memref<1x16xf32, #tpu.memory_space<vmem>>, vector<1x1xf32>
    %get3A_714 = vector.extract %get3A_713[0, 0] : f32 from vector<1x1xf32>
    %add3A_715 = arith.addf %mul3A_710, %get3A_714 : f32
    %slice3A_716 = vector.extract_strided_slice %min3A_20 {offsets = [2500, 0], sizes = [500, 15], strides = [1, 1]} : vector<4000x15xf32> to vector<500x15xf32>
    %ge3A_717 = arith.constant -5.000000e-01 : f32
    %ge3A_718 = vector.broadcast %ge3A_717 : f32 to vector<500x15xf32>
    %ge3A_719 = arith.cmpf oge, %slice3A_716, %ge3A_718 : vector<500x15xf32>
    %convert_element_type3A_720 = arith.extui %ge3A_719 : vector<500x15xi1> to vector<500x15xi32>
    %convert_element_type3A_721 = arith.sitofp %convert_element_type3A_720 : vector<500x15xi32> to vector<500x15xf32>
    %reduce_sum3A_722 = arith.constant dense<0.000000e+00> : vector<15xf32>
    %reduce_sum3A_723 = vector.multi_reduction <add>, %convert_element_type3A_721, %reduce_sum3A_722 [0] : vector<500x15xf32> to vector<15xf32>
    %ge3A_724 = arith.constant 0.000000e+00 : f32
    %ge3A_725 = vector.broadcast %ge3A_724 : f32 to vector<500x15xf32>
    %ge3A_726 = arith.cmpf oge, %slice3A_716, %ge3A_725 : vector<500x15xf32>
    %convert_element_type3A_727 = arith.extui %ge3A_726 : vector<500x15xi1> to vector<500x15xi32>
    %convert_element_type3A_728 = arith.sitofp %convert_element_type3A_727 : vector<500x15xi32> to vector<500x15xf32>
    %reduce_sum3A_729 = arith.constant dense<0.000000e+00> : vector<15xf32>
    %reduce_sum3A_730 = vector.multi_reduction <add>, %convert_element_type3A_728, %reduce_sum3A_729 [0] : vector<500x15xf32> to vector<15xf32>
    %ge3A_731 = arith.constant 5.000000e-01 : f32
    %ge3A_732 = vector.broadcast %ge3A_731 : f32 to vector<500x15xf32>
    %ge3A_733 = arith.cmpf oge, %slice3A_716, %ge3A_732 : vector<500x15xf32>
    %convert_element_type3A_734 = arith.extui %ge3A_733 : vector<500x15xi1> to vector<500x15xi32>
    %convert_element_type3A_735 = arith.sitofp %convert_element_type3A_734 : vector<500x15xi32> to vector<500x15xf32>
    %reduce_sum3A_736 = arith.constant dense<0.000000e+00> : vector<15xf32>
    %reduce_sum3A_737 = vector.multi_reduction <add>, %convert_element_type3A_735, %reduce_sum3A_736 [0] : vector<500x15xf32> to vector<15xf32>
    %ge3A_738 = arith.constant 1.000000e+00 : f32
    %ge3A_739 = vector.broadcast %ge3A_738 : f32 to vector<500x15xf32>
    %ge3A_740 = arith.cmpf oge, %slice3A_716, %ge3A_739 : vector<500x15xf32>
    %convert_element_type3A_741 = arith.extui %ge3A_740 : vector<500x15xi1> to vector<500x15xi32>
    %convert_element_type3A_742 = arith.sitofp %convert_element_type3A_741 : vector<500x15xi32> to vector<500x15xf32>
    %reduce_sum3A_743 = arith.constant dense<0.000000e+00> : vector<15xf32>
    %reduce_sum3A_744 = vector.multi_reduction <add>, %convert_element_type3A_742, %reduce_sum3A_743 [0] : vector<500x15xf32> to vector<15xf32>
    %sub3A_745 = arith.constant 5.000000e+02 : f32
    %sub3A_746 = vector.broadcast %sub3A_745 : f32 to vector<15xf32>
    %sub3A_747 = arith.subf %sub3A_746, %reduce_sum3A_723 : vector<15xf32>
    %sub3A_748 = arith.subf %reduce_sum3A_723, %reduce_sum3A_730 : vector<15xf32>
    %sub3A_749 = arith.subf %reduce_sum3A_730, %reduce_sum3A_737 : vector<15xf32>
    %sub3A_750 = arith.subf %reduce_sum3A_737, %reduce_sum3A_744 : vector<15xf32>
    %convert_element_type3A_751 = arith.truncf %sub3A_747 : vector<15xf32> to vector<15xbf16>
    %convert_element_type3A_752 = arith.extf %convert_element_type3A_751 : vector<15xbf16> to vector<15xf32>
    %get3A_753 = arith.constant 0 : index
    %get3A_754 = arith.constant 0 : index
    %get3A_755 = vector.load %arg4[%get3A_753, %get3A_754] : memref<1x16xf32, #tpu.memory_space<vmem>>, vector<1x1xf32>
    %get3A_756 = vector.extract %get3A_755[0, 0] : f32 from vector<1x1xf32>
    %convert_element_type3A_757 = arith.truncf %get3A_756 : f32 to bf16
    %convert_element_type3A_758 = arith.extf %convert_element_type3A_757 : bf16 to f32
    %mul3A_759 = vector.broadcast %convert_element_type3A_758 : f32 to vector<15xf32>
    %mul3A_760 = arith.mulf %convert_element_type3A_752, %mul3A_759 : vector<15xf32>
    %add3A_761 = arith.constant 0.000000e+00 : f32
    %add3A_762 = vector.broadcast %add3A_761 : f32 to vector<15xf32>
    %add3A_763 = arith.addf %add3A_762, %mul3A_760 : vector<15xf32>
    %convert_element_type3A_764 = arith.truncf %sub3A_748 : vector<15xf32> to vector<15xbf16>
    %convert_element_type3A_765 = arith.extf %convert_element_type3A_764 : vector<15xbf16> to vector<15xf32>
    %get3A_766 = arith.constant 0 : index
    %get3A_767 = arith.constant 1 : index
    %get3A_768 = vector.load %arg4[%get3A_766, %get3A_767] : memref<1x16xf32, #tpu.memory_space<vmem>>, vector<1x1xf32>
    %get3A_769 = vector.extract %get3A_768[0, 0] : f32 from vector<1x1xf32>
    %convert_element_type3A_770 = arith.truncf %get3A_769 : f32 to bf16
    %convert_element_type3A_771 = arith.extf %convert_element_type3A_770 : bf16 to f32
    %mul3A_772 = vector.broadcast %convert_element_type3A_771 : f32 to vector<15xf32>
    %mul3A_773 = arith.mulf %convert_element_type3A_765, %mul3A_772 : vector<15xf32>
    %add3A_774 = arith.addf %add3A_763, %mul3A_773 : vector<15xf32>
    %convert_element_type3A_775 = arith.truncf %sub3A_749 : vector<15xf32> to vector<15xbf16>
    %convert_element_type3A_776 = arith.extf %convert_element_type3A_775 : vector<15xbf16> to vector<15xf32>
    %get3A_777 = arith.constant 0 : index
    %get3A_778 = arith.constant 2 : index
    %get3A_779 = vector.load %arg4[%get3A_777, %get3A_778] : memref<1x16xf32, #tpu.memory_space<vmem>>, vector<1x1xf32>
    %get3A_780 = vector.extract %get3A_779[0, 0] : f32 from vector<1x1xf32>
    %convert_element_type3A_781 = arith.truncf %get3A_780 : f32 to bf16
    %convert_element_type3A_782 = arith.extf %convert_element_type3A_781 : bf16 to f32
    %mul3A_783 = vector.broadcast %convert_element_type3A_782 : f32 to vector<15xf32>
    %mul3A_784 = arith.mulf %convert_element_type3A_776, %mul3A_783 : vector<15xf32>
    %add3A_785 = arith.addf %add3A_774, %mul3A_784 : vector<15xf32>
    %convert_element_type3A_786 = arith.truncf %sub3A_750 : vector<15xf32> to vector<15xbf16>
    %convert_element_type3A_787 = arith.extf %convert_element_type3A_786 : vector<15xbf16> to vector<15xf32>
    %get3A_788 = arith.constant 0 : index
    %get3A_789 = arith.constant 3 : index
    %get3A_790 = vector.load %arg4[%get3A_788, %get3A_789] : memref<1x16xf32, #tpu.memory_space<vmem>>, vector<1x1xf32>
    %get3A_791 = vector.extract %get3A_790[0, 0] : f32 from vector<1x1xf32>
    %convert_element_type3A_792 = arith.truncf %get3A_791 : f32 to bf16
    %convert_element_type3A_793 = arith.extf %convert_element_type3A_792 : bf16 to f32
    %mul3A_794 = vector.broadcast %convert_element_type3A_793 : f32 to vector<15xf32>
    %mul3A_795 = arith.mulf %convert_element_type3A_787, %mul3A_794 : vector<15xf32>
    %add3A_796 = arith.addf %add3A_785, %mul3A_795 : vector<15xf32>
    %convert_element_type3A_797 = arith.truncf %reduce_sum3A_744 : vector<15xf32> to vector<15xbf16>
    %convert_element_type3A_798 = arith.extf %convert_element_type3A_797 : vector<15xbf16> to vector<15xf32>
    %get3A_799 = arith.constant 0 : index
    %get3A_800 = arith.constant 4 : index
    %get3A_801 = vector.load %arg4[%get3A_799, %get3A_800] : memref<1x16xf32, #tpu.memory_space<vmem>>, vector<1x1xf32>
    %get3A_802 = vector.extract %get3A_801[0, 0] : f32 from vector<1x1xf32>
    %convert_element_type3A_803 = arith.truncf %get3A_802 : f32 to bf16
    %convert_element_type3A_804 = arith.extf %convert_element_type3A_803 : bf16 to f32
    %mul3A_805 = vector.broadcast %convert_element_type3A_804 : f32 to vector<15xf32>
    %mul3A_806 = arith.mulf %convert_element_type3A_798, %mul3A_805 : vector<15xf32>
    %add3A_807 = arith.addf %add3A_796, %mul3A_806 : vector<15xf32>
    %get3A_808 = arith.constant 0 : index
    %get3A_809 = arith.constant 5 : index
    %get3A_810 = vector.load %arg4[%get3A_808, %get3A_809] : memref<1x16xf32, #tpu.memory_space<vmem>>, vector<1x1xf32>
    %get3A_811 = vector.extract %get3A_810[0, 0] : f32 from vector<1x1xf32>
    %add3A_812 = vector.broadcast %get3A_811 : f32 to vector<15xf32>
    %add3A_813 = arith.addf %add3A_807, %add3A_812 : vector<15xf32>
    %convert_element_type3A_814 = arith.truncf %add3A_813 : vector<15xf32> to vector<15xbf16>
    %convert_element_type3A_815 = arith.extf %convert_element_type3A_814 : vector<15xbf16> to vector<15xf32>
    %get3A_816 = arith.constant 0 : index
    %get3A_817 = arith.constant 6 : index
    %get3A_818 = vector.load %arg4[%get3A_816, %get3A_817] : memref<1x16xf32, #tpu.memory_space<vmem>>, vector<1x1xf32>
    %get3A_819 = vector.extract %get3A_818[0, 0] : f32 from vector<1x1xf32>
    %convert_element_type3A_820 = arith.truncf %get3A_819 : f32 to bf16
    %convert_element_type3A_821 = arith.extf %convert_element_type3A_820 : bf16 to f32
    %mul3A_822 = vector.broadcast %convert_element_type3A_821 : f32 to vector<15xf32>
    %mul3A_823 = arith.mulf %convert_element_type3A_815, %mul3A_822 : vector<15xf32>
    %get3A_824 = arith.constant 0 : index
    %get3A_825 = arith.constant 7 : index
    %get3A_826 = vector.load %arg4[%get3A_824, %get3A_825] : memref<1x16xf32, #tpu.memory_space<vmem>>, vector<1x1xf32>
    %get3A_827 = vector.extract %get3A_826[0, 0] : f32 from vector<1x1xf32>
    %add3A_828 = vector.broadcast %get3A_827 : f32 to vector<15xf32>
    %add3A_829 = arith.addf %mul3A_823, %add3A_828 : vector<15xf32>
    %mul3A_830 = arith.mulf %add3A_829, %div3A_47 : vector<15xf32>
    %reduce_sum3A_831 = vector.shape_cast %mul3A_830 : vector<15xf32> to vector<1x15xf32>
    %reduce_sum3A_832 = arith.constant dense<0.000000e+00> : vector<1xf32>
    %reduce_sum3A_833 = vector.multi_reduction <add>, %reduce_sum3A_831, %reduce_sum3A_832 [1] : vector<1x15xf32> to vector<1xf32>
    %reduce_sum3A_834 = vector.shape_cast %reduce_sum3A_833 : vector<1xf32> to vector<1x1xf32>
    %reduce_sum3A_835 = vector.extract %reduce_sum3A_834[0, 0] : f32 from vector<1x1xf32>
    %convert_element_type3A_836 = arith.truncf %reduce_sum3A_835 : f32 to bf16
    %convert_element_type3A_837 = arith.extf %convert_element_type3A_836 : bf16 to f32
    %get3A_838 = arith.constant 0 : index
    %get3A_839 = arith.constant 8 : index
    %get3A_840 = vector.load %arg4[%get3A_838, %get3A_839] : memref<1x16xf32, #tpu.memory_space<vmem>>, vector<1x1xf32>
    %get3A_841 = vector.extract %get3A_840[0, 0] : f32 from vector<1x1xf32>
    %convert_element_type3A_842 = arith.truncf %get3A_841 : f32 to bf16
    %convert_element_type3A_843 = arith.extf %convert_element_type3A_842 : bf16 to f32
    %mul3A_844 = arith.mulf %convert_element_type3A_837, %convert_element_type3A_843 : f32
    %get3A_845 = arith.constant 0 : index
    %get3A_846 = arith.constant 9 : index
    %get3A_847 = vector.load %arg4[%get3A_845, %get3A_846] : memref<1x16xf32, #tpu.memory_space<vmem>>, vector<1x1xf32>
    %get3A_848 = vector.extract %get3A_847[0, 0] : f32 from vector<1x1xf32>
    %add3A_849 = arith.addf %mul3A_844, %get3A_848 : f32
    %slice3A_850 = vector.extract_strided_slice %min3A_20 {offsets = [3000, 0], sizes = [500, 15], strides = [1, 1]} : vector<4000x15xf32> to vector<500x15xf32>
    %ge3A_851 = arith.constant -5.000000e-01 : f32
    %ge3A_852 = vector.broadcast %ge3A_851 : f32 to vector<500x15xf32>
    %ge3A_853 = arith.cmpf oge, %slice3A_850, %ge3A_852 : vector<500x15xf32>
    %convert_element_type3A_854 = arith.extui %ge3A_853 : vector<500x15xi1> to vector<500x15xi32>
    %convert_element_type3A_855 = arith.sitofp %convert_element_type3A_854 : vector<500x15xi32> to vector<500x15xf32>
    %reduce_sum3A_856 = arith.constant dense<0.000000e+00> : vector<15xf32>
    %reduce_sum3A_857 = vector.multi_reduction <add>, %convert_element_type3A_855, %reduce_sum3A_856 [0] : vector<500x15xf32> to vector<15xf32>
    %ge3A_858 = arith.constant 0.000000e+00 : f32
    %ge3A_859 = vector.broadcast %ge3A_858 : f32 to vector<500x15xf32>
    %ge3A_860 = arith.cmpf oge, %slice3A_850, %ge3A_859 : vector<500x15xf32>
    %convert_element_type3A_861 = arith.extui %ge3A_860 : vector<500x15xi1> to vector<500x15xi32>
    %convert_element_type3A_862 = arith.sitofp %convert_element_type3A_861 : vector<500x15xi32> to vector<500x15xf32>
    %reduce_sum3A_863 = arith.constant dense<0.000000e+00> : vector<15xf32>
    %reduce_sum3A_864 = vector.multi_reduction <add>, %convert_element_type3A_862, %reduce_sum3A_863 [0] : vector<500x15xf32> to vector<15xf32>
    %ge3A_865 = arith.constant 5.000000e-01 : f32
    %ge3A_866 = vector.broadcast %ge3A_865 : f32 to vector<500x15xf32>
    %ge3A_867 = arith.cmpf oge, %slice3A_850, %ge3A_866 : vector<500x15xf32>
    %convert_element_type3A_868 = arith.extui %ge3A_867 : vector<500x15xi1> to vector<500x15xi32>
    %convert_element_type3A_869 = arith.sitofp %convert_element_type3A_868 : vector<500x15xi32> to vector<500x15xf32>
    %reduce_sum3A_870 = arith.constant dense<0.000000e+00> : vector<15xf32>
    %reduce_sum3A_871 = vector.multi_reduction <add>, %convert_element_type3A_869, %reduce_sum3A_870 [0] : vector<500x15xf32> to vector<15xf32>
    %ge3A_872 = arith.constant 1.000000e+00 : f32
    %ge3A_873 = vector.broadcast %ge3A_872 : f32 to vector<500x15xf32>
    %ge3A_874 = arith.cmpf oge, %slice3A_850, %ge3A_873 : vector<500x15xf32>
    %convert_element_type3A_875 = arith.extui %ge3A_874 : vector<500x15xi1> to vector<500x15xi32>
    %convert_element_type3A_876 = arith.sitofp %convert_element_type3A_875 : vector<500x15xi32> to vector<500x15xf32>
    %reduce_sum3A_877 = arith.constant dense<0.000000e+00> : vector<15xf32>
    %reduce_sum3A_878 = vector.multi_reduction <add>, %convert_element_type3A_876, %reduce_sum3A_877 [0] : vector<500x15xf32> to vector<15xf32>
    %sub3A_879 = arith.constant 5.000000e+02 : f32
    %sub3A_880 = vector.broadcast %sub3A_879 : f32 to vector<15xf32>
    %sub3A_881 = arith.subf %sub3A_880, %reduce_sum3A_857 : vector<15xf32>
    %sub3A_882 = arith.subf %reduce_sum3A_857, %reduce_sum3A_864 : vector<15xf32>
    %sub3A_883 = arith.subf %reduce_sum3A_864, %reduce_sum3A_871 : vector<15xf32>
    %sub3A_884 = arith.subf %reduce_sum3A_871, %reduce_sum3A_878 : vector<15xf32>
    %convert_element_type3A_885 = arith.truncf %sub3A_881 : vector<15xf32> to vector<15xbf16>
    %convert_element_type3A_886 = arith.extf %convert_element_type3A_885 : vector<15xbf16> to vector<15xf32>
    %get3A_887 = arith.constant 0 : index
    %get3A_888 = arith.constant 0 : index
    %get3A_889 = vector.load %arg4[%get3A_887, %get3A_888] : memref<1x16xf32, #tpu.memory_space<vmem>>, vector<1x1xf32>
    %get3A_890 = vector.extract %get3A_889[0, 0] : f32 from vector<1x1xf32>
    %convert_element_type3A_891 = arith.truncf %get3A_890 : f32 to bf16
    %convert_element_type3A_892 = arith.extf %convert_element_type3A_891 : bf16 to f32
    %mul3A_893 = vector.broadcast %convert_element_type3A_892 : f32 to vector<15xf32>
    %mul3A_894 = arith.mulf %convert_element_type3A_886, %mul3A_893 : vector<15xf32>
    %add3A_895 = arith.constant 0.000000e+00 : f32
    %add3A_896 = vector.broadcast %add3A_895 : f32 to vector<15xf32>
    %add3A_897 = arith.addf %add3A_896, %mul3A_894 : vector<15xf32>
    %convert_element_type3A_898 = arith.truncf %sub3A_882 : vector<15xf32> to vector<15xbf16>
    %convert_element_type3A_899 = arith.extf %convert_element_type3A_898 : vector<15xbf16> to vector<15xf32>
    %get3A_900 = arith.constant 0 : index
    %get3A_901 = arith.constant 1 : index
    %get3A_902 = vector.load %arg4[%get3A_900, %get3A_901] : memref<1x16xf32, #tpu.memory_space<vmem>>, vector<1x1xf32>
    %get3A_903 = vector.extract %get3A_902[0, 0] : f32 from vector<1x1xf32>
    %convert_element_type3A_904 = arith.truncf %get3A_903 : f32 to bf16
    %convert_element_type3A_905 = arith.extf %convert_element_type3A_904 : bf16 to f32
    %mul3A_906 = vector.broadcast %convert_element_type3A_905 : f32 to vector<15xf32>
    %mul3A_907 = arith.mulf %convert_element_type3A_899, %mul3A_906 : vector<15xf32>
    %add3A_908 = arith.addf %add3A_897, %mul3A_907 : vector<15xf32>
    %convert_element_type3A_909 = arith.truncf %sub3A_883 : vector<15xf32> to vector<15xbf16>
    %convert_element_type3A_910 = arith.extf %convert_element_type3A_909 : vector<15xbf16> to vector<15xf32>
    %get3A_911 = arith.constant 0 : index
    %get3A_912 = arith.constant 2 : index
    %get3A_913 = vector.load %arg4[%get3A_911, %get3A_912] : memref<1x16xf32, #tpu.memory_space<vmem>>, vector<1x1xf32>
    %get3A_914 = vector.extract %get3A_913[0, 0] : f32 from vector<1x1xf32>
    %convert_element_type3A_915 = arith.truncf %get3A_914 : f32 to bf16
    %convert_element_type3A_916 = arith.extf %convert_element_type3A_915 : bf16 to f32
    %mul3A_917 = vector.broadcast %convert_element_type3A_916 : f32 to vector<15xf32>
    %mul3A_918 = arith.mulf %convert_element_type3A_910, %mul3A_917 : vector<15xf32>
    %add3A_919 = arith.addf %add3A_908, %mul3A_918 : vector<15xf32>
    %convert_element_type3A_920 = arith.truncf %sub3A_884 : vector<15xf32> to vector<15xbf16>
    %convert_element_type3A_921 = arith.extf %convert_element_type3A_920 : vector<15xbf16> to vector<15xf32>
    %get3A_922 = arith.constant 0 : index
    %get3A_923 = arith.constant 3 : index
    %get3A_924 = vector.load %arg4[%get3A_922, %get3A_923] : memref<1x16xf32, #tpu.memory_space<vmem>>, vector<1x1xf32>
    %get3A_925 = vector.extract %get3A_924[0, 0] : f32 from vector<1x1xf32>
    %convert_element_type3A_926 = arith.truncf %get3A_925 : f32 to bf16
    %convert_element_type3A_927 = arith.extf %convert_element_type3A_926 : bf16 to f32
    %mul3A_928 = vector.broadcast %convert_element_type3A_927 : f32 to vector<15xf32>
    %mul3A_929 = arith.mulf %convert_element_type3A_921, %mul3A_928 : vector<15xf32>
    %add3A_930 = arith.addf %add3A_919, %mul3A_929 : vector<15xf32>
    %convert_element_type3A_931 = arith.truncf %reduce_sum3A_878 : vector<15xf32> to vector<15xbf16>
    %convert_element_type3A_932 = arith.extf %convert_element_type3A_931 : vector<15xbf16> to vector<15xf32>
    %get3A_933 = arith.constant 0 : index
    %get3A_934 = arith.constant 4 : index
    %get3A_935 = vector.load %arg4[%get3A_933, %get3A_934] : memref<1x16xf32, #tpu.memory_space<vmem>>, vector<1x1xf32>
    %get3A_936 = vector.extract %get3A_935[0, 0] : f32 from vector<1x1xf32>
    %convert_element_type3A_937 = arith.truncf %get3A_936 : f32 to bf16
    %convert_element_type3A_938 = arith.extf %convert_element_type3A_937 : bf16 to f32
    %mul3A_939 = vector.broadcast %convert_element_type3A_938 : f32 to vector<15xf32>
    %mul3A_940 = arith.mulf %convert_element_type3A_932, %mul3A_939 : vector<15xf32>
    %add3A_941 = arith.addf %add3A_930, %mul3A_940 : vector<15xf32>
    %get3A_942 = arith.constant 0 : index
    %get3A_943 = arith.constant 5 : index
    %get3A_944 = vector.load %arg4[%get3A_942, %get3A_943] : memref<1x16xf32, #tpu.memory_space<vmem>>, vector<1x1xf32>
    %get3A_945 = vector.extract %get3A_944[0, 0] : f32 from vector<1x1xf32>
    %add3A_946 = vector.broadcast %get3A_945 : f32 to vector<15xf32>
    %add3A_947 = arith.addf %add3A_941, %add3A_946 : vector<15xf32>
    %convert_element_type3A_948 = arith.truncf %add3A_947 : vector<15xf32> to vector<15xbf16>
    %convert_element_type3A_949 = arith.extf %convert_element_type3A_948 : vector<15xbf16> to vector<15xf32>
    %get3A_950 = arith.constant 0 : index
    %get3A_951 = arith.constant 6 : index
    %get3A_952 = vector.load %arg4[%get3A_950, %get3A_951] : memref<1x16xf32, #tpu.memory_space<vmem>>, vector<1x1xf32>
    %get3A_953 = vector.extract %get3A_952[0, 0] : f32 from vector<1x1xf32>
    %convert_element_type3A_954 = arith.truncf %get3A_953 : f32 to bf16
    %convert_element_type3A_955 = arith.extf %convert_element_type3A_954 : bf16 to f32
    %mul3A_956 = vector.broadcast %convert_element_type3A_955 : f32 to vector<15xf32>
    %mul3A_957 = arith.mulf %convert_element_type3A_949, %mul3A_956 : vector<15xf32>
    %get3A_958 = arith.constant 0 : index
    %get3A_959 = arith.constant 7 : index
    %get3A_960 = vector.load %arg4[%get3A_958, %get3A_959] : memref<1x16xf32, #tpu.memory_space<vmem>>, vector<1x1xf32>
    %get3A_961 = vector.extract %get3A_960[0, 0] : f32 from vector<1x1xf32>
    %add3A_962 = vector.broadcast %get3A_961 : f32 to vector<15xf32>
    %add3A_963 = arith.addf %mul3A_957, %add3A_962 : vector<15xf32>
    %mul3A_964 = arith.mulf %add3A_963, %div3A_47 : vector<15xf32>
    %reduce_sum3A_965 = vector.shape_cast %mul3A_964 : vector<15xf32> to vector<1x15xf32>
    %reduce_sum3A_966 = arith.constant dense<0.000000e+00> : vector<1xf32>
    %reduce_sum3A_967 = vector.multi_reduction <add>, %reduce_sum3A_965, %reduce_sum3A_966 [1] : vector<1x15xf32> to vector<1xf32>
    %reduce_sum3A_968 = vector.shape_cast %reduce_sum3A_967 : vector<1xf32> to vector<1x1xf32>
    %reduce_sum3A_969 = vector.extract %reduce_sum3A_968[0, 0] : f32 from vector<1x1xf32>
    %convert_element_type3A_970 = arith.truncf %reduce_sum3A_969 : f32 to bf16
    %convert_element_type3A_971 = arith.extf %convert_element_type3A_970 : bf16 to f32
    %get3A_972 = arith.constant 0 : index
    %get3A_973 = arith.constant 8 : index
    %get3A_974 = vector.load %arg4[%get3A_972, %get3A_973] : memref<1x16xf32, #tpu.memory_space<vmem>>, vector<1x1xf32>
    %get3A_975 = vector.extract %get3A_974[0, 0] : f32 from vector<1x1xf32>
    %convert_element_type3A_976 = arith.truncf %get3A_975 : f32 to bf16
    %convert_element_type3A_977 = arith.extf %convert_element_type3A_976 : bf16 to f32
    %mul3A_978 = arith.mulf %convert_element_type3A_971, %convert_element_type3A_977 : f32
    %get3A_979 = arith.constant 0 : index
    %get3A_980 = arith.constant 9 : index
    %get3A_981 = vector.load %arg4[%get3A_979, %get3A_980] : memref<1x16xf32, #tpu.memory_space<vmem>>, vector<1x1xf32>
    %get3A_982 = vector.extract %get3A_981[0, 0] : f32 from vector<1x1xf32>
    %add3A_983 = arith.addf %mul3A_978, %get3A_982 : f32
    %slice3A_984 = vector.extract_strided_slice %min3A_20 {offsets = [3500, 0], sizes = [500, 15], strides = [1, 1]} : vector<4000x15xf32> to vector<500x15xf32>
    %ge3A_985 = arith.constant -5.000000e-01 : f32
    %ge3A_986 = vector.broadcast %ge3A_985 : f32 to vector<500x15xf32>
    %ge3A_987 = arith.cmpf oge, %slice3A_984, %ge3A_986 : vector<500x15xf32>
    %convert_element_type3A_988 = arith.extui %ge3A_987 : vector<500x15xi1> to vector<500x15xi32>
    %convert_element_type3A_989 = arith.sitofp %convert_element_type3A_988 : vector<500x15xi32> to vector<500x15xf32>
    %reduce_sum3A_990 = arith.constant dense<0.000000e+00> : vector<15xf32>
    %reduce_sum3A_991 = vector.multi_reduction <add>, %convert_element_type3A_989, %reduce_sum3A_990 [0] : vector<500x15xf32> to vector<15xf32>
    %ge3A_992 = arith.constant 0.000000e+00 : f32
    %ge3A_993 = vector.broadcast %ge3A_992 : f32 to vector<500x15xf32>
    %ge3A_994 = arith.cmpf oge, %slice3A_984, %ge3A_993 : vector<500x15xf32>
    %convert_element_type3A_995 = arith.extui %ge3A_994 : vector<500x15xi1> to vector<500x15xi32>
    %convert_element_type3A_996 = arith.sitofp %convert_element_type3A_995 : vector<500x15xi32> to vector<500x15xf32>
    %reduce_sum3A_997 = arith.constant dense<0.000000e+00> : vector<15xf32>
    %reduce_sum3A_998 = vector.multi_reduction <add>, %convert_element_type3A_996, %reduce_sum3A_997 [0] : vector<500x15xf32> to vector<15xf32>
    %ge3A_999 = arith.constant 5.000000e-01 : f32
    %ge3A_1000 = vector.broadcast %ge3A_999 : f32 to vector<500x15xf32>
    %ge3A_1001 = arith.cmpf oge, %slice3A_984, %ge3A_1000 : vector<500x15xf32>
    %convert_element_type3A_1002 = arith.extui %ge3A_1001 : vector<500x15xi1> to vector<500x15xi32>
    %convert_element_type3A_1003 = arith.sitofp %convert_element_type3A_1002 : vector<500x15xi32> to vector<500x15xf32>
    %reduce_sum3A_1004 = arith.constant dense<0.000000e+00> : vector<15xf32>
    %reduce_sum3A_1005 = vector.multi_reduction <add>, %convert_element_type3A_1003, %reduce_sum3A_1004 [0] : vector<500x15xf32> to vector<15xf32>
    %ge3A_1006 = arith.constant 1.000000e+00 : f32
    %ge3A_1007 = vector.broadcast %ge3A_1006 : f32 to vector<500x15xf32>
    %ge3A_1008 = arith.cmpf oge, %slice3A_984, %ge3A_1007 : vector<500x15xf32>
    %convert_element_type3A_1009 = arith.extui %ge3A_1008 : vector<500x15xi1> to vector<500x15xi32>
    %convert_element_type3A_1010 = arith.sitofp %convert_element_type3A_1009 : vector<500x15xi32> to vector<500x15xf32>
    %reduce_sum3A_1011 = arith.constant dense<0.000000e+00> : vector<15xf32>
    %reduce_sum3A_1012 = vector.multi_reduction <add>, %convert_element_type3A_1010, %reduce_sum3A_1011 [0] : vector<500x15xf32> to vector<15xf32>
    %sub3A_1013 = arith.constant 5.000000e+02 : f32
    %sub3A_1014 = vector.broadcast %sub3A_1013 : f32 to vector<15xf32>
    %sub3A_1015 = arith.subf %sub3A_1014, %reduce_sum3A_991 : vector<15xf32>
    %sub3A_1016 = arith.subf %reduce_sum3A_991, %reduce_sum3A_998 : vector<15xf32>
    %sub3A_1017 = arith.subf %reduce_sum3A_998, %reduce_sum3A_1005 : vector<15xf32>
    %sub3A_1018 = arith.subf %reduce_sum3A_1005, %reduce_sum3A_1012 : vector<15xf32>
    %convert_element_type3A_1019 = arith.truncf %sub3A_1015 : vector<15xf32> to vector<15xbf16>
    %convert_element_type3A_1020 = arith.extf %convert_element_type3A_1019 : vector<15xbf16> to vector<15xf32>
    %get3A_1021 = arith.constant 0 : index
    %get3A_1022 = arith.constant 0 : index
    %get3A_1023 = vector.load %arg4[%get3A_1021, %get3A_1022] : memref<1x16xf32, #tpu.memory_space<vmem>>, vector<1x1xf32>
    %get3A_1024 = vector.extract %get3A_1023[0, 0] : f32 from vector<1x1xf32>
    %convert_element_type3A_1025 = arith.truncf %get3A_1024 : f32 to bf16
    %convert_element_type3A_1026 = arith.extf %convert_element_type3A_1025 : bf16 to f32
    %mul3A_1027 = vector.broadcast %convert_element_type3A_1026 : f32 to vector<15xf32>
    %mul3A_1028 = arith.mulf %convert_element_type3A_1020, %mul3A_1027 : vector<15xf32>
    %add3A_1029 = arith.constant 0.000000e+00 : f32
    %add3A_1030 = vector.broadcast %add3A_1029 : f32 to vector<15xf32>
    %add3A_1031 = arith.addf %add3A_1030, %mul3A_1028 : vector<15xf32>
    %convert_element_type3A_1032 = arith.truncf %sub3A_1016 : vector<15xf32> to vector<15xbf16>
    %convert_element_type3A_1033 = arith.extf %convert_element_type3A_1032 : vector<15xbf16> to vector<15xf32>
    %get3A_1034 = arith.constant 0 : index
    %get3A_1035 = arith.constant 1 : index
    %get3A_1036 = vector.load %arg4[%get3A_1034, %get3A_1035] : memref<1x16xf32, #tpu.memory_space<vmem>>, vector<1x1xf32>
    %get3A_1037 = vector.extract %get3A_1036[0, 0] : f32 from vector<1x1xf32>
    %convert_element_type3A_1038 = arith.truncf %get3A_1037 : f32 to bf16
    %convert_element_type3A_1039 = arith.extf %convert_element_type3A_1038 : bf16 to f32
    %mul3A_1040 = vector.broadcast %convert_element_type3A_1039 : f32 to vector<15xf32>
    %mul3A_1041 = arith.mulf %convert_element_type3A_1033, %mul3A_1040 : vector<15xf32>
    %add3A_1042 = arith.addf %add3A_1031, %mul3A_1041 : vector<15xf32>
    %convert_element_type3A_1043 = arith.truncf %sub3A_1017 : vector<15xf32> to vector<15xbf16>
    %convert_element_type3A_1044 = arith.extf %convert_element_type3A_1043 : vector<15xbf16> to vector<15xf32>
    %get3A_1045 = arith.constant 0 : index
    %get3A_1046 = arith.constant 2 : index
    %get3A_1047 = vector.load %arg4[%get3A_1045, %get3A_1046] : memref<1x16xf32, #tpu.memory_space<vmem>>, vector<1x1xf32>
    %get3A_1048 = vector.extract %get3A_1047[0, 0] : f32 from vector<1x1xf32>
    %convert_element_type3A_1049 = arith.truncf %get3A_1048 : f32 to bf16
    %convert_element_type3A_1050 = arith.extf %convert_element_type3A_1049 : bf16 to f32
    %mul3A_1051 = vector.broadcast %convert_element_type3A_1050 : f32 to vector<15xf32>
    %mul3A_1052 = arith.mulf %convert_element_type3A_1044, %mul3A_1051 : vector<15xf32>
    %add3A_1053 = arith.addf %add3A_1042, %mul3A_1052 : vector<15xf32>
    %convert_element_type3A_1054 = arith.truncf %sub3A_1018 : vector<15xf32> to vector<15xbf16>
    %convert_element_type3A_1055 = arith.extf %convert_element_type3A_1054 : vector<15xbf16> to vector<15xf32>
    %get3A_1056 = arith.constant 0 : index
    %get3A_1057 = arith.constant 3 : index
    %get3A_1058 = vector.load %arg4[%get3A_1056, %get3A_1057] : memref<1x16xf32, #tpu.memory_space<vmem>>, vector<1x1xf32>
    %get3A_1059 = vector.extract %get3A_1058[0, 0] : f32 from vector<1x1xf32>
    %convert_element_type3A_1060 = arith.truncf %get3A_1059 : f32 to bf16
    %convert_element_type3A_1061 = arith.extf %convert_element_type3A_1060 : bf16 to f32
    %mul3A_1062 = vector.broadcast %convert_element_type3A_1061 : f32 to vector<15xf32>
    %mul3A_1063 = arith.mulf %convert_element_type3A_1055, %mul3A_1062 : vector<15xf32>
    %add3A_1064 = arith.addf %add3A_1053, %mul3A_1063 : vector<15xf32>
    %convert_element_type3A_1065 = arith.truncf %reduce_sum3A_1012 : vector<15xf32> to vector<15xbf16>
    %convert_element_type3A_1066 = arith.extf %convert_element_type3A_1065 : vector<15xbf16> to vector<15xf32>
    %get3A_1067 = arith.constant 0 : index
    %get3A_1068 = arith.constant 4 : index
    %get3A_1069 = vector.load %arg4[%get3A_1067, %get3A_1068] : memref<1x16xf32, #tpu.memory_space<vmem>>, vector<1x1xf32>
    %get3A_1070 = vector.extract %get3A_1069[0, 0] : f32 from vector<1x1xf32>
    %convert_element_type3A_1071 = arith.truncf %get3A_1070 : f32 to bf16
    %convert_element_type3A_1072 = arith.extf %convert_element_type3A_1071 : bf16 to f32
    %mul3A_1073 = vector.broadcast %convert_element_type3A_1072 : f32 to vector<15xf32>
    %mul3A_1074 = arith.mulf %convert_element_type3A_1066, %mul3A_1073 : vector<15xf32>
    %add3A_1075 = arith.addf %add3A_1064, %mul3A_1074 : vector<15xf32>
    %get3A_1076 = arith.constant 0 : index
    %get3A_1077 = arith.constant 5 : index
    %get3A_1078 = vector.load %arg4[%get3A_1076, %get3A_1077] : memref<1x16xf32, #tpu.memory_space<vmem>>, vector<1x1xf32>
    %get3A_1079 = vector.extract %get3A_1078[0, 0] : f32 from vector<1x1xf32>
    %add3A_1080 = vector.broadcast %get3A_1079 : f32 to vector<15xf32>
    %add3A_1081 = arith.addf %add3A_1075, %add3A_1080 : vector<15xf32>
    %convert_element_type3A_1082 = arith.truncf %add3A_1081 : vector<15xf32> to vector<15xbf16>
    %convert_element_type3A_1083 = arith.extf %convert_element_type3A_1082 : vector<15xbf16> to vector<15xf32>
    %get3A_1084 = arith.constant 0 : index
    %get3A_1085 = arith.constant 6 : index
    %get3A_1086 = vector.load %arg4[%get3A_1084, %get3A_1085] : memref<1x16xf32, #tpu.memory_space<vmem>>, vector<1x1xf32>
    %get3A_1087 = vector.extract %get3A_1086[0, 0] : f32 from vector<1x1xf32>
    %convert_element_type3A_1088 = arith.truncf %get3A_1087 : f32 to bf16
    %convert_element_type3A_1089 = arith.extf %convert_element_type3A_1088 : bf16 to f32
    %mul3A_1090 = vector.broadcast %convert_element_type3A_1089 : f32 to vector<15xf32>
    %mul3A_1091 = arith.mulf %convert_element_type3A_1083, %mul3A_1090 : vector<15xf32>
    %get3A_1092 = arith.constant 0 : index
    %get3A_1093 = arith.constant 7 : index
    %get3A_1094 = vector.load %arg4[%get3A_1092, %get3A_1093] : memref<1x16xf32, #tpu.memory_space<vmem>>, vector<1x1xf32>
    %get3A_1095 = vector.extract %get3A_1094[0, 0] : f32 from vector<1x1xf32>
    %add3A_1096 = vector.broadcast %get3A_1095 : f32 to vector<15xf32>
    %add3A_1097 = arith.addf %mul3A_1091, %add3A_1096 : vector<15xf32>
    %mul3A_1098 = arith.mulf %add3A_1097, %div3A_47 : vector<15xf32>
    %reduce_sum3A_1099 = vector.shape_cast %mul3A_1098 : vector<15xf32> to vector<1x15xf32>
    %reduce_sum3A_1100 = arith.constant dense<0.000000e+00> : vector<1xf32>
    %reduce_sum3A_1101 = vector.multi_reduction <add>, %reduce_sum3A_1099, %reduce_sum3A_1100 [1] : vector<1x15xf32> to vector<1xf32>
    %reduce_sum3A_1102 = vector.shape_cast %reduce_sum3A_1101 : vector<1xf32> to vector<1x1xf32>
    %reduce_sum3A_1103 = vector.extract %reduce_sum3A_1102[0, 0] : f32 from vector<1x1xf32>
    %convert_element_type3A_1104 = arith.truncf %reduce_sum3A_1103 : f32 to bf16
    %convert_element_type3A_1105 = arith.extf %convert_element_type3A_1104 : bf16 to f32
    %get3A_1106 = arith.constant 0 : index
    %get3A_1107 = arith.constant 8 : index
    %get3A_1108 = vector.load %arg4[%get3A_1106, %get3A_1107] : memref<1x16xf32, #tpu.memory_space<vmem>>, vector<1x1xf32>
    %get3A_1109 = vector.extract %get3A_1108[0, 0] : f32 from vector<1x1xf32>
    %convert_element_type3A_1110 = arith.truncf %get3A_1109 : f32 to bf16
    %convert_element_type3A_1111 = arith.extf %convert_element_type3A_1110 : bf16 to f32
    %mul3A_1112 = arith.mulf %convert_element_type3A_1105, %convert_element_type3A_1111 : f32
    %get3A_1113 = arith.constant 0 : index
    %get3A_1114 = arith.constant 9 : index
    %get3A_1115 = vector.load %arg4[%get3A_1113, %get3A_1114] : memref<1x16xf32, #tpu.memory_space<vmem>>, vector<1x1xf32>
    %get3A_1116 = vector.extract %get3A_1115[0, 0] : f32 from vector<1x1xf32>
    %add3A_1117 = arith.addf %mul3A_1112, %get3A_1116 : f32
    %stack3A = vector.broadcast %add3A_179 : f32 to vector<1xf32>
    %stack3A_1118 = vector.broadcast %add3A_313 : f32 to vector<1xf32>
    %stack3A_1119 = vector.broadcast %add3A_447 : f32 to vector<1xf32>
    %stack3A_1120 = vector.broadcast %add3A_581 : f32 to vector<1xf32>
    %stack3A_1121 = vector.broadcast %add3A_715 : f32 to vector<1xf32>
    %stack3A_1122 = vector.broadcast %add3A_849 : f32 to vector<1xf32>
    %stack3A_1123 = vector.broadcast %add3A_983 : f32 to vector<1xf32>
    %stack3A_1124 = vector.broadcast %add3A_1117 : f32 to vector<1xf32>
    %stack3A_1125 = tpu.concatenate %stack3A, %stack3A_1118, %stack3A_1119, %stack3A_1120, %stack3A_1121, %stack3A_1122, %stack3A_1123, %stack3A_1124 in 0 : vector<1xf32>, vector<1xf32>, vector<1xf32>, vector<1xf32>, vector<1xf32>, vector<1xf32>, vector<1xf32>, vector<1xf32> -> vector<8xf32>
    %reshape3A = vector.shape_cast %stack3A_1125 : vector<8xf32> to vector<1x1x8xf32>
    %swap3A = arith.constant 0 : index
    %swap3A_1126 = arith.constant 0 : index
    %swap3A_1127 = arith.constant 0 : index
    %swap3A_1128 = vector.load %arg5[%swap3A, %swap3A_1126, %swap3A_1127] : memref<1x1x8xf32, #tpu.memory_space<vmem>>, vector<1x1x8xf32>
    tpu.vector_store %arg5[%swap3A, %swap3A_1126, %swap3A_1127], %reshape3A {strides = array<i32>} : memref<1x1x8xf32, #tpu.memory_space<vmem>>, vector<1x1x8xf32>,
    return
  }
  func.func @transform_0(%arg0: i32) -> (i32, i32) {
    %c0_i32 = arith.constant 0 : i32
    %c0_i32_0 = arith.constant 0 : i32
    return %arg0, %c0_i32 : i32, i32
  }
  func.func @transform_1(%arg0: i32) -> (i32, i32) {
    %c0_i32 = arith.constant 0 : i32
    %c0_i32_0 = arith.constant 0 : i32
    return %arg0, %c0_i32 : i32, i32
  }
  func.func @transform_2(%arg0: i32) -> (i32, i32) {
    %c0_i32 = arith.constant 0 : i32
    %c0_i32_0 = arith.constant 0 : i32
    %c0_i32_1 = arith.constant 0 : i32
    return %c0_i32, %c0_i32_0 : i32, i32
  }
  func.func @transform_3(%arg0: i32) -> (i32, i32) {
    %c0_i32 = arith.constant 0 : i32
    %c0_i32_0 = arith.constant 0 : i32
    %c0_i32_1 = arith.constant 0 : i32
    return %c0_i32, %c0_i32_0 : i32, i32
  }
  func.func @transform_4(%arg0: i32) -> (i32, i32, i32) {
    %c0_i32 = arith.constant 0 : i32
    %c0_i32_0 = arith.constant 0 : i32
    %c0_i32_1 = arith.constant 0 : i32
    return %arg0, %c0_i32, %c0_i32_0 : i32, i32, i32
  }
}

</mosaic_0001>

<sc_bundles>
// kernel: kernel.5.cloned.1.call-start
scs
__scs_entry_jumppad:
0x0: {  	(pc) =	sbr.rel $0x88, $3  }
0x1: {  	(tag) =	ssettag $0x0;
	lr =	simm.s32 $0x1  }
0x2: {  	[smem:$0x3F96] =	sst lr;
	_ =	strace $0xD0000000  }
0x3: {  	_ = 	snop  }
0x4: {  	_ = 	snop  }
0x5: {  	_ = 	snop  }
0x6: {  	_ = 	snop  }
0x7: {  	_ = 	snop  }
__scs_overlays_trampoline_lowered:
0x8: {  	[smem:$0x3FA5] =	sst s0  }
0x9: {  	[smem:$0x3FA6] =	sst s1  }
0xa: {  	[smem:$0x3FA7] =	sst s2  }
0xb: {  	[smem:$0x3FA8] =	sst s3  }
0xc: {  	[smem:$0x3FA9] =	sst s4  }
0xd: {  	[smem:$0x3FAA] =	sst s5  }
0xe: {  	[smem:$0x3FAB] =	sst s6  }
0xf: {  	[smem:$0x3FAC] =	sst s7  }
0x10: {  	[smem:$0x3FAD] =	sst s8  }
0x11: {  	[smem:$0x3FAE] =	sst s9;
	s0 =	simm.s32 @!p0 $0x0  }
0x12: {  	s1 =	sld [smem:$0x3F94];
	s0 =	simm.s32 @p0 $0x1  }
0x13: {  	[smem:$0x3FAF] =	sst s0;
	s0 =	simm.s32 @!p1 $0x0  }
0x14: {  	s2 =	sld [smem:$0x3F93];
	s0 =	simm.s32 @p1 $0x1  }
0x15: {  	[smem:$0x3FB0] =	sst s0;
	s0 =	simm.s32 @!p2 $0x0  }
0x16: {  	s3 =	sld [smem:$0x3FDB];
	s0 =	simm.s32 @p2 $0x1  }
0x17: {  	s4 =	simm.s32 $0x1BF5;
	[smem:$0x3FB2] =	sst s0  }
0x18: {  	s0 =	sld [smem:$0x3F95];
	_ =	swait.ge [sflag:s4], $0x0  }
0x19: {  	s7 =	sld [smem:$0x3F96]  }
0x1a: {  	s8 =	sadd.s32 $0xFFFFE003, lr  }
0x1b: {  	s9 =	sadd.s32 $0xFFFFFEF7, lr;
	s5 =	simm.s32 $0xFFFFFFFF;
	p2 =	slt.u32 s8, $0xFFFFF086  }
0x1c: {  	p1 =	slt.u32 s9, $0xF7A;
	s5 =	simm.s32 @!p2 $0x0  }
0x1d: {  	s5 =	simm.s32 @p1 $0x1;
	p0 =	seq.s32 s7, s2  }
0x1e: {  	s7 =	smul.u32 @!p0 $0xF7A, s2;
	p2 =	seq.s32 @!p0 s5, $0x0  }
0x1f: {  	s9 =	smul.u32 $0xF7A, s1;
	s8 =	simm.s32 @!p0 $0x1BF5;
	p2 =	por !p2, p0  }
0x20: {  	[sflag:s8] =	ssyncset.s32 @!p0 $0xFFFFF086;
	s6 =	sadd.s32 @!p0 s3, s7;
	s7 =	simm.s32 @!p0 $0x108  }
0x21: {  	s3 =	sadd.s32 s3, s9;
	s6 =	sadd.s32 @!p0 $0x88, s6;
	s7 =	simm.s32 @p2 $0x1082  }
0x22: {  	[simem:s7], [sflag:s8] =	dma.local @!p0 [hbm:s6], $0xF7A  }
0x23: {  	s9 =	sor.u32 $0xD0000000, s2;
	s6 =	simm.s32 $0x108;
	_ =	swait.ge @!p0 [sflag:s8], $0x0  }
0x24: {  	s3 =	sadd.s32 $0x88, s3;
	s6 =	simm.s32 @!p1 $0x1082;
	[sflag:s4] =	ssyncset.s32 $0xFFFFF086  }
0x25: {  	[simem:s6], [sflag:s4] =	dma.local [hbm:s3], $0xF7A  }
0x26: {  	[smem:$0x3F96] =	sst s1;
	(tag) =	ssettag s2;
	_ =	strace s9  }
0x27: {  	s1 =	sld [smem:$0x3FA6]  }
0x28: {  	s2 =	sld [smem:$0x3FA7]  }
0x29: {  	s4 =	sld [smem:$0x3FA9]  }
0x2a: {  	p0 =	seq.s32 s5, $0x0;
	s5 =	sld [smem:$0x3FAA]  }
0x2b: {  	s6 =	sld [smem:$0x3FAB]  }
0x2c: {  	s7 =	sld [smem:$0x3FAC]  }
0x2d: {  	s3 =	simm.s32 $0x108;
	s8 =	sld [smem:$0x3FAD]  }
0x2e: {  	s3 =	simm.s32 @!p0 $0x1082;
	s9 =	sld [smem:$0x3FAE]  }
0x2f: {  	lr =	sadd.s32 s0, s3;
	s0 =	sld [smem:$0x3FA5]  }
0x30: {  	s3 =	sld [smem:$0x3FA8]  }
0x31: {  	[smem:$0x3FB1] =	sst s10  }
0x32: {  	s10 =	sld [smem:$0x3FAF];
	_ =	sdelay $0x3  }
0x33: {  	p0 =	seq.s32 s10, $0x1;
	s10 =	sld [smem:$0x3FB1];
	_ =	sdelay $0x3  }
0x34: {  	[smem:$0x3FB1] =	sst s10  }
0x35: {  	s10 =	sld [smem:$0x3FB0];
	_ =	sdelay $0x3  }
0x36: {  	p1 =	seq.s32 s10, $0x1;
	s10 =	sld [smem:$0x3FB1];
	_ =	sdelay $0x3  }
0x37: {  	[smem:$0x3FB1] =	sst s10  }
0x38: {  	s10 =	sld [smem:$0x3FB2]  }
0x39: {  	_ = 	snop;
	(pc) =	sbr.ind lr, $3  }
0x3a: {  	_ = 	snop  }
0x3b: {  	_ = 	snop  }
0x3c: {  	p2 =	seq.s32 s10, $0x1;
	s10 =	sld [smem:$0x3FB1]  }
0x3d: {  	_ =	shalt  }
0x3e: {  	_ =	shalt  }
0x3f: {  	_ =	shalt  }
0x40: {  	_ =	shalt  }
0x41: {  	_ =	shalt  }
0x42: {  	_ =	shalt  }
0x43: {  	_ =	shalt  }
0x44: {  	_ =	shalt  }
0x45: {  	_ =	shalt  }
0x46: {  	_ =	shalt  }
0x47: {  	_ =	shalt  }
0x48: {  	_ =	shalt  }
0x49: {  	_ =	shalt  }
0x4a: {  	_ =	shalt  }
0x4b: {  	_ =	shalt  }
0x4c: {  	_ =	shalt  }
0x4d: {  	_ =	shalt  }
0x4e: {  	_ =	shalt  }
0x4f: {  	_ =	shalt  }
0x50: {  	_ =	shalt  }
0x51: {  	_ =	shalt  }
0x52: {  	_ =	shalt  }
0x53: {  	_ =	shalt  }
0x54: {  	_ =	shalt  }
0x55: {  	_ =	shalt  }
0x56: {  	_ =	shalt  }
0x57: {  	_ =	shalt  }
0x58: {  	_ =	shalt  }
0x59: {  	_ =	shalt  }
0x5a: {  	_ =	shalt  }
0x5b: {  	_ =	shalt  }
0x5c: {  	_ =	shalt  }
0x5d: {  	_ =	shalt  }
0x5e: {  	_ =	shalt  }
0x5f: {  	_ =	shalt  }
0x60: {  	_ =	shalt  }
0x61: {  	_ =	shalt  }
0x62: {  	_ =	shalt  }
0x63: {  	_ =	shalt  }
0x64: {  	_ =	shalt  }
0x65: {  	_ =	shalt  }
0x66: {  	_ =	shalt  }
0x67: {  	_ =	shalt  }
0x68: {  	_ =	shalt  }
0x69: {  	_ =	shalt  }
0x6a: {  	_ =	shalt  }
0x6b: {  	_ =	shalt  }
0x6c: {  	_ =	shalt  }
0x6d: {  	_ =	shalt  }
0x6e: {  	_ =	shalt  }
0x6f: {  	_ =	shalt  }
0x70: {  	_ =	shalt  }
0x71: {  	_ =	shalt  }
0x72: {  	_ =	shalt  }
0x73: {  	_ =	shalt  }
0x74: {  	_ =	shalt  }
0x75: {  	_ =	shalt  }
0x76: {  	_ =	shalt  }
0x77: {  	_ =	shalt  }
0x78: {  	_ =	shalt  }
0x79: {  	_ =	shalt  }
0x7a: {  	_ =	shalt  }
0x7b: {  	_ =	shalt  }
0x7c: {  	_ =	shalt  }
0x7d: {  	_ =	shalt  }
0x7e: {  	_ =	shalt  }
0x7f: {  	_ =	shalt  }
0x80: {  	_ =	shalt  }
0x81: {  	_ =	shalt  }
0x82: {  	_ =	shalt  }
0x83: {  	_ =	shalt  }
0x84: {  	_ =	shalt  }
0x85: {  	_ =	shalt  }
0x86: {  	_ =	shalt  }
0x87: {  	_ =	shalt  }
.Lfunc_end0:
.L_simem_size_0:
called_computation_lowered:
.L_overlay_start_0:
0x88: {  	s2 =	sld [smem:$0x3FD9]  }
0x89: {  	s3 =	sld [smem:$0x3FFE];
	_ =	sdelay $0x1  }
0x8a: {  	s1 =	srdreg.scid  }
0x8b: {  	s0 =	sand.u32 $0x1, s1  }
0x8c: {  	s17 =	sshll.u32 s0, $0xA;
	s2 =	sadd.s32 s3, s2  }
0x8d: {  	s2 =	sadd.s32 s2, s17  }
0x8e: {  	[smem:$0x3FBD] =	sst s2  }
0x8f: {  	_ = 	snop  }
0x90: {  	s2 =	sld [smem:$0x3FD0];
	(tm) =	ssettm $0x1  }
0x91: {  	s18 =	sld [smem:$0x3FFB];
	_ =	sdelay $0x3  }
0x92: {  	_ =	strace s18  }
0x93: {  	s3 =	sld [smem:$0x3FFC];
	_ =	sdelay $0x3  }
0x94: {  	_ =	strace s3  }
0x95: {  	s3 =	sld [smem:$0x3FFD];
	_ =	sdelay $0x3  }
0x96: {  	_ =	strace s3  }
0x97: {  	_ =	strace $0x8FFFFFFF  }
0x98: {  	s19 =	sld [smem:$0x3FDB];
	_ =	sdelay $0x1  }
0x99: {  	s4 =	simm.s32 $_scs_section_size  }
0x9a: {  	s5 =	simm.s32 $_size__tile_overlayer_lowered;
	s6 =	simm.s32 $_tile_overlayer_lowered  }
0x9b: {  	s22 =	simm.s32 $0x1BFF;
	s21 =	sshll.u32 s6, $0x1;
	s3 =	sadd.s32 s4, s19  }
0x9c: {  	s7 =	simm.s32 $0x0;
	s20 =	sshll.u32 s5, $0x1;
	s5 =	sadd.s32 s21, s3  }
0x9d: {  	[timem:s7], [sflag:s22] =	dma.local [hbm:s5], s20  }
0x9e: {  	_ =	swait.ge [sflag:s22], s20  }
0x9f: {  	s4 =	ssub.s32 $0x0, s20;
	[sflag:s22] =	ssyncset.done $0x0  }
0xa0: {  	[sflag:s22] =	ssyncadd.s32 s4;
	_ =	sdelay $0x1  }
0xa1: {  	s23 =	simm.s32 $0x1B8B  }
0xa2: {  	_ =	swait.ge [sflag:s23], $0x1  }
0xa3: {  	[sflag:s23] =	ssyncset.done $0x0  }
0xa4: {  	s25 =	simm.s32 $0x1B8E;
	s24 =	sld [smem:$0x3FFE];
	[sflag:s23] =	ssyncadd.s32 $0xFFFFFFFF  }
0xa5: {  	s26 =	simm.s32 $execute0_lowered;
	[smem:$0x3FD2] =	sst s25  }
0xa6: {  	s5 =	sshll.u32 s26, $0x1;
	_ =	strace $0x80000046;
	[dreg:$0x1] =	wrdreg $0xFFFFFFFF  }
0xa7: {  	s28 =	simm.s32 $_size_execute0_lowered;
	s3 =	sadd.s32 s3, s5;
	[dreg:$0x0] =	wrdreg $0x0  }
0xa8: {  	s5 =	sshll.u32 s28, $0x1;
	[dreg:$0x2] =	wrdreg s3  }
0xa9: {  	[dreg:$0x3] =	wrdreg s5  }
0xaa: {  	[dreg:$0x4] =	wrdreg $0xC0  }
0xab: {  	_ =	task [dreg:s7], $0x5FFFF  }
0xac: {  	[dreg:$0x1] =	wrdreg $0xFFFFFFFF  }
0xad: {  	[dreg:$0x0] =	wrdreg $0x60  }
0xae: {  	[dreg:$0x2] =	wrdreg s24  }
0xaf: {  	[dreg:$0x3] =	wrdreg s2  }
0xb0: {  	[dreg:$0x4] =	wrdreg $0x9  }
0xb1: {  	_ =	task.clear_ibuf [dreg:s7], $0x5FFFF;
	_ =	strace $0x90000046  }
0xb2: {  	s29 =	simm.s32 $0x9;
	_ =	strace $0x80000048  }
0xb3: {  	_ =	swait.ge [sflag:s29], $0x1  }
0xb4: {  	[sflag:s29] =	ssyncadd.s32 $0xFFFFFFFF  }
0xb5: {  	_ =	strace $0x90000048  }
0xb6: {  	_ =	sfence  }
0xb7: {  	s30 =	sld [smem:$0x0];
	_ =	sdelay $0x2  }
0xb8: {  	s31 =	sshll.u32 s1, $0xD;
	s1 =	sshrl.u32 s1, $0x2  }
0xb9: {  	s3 =	sand.u32 $0x4000, s31;
	s1 =	sadd.s32 s1, s30  }
0xba: {  	s0 =	sor.u32 s3, s0;
	s1 =	sshll.u32 s1, $0x11  }
0xbb: {  	s0 =	sor.u32 s1, s0  }
0xbc: {  	s0 =	sadd.s32 $0x8F2B, s0  }
0xbd: {  	[sflag:s0] =	ssyncadd.remote.s32 $0x1  }
0xbe: {  	_ =	sfence.sel $0xFFFF  }
0xbf: {  	[dreg:$0x0] =	wrdreg $0xFFFFFFFF;
	(pc) =	sbr.abs _section_cstart, $3  }
0xc0: {  	[dreg:$0x1] =	wrdreg $0xFFFFFFFF  }
0xc1: {  	_ =	task.clear_ibuf [dreg:s7], $0x2FFFF;
	_ =	strace $0x9FFFFFFF  }
0xc2: {  	(tm) =	ssettm $0x7FFFFFFF  }
0xc3: {  	_ =	shalt  }
tec
execute0_lowered:
.L_overlay_start_1:
0x0: {  	(tag) =	ssettag $0x1  }
0x1: {  	s0 =	srdreg.scid;
	s17 =	stileid.u32  }
0x2: {  	s1 =	sand.u32 $0x1, s0;
	s22 =	sshll.u32 s17, $0x1  }
0x3: {  	s0 =	sor.u32 s1, s22  }
0x4: {  	s3 =	rddreg [dreg:$0x0];
	s5 =	smul.u32 $0x1F4, s0  }
0x5: {  	s4 =	rddreg [dreg:$0x1];
	s2 =	simm.s32 $0x0;
	s6 =	smul.u32 $0x260, s0  }
0x6: {  	[smem:$0x7FF] =	sst s2;
	s9 =	smul.u32 $0x128E00, s0  }
0x7: {  	s7 =	sadd.s32 $0x3A4E00, s3;
	s8 =	sshll.u32 s0, $0x1;
	s0 =	smul.u32 $0x251C0, s0  }
0x8: {  	_ =	strace $0x80000047;
	s4 =	sadd.s32 s4, s8;
	s5 =	sadd.s32 s5, s3  }
0x9: {  	s6 =	sadd.s32 s6, s3;
	[dreg:$0x4] =	wrdreg s4;
	s0 =	sadd.s32 s7, s0  }
0xa: {  	s24 =	sshrl.u32 s9, $0x3;
	s5 =	sadd.s32 $0x3A0E00, s5;
	[dreg:$0x6] =	wrdreg s0  }
0xb: {  	s23 =	sadd.s32 $0x848600, s6;
	s4 =	sadd.s32 s7, s24;
	[dreg:$0x3] =	wrdreg s5  }
0xc: {  	[dreg:$0x5] =	wrdreg s23;
	s25 =	sadd.s32 $0xBE0, s4  }
0xd: {  	s26 =	sadd.s32 $0x17C0, s4;
	[dreg:$0x7] =	wrdreg s25  }
0xe: {  	s5 =	sadd.s32 $0x23A0, s4;
	[dreg:$0x8] =	wrdreg s26  }
0xf: {  	s6 =	sadd.s32 $0x2F80, s4;
	[dreg:$0x9] =	wrdreg s5  }
0x10: {  	s7 =	sadd.s32 $0x3B60, s4;
	[dreg:$0xa] =	wrdreg s6  }
0x11: {  	s8 =	sadd.s32 $0x4740, s4;
	[dreg:$0xb] =	wrdreg s7  }
0x12: {  	s9 =	sadd.s32 $0x5320, s4;
	[dreg:$0xc] =	wrdreg s8  }
0x13: {  	s10 =	sadd.s32 $0x5F00, s4;
	[dreg:$0xd] =	wrdreg s9  }
0x14: {  	s11 =	sadd.s32 $0x6AE0, s4;
	[dreg:$0xe] =	wrdreg s10  }
0x15: {  	s12 =	sadd.s32 $0x76C0, s4;
	[dreg:$0xf] =	wrdreg s11  }
0x16: {  	s13 =	sadd.s32 $0x82A0, s4;
	[dreg:$0x10] =	wrdreg s12  }
0x17: {  	s14 =	sadd.s32 $0x8E80, s4;
	[dreg:$0x11] =	wrdreg s13  }
0x18: {  	s15 =	sadd.s32 $0x9A60, s4;
	[dreg:$0x12] =	wrdreg s14  }
0x19: {  	s16 =	sadd.s32 $0xA640, s4;
	[dreg:$0x13] =	wrdreg s15  }
0x1a: {  	s18 =	sadd.s32 $0xB220, s4;
	[dreg:$0x14] =	wrdreg s16  }
0x1b: {  	s19 =	sadd.s32 $0xBE00, s4;
	[dreg:$0x15] =	wrdreg s18  }
0x1c: {  	s20 =	sadd.s32 $0xC9E0, s4;
	[dreg:$0x16] =	wrdreg s19  }
0x1d: {  	s21 =	sadd.s32 $0xD5C0, s4;
	[dreg:$0x17] =	wrdreg s20  }
0x1e: {  	s22 =	sadd.s32 $0xE1A0, s4;
	[dreg:$0x18] =	wrdreg s21  }
0x1f: {  	s23 =	sadd.s32 $0xED80, s4;
	[dreg:$0x19] =	wrdreg s22  }
0x20: {  	s24 =	sadd.s32 $0xF960, s4;
	[dreg:$0x1a] =	wrdreg s23  }
0x21: {  	[dreg:$0x1b] =	wrdreg s24  }
0x22: {  	s25 =	sadd.s32 $0x10540, s4;
	s0 =	rddreg [dreg:$0x3]  }
0x23: {  	s26 =	sadd.s32 $0x11120, s4;
	[dreg:$0x1c] =	wrdreg s25  }
0x24: {  	s5 =	sadd.s32 $0x11D00, s4;
	[dreg:$0x1d] =	wrdreg s26  }
0x25: {  	s6 =	sadd.s32 $0x128E0, s4;
	[dreg:$0x1e] =	wrdreg s5  }
0x26: {  	s7 =	sadd.s32 $0x134C0, s4;
	[dreg:$0x1f] =	wrdreg s6  }
0x27: {  	s8 =	sadd.s32 $0x140A0, s4;
	[smem:$0x7C1] =	sst s7  }
0x28: {  	s9 =	sadd.s32 $0x14C80, s4;
	[smem:$0x7C2] =	sst s8  }
0x29: {  	s10 =	sadd.s32 $0x15860, s4;
	[smem:$0x7C3] =	sst s9  }
0x2a: {  	s11 =	sadd.s32 $0x16440, s4;
	[smem:$0x7C4] =	sst s10  }
0x2b: {  	s12 =	sadd.s32 $0x17020, s4;
	[smem:$0x7C5] =	sst s11  }
0x2c: {  	s13 =	sadd.s32 $0x17C00, s4;
	[smem:$0x7C6] =	sst s12  }
0x2d: {  	s14 =	sadd.s32 $0x187E0, s4;
	[smem:$0x7C7] =	sst s13  }
0x2e: {  	s15 =	sadd.s32 $0x193C0, s4;
	[smem:$0x7C8] =	sst s14  }
0x2f: {  	s16 =	sadd.s32 $0x19FA0, s4;
	[smem:$0x7C9] =	sst s15  }
0x30: {  	s18 =	sadd.s32 $0x1AB80, s4;
	[smem:$0x7CA] =	sst s16  }
0x31: {  	s19 =	sadd.s32 $0x1B760, s4;
	[smem:$0x7CB] =	sst s18  }
0x32: {  	s20 =	sadd.s32 $0x1C340, s4;
	[smem:$0x7CC] =	sst s19  }
0x33: {  	s21 =	sadd.s32 $0x1CF20, s4;
	[smem:$0x7CD] =	sst s20  }
0x34: {  	s22 =	sadd.s32 $0x1DB00, s4;
	[smem:$0x7CE] =	sst s21  }
0x35: {  	s23 =	sadd.s32 $0x1E6E0, s4;
	[smem:$0x7CF] =	sst s22  }
0x36: {  	s24 =	sadd.s32 $0x1F2C0, s4;
	[smem:$0x7D0] =	sst s23  }
0x37: {  	[smem:$0x7D1] =	sst s24;
	s25 =	sadd.s32 $0x1FEA0, s4  }
0x38: {  	s26 =	sadd.s32 $0x20A80, s4;
	[smem:$0x7D2] =	sst s25  }
0x39: {  	s5 =	sadd.s32 $0x21660, s4;
	[smem:$0x7D3] =	sst s26  }
0x3a: {  	s6 =	sadd.s32 $0x22240, s4;
	[smem:$0x7D4] =	sst s5  }
0x3b: {  	s7 =	sadd.s32 $0x22E20, s4;
	[smem:$0x7D5] =	sst s6  }
0x3c: {  	s8 =	sadd.s32 $0x23A00, s4;
	[smem:$0x7D6] =	sst s7  }
0x3d: {  	s9 =	sadd.s32 $0x245E0, s4;
	[smem:$0x7D7] =	sst s8  }
0x3e: {  	s10 =	simm.s32 $0x10;
	[smem:$0x7D8] =	sst s9  }
0x3f: {  	s11 =	simm.s32 $0xA0;
	[smem:$0x7D9] =	sst s10  }
0x40: {  	s12 =	simm.s32 $0xF0;
	[smem:$0x7DA] =	sst s11  }
0x41: {  	s13 =	simm.s32 $0x140;
	[smem:$0x7DB] =	sst s12  }
0x42: {  	s14 =	simm.s32 $0x190;
	[smem:$0x7DC] =	sst s13  }
0x43: {  	s15 =	simm.s32 $0x1E0;
	[smem:$0x7DD] =	sst s14  }
0x44: {  	s16 =	simm.s32 $0x230;
	[smem:$0x7DE] =	sst s15  }
0x45: {  	s18 =	simm.s32 $0x280;
	[smem:$0x7DF] =	sst s16  }
0x46: {  	s19 =	simm.s32 $0x2D0;
	[smem:$0x7E0] =	sst s18  }
0x47: {  	s20 =	simm.s32 $0x320;
	[smem:$0x7E1] =	sst s19  }
0x48: {  	s21 =	simm.s32 $0x370;
	[smem:$0x7E2] =	sst s20  }
0x49: {  	s22 =	simm.s32 $0x3C0;
	[smem:$0x7E3] =	sst s21  }
0x4a: {  	s23 =	simm.s32 $0x410;
	[smem:$0x7E4] =	sst s22  }
0x4b: {  	s24 =	simm.s32 $0x460;
	[smem:$0x7E5] =	sst s23  }
0x4c: {  	s4 =	simm.s32 $0x550;
	[smem:$0x7E6] =	sst s24  }
0x4d: {  	s25 =	simm.s32 $0x4B0;
	[smem:$0x7E9] =	sst s4  }
0x4e: {  	s30 =	simm.s32 $0x9;
	s26 =	simm.s32 $0x500;
	[smem:$0x7E7] =	sst s25  }
0x4f: {  	s31 =	simm.s32 $0xFA0;
	s5 =	simm.s32 $0x5A0;
	[smem:$0x7E8] =	sst s26  }
0x50: {  	s29 =	simm.s32 $0xC30;
	s6 =	simm.s32 $0x5F0;
	[smem:$0x7EA] =	sst s5  }
0x51: {  	s28 =	simm.s32 $0xC80;
	s7 =	simm.s32 $0x640;
	[smem:$0x7EB] =	sst s6  }
0x52: {  	p0 =	por $0x0, $0x0;
	s9 =	simm.s32 $0x690;
	[smem:$0x7EC] =	sst s7  }
0x53: {  	s1 =	ssub.s32 $0x2, s1;
	s10 =	simm.s32 $0x6E0;
	[smem:$0x7ED] =	sst s9  }
0x54: {  	s3 =	sadd.s32 $0x1200, s3;
	s11 =	simm.s32 $0x730;
	[smem:$0x7EE] =	sst s10  }
0x55: {  	s8 =	sshrl.u32 s1, $0x1;
	s12 =	simm.s32 $0x780;
	[smem:$0x7EF] =	sst s11  }
0x56: {  	s13 =	simm.s32 $0x7D0;
	s4 =	simm.s32 $0xFB0;
	[smem:$0x7F0] =	sst s12  }
0x57: {  	s14 =	simm.s32 $0x820;
	s15 =	simm.s32 $0x870;
	[smem:$0x7F1] =	sst s13  }
0x58: {  	s16 =	simm.s32 $0x8C0;
	s18 =	simm.s32 $0x910;
	[smem:$0x7F2] =	sst s14  }
0x59: {  	s19 =	simm.s32 $0x960;
	s20 =	simm.s32 $0x9B0;
	[smem:$0x7F3] =	sst s15  }
0x5a: {  	s21 =	simm.s32 $0xA00;
	s22 =	simm.s32 $0xA50;
	[smem:$0x7F4] =	sst s16  }
0x5b: {  	s23 =	simm.s32 $0xAA0;
	s24 =	simm.s32 $0xAF0;
	[smem:$0x7F5] =	sst s18  }
0x5c: {  	s1 =	ssub.s32 s1, s8;
	s5 =	simm.s32 $0x1;
	[smem:$0x7F6] =	sst s19  }
0x5d: {  	s10 =	simm.s32 $0x50;
	s6 =	simm.s32 $0x6EB0;
	[smem:$0x7F7] =	sst s20  }
0x5e: {  	s14 =	simm.s32 $0xCDB0;
	s11 =	simm.s32 $0x12CB0;
	[smem:$0x7F8] =	sst s21  }
0x5f: {  	s9 =	simm.s32 $0x2;
	s7 =	simm.s32 $0x5;
	[smem:$0x7F9] =	sst s22  }
0x60: {  	s16 =	simm.s32 $0x3;
	s8 =	simm.s32 $0x6;
	[smem:$0x7FA] =	sst s23  }
0x61: {  	s15 =	simm.s32 $0x4;
	[smem:$0x7FB] =	sst s24;
	s1 =	smax.u32 s1, $0x1  }
0x62: {  	s25 =	simm.s32 $0xB40;
	s12 =	simm.s32 $0x7;
	p1 =	sne.s32 s1, $0x1  }
.Ltmp0:
0x63: {  	s26 =	simm.s32 $0xB90;
	s13 =	simm.s32 $0x8;
	(pc) =	sbr.rel @!p1 .LBB2_1-.Ltmp0, $4  }
0x64: {  	s24 =	simm.s32 $0xD70;
	s23 =	simm.s32 $0xDC0;
	s22 =	simm.s32 $0xE10  }
0x65: {  	s21 =	simm.s32 $0xE60;
	s20 =	simm.s32 $0xEB0;
	[smem:$0x7FC] =	sst s25  }
0x66: {  	s19 =	simm.s32 $0xF00;
	s18 =	simm.s32 $0xF50;
	[smem:$0x7FD] =	sst s26  }
0x67: {  	s26 =	simm.s32 $0xCD0;
	s25 =	simm.s32 $0xD20;
	s1 =	sadd.s32 $0xFFFFFFFF, s1  }
0x68: {  	[tilespmem:s2], [sflag:$0x9] =	stream.linear.gather [hbm4b:s0+s2], $0xFA0, $0x38;
	[tilespmem:$0x18BB0] =	vst v63  }
0x69: {  	_ =	swait.ge [sflag:s30], $0xFA0  }
0x6a: {  	[sflag:s30] =	ssyncset.done $0x0  }
0x6b: {  	s17 =	rddreg [dreg:$0x4];
	[sflag:s30] =	ssyncadd.s32 $0xFFFFF060  }
0x6c: {  	[tilespmem:s31], [sflag:$0x9] =	stream.linear.gather [hbm4b:s17+s2], $0x10, $0x38;
	[tilespmem:$0x18BB0] =	vst v63  }
0x6d: {  	_ =	swait.ge [sflag:s30], $0x10  }
0x6e: {  	s17 =	sld [smem:$0x7D9]  }
0x6f: {  	[sflag:s30] =	ssyncset.done $0x0  }
0x70: {  	[sflag:s30] =	ssyncadd.s32 $0xFFFFFFF0  }
0x71: {  	[tilespmem:s4], [sflag:$0x1] =	stream.indirect.gather [hbm4b:s3+s17], $0x130, s31, s17, $0xb8;
	[tilespmem:$0x18BB0] =	vst v63  }
0x72: {  	_ =	swait.ge [sflag:s5], $0x1300  }
0x73: {  	[sflag:s5] =	ssyncset.done $0x0  }
0x74: {  	s17 =	rddreg [dreg:$0x5];
	[sflag:s5] =	ssyncadd.s32 $0xFFFFED00  }
0x75: {  	[hbm4b:s17+s2] =	stream.linear.scatter [tilespmem:s4], [sflag:$0x9], $0x1300, $0x38;
	[tilespmem:$0x18BB0] =	vst v63  }
0x76: {  	_ =	swait.ge [sflag:s30], $0x1300  }
0x77: {  	[sflag:s30] =	ssyncset.done $0x0  }
0x78: {  	[sflag:s30] =	ssyncadd.s32 $0xFFFFED00  }
0x79: {  	[tilespmem:s4], [sflag:$0x1] =	stream.indirect.gather [hbm4b:s3+s10], $0x130, s2, s10, $0xb8;
	[tilespmem:$0x18BB0] =	vst v63  }
0x7a: {  	s17 =	sld [smem:$0x7DA]  }
0x7b: {  	[tilespmem:s6], [sflag:$0x2] =	stream.indirect.gather [hbm4b:s3+s10], $0x130, s10, s10, $0xb8;
	[tilespmem:$0x18BB0] =	vst v63  }
0x7c: {  	_ = 	snop  }
0x7d: {  	[tilespmem:s14], [sflag:$0x3] =	stream.indirect.gather [hbm4b:s3+s10], $0x130, s17, s10, $0xb8;
	[tilespmem:$0x18BB0] =	vst v63  }
0x7e: {  	_ =	swait.ge [sflag:s5], $0x5F00  }
0x7f: {  	s0 =	rddreg [dreg:$0x6];
	[sflag:s5] =	ssyncset.done $0x0  }
0x80: {  	s17 =	smov.u32 s1;
	s1 =	sld [smem:$0x7DB];
	[sflag:s5] =	ssyncadd.s32 $0xFFFFA100  }
0x81: {  	[hbm4b:s0+s2] =	stream.linear.scatter [tilespmem:s4], [sflag:$0x5], $0x5F00, $0x38;
	[tilespmem:$0x18BB0] =	vst v63  }
0x82: {  	_ = 	snop  }
0x83: {  	[tilespmem:s11], [sflag:$0x4] =	stream.indirect.gather [hbm4b:s3+s10], $0x130, s1, s10, $0xb8;
	[tilespmem:$0x18BB0] =	vst v63  }
0x84: {  	_ =	swait.ge [sflag:s9], $0x5F00  }
0x85: {  	[sflag:s9] =	ssyncset.done $0x0  }
0x86: {  	s1 =	rddreg [dreg:$0x7];
	[sflag:s9] =	ssyncadd.s32 $0xFFFFA100  }
0x87: {  	[hbm4b:s1+s2] =	stream.linear.scatter [tilespmem:s6], [sflag:$0x6], $0x5F00, $0x38;
	[tilespmem:$0x18BB0] =	vst v63  }
0x88: {  	_ =	swait.ge [sflag:s7], $0x5F00  }
0x89: {  	s1 =	sld [smem:$0x7DC]  }
0x8a: {  	[sflag:s7] =	ssyncset.done $0x0  }
0x8b: {  	[sflag:s7] =	ssyncadd.s32 $0xFFFFA100  }
0x8c: {  	[tilespmem:s4], [sflag:$0x1] =	stream.indirect.gather [hbm4b:s3+s10], $0x130, s1, s10, $0xb8;
	[tilespmem:$0x18BB0] =	vst v63  }
0x8d: {  	_ =	swait.ge [sflag:s16], $0x5F00  }
0x8e: {  	[sflag:s16] =	ssyncset.done $0x0  }
0x8f: {  	s1 =	rddreg [dreg:$0x8];
	[sflag:s16] =	ssyncadd.s32 $0xFFFFA100  }
0x90: {  	[hbm4b:s1+s2] =	stream.linear.scatter [tilespmem:s14], [sflag:$0x7], $0x5F00, $0x38;
	[tilespmem:$0x18BB0] =	vst v63  }
0x91: {  	_ =	swait.ge [sflag:s8], $0x5F00  }
0x92: {  	s1 =	sld [smem:$0x7DD]  }
0x93: {  	[sflag:s8] =	ssyncset.done $0x0  }
0x94: {  	[sflag:s8] =	ssyncadd.s32 $0xFFFFA100  }
0x95: {  	[tilespmem:s6], [sflag:$0x2] =	stream.indirect.gather [hbm4b:s3+s10], $0x130, s1, s10, $0xb8;
	[tilespmem:$0x18BB0] =	vst v63  }
0x96: {  	_ =	swait.ge [sflag:s15], $0x5F00  }
0x97: {  	[sflag:s15] =	ssyncset.done $0x0  }
0x98: {  	s1 =	rddreg [dreg:$0x9];
	[sflag:s15] =	ssyncadd.s32 $0xFFFFA100  }
0x99: {  	[hbm4b:s1+s2] =	stream.linear.scatter [tilespmem:s11], [sflag:$0x8], $0x5F00, $0x38;
	[tilespmem:$0x18BB0] =	vst v63  }
0x9a: {  	_ =	swait.ge [sflag:s12], $0x5F00  }
0x9b: {  	s1 =	sld [smem:$0x7DE]  }
0x9c: {  	[sflag:s12] =	ssyncset.done $0x0  }
0x9d: {  	[sflag:s12] =	ssyncadd.s32 $0xFFFFA100  }
0x9e: {  	[tilespmem:s14], [sflag:$0x3] =	stream.indirect.gather [hbm4b:s3+s10], $0x130, s1, s10, $0xb8;
	[tilespmem:$0x18BB0] =	vst v63  }
0x9f: {  	_ =	swait.ge [sflag:s5], $0x5F00  }
0xa0: {  	[sflag:s5] =	ssyncset.done $0x0  }
0xa1: {  	s1 =	rddreg [dreg:$0xa];
	[sflag:s5] =	ssyncadd.s32 $0xFFFFA100  }
0xa2: {  	[hbm4b:s1+s2] =	stream.linear.scatter [tilespmem:s4], [sflag:$0x5], $0x5F00, $0x38;
	[tilespmem:$0x18BB0] =	vst v63  }
0xa3: {  	_ =	swait.ge [sflag:s13], $0x5F00  }
0xa4: {  	s1 =	sld [smem:$0x7DF]  }
0xa5: {  	[sflag:s13] =	ssyncset.done $0x0  }
0xa6: {  	[sflag:s13] =	ssyncadd.s32 $0xFFFFA100  }
0xa7: {  	[tilespmem:s11], [sflag:$0x4] =	stream.indirect.gather [hbm4b:s3+s10], $0x130, s1, s10, $0xb8;
	[tilespmem:$0x18BB0] =	vst v63  }
0xa8: {  	_ =	swait.ge [sflag:s9], $0x5F00  }
0xa9: {  	[sflag:s9] =	ssyncset.done $0x0  }
0xaa: {  	s1 =	rddreg [dreg:$0xb];
	[sflag:s9] =	ssyncadd.s32 $0xFFFFA100  }
0xab: {  	[hbm4b:s1+s2] =	stream.linear.scatter [tilespmem:s6], [sflag:$0x6], $0x5F00, $0x38;
	[tilespmem:$0x18BB0] =	vst v63  }
0xac: {  	_ =	swait.ge [sflag:s7], $0x5F00  }
0xad: {  	s1 =	sld [smem:$0x7E0]  }
0xae: {  	[sflag:s7] =	ssyncset.done $0x0  }
0xaf: {  	[sflag:s7] =	ssyncadd.s32 $0xFFFFA100  }
0xb0: {  	[tilespmem:s4], [sflag:$0x1] =	stream.indirect.gather [hbm4b:s3+s10], $0x130, s1, s10, $0xb8;
	[tilespmem:$0x18BB0] =	vst v63  }
0xb1: {  	_ =	swait.ge [sflag:s16], $0x5F00  }
0xb2: {  	[sflag:s16] =	ssyncset.done $0x0  }
0xb3: {  	s1 =	rddreg [dreg:$0xc];
	[sflag:s16] =	ssyncadd.s32 $0xFFFFA100  }
0xb4: {  	[hbm4b:s1+s2] =	stream.linear.scatter [tilespmem:s14], [sflag:$0x7], $0x5F00, $0x38;
	[tilespmem:$0x18BB0] =	vst v63  }
0xb5: {  	_ =	swait.ge [sflag:s8], $0x5F00  }
0xb6: {  	s1 =	sld [smem:$0x7E1]  }
0xb7: {  	[sflag:s8] =	ssyncset.done $0x0  }
0xb8: {  	[sflag:s8] =	ssyncadd.s32 $0xFFFFA100  }
0xb9: {  	[tilespmem:s6], [sflag:$0x2] =	stream.indirect.gather [hbm4b:s3+s10], $0x130, s1, s10, $0xb8;
	[tilespmem:$0x18BB0] =	vst v63  }
0xba: {  	_ =	swait.ge [sflag:s15], $0x5F00  }
0xbb: {  	[sflag:s15] =	ssyncset.done $0x0  }
0xbc: {  	s1 =	rddreg [dreg:$0xd];
	[sflag:s15] =	ssyncadd.s32 $0xFFFFA100  }
0xbd: {  	[hbm4b:s1+s2] =	stream.linear.scatter [tilespmem:s11], [sflag:$0x8], $0x5F00, $0x38;
	[tilespmem:$0x18BB0] =	vst v63  }
0xbe: {  	_ =	swait.ge [sflag:s12], $0x5F00  }
0xbf: {  	s1 =	sld [smem:$0x7E2]  }
0xc0: {  	[sflag:s12] =	ssyncset.done $0x0  }
0xc1: {  	[sflag:s12] =	ssyncadd.s32 $0xFFFFA100  }
0xc2: {  	[tilespmem:s14], [sflag:$0x3] =	stream.indirect.gather [hbm4b:s3+s10], $0x130, s1, s10, $0xb8;
	[tilespmem:$0x18BB0] =	vst v63  }
0xc3: {  	_ =	swait.ge [sflag:s5], $0x5F00  }
0xc4: {  	[sflag:s5] =	ssyncset.done $0x0  }
0xc5: {  	s1 =	rddreg [dreg:$0xe];
	[sflag:s5] =	ssyncadd.s32 $0xFFFFA100  }
0xc6: {  	[hbm4b:s1+s2] =	stream.linear.scatter [tilespmem:s4], [sflag:$0x5], $0x5F00, $0x38;
	[tilespmem:$0x18BB0] =	vst v63  }
0xc7: {  	_ =	swait.ge [sflag:s13], $0x5F00  }
0xc8: {  	s1 =	sld [smem:$0x7E3]  }
0xc9: {  	[sflag:s13] =	ssyncset.done $0x0  }
0xca: {  	[sflag:s13] =	ssyncadd.s32 $0xFFFFA100  }
0xcb: {  	[tilespmem:s11], [sflag:$0x4] =	stream.indirect.gather [hbm4b:s3+s10], $0x130, s1, s10, $0xb8;
	[tilespmem:$0x18BB0] =	vst v63  }
0xcc: {  	_ =	swait.ge [sflag:s9], $0x5F00  }
0xcd: {  	[sflag:s9] =	ssyncset.done $0x0  }
0xce: {  	s1 =	rddreg [dreg:$0xf];
	[sflag:s9] =	ssyncadd.s32 $0xFFFFA100  }
0xcf: {  	[hbm4b:s1+s2] =	stream.linear.scatter [tilespmem:s6], [sflag:$0x6], $0x5F00, $0x38;
	[tilespmem:$0x18BB0] =	vst v63  }
0xd0: {  	_ =	swait.ge [sflag:s7], $0x5F00  }
0xd1: {  	s1 =	sld [smem:$0x7E4]  }
0xd2: {  	[sflag:s7] =	ssyncset.done $0x0  }
0xd3: {  	[sflag:s7] =	ssyncadd.s32 $0xFFFFA100  }
0xd4: {  	[tilespmem:s4], [sflag:$0x1] =	stream.indirect.gather [hbm4b:s3+s10], $0x130, s1, s10, $0xb8;
	[tilespmem:$0x18BB0] =	vst v63  }
0xd5: {  	_ =	swait.ge [sflag:s16], $0x5F00  }
0xd6: {  	[sflag:s16] =	ssyncset.done $0x0  }
0xd7: {  	s1 =	rddreg [dreg:$0x10];
	[sflag:s16] =	ssyncadd.s32 $0xFFFFA100  }
0xd8: {  	[hbm4b:s1+s2] =	stream.linear.scatter [tilespmem:s14], [sflag:$0x7], $0x5F00, $0x38;
	[tilespmem:$0x18BB0] =	vst v63  }
0xd9: {  	_ =	swait.ge [sflag:s8], $0x5F00  }
0xda: {  	s1 =	sld [smem:$0x7E5]  }
0xdb: {  	[sflag:s8] =	ssyncset.done $0x0  }
0xdc: {  	[sflag:s8] =	ssyncadd.s32 $0xFFFFA100  }
0xdd: {  	[tilespmem:s6], [sflag:$0x2] =	stream.indirect.gather [hbm4b:s3+s10], $0x130, s1, s10, $0xb8;
	[tilespmem:$0x18BB0] =	vst v63  }
0xde: {  	_ =	swait.ge [sflag:s15], $0x5F00  }
0xdf: {  	[sflag:s15] =	ssyncset.done $0x0  }
0xe0: {  	s1 =	rddreg [dreg:$0x11];
	[sflag:s15] =	ssyncadd.s32 $0xFFFFA100  }
0xe1: {  	[hbm4b:s1+s2] =	stream.linear.scatter [tilespmem:s11], [sflag:$0x8], $0x5F00, $0x38;
	[tilespmem:$0x18BB0] =	vst v63  }
0xe2: {  	_ =	swait.ge [sflag:s12], $0x5F00  }
0xe3: {  	s1 =	sld [smem:$0x7E6]  }
0xe4: {  	[sflag:s12] =	ssyncset.done $0x0  }
0xe5: {  	[sflag:s12] =	ssyncadd.s32 $0xFFFFA100  }
0xe6: {  	[tilespmem:s14], [sflag:$0x3] =	stream.indirect.gather [hbm4b:s3+s10], $0x130, s1, s10, $0xb8;
	[tilespmem:$0x18BB0] =	vst v63  }
0xe7: {  	_ =	swait.ge [sflag:s5], $0x5F00  }
0xe8: {  	[sflag:s5] =	ssyncset.done $0x0  }
0xe9: {  	s1 =	rddreg [dreg:$0x12];
	[sflag:s5] =	ssyncadd.s32 $0xFFFFA100  }
0xea: {  	[hbm4b:s1+s2] =	stream.linear.scatter [tilespmem:s4], [sflag:$0x5], $0x5F00, $0x38;
	[tilespmem:$0x18BB0] =	vst v63  }
0xeb: {  	_ =	swait.ge [sflag:s13], $0x5F00  }
0xec: {  	s1 =	sld [smem:$0x7E7]  }
0xed: {  	[sflag:s13] =	ssyncset.done $0x0  }
0xee: {  	[sflag:s13] =	ssyncadd.s32 $0xFFFFA100  }
0xef: {  	[tilespmem:s11], [sflag:$0x4] =	stream.indirect.gather [hbm4b:s3+s10], $0x130, s1, s10, $0xb8;
	[tilespmem:$0x18BB0] =	vst v63  }
0xf0: {  	_ =	swait.ge [sflag:s9], $0x5F00  }
0xf1: {  	[sflag:s9] =	ssyncset.done $0x0  }
0xf2: {  	s1 =	rddreg [dreg:$0x13];
	[sflag:s9] =	ssyncadd.s32 $0xFFFFA100  }
0xf3: {  	[hbm4b:s1+s2] =	stream.linear.scatter [tilespmem:s6], [sflag:$0x6], $0x5F00, $0x38;
	[tilespmem:$0x18BB0] =	vst v63  }
0xf4: {  	_ =	swait.ge [sflag:s7], $0x5F00  }
0xf5: {  	s1 =	sld [smem:$0x7E8]  }
0xf6: {  	[sflag:s7] =	ssyncset.done $0x0  }
0xf7: {  	[sflag:s7] =	ssyncadd.s32 $0xFFFFA100  }
0xf8: {  	[tilespmem:s4], [sflag:$0x1] =	stream.indirect.gather [hbm4b:s3+s10], $0x130, s1, s10, $0xb8;
	[tilespmem:$0x18BB0] =	vst v63  }
0xf9: {  	_ =	swait.ge [sflag:s16], $0x5F00  }
0xfa: {  	[sflag:s16] =	ssyncset.done $0x0  }
0xfb: {  	s1 =	rddreg [dreg:$0x14];
	[sflag:s16] =	ssyncadd.s32 $0xFFFFA100  }
0xfc: {  	[hbm4b:s1+s2] =	stream.linear.scatter [tilespmem:s14], [sflag:$0x7], $0x5F00, $0x38;
	[tilespmem:$0x18BB0] =	vst v63  }
0xfd: {  	_ =	swait.ge [sflag:s8], $0x5F00  }
0xfe: {  	s1 =	sld [smem:$0x7E9]  }
0xff: {  	[sflag:s8] =	ssyncset.done $0x0  }
0x100: {  	[sflag:s8] =	ssyncadd.s32 $0xFFFFA100  }
0x101: {  	[tilespmem:s6], [sflag:$0x2] =	stream.indirect.gather [hbm4b:s3+s10], $0x130, s1, s10, $0xb8;
	[tilespmem:$0x18BB0] =	vst v63  }
0x102: {  	_ =	swait.ge [sflag:s15], $0x5F00  }
0x103: {  	[sflag:s15] =	ssyncset.done $0x0  }
0x104: {  	s1 =	rddreg [dreg:$0x15];
	[sflag:s15] =	ssyncadd.s32 $0xFFFFA100  }
0x105: {  	[hbm4b:s1+s2] =	stream.linear.scatter [tilespmem:s11], [sflag:$0x8], $0x5F00, $0x38;
	[tilespmem:$0x18BB0] =	vst v63  }
0x106: {  	_ =	swait.ge [sflag:s12], $0x5F00  }
0x107: {  	s1 =	sld [smem:$0x7EA]  }
0x108: {  	[sflag:s12] =	ssyncset.done $0x0  }
0x109: {  	[sflag:s12] =	ssyncadd.s32 $0xFFFFA100  }
0x10a: {  	[tilespmem:s14], [sflag:$0x3] =	stream.indirect.gather [hbm4b:s3+s10], $0x130, s1, s10, $0xb8;
	[tilespmem:$0x18BB0] =	vst v63  }
0x10b: {  	_ =	swait.ge [sflag:s5], $0x5F00  }
0x10c: {  	[sflag:s5] =	ssyncset.done $0x0  }
0x10d: {  	s1 =	rddreg [dreg:$0x16];
	[sflag:s5] =	ssyncadd.s32 $0xFFFFA100  }
0x10e: {  	[hbm4b:s1+s2] =	stream.linear.scatter [tilespmem:s4], [sflag:$0x5], $0x5F00, $0x38;
	[tilespmem:$0x18BB0] =	vst v63  }
0x10f: {  	_ =	swait.ge [sflag:s13], $0x5F00  }
0x110: {  	s1 =	sld [smem:$0x7EB]  }
0x111: {  	[sflag:s13] =	ssyncset.done $0x0  }
0x112: {  	[sflag:s13] =	ssyncadd.s32 $0xFFFFA100  }
0x113: {  	[tilespmem:s11], [sflag:$0x4] =	stream.indirect.gather [hbm4b:s3+s10], $0x130, s1, s10, $0xb8;
	[tilespmem:$0x18BB0] =	vst v63  }
0x114: {  	_ =	swait.ge [sflag:s9], $0x5F00  }
0x115: {  	[sflag:s9] =	ssyncset.done $0x0  }
0x116: {  	s1 =	rddreg [dreg:$0x17];
	[sflag:s9] =	ssyncadd.s32 $0xFFFFA100  }
0x117: {  	[hbm4b:s1+s2] =	stream.linear.scatter [tilespmem:s6], [sflag:$0x6], $0x5F00, $0x38;
	[tilespmem:$0x18BB0] =	vst v63  }
0x118: {  	_ =	swait.ge [sflag:s7], $0x5F00  }
0x119: {  	s1 =	sld [smem:$0x7EC]  }
0x11a: {  	[sflag:s7] =	ssyncset.done $0x0  }
0x11b: {  	[sflag:s7] =	ssyncadd.s32 $0xFFFFA100  }
0x11c: {  	[tilespmem:s4], [sflag:$0x1] =	stream.indirect.gather [hbm4b:s3+s10], $0x130, s1, s10, $0xb8;
	[tilespmem:$0x18BB0] =	vst v63  }
0x11d: {  	_ =	swait.ge [sflag:s16], $0x5F00  }
0x11e: {  	[sflag:s16] =	ssyncset.done $0x0  }
0x11f: {  	s1 =	rddreg [dreg:$0x18];
	[sflag:s16] =	ssyncadd.s32 $0xFFFFA100  }
0x120: {  	[hbm4b:s1+s2] =	stream.linear.scatter [tilespmem:s14], [sflag:$0x7], $0x5F00, $0x38;
	[tilespmem:$0x18BB0] =	vst v63  }
0x121: {  	_ =	swait.ge [sflag:s8], $0x5F00  }
0x122: {  	s1 =	sld [smem:$0x7ED]  }
0x123: {  	[sflag:s8] =	ssyncset.done $0x0  }
0x124: {  	[sflag:s8] =	ssyncadd.s32 $0xFFFFA100  }
0x125: {  	[tilespmem:s6], [sflag:$0x2] =	stream.indirect.gather [hbm4b:s3+s10], $0x130, s1, s10, $0xb8;
	[tilespmem:$0x18BB0] =	vst v63  }
0x126: {  	_ =	swait.ge [sflag:s15], $0x5F00  }
0x127: {  	[sflag:s15] =	ssyncset.done $0x0  }
0x128: {  	s1 =	rddreg [dreg:$0x19];
	[sflag:s15] =	ssyncadd.s32 $0xFFFFA100  }
0x129: {  	[hbm4b:s1+s2] =	stream.linear.scatter [tilespmem:s11], [sflag:$0x8], $0x5F00, $0x38;
	[tilespmem:$0x18BB0] =	vst v63  }
0x12a: {  	_ =	swait.ge [sflag:s12], $0x5F00  }
0x12b: {  	s1 =	sld [smem:$0x7EE]  }
0x12c: {  	[sflag:s12] =	ssyncset.done $0x0  }
0x12d: {  	[sflag:s12] =	ssyncadd.s32 $0xFFFFA100  }
0x12e: {  	[tilespmem:s14], [sflag:$0x3] =	stream.indirect.gather [hbm4b:s3+s10], $0x130, s1, s10, $0xb8;
	[tilespmem:$0x18BB0] =	vst v63  }
0x12f: {  	_ =	swait.ge [sflag:s5], $0x5F00  }
0x130: {  	[sflag:s5] =	ssyncset.done $0x0  }
0x131: {  	s1 =	rddreg [dreg:$0x1a];
	[sflag:s5] =	ssyncadd.s32 $0xFFFFA100  }
0x132: {  	[hbm4b:s1+s2] =	stream.linear.scatter [tilespmem:s4], [sflag:$0x5], $0x5F00, $0x38;
	[tilespmem:$0x18BB0] =	vst v63  }
0x133: {  	_ =	swait.ge [sflag:s13], $0x5F00  }
0x134: {  	s1 =	sld [smem:$0x7EF]  }
0x135: {  	[sflag:s13] =	ssyncset.done $0x0  }
0x136: {  	[sflag:s13] =	ssyncadd.s32 $0xFFFFA100  }
0x137: {  	[tilespmem:s11], [sflag:$0x4] =	stream.indirect.gather [hbm4b:s3+s10], $0x130, s1, s10, $0xb8;
	[tilespmem:$0x18BB0] =	vst v63  }
0x138: {  	_ =	swait.ge [sflag:s9], $0x5F00  }
0x139: {  	[sflag:s9] =	ssyncset.done $0x0  }
0x13a: {  	s1 =	rddreg [dreg:$0x1b];
	[sflag:s9] =	ssyncadd.s32 $0xFFFFA100  }
0x13b: {  	[hbm4b:s1+s2] =	stream.linear.scatter [tilespmem:s6], [sflag:$0x6], $0x5F00, $0x38;
	[tilespmem:$0x18BB0] =	vst v63  }
0x13c: {  	_ =	swait.ge [sflag:s7], $0x5F00  }
0x13d: {  	s1 =	sld [smem:$0x7F0]  }
0x13e: {  	[sflag:s7] =	ssyncset.done $0x0  }
0x13f: {  	[sflag:s7] =	ssyncadd.s32 $0xFFFFA100  }
0x140: {  	[tilespmem:s4], [sflag:$0x1] =	stream.indirect.gather [hbm4b:s3+s10], $0x130, s1, s10, $0xb8;
	[tilespmem:$0x18BB0] =	vst v63  }
0x141: {  	_ =	swait.ge [sflag:s16], $0x5F00  }
0x142: {  	[sflag:s16] =	ssyncset.done $0x0  }
0x143: {  	s1 =	rddreg [dreg:$0x1c];
	[sflag:s16] =	ssyncadd.s32 $0xFFFFA100  }
0x144: {  	[hbm4b:s1+s2] =	stream.linear.scatter [tilespmem:s14], [sflag:$0x7], $0x5F00, $0x38;
	[tilespmem:$0x18BB0] =	vst v63  }
0x145: {  	_ =	swait.ge [sflag:s8], $0x5F00  }
0x146: {  	s1 =	sld [smem:$0x7F1]  }
0x147: {  	[sflag:s8] =	ssyncset.done $0x0  }
0x148: {  	[sflag:s8] =	ssyncadd.s32 $0xFFFFA100  }
0x149: {  	[tilespmem:s6], [sflag:$0x2] =	stream.indirect.gather [hbm4b:s3+s10], $0x130, s1, s10, $0xb8;
	[tilespmem:$0x18BB0] =	vst v63  }
0x14a: {  	_ =	swait.ge [sflag:s15], $0x5F00  }
0x14b: {  	[sflag:s15] =	ssyncset.done $0x0  }
0x14c: {  	s1 =	rddreg [dreg:$0x1d];
	[sflag:s15] =	ssyncadd.s32 $0xFFFFA100  }
0x14d: {  	[hbm4b:s1+s2] =	stream.linear.scatter [tilespmem:s11], [sflag:$0x8], $0x5F00, $0x38;
	[tilespmem:$0x18BB0] =	vst v63  }
0x14e: {  	_ =	swait.ge [sflag:s12], $0x5F00  }
0x14f: {  	s1 =	sld [smem:$0x7F2]  }
0x150: {  	[sflag:s12] =	ssyncset.done $0x0  }
0x151: {  	[sflag:s12] =	ssyncadd.s32 $0xFFFFA100  }
0x152: {  	[tilespmem:s14], [sflag:$0x3] =	stream.indirect.gather [hbm4b:s3+s10], $0x130, s1, s10, $0xb8;
	[tilespmem:$0x18BB0] =	vst v63  }
0x153: {  	_ =	swait.ge [sflag:s5], $0x5F00  }
0x154: {  	[sflag:s5] =	ssyncset.done $0x0  }
0x155: {  	s1 =	rddreg [dreg:$0x1e];
	[sflag:s5] =	ssyncadd.s32 $0xFFFFA100  }
0x156: {  	[hbm4b:s1+s2] =	stream.linear.scatter [tilespmem:s4], [sflag:$0x5], $0x5F00, $0x38;
	[tilespmem:$0x18BB0] =	vst v63  }
0x157: {  	_ =	swait.ge [sflag:s13], $0x5F00  }
0x158: {  	s1 =	sld [smem:$0x7F3]  }
0x159: {  	[sflag:s13] =	ssyncset.done $0x0  }
0x15a: {  	[sflag:s13] =	ssyncadd.s32 $0xFFFFA100  }
0x15b: {  	[tilespmem:s11], [sflag:$0x4] =	stream.indirect.gather [hbm4b:s3+s10], $0x130, s1, s10, $0xb8;
	[tilespmem:$0x18BB0] =	vst v63  }
0x15c: {  	_ =	swait.ge [sflag:s9], $0x5F00  }
0x15d: {  	[sflag:s9] =	ssyncset.done $0x0  }
0x15e: {  	s1 =	rddreg [dreg:$0x1f];
	[sflag:s9] =	ssyncadd.s32 $0xFFFFA100  }
0x15f: {  	[hbm4b:s1+s2] =	stream.linear.scatter [tilespmem:s6], [sflag:$0x6], $0x5F00, $0x38;
	[tilespmem:$0x18BB0] =	vst v63  }
0x160: {  	_ =	swait.ge [sflag:s7], $0x5F00  }
0x161: {  	s1 =	sld [smem:$0x7F4]  }
0x162: {  	[sflag:s7] =	ssyncset.done $0x0  }
0x163: {  	[sflag:s7] =	ssyncadd.s32 $0xFFFFA100  }
0x164: {  	[tilespmem:s4], [sflag:$0x1] =	stream.indirect.gather [hbm4b:s3+s10], $0x130, s1, s10, $0xb8;
	[tilespmem:$0x18BB0] =	vst v63  }
0x165: {  	_ =	swait.ge [sflag:s16], $0x5F00  }
0x166: {  	s1 =	sld [smem:$0x7C1]  }
0x167: {  	[sflag:s16] =	ssyncset.done $0x0  }
0x168: {  	[sflag:s16] =	ssyncadd.s32 $0xFFFFA100  }
0x169: {  	[hbm4b:s1+s2] =	stream.linear.scatter [tilespmem:s14], [sflag:$0x7], $0x5F00, $0x38;
	[tilespmem:$0x18BB0] =	vst v63  }
0x16a: {  	_ =	swait.ge [sflag:s8], $0x5F00  }
0x16b: {  	s1 =	sld [smem:$0x7F5]  }
0x16c: {  	[sflag:s8] =	ssyncset.done $0x0  }
0x16d: {  	[sflag:s8] =	ssyncadd.s32 $0xFFFFA100  }
0x16e: {  	[tilespmem:s6], [sflag:$0x2] =	stream.indirect.gather [hbm4b:s3+s10], $0x130, s1, s10, $0xb8;
	[tilespmem:$0x18BB0] =	vst v63  }
0x16f: {  	_ =	swait.ge [sflag:s15], $0x5F00  }
0x170: {  	s1 =	sld [smem:$0x7C2]  }
0x171: {  	[sflag:s15] =	ssyncset.done $0x0  }
0x172: {  	[sflag:s15] =	ssyncadd.s32 $0xFFFFA100  }
0x173: {  	[hbm4b:s1+s2] =	stream.linear.scatter [tilespmem:s11], [sflag:$0x8], $0x5F00, $0x38;
	[tilespmem:$0x18BB0] =	vst v63  }
0x174: {  	_ =	swait.ge [sflag:s12], $0x5F00  }
0x175: {  	s1 =	sld [smem:$0x7F6]  }
0x176: {  	[sflag:s12] =	ssyncset.done $0x0  }
0x177: {  	[sflag:s12] =	ssyncadd.s32 $0xFFFFA100  }
0x178: {  	[tilespmem:s14], [sflag:$0x3] =	stream.indirect.gather [hbm4b:s3+s10], $0x130, s1, s10, $0xb8;
	[tilespmem:$0x18BB0] =	vst v63  }
0x179: {  	_ =	swait.ge [sflag:s5], $0x5F00  }
0x17a: {  	s1 =	sld [smem:$0x7C3]  }
0x17b: {  	[sflag:s5] =	ssyncset.done $0x0  }
0x17c: {  	[sflag:s5] =	ssyncadd.s32 $0xFFFFA100  }
0x17d: {  	[hbm4b:s1+s2] =	stream.linear.scatter [tilespmem:s4], [sflag:$0x5], $0x5F00, $0x38;
	[tilespmem:$0x18BB0] =	vst v63  }
0x17e: {  	_ =	swait.ge [sflag:s13], $0x5F00  }
0x17f: {  	s1 =	sld [smem:$0x7F7]  }
0x180: {  	[sflag:s13] =	ssyncset.done $0x0  }
0x181: {  	[sflag:s13] =	ssyncadd.s32 $0xFFFFA100  }
0x182: {  	[tilespmem:s11], [sflag:$0x4] =	stream.indirect.gather [hbm4b:s3+s10], $0x130, s1, s10, $0xb8;
	[tilespmem:$0x18BB0] =	vst v63  }
0x183: {  	_ =	swait.ge [sflag:s9], $0x5F00  }
0x184: {  	s1 =	sld [smem:$0x7C4]  }
0x185: {  	[sflag:s9] =	ssyncset.done $0x0  }
0x186: {  	[sflag:s9] =	ssyncadd.s32 $0xFFFFA100  }
0x187: {  	[hbm4b:s1+s2] =	stream.linear.scatter [tilespmem:s6], [sflag:$0x6], $0x5F00, $0x38;
	[tilespmem:$0x18BB0] =	vst v63  }
0x188: {  	_ =	swait.ge [sflag:s7], $0x5F00  }
0x189: {  	s1 =	sld [smem:$0x7F8]  }
0x18a: {  	[sflag:s7] =	ssyncset.done $0x0  }
0x18b: {  	[sflag:s7] =	ssyncadd.s32 $0xFFFFA100  }
0x18c: {  	[tilespmem:s4], [sflag:$0x1] =	stream.indirect.gather [hbm4b:s3+s10], $0x130, s1, s10, $0xb8;
	[tilespmem:$0x18BB0] =	vst v63  }
0x18d: {  	_ =	swait.ge [sflag:s16], $0x5F00  }
0x18e: {  	s1 =	sld [smem:$0x7C5]  }
0x18f: {  	[sflag:s16] =	ssyncset.done $0x0  }
0x190: {  	[sflag:s16] =	ssyncadd.s32 $0xFFFFA100  }
0x191: {  	[hbm4b:s1+s2] =	stream.linear.scatter [tilespmem:s14], [sflag:$0x7], $0x5F00, $0x38;
	[tilespmem:$0x18BB0] =	vst v63  }
0x192: {  	_ =	swait.ge [sflag:s8], $0x5F00  }
0x193: {  	s1 =	sld [smem:$0x7F9]  }
0x194: {  	[sflag:s8] =	ssyncset.done $0x0  }
0x195: {  	[sflag:s8] =	ssyncadd.s32 $0xFFFFA100  }
0x196: {  	[tilespmem:s6], [sflag:$0x2] =	stream.indirect.gather [hbm4b:s3+s10], $0x130, s1, s10, $0xb8;
	[tilespmem:$0x18BB0] =	vst v63  }
0x197: {  	_ =	swait.ge [sflag:s15], $0x5F00  }
0x198: {  	s1 =	sld [smem:$0x7C6]  }
0x199: {  	[sflag:s15] =	ssyncset.done $0x0  }
0x19a: {  	[sflag:s15] =	ssyncadd.s32 $0xFFFFA100  }
0x19b: {  	[hbm4b:s1+s2] =	stream.linear.scatter [tilespmem:s11], [sflag:$0x8], $0x5F00, $0x38;
	[tilespmem:$0x18BB0] =	vst v63  }
0x19c: {  	_ =	swait.ge [sflag:s12], $0x5F00  }
0x19d: {  	s1 =	sld [smem:$0x7FA]  }
0x19e: {  	[sflag:s12] =	ssyncset.done $0x0  }
0x19f: {  	[sflag:s12] =	ssyncadd.s32 $0xFFFFA100  }
0x1a0: {  	[tilespmem:s14], [sflag:$0x3] =	stream.indirect.gather [hbm4b:s3+s10], $0x130, s1, s10, $0xb8;
	[tilespmem:$0x18BB0] =	vst v63  }
0x1a1: {  	_ =	swait.ge [sflag:s5], $0x5F00  }
0x1a2: {  	s1 =	sld [smem:$0x7C7]  }
0x1a3: {  	[sflag:s5] =	ssyncset.done $0x0  }
0x1a4: {  	[sflag:s5] =	ssyncadd.s32 $0xFFFFA100  }
0x1a5: {  	[hbm4b:s1+s2] =	stream.linear.scatter [tilespmem:s4], [sflag:$0x5], $0x5F00, $0x38;
	[tilespmem:$0x18BB0] =	vst v63  }
0x1a6: {  	_ =	swait.ge [sflag:s13], $0x5F00  }
0x1a7: {  	s1 =	sld [smem:$0x7FB]  }
0x1a8: {  	[sflag:s13] =	ssyncset.done $0x0  }
0x1a9: {  	[sflag:s13] =	ssyncadd.s32 $0xFFFFA100  }
0x1aa: {  	[tilespmem:s11], [sflag:$0x4] =	stream.indirect.gather [hbm4b:s3+s10], $0x130, s1, s10, $0xb8;
	[tilespmem:$0x18BB0] =	vst v63  }
0x1ab: {  	_ =	swait.ge [sflag:s9], $0x5F00  }
0x1ac: {  	s1 =	sld [smem:$0x7C8]  }
0x1ad: {  	[sflag:s9] =	ssyncset.done $0x0  }
0x1ae: {  	[sflag:s9] =	ssyncadd.s32 $0xFFFFA100  }
0x1af: {  	[hbm4b:s1+s2] =	stream.linear.scatter [tilespmem:s6], [sflag:$0x6], $0x5F00, $0x38;
	[tilespmem:$0x18BB0] =	vst v63  }
0x1b0: {  	_ =	swait.ge [sflag:s7], $0x5F00  }
0x1b1: {  	s1 =	sld [smem:$0x7FC]  }
0x1b2: {  	[sflag:s7] =	ssyncset.done $0x0  }
0x1b3: {  	[sflag:s7] =	ssyncadd.s32 $0xFFFFA100  }
0x1b4: {  	[tilespmem:s4], [sflag:$0x1] =	stream.indirect.gather [hbm4b:s3+s10], $0x130, s1, s10, $0xb8;
	[tilespmem:$0x18BB0] =	vst v63  }
0x1b5: {  	_ =	swait.ge [sflag:s16], $0x5F00  }
0x1b6: {  	s1 =	sld [smem:$0x7C9]  }
0x1b7: {  	[sflag:s16] =	ssyncset.done $0x0  }
0x1b8: {  	[sflag:s16] =	ssyncadd.s32 $0xFFFFA100  }
0x1b9: {  	[hbm4b:s1+s2] =	stream.linear.scatter [tilespmem:s14], [sflag:$0x7], $0x5F00, $0x38;
	[tilespmem:$0x18BB0] =	vst v63  }
0x1ba: {  	_ =	swait.ge [sflag:s8], $0x5F00  }
0x1bb: {  	s1 =	sld [smem:$0x7FD]  }
0x1bc: {  	[sflag:s8] =	ssyncset.done $0x0  }
0x1bd: {  	[sflag:s8] =	ssyncadd.s32 $0xFFFFA100  }
0x1be: {  	[tilespmem:s6], [sflag:$0x2] =	stream.indirect.gather [hbm4b:s3+s10], $0x130, s1, s10, $0xb8;
	[tilespmem:$0x18BB0] =	vst v63  }
0x1bf: {  	_ =	swait.ge [sflag:s15], $0x5F00  }
0x1c0: {  	s1 =	sld [smem:$0x7CA]  }
0x1c1: {  	[sflag:s15] =	ssyncset.done $0x0  }
0x1c2: {  	[sflag:s15] =	ssyncadd.s32 $0xFFFFA100  }
0x1c3: {  	[hbm4b:s1+s2] =	stream.linear.scatter [tilespmem:s11], [sflag:$0x8], $0x5F00, $0x38;
	[tilespmem:$0x18BB0] =	vst v63  }
0x1c4: {  	_ =	swait.ge [sflag:s12], $0x5F00  }
0x1c5: {  	[sflag:s12] =	ssyncset.done $0x0  }
0x1c6: {  	s1 =	simm.s32 $0xBE0;
	[sflag:s12] =	ssyncadd.s32 $0xFFFFA100  }
0x1c7: {  	[tilespmem:s14], [sflag:$0x3] =	stream.indirect.gather [hbm4b:s3+s10], $0x130, s1, s10, $0xb8;
	[tilespmem:$0x18BB0] =	vst v63  }
0x1c8: {  	_ =	swait.ge [sflag:s5], $0x5F00  }
0x1c9: {  	s1 =	sld [smem:$0x7CB]  }
0x1ca: {  	[sflag:s5] =	ssyncset.done $0x0  }
0x1cb: {  	[sflag:s5] =	ssyncadd.s32 $0xFFFFA100  }
0x1cc: {  	[hbm4b:s1+s2] =	stream.linear.scatter [tilespmem:s4], [sflag:$0x5], $0x5F00, $0x38;
	[tilespmem:$0x18BB0] =	vst v63  }
0x1cd: {  	_ =	swait.ge [sflag:s13], $0x5F00  }
0x1ce: {  	[sflag:s13] =	ssyncset.done $0x0  }
0x1cf: {  	[sflag:s13] =	ssyncadd.s32 $0xFFFFA100  }
0x1d0: {  	[tilespmem:s11], [sflag:$0x4] =	stream.indirect.gather [hbm4b:s3+s10], $0x130, s29, s10, $0xb8;
	[tilespmem:$0x18BB0] =	vst v63  }
0x1d1: {  	_ =	swait.ge [sflag:s9], $0x5F00  }
0x1d2: {  	s1 =	sld [smem:$0x7CC]  }
0x1d3: {  	[sflag:s9] =	ssyncset.done $0x0  }
0x1d4: {  	[sflag:s9] =	ssyncadd.s32 $0xFFFFA100  }
0x1d5: {  	[hbm4b:s1+s2] =	stream.linear.scatter [tilespmem:s6], [sflag:$0x6], $0x5F00, $0x38;
	[tilespmem:$0x18BB0] =	vst v63  }
0x1d6: {  	_ =	swait.ge [sflag:s7], $0x5F00  }
0x1d7: {  	[sflag:s7] =	ssyncset.done $0x0  }
0x1d8: {  	[sflag:s7] =	ssyncadd.s32 $0xFFFFA100  }
0x1d9: {  	[tilespmem:s4], [sflag:$0x1] =	stream.indirect.gather [hbm4b:s3+s10], $0x130, s28, s10, $0xb8;
	[tilespmem:$0x18BB0] =	vst v63  }
0x1da: {  	_ =	swait.ge [sflag:s16], $0x5F00  }
0x1db: {  	s1 =	sld [smem:$0x7CD]  }
0x1dc: {  	[sflag:s16] =	ssyncset.done $0x0  }
0x1dd: {  	[sflag:s16] =	ssyncadd.s32 $0xFFFFA100  }
0x1de: {  	[hbm4b:s1+s2] =	stream.linear.scatter [tilespmem:s14], [sflag:$0x7], $0x5F00, $0x38;
	[tilespmem:$0x18BB0] =	vst v63  }
0x1df: {  	_ =	swait.ge [sflag:s8], $0x5F00  }
0x1e0: {  	[sflag:s8] =	ssyncset.done $0x0  }
0x1e1: {  	[sflag:s8] =	ssyncadd.s32 $0xFFFFA100  }
0x1e2: {  	[tilespmem:s6], [sflag:$0x2] =	stream.indirect.gather [hbm4b:s3+s10], $0x130, s26, s10, $0xb8;
	[tilespmem:$0x18BB0] =	vst v63  }
0x1e3: {  	_ =	swait.ge [sflag:s15], $0x5F00  }
0x1e4: {  	s1 =	sld [smem:$0x7CE]  }
0x1e5: {  	[sflag:s15] =	ssyncset.done $0x0  }
0x1e6: {  	[sflag:s15] =	ssyncadd.s32 $0xFFFFA100  }
0x1e7: {  	[hbm4b:s1+s2] =	stream.linear.scatter [tilespmem:s11], [sflag:$0x8], $0x5F00, $0x38;
	[tilespmem:$0x18BB0] =	vst v63  }
0x1e8: {  	_ =	swait.ge [sflag:s12], $0x5F00  }
0x1e9: {  	[sflag:s12] =	ssyncset.done $0x0  }
0x1ea: {  	[sflag:s12] =	ssyncadd.s32 $0xFFFFA100  }
0x1eb: {  	[tilespmem:s14], [sflag:$0x3] =	stream.indirect.gather [hbm4b:s3+s10], $0x130, s25, s10, $0xb8;
	[tilespmem:$0x18BB0] =	vst v63  }
0x1ec: {  	_ =	swait.ge [sflag:s5], $0x5F00  }
0x1ed: {  	s1 =	sld [smem:$0x7CF]  }
0x1ee: {  	[sflag:s5] =	ssyncset.done $0x0  }
0x1ef: {  	[sflag:s5] =	ssyncadd.s32 $0xFFFFA100  }
0x1f0: {  	[hbm4b:s1+s2] =	stream.linear.scatter [tilespmem:s4], [sflag:$0x5], $0x5F00, $0x38;
	[tilespmem:$0x18BB0] =	vst v63  }
0x1f1: {  	_ =	swait.ge [sflag:s13], $0x5F00  }
0x1f2: {  	[sflag:s13] =	ssyncset.done $0x0  }
0x1f3: {  	[sflag:s13] =	ssyncadd.s32 $0xFFFFA100  }
0x1f4: {  	[tilespmem:s11], [sflag:$0x4] =	stream.indirect.gather [hbm4b:s3+s10], $0x130, s24, s10, $0xb8;
	[tilespmem:$0x18BB0] =	vst v63  }
0x1f5: {  	_ =	swait.ge [sflag:s9], $0x5F00  }
0x1f6: {  	s1 =	sld [smem:$0x7D0]  }
0x1f7: {  	[sflag:s9] =	ssyncset.done $0x0  }
0x1f8: {  	[sflag:s9] =	ssyncadd.s32 $0xFFFFA100  }
0x1f9: {  	[hbm4b:s1+s2] =	stream.linear.scatter [tilespmem:s6], [sflag:$0x6], $0x5F00, $0x38;
	[tilespmem:$0x18BB0] =	vst v63  }
0x1fa: {  	_ =	swait.ge [sflag:s7], $0x5F00  }
0x1fb: {  	[sflag:s7] =	ssyncset.done $0x0  }
0x1fc: {  	[sflag:s7] =	ssyncadd.s32 $0xFFFFA100  }
0x1fd: {  	[tilespmem:s4], [sflag:$0x1] =	stream.indirect.gather [hbm4b:s3+s10], $0x130, s23, s10, $0xb8;
	[tilespmem:$0x18BB0] =	vst v63  }
0x1fe: {  	_ =	swait.ge [sflag:s16], $0x5F00  }
0x1ff: {  	s1 =	sld [smem:$0x7D1]  }
0x200: {  	[sflag:s16] =	ssyncset.done $0x0  }
0x201: {  	[sflag:s16] =	ssyncadd.s32 $0xFFFFA100  }
0x202: {  	[hbm4b:s1+s2] =	stream.linear.scatter [tilespmem:s14], [sflag:$0x7], $0x5F00, $0x38;
	[tilespmem:$0x18BB0] =	vst v63  }
0x203: {  	_ =	swait.ge [sflag:s8], $0x5F00  }
0x204: {  	[sflag:s8] =	ssyncset.done $0x0  }
0x205: {  	[sflag:s8] =	ssyncadd.s32 $0xFFFFA100  }
0x206: {  	[tilespmem:s6], [sflag:$0x2] =	stream.indirect.gather [hbm4b:s3+s10], $0x130, s22, s10, $0xb8;
	[tilespmem:$0x18BB0] =	vst v63  }
0x207: {  	_ =	swait.ge [sflag:s15], $0x5F00  }
0x208: {  	s1 =	sld [smem:$0x7D2]  }
0x209: {  	[sflag:s15] =	ssyncset.done $0x0  }
0x20a: {  	[sflag:s15] =	ssyncadd.s32 $0xFFFFA100  }
0x20b: {  	[hbm4b:s1+s2] =	stream.linear.scatter [tilespmem:s11], [sflag:$0x8], $0x5F00, $0x38;
	[tilespmem:$0x18BB0] =	vst v63  }
0x20c: {  	_ =	swait.ge [sflag:s12], $0x5F00  }
0x20d: {  	[sflag:s12] =	ssyncset.done $0x0  }
0x20e: {  	[sflag:s12] =	ssyncadd.s32 $0xFFFFA100  }
0x20f: {  	[tilespmem:s14], [sflag:$0x3] =	stream.indirect.gather [hbm4b:s3+s10], $0x130, s21, s10, $0xb8;
	[tilespmem:$0x18BB0] =	vst v63  }
0x210: {  	_ =	swait.ge [sflag:s5], $0x5F00  }
0x211: {  	s1 =	sld [smem:$0x7D3]  }
0x212: {  	[sflag:s5] =	ssyncset.done $0x0  }
0x213: {  	[sflag:s5] =	ssyncadd.s32 $0xFFFFA100  }
0x214: {  	[hbm4b:s1+s2] =	stream.linear.scatter [tilespmem:s4], [sflag:$0x5], $0x5F00, $0x38;
	[tilespmem:$0x18BB0] =	vst v63  }
0x215: {  	_ =	swait.ge [sflag:s13], $0x5F00  }
0x216: {  	[sflag:s13] =	ssyncset.done $0x0  }
0x217: {  	[sflag:s13] =	ssyncadd.s32 $0xFFFFA100  }
0x218: {  	[tilespmem:s11], [sflag:$0x4] =	stream.indirect.gather [hbm4b:s3+s10], $0x130, s20, s10, $0xb8;
	[tilespmem:$0x18BB0] =	vst v63  }
0x219: {  	_ =	swait.ge [sflag:s9], $0x5F00  }
0x21a: {  	s1 =	sld [smem:$0x7D4]  }
0x21b: {  	[sflag:s9] =	ssyncset.done $0x0  }
0x21c: {  	[sflag:s9] =	ssyncadd.s32 $0xFFFFA100  }
0x21d: {  	[hbm4b:s1+s2] =	stream.linear.scatter [tilespmem:s6], [sflag:$0x6], $0x5F00, $0x38;
	[tilespmem:$0x18BB0] =	vst v63  }
0x21e: {  	_ =	swait.ge [sflag:s7], $0x5F00  }
0x21f: {  	[sflag:s7] =	ssyncset.done $0x0  }
0x220: {  	[sflag:s7] =	ssyncadd.s32 $0xFFFFA100  }
0x221: {  	[tilespmem:s4], [sflag:$0x1] =	stream.indirect.gather [hbm4b:s3+s10], $0x130, s19, s10, $0xb8;
	[tilespmem:$0x18BB0] =	vst v63  }
0x222: {  	_ =	swait.ge [sflag:s16], $0x5F00  }
0x223: {  	s1 =	sld [smem:$0x7D5]  }
0x224: {  	[sflag:s16] =	ssyncset.done $0x0  }
0x225: {  	[sflag:s16] =	ssyncadd.s32 $0xFFFFA100  }
0x226: {  	[hbm4b:s1+s2] =	stream.linear.scatter [tilespmem:s14], [sflag:$0x7], $0x5F00, $0x38;
	[tilespmem:$0x18BB0] =	vst v63  }
0x227: {  	_ =	swait.ge [sflag:s8], $0x5F00  }
0x228: {  	[sflag:s8] =	ssyncset.done $0x0  }
0x229: {  	[sflag:s8] =	ssyncadd.s32 $0xFFFFA100  }
0x22a: {  	[tilespmem:s6], [sflag:$0x2] =	stream.indirect.gather [hbm4b:s3+s10], $0x130, s18, s10, $0xb8;
	[tilespmem:$0x18BB0] =	vst v63  }
0x22b: {  	_ =	swait.ge [sflag:s15], $0x5F00  }
0x22c: {  	s1 =	sld [smem:$0x7D6]  }
0x22d: {  	[sflag:s15] =	ssyncset.done $0x0  }
0x22e: {  	[sflag:s15] =	ssyncadd.s32 $0xFFFFA100  }
0x22f: {  	[hbm4b:s1+s2] =	stream.linear.scatter [tilespmem:s11], [sflag:$0x8], $0x5F00, $0x38;
	[tilespmem:$0x18BB0] =	vst v63  }
0x230: {  	_ =	swait.ge [sflag:s5], $0x5F00  }
0x231: {  	s1 =	sld [smem:$0x7D7]  }
0x232: {  	[sflag:s5] =	ssyncset.done $0x0  }
0x233: {  	[sflag:s5] =	ssyncadd.s32 $0xFFFFA100  }
0x234: {  	[hbm4b:s1+s2] =	stream.linear.scatter [tilespmem:s4], [sflag:$0x5], $0x5F00, $0x38;
	[tilespmem:$0x18BB0] =	vst v63  }
0x235: {  	_ =	swait.ge [sflag:s9], $0x5F00  }
0x236: {  	s1 =	sld [smem:$0x7D8]  }
0x237: {  	[sflag:s9] =	ssyncset.done $0x0  }
0x238: {  	[sflag:s9] =	ssyncadd.s32 $0xFFFFA100  }
0x239: {  	[hbm4b:s1+s2] =	stream.linear.scatter [tilespmem:s6], [sflag:$0x6], $0x5F00, $0x38;
	[tilespmem:$0x18BB0] =	vst v63  }
0x23a: {  	_ =	swait.ge [sflag:s12], $0x5F00  }
0x23b: {  	[sflag:s12] =	ssyncset.done $0x0  }
0x23c: {  	[sflag:s12] =	ssyncadd.s32 $0xFFFFA100  }
0x23d: {  	_ =	swait.ge [sflag:s13], $0x5F00  }
0x23e: {  	[sflag:s13] =	ssyncset.done $0x0  }
0x23f: {  	p1 =	sne.s32 s17, $0x1;
	[sflag:s13] =	ssyncadd.s32 $0xFFFFA100  }
.Ltmp1:
0x240: {  	_ =	swait.ge [sflag:s7], $0x5F00;
	(pc) =	sbr.rel @!p1 .LBB2_3-.Ltmp1, $4  }
0x241: {  	[sflag:s7] =	ssyncset.done $0x0  }
0x242: {  	[sflag:s7] =	ssyncadd.s32 $0xFFFFA100  }
0x243: {  	p0 =	por $0x1, $0x1;
	_ =	swait.ge [sflag:s8], $0x5F00  }
0x244: {  	s1 =	sadd.s32 $0xFFFFFFFF, s17;
	s0 =	rddreg [dreg:$0x3];
	[sflag:s8] =	ssyncset.done $0x0  }
.LBB2_4:
0x245: {  	[sflag:s8] =	ssyncadd.s32 $0xFFFFA100  }
0x246: {  	[tilespmem:s2], [sflag:$0x9] =	stream.linear.gather [hbm4b:s0+s2], $0xFA0, $0x38;
	[tilespmem:$0x18BB0] =	vst v63  }
0x247: {  	_ =	swait.ge [sflag:s30], $0xFA0  }
0x248: {  	[sflag:s30] =	ssyncset.done $0x0  }
0x249: {  	s17 =	rddreg [dreg:$0x4];
	[sflag:s30] =	ssyncadd.s32 $0xFFFFF060  }
0x24a: {  	[tilespmem:s31], [sflag:$0x9] =	stream.linear.gather [hbm4b:s17+s2], $0x10, $0x38;
	[tilespmem:$0x18BB0] =	vst v63  }
0x24b: {  	_ =	swait.ge [sflag:s30], $0x10  }
0x24c: {  	s17 =	sld [smem:$0x7D9]  }
0x24d: {  	[sflag:s30] =	ssyncset.done $0x0  }
0x24e: {  	[sflag:s30] =	ssyncadd.s32 $0xFFFFFFF0  }
0x24f: {  	[tilespmem:s4], [sflag:$0x1] =	stream.indirect.gather [hbm4b:s3+s17], $0x130, s31, s17, $0xb8;
	[tilespmem:$0x18BB0] =	vst v63  }
0x250: {  	_ =	swait.ge [sflag:s5], $0x1300  }
0x251: {  	[sflag:s5] =	ssyncset.done $0x0  }
0x252: {  	s17 =	rddreg [dreg:$0x5];
	[sflag:s5] =	ssyncadd.s32 $0xFFFFED00  }
0x253: {  	[hbm4b:s17+s2] =	stream.linear.scatter [tilespmem:s4], [sflag:$0x9], $0x1300, $0x38;
	[tilespmem:$0x18BB0] =	vst v63  }
0x254: {  	_ =	swait.ge [sflag:s30], $0x1300  }
0x255: {  	[sflag:s30] =	ssyncset.done $0x0  }
0x256: {  	[sflag:s30] =	ssyncadd.s32 $0xFFFFED00  }
0x257: {  	[tilespmem:s4], [sflag:$0x1] =	stream.indirect.gather [hbm4b:s3+s10], $0x130, s2, s10, $0xb8;
	[tilespmem:$0x18BB0] =	vst v63  }
0x258: {  	s17 =	sld [smem:$0x7DA]  }
0x259: {  	[tilespmem:s6], [sflag:$0x2] =	stream.indirect.gather [hbm4b:s3+s10], $0x130, s10, s10, $0xb8;
	[tilespmem:$0x18BB0] =	vst v63  }
0x25a: {  	_ = 	snop  }
0x25b: {  	[tilespmem:s14], [sflag:$0x3] =	stream.indirect.gather [hbm4b:s3+s10], $0x130, s17, s10, $0xb8;
	[tilespmem:$0x18BB0] =	vst v63  }
0x25c: {  	_ =	swait.ge [sflag:s5], $0x5F00  }
0x25d: {  	s0 =	rddreg [dreg:$0x6];
	[sflag:s5] =	ssyncset.done $0x0  }
0x25e: {  	s17 =	sld [smem:$0x7DB];
	[sflag:s5] =	ssyncadd.s32 $0xFFFFA100  }
0x25f: {  	[hbm4b:s0+s2] =	stream.linear.scatter [tilespmem:s4], [sflag:$0x5], $0x5F00, $0x38;
	[tilespmem:$0x18BB0] =	vst v63  }
0x260: {  	_ = 	snop  }
0x261: {  	[tilespmem:s11], [sflag:$0x4] =	stream.indirect.gather [hbm4b:s3+s10], $0x130, s17, s10, $0xb8;
	[tilespmem:$0x18BB0] =	vst v63  }
0x262: {  	_ =	swait.ge [sflag:s9], $0x5F00  }
0x263: {  	[sflag:s9] =	ssyncset.done $0x0  }
0x264: {  	s17 =	rddreg [dreg:$0x7];
	[sflag:s9] =	ssyncadd.s32 $0xFFFFA100  }
0x265: {  	[hbm4b:s17+s2] =	stream.linear.scatter [tilespmem:s6], [sflag:$0x6], $0x5F00, $0x38;
	[tilespmem:$0x18BB0] =	vst v63  }
0x266: {  	_ =	swait.ge [sflag:s7], $0x5F00  }
0x267: {  	s17 =	sld [smem:$0x7DC]  }
0x268: {  	[sflag:s7] =	ssyncset.done $0x0  }
0x269: {  	[sflag:s7] =	ssyncadd.s32 $0xFFFFA100  }
0x26a: {  	[tilespmem:s4], [sflag:$0x1] =	stream.indirect.gather [hbm4b:s3+s10], $0x130, s17, s10, $0xb8;
	[tilespmem:$0x18BB0] =	vst v63  }
0x26b: {  	_ =	swait.ge [sflag:s16], $0x5F00  }
0x26c: {  	[sflag:s16] =	ssyncset.done $0x0  }
0x26d: {  	s17 =	rddreg [dreg:$0x8];
	[sflag:s16] =	ssyncadd.s32 $0xFFFFA100  }
0x26e: {  	[hbm4b:s17+s2] =	stream.linear.scatter [tilespmem:s14], [sflag:$0x7], $0x5F00, $0x38;
	[tilespmem:$0x18BB0] =	vst v63  }
0x26f: {  	_ =	swait.ge [sflag:s8], $0x5F00  }
0x270: {  	s17 =	sld [smem:$0x7DD]  }
0x271: {  	[sflag:s8] =	ssyncset.done $0x0  }
0x272: {  	[sflag:s8] =	ssyncadd.s32 $0xFFFFA100  }
0x273: {  	[tilespmem:s6], [sflag:$0x2] =	stream.indirect.gather [hbm4b:s3+s10], $0x130, s17, s10, $0xb8;
	[tilespmem:$0x18BB0] =	vst v63  }
0x274: {  	_ =	swait.ge [sflag:s15], $0x5F00  }
0x275: {  	[sflag:s15] =	ssyncset.done $0x0  }
0x276: {  	s17 =	rddreg [dreg:$0x9];
	[sflag:s15] =	ssyncadd.s32 $0xFFFFA100  }
0x277: {  	[hbm4b:s17+s2] =	stream.linear.scatter [tilespmem:s11], [sflag:$0x8], $0x5F00, $0x38;
	[tilespmem:$0x18BB0] =	vst v63  }
0x278: {  	_ =	swait.ge [sflag:s12], $0x5F00  }
0x279: {  	s17 =	sld [smem:$0x7DE]  }
0x27a: {  	[sflag:s12] =	ssyncset.done $0x0  }
0x27b: {  	[sflag:s12] =	ssyncadd.s32 $0xFFFFA100  }
0x27c: {  	[tilespmem:s14], [sflag:$0x3] =	stream.indirect.gather [hbm4b:s3+s10], $0x130, s17, s10, $0xb8;
	[tilespmem:$0x18BB0] =	vst v63  }
0x27d: {  	_ =	swait.ge [sflag:s5], $0x5F00  }
0x27e: {  	[sflag:s5] =	ssyncset.done $0x0  }
0x27f: {  	s17 =	rddreg [dreg:$0xa];
	[sflag:s5] =	ssyncadd.s32 $0xFFFFA100  }
0x280: {  	[hbm4b:s17+s2] =	stream.linear.scatter [tilespmem:s4], [sflag:$0x5], $0x5F00, $0x38;
	[tilespmem:$0x18BB0] =	vst v63  }
0x281: {  	_ =	swait.ge [sflag:s13], $0x5F00  }
0x282: {  	s17 =	sld [smem:$0x7DF]  }
0x283: {  	[sflag:s13] =	ssyncset.done $0x0  }
0x284: {  	[sflag:s13] =	ssyncadd.s32 $0xFFFFA100  }
0x285: {  	[tilespmem:s11], [sflag:$0x4] =	stream.indirect.gather [hbm4b:s3+s10], $0x130, s17, s10, $0xb8;
	[tilespmem:$0x18BB0] =	vst v63  }
0x286: {  	_ =	swait.ge [sflag:s9], $0x5F00  }
0x287: {  	[sflag:s9] =	ssyncset.done $0x0  }
0x288: {  	s17 =	rddreg [dreg:$0xb];
	[sflag:s9] =	ssyncadd.s32 $0xFFFFA100  }
0x289: {  	[hbm4b:s17+s2] =	stream.linear.scatter [tilespmem:s6], [sflag:$0x6], $0x5F00, $0x38;
	[tilespmem:$0x18BB0] =	vst v63  }
0x28a: {  	_ =	swait.ge [sflag:s7], $0x5F00  }
0x28b: {  	s17 =	sld [smem:$0x7E0]  }
0x28c: {  	[sflag:s7] =	ssyncset.done $0x0  }
0x28d: {  	[sflag:s7] =	ssyncadd.s32 $0xFFFFA100  }
0x28e: {  	[tilespmem:s4], [sflag:$0x1] =	stream.indirect.gather [hbm4b:s3+s10], $0x130, s17, s10, $0xb8;
	[tilespmem:$0x18BB0] =	vst v63  }
0x28f: {  	_ =	swait.ge [sflag:s16], $0x5F00  }
0x290: {  	[sflag:s16] =	ssyncset.done $0x0  }
0x291: {  	s17 =	rddreg [dreg:$0xc];
	[sflag:s16] =	ssyncadd.s32 $0xFFFFA100  }
0x292: {  	[hbm4b:s17+s2] =	stream.linear.scatter [tilespmem:s14], [sflag:$0x7], $0x5F00, $0x38;
	[tilespmem:$0x18BB0] =	vst v63  }
0x293: {  	_ =	swait.ge [sflag:s8], $0x5F00  }
0x294: {  	s17 =	sld [smem:$0x7E1]  }
0x295: {  	[sflag:s8] =	ssyncset.done $0x0  }
0x296: {  	[sflag:s8] =	ssyncadd.s32 $0xFFFFA100  }
0x297: {  	[tilespmem:s6], [sflag:$0x2] =	stream.indirect.gather [hbm4b:s3+s10], $0x130, s17, s10, $0xb8;
	[tilespmem:$0x18BB0] =	vst v63  }
0x298: {  	_ =	swait.ge [sflag:s15], $0x5F00  }
0x299: {  	[sflag:s15] =	ssyncset.done $0x0  }
0x29a: {  	s17 =	rddreg [dreg:$0xd];
	[sflag:s15] =	ssyncadd.s32 $0xFFFFA100  }
0x29b: {  	[hbm4b:s17+s2] =	stream.linear.scatter [tilespmem:s11], [sflag:$0x8], $0x5F00, $0x38;
	[tilespmem:$0x18BB0] =	vst v63  }
0x29c: {  	_ =	swait.ge [sflag:s12], $0x5F00  }
0x29d: {  	s17 =	sld [smem:$0x7E2]  }
0x29e: {  	[sflag:s12] =	ssyncset.done $0x0  }
0x29f: {  	[sflag:s12] =	ssyncadd.s32 $0xFFFFA100  }
0x2a0: {  	[tilespmem:s14], [sflag:$0x3] =	stream.indirect.gather [hbm4b:s3+s10], $0x130, s17, s10, $0xb8;
	[tilespmem:$0x18BB0] =	vst v63  }
0x2a1: {  	_ =	swait.ge [sflag:s5], $0x5F00  }
0x2a2: {  	[sflag:s5] =	ssyncset.done $0x0  }
0x2a3: {  	s17 =	rddreg [dreg:$0xe];
	[sflag:s5] =	ssyncadd.s32 $0xFFFFA100  }
0x2a4: {  	[hbm4b:s17+s2] =	stream.linear.scatter [tilespmem:s4], [sflag:$0x5], $0x5F00, $0x38;
	[tilespmem:$0x18BB0] =	vst v63  }
0x2a5: {  	_ =	swait.ge [sflag:s13], $0x5F00  }
0x2a6: {  	s17 =	sld [smem:$0x7E3]  }
0x2a7: {  	[sflag:s13] =	ssyncset.done $0x0  }
0x2a8: {  	[sflag:s13] =	ssyncadd.s32 $0xFFFFA100  }
0x2a9: {  	[tilespmem:s11], [sflag:$0x4] =	stream.indirect.gather [hbm4b:s3+s10], $0x130, s17, s10, $0xb8;
	[tilespmem:$0x18BB0] =	vst v63  }
0x2aa: {  	_ =	swait.ge [sflag:s9], $0x5F00  }
0x2ab: {  	[sflag:s9] =	ssyncset.done $0x0  }
0x2ac: {  	s17 =	rddreg [dreg:$0xf];
	[sflag:s9] =	ssyncadd.s32 $0xFFFFA100  }
0x2ad: {  	[hbm4b:s17+s2] =	stream.linear.scatter [tilespmem:s6], [sflag:$0x6], $0x5F00, $0x38;
	[tilespmem:$0x18BB0] =	vst v63  }
0x2ae: {  	_ =	swait.ge [sflag:s7], $0x5F00  }
0x2af: {  	s17 =	sld [smem:$0x7E4]  }
0x2b0: {  	[sflag:s7] =	ssyncset.done $0x0  }
0x2b1: {  	[sflag:s7] =	ssyncadd.s32 $0xFFFFA100  }
0x2b2: {  	[tilespmem:s4], [sflag:$0x1] =	stream.indirect.gather [hbm4b:s3+s10], $0x130, s17, s10, $0xb8;
	[tilespmem:$0x18BB0] =	vst v63  }
0x2b3: {  	_ =	swait.ge [sflag:s16], $0x5F00  }
0x2b4: {  	[sflag:s16] =	ssyncset.done $0x0  }
0x2b5: {  	s17 =	rddreg [dreg:$0x10];
	[sflag:s16] =	ssyncadd.s32 $0xFFFFA100  }
0x2b6: {  	[hbm4b:s17+s2] =	stream.linear.scatter [tilespmem:s14], [sflag:$0x7], $0x5F00, $0x38;
	[tilespmem:$0x18BB0] =	vst v63  }
0x2b7: {  	_ =	swait.ge [sflag:s8], $0x5F00  }
0x2b8: {  	s17 =	sld [smem:$0x7E5]  }
0x2b9: {  	[sflag:s8] =	ssyncset.done $0x0  }
0x2ba: {  	[sflag:s8] =	ssyncadd.s32 $0xFFFFA100  }
0x2bb: {  	[tilespmem:s6], [sflag:$0x2] =	stream.indirect.gather [hbm4b:s3+s10], $0x130, s17, s10, $0xb8;
	[tilespmem:$0x18BB0] =	vst v63  }
0x2bc: {  	_ =	swait.ge [sflag:s15], $0x5F00  }
0x2bd: {  	[sflag:s15] =	ssyncset.done $0x0  }
0x2be: {  	s17 =	rddreg [dreg:$0x11];
	[sflag:s15] =	ssyncadd.s32 $0xFFFFA100  }
0x2bf: {  	[hbm4b:s17+s2] =	stream.linear.scatter [tilespmem:s11], [sflag:$0x8], $0x5F00, $0x38;
	[tilespmem:$0x18BB0] =	vst v63  }
0x2c0: {  	_ =	swait.ge [sflag:s12], $0x5F00  }
0x2c1: {  	s17 =	sld [smem:$0x7E6]  }
0x2c2: {  	[sflag:s12] =	ssyncset.done $0x0  }
0x2c3: {  	[sflag:s12] =	ssyncadd.s32 $0xFFFFA100  }
0x2c4: {  	[tilespmem:s14], [sflag:$0x3] =	stream.indirect.gather [hbm4b:s3+s10], $0x130, s17, s10, $0xb8;
	[tilespmem:$0x18BB0] =	vst v63  }
0x2c5: {  	_ =	swait.ge [sflag:s5], $0x5F00  }
0x2c6: {  	[sflag:s5] =	ssyncset.done $0x0  }
0x2c7: {  	s17 =	rddreg [dreg:$0x12];
	[sflag:s5] =	ssyncadd.s32 $0xFFFFA100  }
0x2c8: {  	[hbm4b:s17+s2] =	stream.linear.scatter [tilespmem:s4], [sflag:$0x5], $0x5F00, $0x38;
	[tilespmem:$0x18BB0] =	vst v63  }
0x2c9: {  	_ =	swait.ge [sflag:s13], $0x5F00  }
0x2ca: {  	s17 =	sld [smem:$0x7E7]  }
0x2cb: {  	[sflag:s13] =	ssyncset.done $0x0  }
0x2cc: {  	[sflag:s13] =	ssyncadd.s32 $0xFFFFA100  }
0x2cd: {  	[tilespmem:s11], [sflag:$0x4] =	stream.indirect.gather [hbm4b:s3+s10], $0x130, s17, s10, $0xb8;
	[tilespmem:$0x18BB0] =	vst v63  }
0x2ce: {  	_ =	swait.ge [sflag:s9], $0x5F00  }
0x2cf: {  	[sflag:s9] =	ssyncset.done $0x0  }
0x2d0: {  	s17 =	rddreg [dreg:$0x13];
	[sflag:s9] =	ssyncadd.s32 $0xFFFFA100  }
0x2d1: {  	[hbm4b:s17+s2] =	stream.linear.scatter [tilespmem:s6], [sflag:$0x6], $0x5F00, $0x38;
	[tilespmem:$0x18BB0] =	vst v63  }
0x2d2: {  	_ =	swait.ge [sflag:s7], $0x5F00  }
0x2d3: {  	s17 =	sld [smem:$0x7E8]  }
0x2d4: {  	[sflag:s7] =	ssyncset.done $0x0  }
0x2d5: {  	[sflag:s7] =	ssyncadd.s32 $0xFFFFA100  }
0x2d6: {  	[tilespmem:s4], [sflag:$0x1] =	stream.indirect.gather [hbm4b:s3+s10], $0x130, s17, s10, $0xb8;
	[tilespmem:$0x18BB0] =	vst v63  }
0x2d7: {  	_ =	swait.ge [sflag:s16], $0x5F00  }
0x2d8: {  	[sflag:s16] =	ssyncset.done $0x0  }
0x2d9: {  	s17 =	rddreg [dreg:$0x14];
	[sflag:s16] =	ssyncadd.s32 $0xFFFFA100  }
0x2da: {  	[hbm4b:s17+s2] =	stream.linear.scatter [tilespmem:s14], [sflag:$0x7], $0x5F00, $0x38;
	[tilespmem:$0x18BB0] =	vst v63  }
0x2db: {  	_ =	swait.ge [sflag:s8], $0x5F00  }
0x2dc: {  	s17 =	sld [smem:$0x7E9]  }
0x2dd: {  	[sflag:s8] =	ssyncset.done $0x0  }
0x2de: {  	[sflag:s8] =	ssyncadd.s32 $0xFFFFA100  }
0x2df: {  	[tilespmem:s6], [sflag:$0x2] =	stream.indirect.gather [hbm4b:s3+s10], $0x130, s17, s10, $0xb8;
	[tilespmem:$0x18BB0] =	vst v63  }
0x2e0: {  	_ =	swait.ge [sflag:s15], $0x5F00  }
0x2e1: {  	[sflag:s15] =	ssyncset.done $0x0  }
0x2e2: {  	s17 =	rddreg [dreg:$0x15];
	[sflag:s15] =	ssyncadd.s32 $0xFFFFA100  }
0x2e3: {  	[hbm4b:s17+s2] =	stream.linear.scatter [tilespmem:s11], [sflag:$0x8], $0x5F00, $0x38;
	[tilespmem:$0x18BB0] =	vst v63  }
0x2e4: {  	_ =	swait.ge [sflag:s12], $0x5F00  }
0x2e5: {  	s17 =	sld [smem:$0x7EA]  }
0x2e6: {  	[sflag:s12] =	ssyncset.done $0x0  }
0x2e7: {  	[sflag:s12] =	ssyncadd.s32 $0xFFFFA100  }
0x2e8: {  	[tilespmem:s14], [sflag:$0x3] =	stream.indirect.gather [hbm4b:s3+s10], $0x130, s17, s10, $0xb8;
	[tilespmem:$0x18BB0] =	vst v63  }
0x2e9: {  	_ =	swait.ge [sflag:s5], $0x5F00  }
0x2ea: {  	[sflag:s5] =	ssyncset.done $0x0  }
0x2eb: {  	s17 =	rddreg [dreg:$0x16];
	[sflag:s5] =	ssyncadd.s32 $0xFFFFA100  }
0x2ec: {  	[hbm4b:s17+s2] =	stream.linear.scatter [tilespmem:s4], [sflag:$0x5], $0x5F00, $0x38;
	[tilespmem:$0x18BB0] =	vst v63  }
0x2ed: {  	_ =	swait.ge [sflag:s13], $0x5F00  }
0x2ee: {  	s17 =	sld [smem:$0x7EB]  }
0x2ef: {  	[sflag:s13] =	ssyncset.done $0x0  }
0x2f0: {  	[sflag:s13] =	ssyncadd.s32 $0xFFFFA100  }
0x2f1: {  	[tilespmem:s11], [sflag:$0x4] =	stream.indirect.gather [hbm4b:s3+s10], $0x130, s17, s10, $0xb8;
	[tilespmem:$0x18BB0] =	vst v63  }
0x2f2: {  	_ =	swait.ge [sflag:s9], $0x5F00  }
0x2f3: {  	[sflag:s9] =	ssyncset.done $0x0  }
0x2f4: {  	s17 =	rddreg [dreg:$0x17];
	[sflag:s9] =	ssyncadd.s32 $0xFFFFA100  }
0x2f5: {  	[hbm4b:s17+s2] =	stream.linear.scatter [tilespmem:s6], [sflag:$0x6], $0x5F00, $0x38;
	[tilespmem:$0x18BB0] =	vst v63  }
0x2f6: {  	_ =	swait.ge [sflag:s7], $0x5F00  }
0x2f7: {  	s17 =	sld [smem:$0x7EC]  }
0x2f8: {  	[sflag:s7] =	ssyncset.done $0x0  }
0x2f9: {  	[sflag:s7] =	ssyncadd.s32 $0xFFFFA100  }
0x2fa: {  	[tilespmem:s4], [sflag:$0x1] =	stream.indirect.gather [hbm4b:s3+s10], $0x130, s17, s10, $0xb8;
	[tilespmem:$0x18BB0] =	vst v63  }
0x2fb: {  	_ =	swait.ge [sflag:s16], $0x5F00  }
0x2fc: {  	[sflag:s16] =	ssyncset.done $0x0  }
0x2fd: {  	s17 =	rddreg [dreg:$0x18];
	[sflag:s16] =	ssyncadd.s32 $0xFFFFA100  }
0x2fe: {  	[hbm4b:s17+s2] =	stream.linear.scatter [tilespmem:s14], [sflag:$0x7], $0x5F00, $0x38;
	[tilespmem:$0x18BB0] =	vst v63  }
0x2ff: {  	_ =	swait.ge [sflag:s8], $0x5F00  }
0x300: {  	s17 =	sld [smem:$0x7ED]  }
0x301: {  	[sflag:s8] =	ssyncset.done $0x0  }
0x302: {  	[sflag:s8] =	ssyncadd.s32 $0xFFFFA100  }
0x303: {  	[tilespmem:s6], [sflag:$0x2] =	stream.indirect.gather [hbm4b:s3+s10], $0x130, s17, s10, $0xb8;
	[tilespmem:$0x18BB0] =	vst v63  }
0x304: {  	_ =	swait.ge [sflag:s15], $0x5F00  }
0x305: {  	[sflag:s15] =	ssyncset.done $0x0  }
0x306: {  	s17 =	rddreg [dreg:$0x19];
	[sflag:s15] =	ssyncadd.s32 $0xFFFFA100  }
0x307: {  	[hbm4b:s17+s2] =	stream.linear.scatter [tilespmem:s11], [sflag:$0x8], $0x5F00, $0x38;
	[tilespmem:$0x18BB0] =	vst v63  }
0x308: {  	_ =	swait.ge [sflag:s12], $0x5F00  }
0x309: {  	s17 =	sld [smem:$0x7EE]  }
0x30a: {  	[sflag:s12] =	ssyncset.done $0x0  }
0x30b: {  	[sflag:s12] =	ssyncadd.s32 $0xFFFFA100  }
0x30c: {  	[tilespmem:s14], [sflag:$0x3] =	stream.indirect.gather [hbm4b:s3+s10], $0x130, s17, s10, $0xb8;
	[tilespmem:$0x18BB0] =	vst v63  }
0x30d: {  	_ =	swait.ge [sflag:s5], $0x5F00  }
0x30e: {  	[sflag:s5] =	ssyncset.done $0x0  }
0x30f: {  	s17 =	rddreg [dreg:$0x1a];
	[sflag:s5] =	ssyncadd.s32 $0xFFFFA100  }
0x310: {  	[hbm4b:s17+s2] =	stream.linear.scatter [tilespmem:s4], [sflag:$0x5], $0x5F00, $0x38;
	[tilespmem:$0x18BB0] =	vst v63  }
0x311: {  	_ =	swait.ge [sflag:s13], $0x5F00  }
0x312: {  	s17 =	sld [smem:$0x7EF]  }
0x313: {  	[sflag:s13] =	ssyncset.done $0x0  }
0x314: {  	[sflag:s13] =	ssyncadd.s32 $0xFFFFA100  }
0x315: {  	[tilespmem:s11], [sflag:$0x4] =	stream.indirect.gather [hbm4b:s3+s10], $0x130, s17, s10, $0xb8;
	[tilespmem:$0x18BB0] =	vst v63  }
0x316: {  	_ =	swait.ge [sflag:s9], $0x5F00  }
0x317: {  	[sflag:s9] =	ssyncset.done $0x0  }
0x318: {  	s17 =	rddreg [dreg:$0x1b];
	[sflag:s9] =	ssyncadd.s32 $0xFFFFA100  }
0x319: {  	[hbm4b:s17+s2] =	stream.linear.scatter [tilespmem:s6], [sflag:$0x6], $0x5F00, $0x38;
	[tilespmem:$0x18BB0] =	vst v63  }
0x31a: {  	_ =	swait.ge [sflag:s7], $0x5F00  }
0x31b: {  	s17 =	sld [smem:$0x7F0]  }
0x31c: {  	[sflag:s7] =	ssyncset.done $0x0  }
0x31d: {  	[sflag:s7] =	ssyncadd.s32 $0xFFFFA100  }
0x31e: {  	[tilespmem:s4], [sflag:$0x1] =	stream.indirect.gather [hbm4b:s3+s10], $0x130, s17, s10, $0xb8;
	[tilespmem:$0x18BB0] =	vst v63  }
0x31f: {  	_ =	swait.ge [sflag:s16], $0x5F00  }
0x320: {  	[sflag:s16] =	ssyncset.done $0x0  }
0x321: {  	s17 =	rddreg [dreg:$0x1c];
	[sflag:s16] =	ssyncadd.s32 $0xFFFFA100  }
0x322: {  	[hbm4b:s17+s2] =	stream.linear.scatter [tilespmem:s14], [sflag:$0x7], $0x5F00, $0x38;
	[tilespmem:$0x18BB0] =	vst v63  }
0x323: {  	_ =	swait.ge [sflag:s8], $0x5F00  }
0x324: {  	s17 =	sld [smem:$0x7F1]  }
0x325: {  	[sflag:s8] =	ssyncset.done $0x0  }
0x326: {  	[sflag:s8] =	ssyncadd.s32 $0xFFFFA100  }
0x327: {  	[tilespmem:s6], [sflag:$0x2] =	stream.indirect.gather [hbm4b:s3+s10], $0x130, s17, s10, $0xb8;
	[tilespmem:$0x18BB0] =	vst v63  }
0x328: {  	_ =	swait.ge [sflag:s15], $0x5F00  }
0x329: {  	[sflag:s15] =	ssyncset.done $0x0  }
0x32a: {  	s17 =	rddreg [dreg:$0x1d];
	[sflag:s15] =	ssyncadd.s32 $0xFFFFA100  }
0x32b: {  	[hbm4b:s17+s2] =	stream.linear.scatter [tilespmem:s11], [sflag:$0x8], $0x5F00, $0x38;
	[tilespmem:$0x18BB0] =	vst v63  }
0x32c: {  	_ =	swait.ge [sflag:s12], $0x5F00  }
0x32d: {  	s17 =	sld [smem:$0x7F2]  }
0x32e: {  	[sflag:s12] =	ssyncset.done $0x0  }
0x32f: {  	[sflag:s12] =	ssyncadd.s32 $0xFFFFA100  }
0x330: {  	[tilespmem:s14], [sflag:$0x3] =	stream.indirect.gather [hbm4b:s3+s10], $0x130, s17, s10, $0xb8;
	[tilespmem:$0x18BB0] =	vst v63  }
0x331: {  	_ =	swait.ge [sflag:s5], $0x5F00  }
0x332: {  	[sflag:s5] =	ssyncset.done $0x0  }
0x333: {  	s17 =	rddreg [dreg:$0x1e];
	[sflag:s5] =	ssyncadd.s32 $0xFFFFA100  }
0x334: {  	[hbm4b:s17+s2] =	stream.linear.scatter [tilespmem:s4], [sflag:$0x5], $0x5F00, $0x38;
	[tilespmem:$0x18BB0] =	vst v63  }
0x335: {  	_ =	swait.ge [sflag:s13], $0x5F00  }
0x336: {  	s17 =	sld [smem:$0x7F3]  }
0x337: {  	[sflag:s13] =	ssyncset.done $0x0  }
0x338: {  	[sflag:s13] =	ssyncadd.s32 $0xFFFFA100  }
0x339: {  	[tilespmem:s11], [sflag:$0x4] =	stream.indirect.gather [hbm4b:s3+s10], $0x130, s17, s10, $0xb8;
	[tilespmem:$0x18BB0] =	vst v63  }
0x33a: {  	_ =	swait.ge [sflag:s9], $0x5F00  }
0x33b: {  	[sflag:s9] =	ssyncset.done $0x0  }
0x33c: {  	s17 =	rddreg [dreg:$0x1f];
	[sflag:s9] =	ssyncadd.s32 $0xFFFFA100  }
0x33d: {  	[hbm4b:s17+s2] =	stream.linear.scatter [tilespmem:s6], [sflag:$0x6], $0x5F00, $0x38;
	[tilespmem:$0x18BB0] =	vst v63  }
0x33e: {  	_ =	swait.ge [sflag:s7], $0x5F00  }
0x33f: {  	s17 =	sld [smem:$0x7F4]  }
0x340: {  	[sflag:s7] =	ssyncset.done $0x0  }
0x341: {  	[sflag:s7] =	ssyncadd.s32 $0xFFFFA100  }
0x342: {  	[tilespmem:s4], [sflag:$0x1] =	stream.indirect.gather [hbm4b:s3+s10], $0x130, s17, s10, $0xb8;
	[tilespmem:$0x18BB0] =	vst v63  }
0x343: {  	_ =	swait.ge [sflag:s16], $0x5F00  }
0x344: {  	s17 =	sld [smem:$0x7C1]  }
0x345: {  	[sflag:s16] =	ssyncset.done $0x0  }
0x346: {  	[sflag:s16] =	ssyncadd.s32 $0xFFFFA100  }
0x347: {  	[hbm4b:s17+s2] =	stream.linear.scatter [tilespmem:s14], [sflag:$0x7], $0x5F00, $0x38;
	[tilespmem:$0x18BB0] =	vst v63  }
0x348: {  	_ =	swait.ge [sflag:s8], $0x5F00  }
0x349: {  	s17 =	sld [smem:$0x7F5]  }
0x34a: {  	[sflag:s8] =	ssyncset.done $0x0  }
0x34b: {  	[sflag:s8] =	ssyncadd.s32 $0xFFFFA100  }
0x34c: {  	[tilespmem:s6], [sflag:$0x2] =	stream.indirect.gather [hbm4b:s3+s10], $0x130, s17, s10, $0xb8;
	[tilespmem:$0x18BB0] =	vst v63  }
0x34d: {  	_ =	swait.ge [sflag:s15], $0x5F00  }
0x34e: {  	s17 =	sld [smem:$0x7C2]  }
0x34f: {  	[sflag:s15] =	ssyncset.done $0x0  }
0x350: {  	[sflag:s15] =	ssyncadd.s32 $0xFFFFA100  }
0x351: {  	[hbm4b:s17+s2] =	stream.linear.scatter [tilespmem:s11], [sflag:$0x8], $0x5F00, $0x38;
	[tilespmem:$0x18BB0] =	vst v63  }
0x352: {  	_ =	swait.ge [sflag:s12], $0x5F00  }
0x353: {  	s17 =	sld [smem:$0x7F6]  }
0x354: {  	[sflag:s12] =	ssyncset.done $0x0  }
0x355: {  	[sflag:s12] =	ssyncadd.s32 $0xFFFFA100  }
0x356: {  	[tilespmem:s14], [sflag:$0x3] =	stream.indirect.gather [hbm4b:s3+s10], $0x130, s17, s10, $0xb8;
	[tilespmem:$0x18BB0] =	vst v63  }
0x357: {  	_ =	swait.ge [sflag:s5], $0x5F00  }
0x358: {  	s17 =	sld [smem:$0x7C3]  }
0x359: {  	[sflag:s5] =	ssyncset.done $0x0  }
0x35a: {  	[sflag:s5] =	ssyncadd.s32 $0xFFFFA100  }
0x35b: {  	[hbm4b:s17+s2] =	stream.linear.scatter [tilespmem:s4], [sflag:$0x5], $0x5F00, $0x38;
	[tilespmem:$0x18BB0] =	vst v63  }
0x35c: {  	_ =	swait.ge [sflag:s13], $0x5F00  }
0x35d: {  	s17 =	sld [smem:$0x7F7]  }
0x35e: {  	[sflag:s13] =	ssyncset.done $0x0  }
0x35f: {  	[sflag:s13] =	ssyncadd.s32 $0xFFFFA100  }
0x360: {  	[tilespmem:s11], [sflag:$0x4] =	stream.indirect.gather [hbm4b:s3+s10], $0x130, s17, s10, $0xb8;
	[tilespmem:$0x18BB0] =	vst v63  }
0x361: {  	_ =	swait.ge [sflag:s9], $0x5F00  }
0x362: {  	s17 =	sld [smem:$0x7C4]  }
0x363: {  	[sflag:s9] =	ssyncset.done $0x0  }
0x364: {  	[sflag:s9] =	ssyncadd.s32 $0xFFFFA100  }
0x365: {  	[hbm4b:s17+s2] =	stream.linear.scatter [tilespmem:s6], [sflag:$0x6], $0x5F00, $0x38;
	[tilespmem:$0x18BB0] =	vst v63  }
0x366: {  	_ =	swait.ge [sflag:s7], $0x5F00  }
0x367: {  	s17 =	sld [smem:$0x7F8]  }
0x368: {  	[sflag:s7] =	ssyncset.done $0x0  }
0x369: {  	[sflag:s7] =	ssyncadd.s32 $0xFFFFA100  }
0x36a: {  	[tilespmem:s4], [sflag:$0x1] =	stream.indirect.gather [hbm4b:s3+s10], $0x130, s17, s10, $0xb8;
	[tilespmem:$0x18BB0] =	vst v63  }
0x36b: {  	_ =	swait.ge [sflag:s16], $0x5F00  }
0x36c: {  	s17 =	sld [smem:$0x7C5]  }
0x36d: {  	[sflag:s16] =	ssyncset.done $0x0  }
0x36e: {  	[sflag:s16] =	ssyncadd.s32 $0xFFFFA100  }
0x36f: {  	[hbm4b:s17+s2] =	stream.linear.scatter [tilespmem:s14], [sflag:$0x7], $0x5F00, $0x38;
	[tilespmem:$0x18BB0] =	vst v63  }
0x370: {  	_ =	swait.ge [sflag:s8], $0x5F00  }
0x371: {  	s17 =	sld [smem:$0x7F9]  }
0x372: {  	[sflag:s8] =	ssyncset.done $0x0  }
0x373: {  	[sflag:s8] =	ssyncadd.s32 $0xFFFFA100  }
0x374: {  	[tilespmem:s6], [sflag:$0x2] =	stream.indirect.gather [hbm4b:s3+s10], $0x130, s17, s10, $0xb8;
	[tilespmem:$0x18BB0] =	vst v63  }
0x375: {  	_ =	swait.ge [sflag:s15], $0x5F00  }
0x376: {  	s17 =	sld [smem:$0x7C6]  }
0x377: {  	[sflag:s15] =	ssyncset.done $0x0  }
0x378: {  	[sflag:s15] =	ssyncadd.s32 $0xFFFFA100  }
0x379: {  	[hbm4b:s17+s2] =	stream.linear.scatter [tilespmem:s11], [sflag:$0x8], $0x5F00, $0x38;
	[tilespmem:$0x18BB0] =	vst v63  }
0x37a: {  	_ =	swait.ge [sflag:s12], $0x5F00  }
0x37b: {  	s17 =	sld [smem:$0x7FA]  }
0x37c: {  	[sflag:s12] =	ssyncset.done $0x0  }
0x37d: {  	[sflag:s12] =	ssyncadd.s32 $0xFFFFA100  }
0x37e: {  	[tilespmem:s14], [sflag:$0x3] =	stream.indirect.gather [hbm4b:s3+s10], $0x130, s17, s10, $0xb8;
	[tilespmem:$0x18BB0] =	vst v63  }
0x37f: {  	_ =	swait.ge [sflag:s5], $0x5F00  }
0x380: {  	s17 =	sld [smem:$0x7C7]  }
0x381: {  	[sflag:s5] =	ssyncset.done $0x0  }
0x382: {  	[sflag:s5] =	ssyncadd.s32 $0xFFFFA100  }
0x383: {  	[hbm4b:s17+s2] =	stream.linear.scatter [tilespmem:s4], [sflag:$0x5], $0x5F00, $0x38;
	[tilespmem:$0x18BB0] =	vst v63  }
0x384: {  	_ =	swait.ge [sflag:s13], $0x5F00  }
0x385: {  	s17 =	sld [smem:$0x7FB]  }
0x386: {  	[sflag:s13] =	ssyncset.done $0x0  }
0x387: {  	[sflag:s13] =	ssyncadd.s32 $0xFFFFA100  }
0x388: {  	[tilespmem:s11], [sflag:$0x4] =	stream.indirect.gather [hbm4b:s3+s10], $0x130, s17, s10, $0xb8;
	[tilespmem:$0x18BB0] =	vst v63  }
0x389: {  	_ =	swait.ge [sflag:s9], $0x5F00  }
0x38a: {  	s17 =	sld [smem:$0x7C8]  }
0x38b: {  	[sflag:s9] =	ssyncset.done $0x0  }
0x38c: {  	[sflag:s9] =	ssyncadd.s32 $0xFFFFA100  }
0x38d: {  	[hbm4b:s17+s2] =	stream.linear.scatter [tilespmem:s6], [sflag:$0x6], $0x5F00, $0x38;
	[tilespmem:$0x18BB0] =	vst v63  }
0x38e: {  	_ =	swait.ge [sflag:s7], $0x5F00  }
0x38f: {  	s17 =	sld [smem:$0x7FC]  }
0x390: {  	[sflag:s7] =	ssyncset.done $0x0  }
0x391: {  	[sflag:s7] =	ssyncadd.s32 $0xFFFFA100  }
0x392: {  	[tilespmem:s4], [sflag:$0x1] =	stream.indirect.gather [hbm4b:s3+s10], $0x130, s17, s10, $0xb8;
	[tilespmem:$0x18BB0] =	vst v63  }
0x393: {  	_ =	swait.ge [sflag:s16], $0x5F00  }
0x394: {  	s17 =	sld [smem:$0x7C9]  }
0x395: {  	[sflag:s16] =	ssyncset.done $0x0  }
0x396: {  	[sflag:s16] =	ssyncadd.s32 $0xFFFFA100  }
0x397: {  	[hbm4b:s17+s2] =	stream.linear.scatter [tilespmem:s14], [sflag:$0x7], $0x5F00, $0x38;
	[tilespmem:$0x18BB0] =	vst v63  }
0x398: {  	_ =	swait.ge [sflag:s8], $0x5F00  }
0x399: {  	s17 =	sld [smem:$0x7FD]  }
0x39a: {  	[sflag:s8] =	ssyncset.done $0x0  }
0x39b: {  	[sflag:s8] =	ssyncadd.s32 $0xFFFFA100  }
0x39c: {  	[tilespmem:s6], [sflag:$0x2] =	stream.indirect.gather [hbm4b:s3+s10], $0x130, s17, s10, $0xb8;
	[tilespmem:$0x18BB0] =	vst v63  }
0x39d: {  	_ =	swait.ge [sflag:s15], $0x5F00  }
0x39e: {  	s17 =	sld [smem:$0x7CA]  }
0x39f: {  	[sflag:s15] =	ssyncset.done $0x0  }
0x3a0: {  	[sflag:s15] =	ssyncadd.s32 $0xFFFFA100  }
0x3a1: {  	[hbm4b:s17+s2] =	stream.linear.scatter [tilespmem:s11], [sflag:$0x8], $0x5F00, $0x38;
	[tilespmem:$0x18BB0] =	vst v63  }
0x3a2: {  	_ =	swait.ge [sflag:s12], $0x5F00  }
0x3a3: {  	[sflag:s12] =	ssyncset.done $0x0  }
0x3a4: {  	s17 =	simm.s32 $0xBE0;
	[sflag:s12] =	ssyncadd.s32 $0xFFFFA100  }
0x3a5: {  	[tilespmem:s14], [sflag:$0x3] =	stream.indirect.gather [hbm4b:s3+s10], $0x130, s17, s10, $0xb8;
	[tilespmem:$0x18BB0] =	vst v63  }
0x3a6: {  	_ =	swait.ge [sflag:s5], $0x5F00  }
0x3a7: {  	s17 =	sld [smem:$0x7CB]  }
0x3a8: {  	[sflag:s5] =	ssyncset.done $0x0  }
0x3a9: {  	[sflag:s5] =	ssyncadd.s32 $0xFFFFA100  }
0x3aa: {  	[hbm4b:s17+s2] =	stream.linear.scatter [tilespmem:s4], [sflag:$0x5], $0x5F00, $0x38;
	[tilespmem:$0x18BB0] =	vst v63  }
0x3ab: {  	_ =	swait.ge [sflag:s13], $0x5F00  }
0x3ac: {  	[sflag:s13] =	ssyncset.done $0x0  }
0x3ad: {  	[sflag:s13] =	ssyncadd.s32 $0xFFFFA100  }
0x3ae: {  	[tilespmem:s11], [sflag:$0x4] =	stream.indirect.gather [hbm4b:s3+s10], $0x130, s29, s10, $0xb8;
	[tilespmem:$0x18BB0] =	vst v63  }
0x3af: {  	_ =	swait.ge [sflag:s9], $0x5F00  }
0x3b0: {  	s17 =	sld [smem:$0x7CC]  }
0x3b1: {  	[sflag:s9] =	ssyncset.done $0x0  }
0x3b2: {  	[sflag:s9] =	ssyncadd.s32 $0xFFFFA100  }
0x3b3: {  	[hbm4b:s17+s2] =	stream.linear.scatter [tilespmem:s6], [sflag:$0x6], $0x5F00, $0x38;
	[tilespmem:$0x18BB0] =	vst v63  }
0x3b4: {  	_ =	swait.ge [sflag:s7], $0x5F00  }
0x3b5: {  	[sflag:s7] =	ssyncset.done $0x0  }
0x3b6: {  	[sflag:s7] =	ssyncadd.s32 $0xFFFFA100  }
0x3b7: {  	[tilespmem:s4], [sflag:$0x1] =	stream.indirect.gather [hbm4b:s3+s10], $0x130, s28, s10, $0xb8;
	[tilespmem:$0x18BB0] =	vst v63  }
0x3b8: {  	_ =	swait.ge [sflag:s16], $0x5F00  }
0x3b9: {  	s17 =	sld [smem:$0x7CD]  }
0x3ba: {  	[sflag:s16] =	ssyncset.done $0x0  }
0x3bb: {  	[sflag:s16] =	ssyncadd.s32 $0xFFFFA100  }
0x3bc: {  	[hbm4b:s17+s2] =	stream.linear.scatter [tilespmem:s14], [sflag:$0x7], $0x5F00, $0x38;
	[tilespmem:$0x18BB0] =	vst v63  }
0x3bd: {  	_ =	swait.ge [sflag:s8], $0x5F00  }
0x3be: {  	[sflag:s8] =	ssyncset.done $0x0  }
0x3bf: {  	[sflag:s8] =	ssyncadd.s32 $0xFFFFA100  }
0x3c0: {  	[tilespmem:s6], [sflag:$0x2] =	stream.indirect.gather [hbm4b:s3+s10], $0x130, s26, s10, $0xb8;
	[tilespmem:$0x18BB0] =	vst v63  }
0x3c1: {  	_ =	swait.ge [sflag:s15], $0x5F00  }
0x3c2: {  	s17 =	sld [smem:$0x7CE]  }
0x3c3: {  	[sflag:s15] =	ssyncset.done $0x0  }
0x3c4: {  	[sflag:s15] =	ssyncadd.s32 $0xFFFFA100  }
0x3c5: {  	[hbm4b:s17+s2] =	stream.linear.scatter [tilespmem:s11], [sflag:$0x8], $0x5F00, $0x38;
	[tilespmem:$0x18BB0] =	vst v63  }
0x3c6: {  	_ =	swait.ge [sflag:s12], $0x5F00  }
0x3c7: {  	[sflag:s12] =	ssyncset.done $0x0  }
0x3c8: {  	[sflag:s12] =	ssyncadd.s32 $0xFFFFA100  }
0x3c9: {  	[tilespmem:s14], [sflag:$0x3] =	stream.indirect.gather [hbm4b:s3+s10], $0x130, s25, s10, $0xb8;
	[tilespmem:$0x18BB0] =	vst v63  }
0x3ca: {  	_ =	swait.ge [sflag:s5], $0x5F00  }
0x3cb: {  	s17 =	sld [smem:$0x7CF]  }
0x3cc: {  	[sflag:s5] =	ssyncset.done $0x0  }
0x3cd: {  	[sflag:s5] =	ssyncadd.s32 $0xFFFFA100  }
0x3ce: {  	[hbm4b:s17+s2] =	stream.linear.scatter [tilespmem:s4], [sflag:$0x5], $0x5F00, $0x38;
	[tilespmem:$0x18BB0] =	vst v63  }
0x3cf: {  	_ =	swait.ge [sflag:s13], $0x5F00  }
0x3d0: {  	[sflag:s13] =	ssyncset.done $0x0  }
0x3d1: {  	[sflag:s13] =	ssyncadd.s32 $0xFFFFA100  }
0x3d2: {  	[tilespmem:s11], [sflag:$0x4] =	stream.indirect.gather [hbm4b:s3+s10], $0x130, s24, s10, $0xb8;
	[tilespmem:$0x18BB0] =	vst v63  }
0x3d3: {  	_ =	swait.ge [sflag:s9], $0x5F00  }
0x3d4: {  	s17 =	sld [smem:$0x7D0]  }
0x3d5: {  	[sflag:s9] =	ssyncset.done $0x0  }
0x3d6: {  	[sflag:s9] =	ssyncadd.s32 $0xFFFFA100  }
0x3d7: {  	[hbm4b:s17+s2] =	stream.linear.scatter [tilespmem:s6], [sflag:$0x6], $0x5F00, $0x38;
	[tilespmem:$0x18BB0] =	vst v63  }
0x3d8: {  	_ =	swait.ge [sflag:s7], $0x5F00  }
0x3d9: {  	[sflag:s7] =	ssyncset.done $0x0  }
0x3da: {  	[sflag:s7] =	ssyncadd.s32 $0xFFFFA100  }
0x3db: {  	[tilespmem:s4], [sflag:$0x1] =	stream.indirect.gather [hbm4b:s3+s10], $0x130, s23, s10, $0xb8;
	[tilespmem:$0x18BB0] =	vst v63  }
0x3dc: {  	_ =	swait.ge [sflag:s16], $0x5F00  }
0x3dd: {  	s17 =	sld [smem:$0x7D1]  }
0x3de: {  	[sflag:s16] =	ssyncset.done $0x0  }
0x3df: {  	[sflag:s16] =	ssyncadd.s32 $0xFFFFA100  }
0x3e0: {  	[hbm4b:s17+s2] =	stream.linear.scatter [tilespmem:s14], [sflag:$0x7], $0x5F00, $0x38;
	[tilespmem:$0x18BB0] =	vst v63  }
0x3e1: {  	_ =	swait.ge [sflag:s8], $0x5F00  }
0x3e2: {  	[sflag:s8] =	ssyncset.done $0x0  }
0x3e3: {  	[sflag:s8] =	ssyncadd.s32 $0xFFFFA100  }
0x3e4: {  	[tilespmem:s6], [sflag:$0x2] =	stream.indirect.gather [hbm4b:s3+s10], $0x130, s22, s10, $0xb8;
	[tilespmem:$0x18BB0] =	vst v63  }
0x3e5: {  	_ =	swait.ge [sflag:s15], $0x5F00  }
0x3e6: {  	s17 =	sld [smem:$0x7D2]  }
0x3e7: {  	[sflag:s15] =	ssyncset.done $0x0  }
0x3e8: {  	[sflag:s15] =	ssyncadd.s32 $0xFFFFA100  }
0x3e9: {  	[hbm4b:s17+s2] =	stream.linear.scatter [tilespmem:s11], [sflag:$0x8], $0x5F00, $0x38;
	[tilespmem:$0x18BB0] =	vst v63  }
0x3ea: {  	_ =	swait.ge [sflag:s12], $0x5F00  }
0x3eb: {  	[sflag:s12] =	ssyncset.done $0x0  }
0x3ec: {  	[sflag:s12] =	ssyncadd.s32 $0xFFFFA100  }
0x3ed: {  	[tilespmem:s14], [sflag:$0x3] =	stream.indirect.gather [hbm4b:s3+s10], $0x130, s21, s10, $0xb8;
	[tilespmem:$0x18BB0] =	vst v63  }
0x3ee: {  	_ =	swait.ge [sflag:s5], $0x5F00  }
0x3ef: {  	s17 =	sld [smem:$0x7D3]  }
0x3f0: {  	[sflag:s5] =	ssyncset.done $0x0  }
0x3f1: {  	[sflag:s5] =	ssyncadd.s32 $0xFFFFA100  }
0x3f2: {  	[hbm4b:s17+s2] =	stream.linear.scatter [tilespmem:s4], [sflag:$0x5], $0x5F00, $0x38;
	[tilespmem:$0x18BB0] =	vst v63  }
0x3f3: {  	_ =	swait.ge [sflag:s13], $0x5F00  }
0x3f4: {  	[sflag:s13] =	ssyncset.done $0x0  }
0x3f5: {  	[sflag:s13] =	ssyncadd.s32 $0xFFFFA100  }
0x3f6: {  	[tilespmem:s11], [sflag:$0x4] =	stream.indirect.gather [hbm4b:s3+s10], $0x130, s20, s10, $0xb8;
	[tilespmem:$0x18BB0] =	vst v63  }
0x3f7: {  	_ =	swait.ge [sflag:s9], $0x5F00  }
0x3f8: {  	s17 =	sld [smem:$0x7D4]  }
0x3f9: {  	[sflag:s9] =	ssyncset.done $0x0  }
0x3fa: {  	[sflag:s9] =	ssyncadd.s32 $0xFFFFA100  }
0x3fb: {  	[hbm4b:s17+s2] =	stream.linear.scatter [tilespmem:s6], [sflag:$0x6], $0x5F00, $0x38;
	[tilespmem:$0x18BB0] =	vst v63  }
0x3fc: {  	_ =	swait.ge [sflag:s7], $0x5F00  }
0x3fd: {  	[sflag:s7] =	ssyncset.done $0x0  }
0x3fe: {  	[sflag:s7] =	ssyncadd.s32 $0xFFFFA100  }
0x3ff: {  	[tilespmem:s4], [sflag:$0x1] =	stream.indirect.gather [hbm4b:s3+s10], $0x130, s19, s10, $0xb8;
	[tilespmem:$0x18BB0] =	vst v63  }
0x400: {  	_ =	swait.ge [sflag:s16], $0x5F00  }
0x401: {  	s17 =	sld [smem:$0x7D5]  }
0x402: {  	[sflag:s16] =	ssyncset.done $0x0  }
0x403: {  	[sflag:s16] =	ssyncadd.s32 $0xFFFFA100  }
0x404: {  	[hbm4b:s17+s2] =	stream.linear.scatter [tilespmem:s14], [sflag:$0x7], $0x5F00, $0x38;
	[tilespmem:$0x18BB0] =	vst v63  }
0x405: {  	_ =	swait.ge [sflag:s8], $0x5F00  }
0x406: {  	[sflag:s8] =	ssyncset.done $0x0  }
0x407: {  	[sflag:s8] =	ssyncadd.s32 $0xFFFFA100  }
0x408: {  	[tilespmem:s6], [sflag:$0x2] =	stream.indirect.gather [hbm4b:s3+s10], $0x130, s18, s10, $0xb8;
	[tilespmem:$0x18BB0] =	vst v63  }
0x409: {  	_ =	swait.ge [sflag:s15], $0x5F00  }
0x40a: {  	s17 =	sld [smem:$0x7D6]  }
0x40b: {  	[sflag:s15] =	ssyncset.done $0x0  }
0x40c: {  	[sflag:s15] =	ssyncadd.s32 $0xFFFFA100  }
0x40d: {  	[hbm4b:s17+s2] =	stream.linear.scatter [tilespmem:s11], [sflag:$0x8], $0x5F00, $0x38;
	[tilespmem:$0x18BB0] =	vst v63  }
0x40e: {  	_ =	swait.ge [sflag:s5], $0x5F00  }
0x40f: {  	s17 =	sld [smem:$0x7D7]  }
0x410: {  	[sflag:s5] =	ssyncset.done $0x0  }
0x411: {  	[sflag:s5] =	ssyncadd.s32 $0xFFFFA100  }
0x412: {  	[hbm4b:s17+s2] =	stream.linear.scatter [tilespmem:s4], [sflag:$0x5], $0x5F00, $0x38;
	[tilespmem:$0x18BB0] =	vst v63  }
0x413: {  	_ =	swait.ge [sflag:s9], $0x5F00  }
0x414: {  	s17 =	sld [smem:$0x7D8]  }
0x415: {  	[sflag:s9] =	ssyncset.done $0x0  }
0x416: {  	[sflag:s9] =	ssyncadd.s32 $0xFFFFA100  }
0x417: {  	[hbm4b:s17+s2] =	stream.linear.scatter [tilespmem:s6], [sflag:$0x6], $0x5F00, $0x38;
	[tilespmem:$0x18BB0] =	vst v63  }
0x418: {  	_ =	swait.ge [sflag:s12], $0x5F00  }
0x419: {  	[sflag:s12] =	ssyncset.done $0x0  }
0x41a: {  	[sflag:s12] =	ssyncadd.s32 $0xFFFFA100  }
0x41b: {  	_ =	swait.ge [sflag:s13], $0x5F00  }
0x41c: {  	[sflag:s13] =	ssyncset.done $0x0  }
0x41d: {  	p1 =	sne.s32 s1, $0x1;
	[sflag:s13] =	ssyncadd.s32 $0xFFFFA100  }
.Ltmp2:
0x41e: {  	_ =	swait.ge [sflag:s7], $0x5F00;
	(pc) =	sbr.rel @p1 .LBB2_4-.Ltmp2, $4  }
0x41f: {  	[sflag:s7] =	ssyncset.done $0x0  }
0x420: {  	[sflag:s7] =	ssyncadd.s32 $0xFFFFA100  }
0x421: {  	_ =	swait.ge [sflag:s8], $0x5F00  }
0x422: {  	s1 =	sadd.s32 $0xFFFFFFFF, s1;
	s0 =	rddreg [dreg:$0x3];
	[sflag:s8] =	ssyncset.done $0x0  }
0x423: {  	s18 =	simm.s32 $0xBE0;
	s29 =	simm.s32 $0xC30;
	s28 =	simm.s32 $0xC80  }
0x424: {  	s26 =	simm.s32 $0xCD0;
	s25 =	simm.s32 $0xD20;
	s24 =	simm.s32 $0xD70  }
0x425: {  	s23 =	simm.s32 $0xDC0;
	s22 =	simm.s32 $0xE10;
	s21 =	simm.s32 $0xE60  }
0x426: {  	s20 =	simm.s32 $0xEB0;
	s19 =	simm.s32 $0xF00;
	s17 =	stileid.u32  }
.LBB2_6:
0x427: {  	[sflag:s8] =	ssyncadd.s32 @p0 $0xFFFFA100  }
0x428: {  	[tilespmem:s2], [sflag:$0x9] =	stream.linear.gather [hbm4b:s0+s2], $0xFA0, $0x38;
	[tilespmem:$0x18BB0] =	vst v63  }
0x429: {  	_ =	swait.ge [sflag:s30], $0xFA0  }
0x42a: {  	[sflag:s30] =	ssyncset.done $0x0  }
0x42b: {  	s1 =	rddreg [dreg:$0x4];
	[sflag:s30] =	ssyncadd.s32 $0xFFFFF060  }
0x42c: {  	[tilespmem:s31], [sflag:$0x9] =	stream.linear.gather [hbm4b:s1+s2], $0x10, $0x38;
	[tilespmem:$0x18BB0] =	vst v63  }
0x42d: {  	_ =	swait.ge [sflag:s30], $0x10  }
0x42e: {  	s1 =	sld [smem:$0x7D9]  }
0x42f: {  	[sflag:s30] =	ssyncset.done $0x0  }
0x430: {  	[sflag:s30] =	ssyncadd.s32 $0xFFFFFFF0  }
0x431: {  	[tilespmem:s4], [sflag:$0x1] =	stream.indirect.gather [hbm4b:s3+s1], $0x130, s31, s1, $0xb8;
	[tilespmem:$0x18BB0] =	vst v63  }
0x432: {  	_ =	swait.ge [sflag:s5], $0x1300  }
0x433: {  	[sflag:s5] =	ssyncset.done $0x0  }
0x434: {  	s1 =	rddreg [dreg:$0x5];
	[sflag:s5] =	ssyncadd.s32 $0xFFFFED00  }
0x435: {  	[hbm4b:s1+s2] =	stream.linear.scatter [tilespmem:s4], [sflag:$0x9], $0x1300, $0x38;
	[tilespmem:$0x18BB0] =	vst v63  }
0x436: {  	_ =	swait.ge [sflag:s30], $0x1300  }
0x437: {  	[sflag:s30] =	ssyncset.done $0x0  }
0x438: {  	[sflag:s30] =	ssyncadd.s32 $0xFFFFED00  }
0x439: {  	[tilespmem:s4], [sflag:$0x1] =	stream.indirect.gather [hbm4b:s3+s10], $0x130, s2, s10, $0xb8;
	[tilespmem:$0x18BB0] =	vst v63  }
0x43a: {  	s30 =	sld [smem:$0x7DA]  }
0x43b: {  	[tilespmem:s6], [sflag:$0x2] =	stream.indirect.gather [hbm4b:s3+s10], $0x130, s10, s10, $0xb8;
	[tilespmem:$0x18BB0] =	vst v63  }
0x43c: {  	_ = 	snop  }
0x43d: {  	[tilespmem:s14], [sflag:$0x3] =	stream.indirect.gather [hbm4b:s3+s10], $0x130, s30, s10, $0xb8;
	[tilespmem:$0x18BB0] =	vst v63  }
0x43e: {  	_ =	swait.ge [sflag:s5], $0x5F00  }
0x43f: {  	s31 =	rddreg [dreg:$0x6];
	[sflag:s5] =	ssyncset.done $0x0  }
0x440: {  	s1 =	sld [smem:$0x7DB];
	[sflag:s5] =	ssyncadd.s32 $0xFFFFA100  }
0x441: {  	[hbm4b:s31+s2] =	stream.linear.scatter [tilespmem:s4], [sflag:$0x5], $0x5F00, $0x38;
	[tilespmem:$0x18BB0] =	vst v63  }
0x442: {  	_ = 	snop  }
0x443: {  	[tilespmem:s11], [sflag:$0x4] =	stream.indirect.gather [hbm4b:s3+s10], $0x130, s1, s10, $0xb8;
	[tilespmem:$0x18BB0] =	vst v63  }
0x444: {  	_ =	swait.ge [sflag:s9], $0x5F00  }
0x445: {  	[sflag:s9] =	ssyncset.done $0x0  }
0x446: {  	s1 =	rddreg [dreg:$0x7];
	[sflag:s9] =	ssyncadd.s32 $0xFFFFA100  }
0x447: {  	[hbm4b:s1+s2] =	stream.linear.scatter [tilespmem:s6], [sflag:$0x6], $0x5F00, $0x38;
	[tilespmem:$0x18BB0] =	vst v63  }
0x448: {  	_ =	swait.ge [sflag:s7], $0x5F00  }
0x449: {  	s30 =	sld [smem:$0x7DC]  }
0x44a: {  	[sflag:s7] =	ssyncset.done $0x0  }
0x44b: {  	[sflag:s7] =	ssyncadd.s32 $0xFFFFA100  }
0x44c: {  	[tilespmem:s4], [sflag:$0x1] =	stream.indirect.gather [hbm4b:s3+s10], $0x130, s30, s10, $0xb8;
	[tilespmem:$0x18BB0] =	vst v63  }
0x44d: {  	_ =	swait.ge [sflag:s16], $0x5F00  }
0x44e: {  	[sflag:s16] =	ssyncset.done $0x0  }
0x44f: {  	s31 =	rddreg [dreg:$0x8];
	[sflag:s16] =	ssyncadd.s32 $0xFFFFA100  }
0x450: {  	[hbm4b:s31+s2] =	stream.linear.scatter [tilespmem:s14], [sflag:$0x7], $0x5F00, $0x38;
	[tilespmem:$0x18BB0] =	vst v63  }
0x451: {  	_ =	swait.ge [sflag:s8], $0x5F00  }
0x452: {  	s1 =	sld [smem:$0x7DD]  }
0x453: {  	[sflag:s8] =	ssyncset.done $0x0  }
0x454: {  	[sflag:s8] =	ssyncadd.s32 $0xFFFFA100  }
0x455: {  	[tilespmem:s6], [sflag:$0x2] =	stream.indirect.gather [hbm4b:s3+s10], $0x130, s1, s10, $0xb8;
	[tilespmem:$0x18BB0] =	vst v63  }
0x456: {  	_ =	swait.ge [sflag:s15], $0x5F00  }
0x457: {  	[sflag:s15] =	ssyncset.done $0x0  }
0x458: {  	s30 =	rddreg [dreg:$0x9];
	[sflag:s15] =	ssyncadd.s32 $0xFFFFA100  }
0x459: {  	[hbm4b:s30+s2] =	stream.linear.scatter [tilespmem:s11], [sflag:$0x8], $0x5F00, $0x38;
	[tilespmem:$0x18BB0] =	vst v63  }
0x45a: {  	_ =	swait.ge [sflag:s12], $0x5F00  }
0x45b: {  	s31 =	sld [smem:$0x7DE]  }
0x45c: {  	[sflag:s12] =	ssyncset.done $0x0  }
0x45d: {  	[sflag:s12] =	ssyncadd.s32 $0xFFFFA100  }
0x45e: {  	[tilespmem:s14], [sflag:$0x3] =	stream.indirect.gather [hbm4b:s3+s10], $0x130, s31, s10, $0xb8;
	[tilespmem:$0x18BB0] =	vst v63  }
0x45f: {  	_ =	swait.ge [sflag:s5], $0x5F00  }
0x460: {  	[sflag:s5] =	ssyncset.done $0x0  }
0x461: {  	s1 =	rddreg [dreg:$0xa];
	[sflag:s5] =	ssyncadd.s32 $0xFFFFA100  }
0x462: {  	[hbm4b:s1+s2] =	stream.linear.scatter [tilespmem:s4], [sflag:$0x5], $0x5F00, $0x38;
	[tilespmem:$0x18BB0] =	vst v63  }
0x463: {  	_ =	swait.ge [sflag:s13], $0x5F00  }
0x464: {  	s30 =	sld [smem:$0x7DF]  }
0x465: {  	[sflag:s13] =	ssyncset.done $0x0  }
0x466: {  	[sflag:s13] =	ssyncadd.s32 $0xFFFFA100  }
0x467: {  	[tilespmem:s11], [sflag:$0x4] =	stream.indirect.gather [hbm4b:s3+s10], $0x130, s30, s10, $0xb8;
	[tilespmem:$0x18BB0] =	vst v63  }
0x468: {  	_ =	swait.ge [sflag:s9], $0x5F00  }
0x469: {  	[sflag:s9] =	ssyncset.done $0x0  }
0x46a: {  	s31 =	rddreg [dreg:$0xb];
	[sflag:s9] =	ssyncadd.s32 $0xFFFFA100  }
0x46b: {  	[hbm4b:s31+s2] =	stream.linear.scatter [tilespmem:s6], [sflag:$0x6], $0x5F00, $0x38;
	[tilespmem:$0x18BB0] =	vst v63  }
0x46c: {  	_ =	swait.ge [sflag:s7], $0x5F00  }
0x46d: {  	s1 =	sld [smem:$0x7E0]  }
0x46e: {  	[sflag:s7] =	ssyncset.done $0x0  }
0x46f: {  	[sflag:s7] =	ssyncadd.s32 $0xFFFFA100  }
0x470: {  	[tilespmem:s4], [sflag:$0x1] =	stream.indirect.gather [hbm4b:s3+s10], $0x130, s1, s10, $0xb8;
	[tilespmem:$0x18BB0] =	vst v63  }
0x471: {  	_ =	swait.ge [sflag:s16], $0x5F00  }
0x472: {  	[sflag:s16] =	ssyncset.done $0x0  }
0x473: {  	s30 =	rddreg [dreg:$0xc];
	[sflag:s16] =	ssyncadd.s32 $0xFFFFA100  }
0x474: {  	[hbm4b:s30+s2] =	stream.linear.scatter [tilespmem:s14], [sflag:$0x7], $0x5F00, $0x38;
	[tilespmem:$0x18BB0] =	vst v63  }
0x475: {  	_ =	swait.ge [sflag:s8], $0x5F00  }
0x476: {  	s31 =	sld [smem:$0x7E1]  }
0x477: {  	[sflag:s8] =	ssyncset.done $0x0  }
0x478: {  	[sflag:s8] =	ssyncadd.s32 $0xFFFFA100  }
0x479: {  	[tilespmem:s6], [sflag:$0x2] =	stream.indirect.gather [hbm4b:s3+s10], $0x130, s31, s10, $0xb8;
	[tilespmem:$0x18BB0] =	vst v63  }
0x47a: {  	_ =	swait.ge [sflag:s15], $0x5F00  }
0x47b: {  	[sflag:s15] =	ssyncset.done $0x0  }
0x47c: {  	s1 =	rddreg [dreg:$0xd];
	[sflag:s15] =	ssyncadd.s32 $0xFFFFA100  }
0x47d: {  	[hbm4b:s1+s2] =	stream.linear.scatter [tilespmem:s11], [sflag:$0x8], $0x5F00, $0x38;
	[tilespmem:$0x18BB0] =	vst v63  }
0x47e: {  	_ =	swait.ge [sflag:s12], $0x5F00  }
0x47f: {  	s30 =	sld [smem:$0x7E2]  }
0x480: {  	[sflag:s12] =	ssyncset.done $0x0  }
0x481: {  	[sflag:s12] =	ssyncadd.s32 $0xFFFFA100  }
0x482: {  	[tilespmem:s14], [sflag:$0x3] =	stream.indirect.gather [hbm4b:s3+s10], $0x130, s30, s10, $0xb8;
	[tilespmem:$0x18BB0] =	vst v63  }
0x483: {  	_ =	swait.ge [sflag:s5], $0x5F00  }
0x484: {  	[sflag:s5] =	ssyncset.done $0x0  }
0x485: {  	s31 =	rddreg [dreg:$0xe];
	[sflag:s5] =	ssyncadd.s32 $0xFFFFA100  }
0x486: {  	[hbm4b:s31+s2] =	stream.linear.scatter [tilespmem:s4], [sflag:$0x5], $0x5F00, $0x38;
	[tilespmem:$0x18BB0] =	vst v63  }
0x487: {  	_ =	swait.ge [sflag:s13], $0x5F00  }
0x488: {  	s1 =	sld [smem:$0x7E3]  }
0x489: {  	[sflag:s13] =	ssyncset.done $0x0  }
0x48a: {  	[sflag:s13] =	ssyncadd.s32 $0xFFFFA100  }
0x48b: {  	[tilespmem:s11], [sflag:$0x4] =	stream.indirect.gather [hbm4b:s3+s10], $0x130, s1, s10, $0xb8;
	[tilespmem:$0x18BB0] =	vst v63  }
0x48c: {  	_ =	swait.ge [sflag:s9], $0x5F00  }
0x48d: {  	[sflag:s9] =	ssyncset.done $0x0  }
0x48e: {  	s30 =	rddreg [dreg:$0xf];
	[sflag:s9] =	ssyncadd.s32 $0xFFFFA100  }
0x48f: {  	[hbm4b:s30+s2] =	stream.linear.scatter [tilespmem:s6], [sflag:$0x6], $0x5F00, $0x38;
	[tilespmem:$0x18BB0] =	vst v63  }
0x490: {  	_ =	swait.ge [sflag:s7], $0x5F00  }
0x491: {  	s31 =	sld [smem:$0x7E4]  }
0x492: {  	[sflag:s7] =	ssyncset.done $0x0  }
0x493: {  	[sflag:s7] =	ssyncadd.s32 $0xFFFFA100  }
0x494: {  	[tilespmem:s4], [sflag:$0x1] =	stream.indirect.gather [hbm4b:s3+s10], $0x130, s31, s10, $0xb8;
	[tilespmem:$0x18BB0] =	vst v63  }
0x495: {  	_ =	swait.ge [sflag:s16], $0x5F00  }
0x496: {  	[sflag:s16] =	ssyncset.done $0x0  }
0x497: {  	s1 =	rddreg [dreg:$0x10];
	[sflag:s16] =	ssyncadd.s32 $0xFFFFA100  }
0x498: {  	[hbm4b:s1+s2] =	stream.linear.scatter [tilespmem:s14], [sflag:$0x7], $0x5F00, $0x38;
	[tilespmem:$0x18BB0] =	vst v63  }
0x499: {  	_ =	swait.ge [sflag:s8], $0x5F00  }
0x49a: {  	s30 =	sld [smem:$0x7E5]  }
0x49b: {  	[sflag:s8] =	ssyncset.done $0x0  }
0x49c: {  	[sflag:s8] =	ssyncadd.s32 $0xFFFFA100  }
0x49d: {  	[tilespmem:s6], [sflag:$0x2] =	stream.indirect.gather [hbm4b:s3+s10], $0x130, s30, s10, $0xb8;
	[tilespmem:$0x18BB0] =	vst v63  }
0x49e: {  	_ =	swait.ge [sflag:s15], $0x5F00  }
0x49f: {  	[sflag:s15] =	ssyncset.done $0x0  }
0x4a0: {  	s31 =	rddreg [dreg:$0x11];
	[sflag:s15] =	ssyncadd.s32 $0xFFFFA100  }
0x4a1: {  	[hbm4b:s31+s2] =	stream.linear.scatter [tilespmem:s11], [sflag:$0x8], $0x5F00, $0x38;
	[tilespmem:$0x18BB0] =	vst v63  }
0x4a2: {  	_ =	swait.ge [sflag:s12], $0x5F00  }
0x4a3: {  	s1 =	sld [smem:$0x7E6]  }
0x4a4: {  	[sflag:s12] =	ssyncset.done $0x0  }
0x4a5: {  	[sflag:s12] =	ssyncadd.s32 $0xFFFFA100  }
0x4a6: {  	[tilespmem:s14], [sflag:$0x3] =	stream.indirect.gather [hbm4b:s3+s10], $0x130, s1, s10, $0xb8;
	[tilespmem:$0x18BB0] =	vst v63  }
0x4a7: {  	_ =	swait.ge [sflag:s5], $0x5F00  }
0x4a8: {  	[sflag:s5] =	ssyncset.done $0x0  }
0x4a9: {  	s30 =	rddreg [dreg:$0x12];
	[sflag:s5] =	ssyncadd.s32 $0xFFFFA100  }
0x4aa: {  	[hbm4b:s30+s2] =	stream.linear.scatter [tilespmem:s4], [sflag:$0x5], $0x5F00, $0x38;
	[tilespmem:$0x18BB0] =	vst v63  }
0x4ab: {  	_ =	swait.ge [sflag:s13], $0x5F00  }
0x4ac: {  	s31 =	sld [smem:$0x7E7]  }
0x4ad: {  	[sflag:s13] =	ssyncset.done $0x0  }
0x4ae: {  	[sflag:s13] =	ssyncadd.s32 $0xFFFFA100  }
0x4af: {  	[tilespmem:s11], [sflag:$0x4] =	stream.indirect.gather [hbm4b:s3+s10], $0x130, s31, s10, $0xb8;
	[tilespmem:$0x18BB0] =	vst v63  }
0x4b0: {  	_ =	swait.ge [sflag:s9], $0x5F00  }
0x4b1: {  	[sflag:s9] =	ssyncset.done $0x0  }
0x4b2: {  	s1 =	rddreg [dreg:$0x13];
	[sflag:s9] =	ssyncadd.s32 $0xFFFFA100  }
0x4b3: {  	[hbm4b:s1+s2] =	stream.linear.scatter [tilespmem:s6], [sflag:$0x6], $0x5F00, $0x38;
	[tilespmem:$0x18BB0] =	vst v63  }
0x4b4: {  	_ =	swait.ge [sflag:s7], $0x5F00  }
0x4b5: {  	s30 =	sld [smem:$0x7E8]  }
0x4b6: {  	[sflag:s7] =	ssyncset.done $0x0  }
0x4b7: {  	[sflag:s7] =	ssyncadd.s32 $0xFFFFA100  }
0x4b8: {  	[tilespmem:s4], [sflag:$0x1] =	stream.indirect.gather [hbm4b:s3+s10], $0x130, s30, s10, $0xb8;
	[tilespmem:$0x18BB0] =	vst v63  }
0x4b9: {  	_ =	swait.ge [sflag:s16], $0x5F00  }
0x4ba: {  	[sflag:s16] =	ssyncset.done $0x0  }
0x4bb: {  	s31 =	rddreg [dreg:$0x14];
	[sflag:s16] =	ssyncadd.s32 $0xFFFFA100  }
0x4bc: {  	[hbm4b:s31+s2] =	stream.linear.scatter [tilespmem:s14], [sflag:$0x7], $0x5F00, $0x38;
	[tilespmem:$0x18BB0] =	vst v63  }
0x4bd: {  	_ =	swait.ge [sflag:s8], $0x5F00  }
0x4be: {  	s1 =	sld [smem:$0x7E9]  }
0x4bf: {  	[sflag:s8] =	ssyncset.done $0x0  }
0x4c0: {  	[sflag:s8] =	ssyncadd.s32 $0xFFFFA100  }
0x4c1: {  	[tilespmem:s6], [sflag:$0x2] =	stream.indirect.gather [hbm4b:s3+s10], $0x130, s1, s10, $0xb8;
	[tilespmem:$0x18BB0] =	vst v63  }
0x4c2: {  	_ =	swait.ge [sflag:s15], $0x5F00  }
0x4c3: {  	[sflag:s15] =	ssyncset.done $0x0  }
0x4c4: {  	s30 =	rddreg [dreg:$0x15];
	[sflag:s15] =	ssyncadd.s32 $0xFFFFA100  }
0x4c5: {  	[hbm4b:s30+s2] =	stream.linear.scatter [tilespmem:s11], [sflag:$0x8], $0x5F00, $0x38;
	[tilespmem:$0x18BB0] =	vst v63  }
0x4c6: {  	_ =	swait.ge [sflag:s12], $0x5F00  }
0x4c7: {  	s31 =	sld [smem:$0x7EA]  }
0x4c8: {  	[sflag:s12] =	ssyncset.done $0x0  }
0x4c9: {  	[sflag:s12] =	ssyncadd.s32 $0xFFFFA100  }
0x4ca: {  	[tilespmem:s14], [sflag:$0x3] =	stream.indirect.gather [hbm4b:s3+s10], $0x130, s31, s10, $0xb8;
	[tilespmem:$0x18BB0] =	vst v63  }
0x4cb: {  	_ =	swait.ge [sflag:s5], $0x5F00  }
0x4cc: {  	[sflag:s5] =	ssyncset.done $0x0  }
0x4cd: {  	s1 =	rddreg [dreg:$0x16];
	[sflag:s5] =	ssyncadd.s32 $0xFFFFA100  }
0x4ce: {  	[hbm4b:s1+s2] =	stream.linear.scatter [tilespmem:s4], [sflag:$0x5], $0x5F00, $0x38;
	[tilespmem:$0x18BB0] =	vst v63  }
0x4cf: {  	_ =	swait.ge [sflag:s13], $0x5F00  }
0x4d0: {  	s30 =	sld [smem:$0x7EB]  }
0x4d1: {  	[sflag:s13] =	ssyncset.done $0x0  }
0x4d2: {  	[sflag:s13] =	ssyncadd.s32 $0xFFFFA100  }
0x4d3: {  	[tilespmem:s11], [sflag:$0x4] =	stream.indirect.gather [hbm4b:s3+s10], $0x130, s30, s10, $0xb8;
	[tilespmem:$0x18BB0] =	vst v63  }
0x4d4: {  	_ =	swait.ge [sflag:s9], $0x5F00  }
0x4d5: {  	[sflag:s9] =	ssyncset.done $0x0  }
0x4d6: {  	s31 =	rddreg [dreg:$0x17];
	[sflag:s9] =	ssyncadd.s32 $0xFFFFA100  }
0x4d7: {  	[hbm4b:s31+s2] =	stream.linear.scatter [tilespmem:s6], [sflag:$0x6], $0x5F00, $0x38;
	[tilespmem:$0x18BB0] =	vst v63  }
0x4d8: {  	_ =	swait.ge [sflag:s7], $0x5F00  }
0x4d9: {  	s1 =	sld [smem:$0x7EC]  }
0x4da: {  	[sflag:s7] =	ssyncset.done $0x0  }
0x4db: {  	[sflag:s7] =	ssyncadd.s32 $0xFFFFA100  }
0x4dc: {  	[tilespmem:s4], [sflag:$0x1] =	stream.indirect.gather [hbm4b:s3+s10], $0x130, s1, s10, $0xb8;
	[tilespmem:$0x18BB0] =	vst v63  }
0x4dd: {  	_ =	swait.ge [sflag:s16], $0x5F00  }
0x4de: {  	[sflag:s16] =	ssyncset.done $0x0  }
0x4df: {  	s30 =	rddreg [dreg:$0x18];
	[sflag:s16] =	ssyncadd.s32 $0xFFFFA100  }
0x4e0: {  	[hbm4b:s30+s2] =	stream.linear.scatter [tilespmem:s14], [sflag:$0x7], $0x5F00, $0x38;
	[tilespmem:$0x18BB0] =	vst v63  }
0x4e1: {  	_ =	swait.ge [sflag:s8], $0x5F00  }
0x4e2: {  	s31 =	sld [smem:$0x7ED]  }
0x4e3: {  	[sflag:s8] =	ssyncset.done $0x0  }
0x4e4: {  	[sflag:s8] =	ssyncadd.s32 $0xFFFFA100  }
0x4e5: {  	[tilespmem:s6], [sflag:$0x2] =	stream.indirect.gather [hbm4b:s3+s10], $0x130, s31, s10, $0xb8;
	[tilespmem:$0x18BB0] =	vst v63  }
0x4e6: {  	_ =	swait.ge [sflag:s15], $0x5F00  }
0x4e7: {  	[sflag:s15] =	ssyncset.done $0x0  }
0x4e8: {  	s1 =	rddreg [dreg:$0x19];
	[sflag:s15] =	ssyncadd.s32 $0xFFFFA100  }
0x4e9: {  	[hbm4b:s1+s2] =	stream.linear.scatter [tilespmem:s11], [sflag:$0x8], $0x5F00, $0x38;
	[tilespmem:$0x18BB0] =	vst v63  }
0x4ea: {  	_ =	swait.ge [sflag:s12], $0x5F00  }
0x4eb: {  	s30 =	sld [smem:$0x7EE]  }
0x4ec: {  	[sflag:s12] =	ssyncset.done $0x0  }
0x4ed: {  	[sflag:s12] =	ssyncadd.s32 $0xFFFFA100  }
0x4ee: {  	[tilespmem:s14], [sflag:$0x3] =	stream.indirect.gather [hbm4b:s3+s10], $0x130, s30, s10, $0xb8;
	[tilespmem:$0x18BB0] =	vst v63  }
0x4ef: {  	_ =	swait.ge [sflag:s5], $0x5F00  }
0x4f0: {  	[sflag:s5] =	ssyncset.done $0x0  }
0x4f1: {  	s31 =	rddreg [dreg:$0x1a];
	[sflag:s5] =	ssyncadd.s32 $0xFFFFA100  }
0x4f2: {  	[hbm4b:s31+s2] =	stream.linear.scatter [tilespmem:s4], [sflag:$0x5], $0x5F00, $0x38;
	[tilespmem:$0x18BB0] =	vst v63  }
0x4f3: {  	_ =	swait.ge [sflag:s13], $0x5F00  }
0x4f4: {  	s1 =	sld [smem:$0x7EF]  }
0x4f5: {  	[sflag:s13] =	ssyncset.done $0x0  }
0x4f6: {  	[sflag:s13] =	ssyncadd.s32 $0xFFFFA100  }
0x4f7: {  	[tilespmem:s11], [sflag:$0x4] =	stream.indirect.gather [hbm4b:s3+s10], $0x130, s1, s10, $0xb8;
	[tilespmem:$0x18BB0] =	vst v63  }
0x4f8: {  	_ =	swait.ge [sflag:s9], $0x5F00  }
0x4f9: {  	[sflag:s9] =	ssyncset.done $0x0  }
0x4fa: {  	s30 =	rddreg [dreg:$0x1b];
	[sflag:s9] =	ssyncadd.s32 $0xFFFFA100  }
0x4fb: {  	[hbm4b:s30+s2] =	stream.linear.scatter [tilespmem:s6], [sflag:$0x6], $0x5F00, $0x38;
	[tilespmem:$0x18BB0] =	vst v63  }
0x4fc: {  	_ =	swait.ge [sflag:s7], $0x5F00  }
0x4fd: {  	s31 =	sld [smem:$0x7F0]  }
0x4fe: {  	[sflag:s7] =	ssyncset.done $0x0  }
0x4ff: {  	[sflag:s7] =	ssyncadd.s32 $0xFFFFA100  }
0x500: {  	[tilespmem:s4], [sflag:$0x1] =	stream.indirect.gather [hbm4b:s3+s10], $0x130, s31, s10, $0xb8;
	[tilespmem:$0x18BB0] =	vst v63  }
0x501: {  	_ =	swait.ge [sflag:s16], $0x5F00  }
0x502: {  	[sflag:s16] =	ssyncset.done $0x0  }
0x503: {  	s1 =	rddreg [dreg:$0x1c];
	[sflag:s16] =	ssyncadd.s32 $0xFFFFA100  }
0x504: {  	[hbm4b:s1+s2] =	stream.linear.scatter [tilespmem:s14], [sflag:$0x7], $0x5F00, $0x38;
	[tilespmem:$0x18BB0] =	vst v63  }
0x505: {  	_ =	swait.ge [sflag:s8], $0x5F00  }
0x506: {  	s30 =	sld [smem:$0x7F1]  }
0x507: {  	[sflag:s8] =	ssyncset.done $0x0  }
0x508: {  	[sflag:s8] =	ssyncadd.s32 $0xFFFFA100  }
0x509: {  	[tilespmem:s6], [sflag:$0x2] =	stream.indirect.gather [hbm4b:s3+s10], $0x130, s30, s10, $0xb8;
	[tilespmem:$0x18BB0] =	vst v63  }
0x50a: {  	_ =	swait.ge [sflag:s15], $0x5F00  }
0x50b: {  	[sflag:s15] =	ssyncset.done $0x0  }
0x50c: {  	s31 =	rddreg [dreg:$0x1d];
	[sflag:s15] =	ssyncadd.s32 $0xFFFFA100  }
0x50d: {  	[hbm4b:s31+s2] =	stream.linear.scatter [tilespmem:s11], [sflag:$0x8], $0x5F00, $0x38;
	[tilespmem:$0x18BB0] =	vst v63  }
0x50e: {  	_ =	swait.ge [sflag:s12], $0x5F00  }
0x50f: {  	s1 =	sld [smem:$0x7F2]  }
0x510: {  	[sflag:s12] =	ssyncset.done $0x0  }
0x511: {  	[sflag:s12] =	ssyncadd.s32 $0xFFFFA100  }
0x512: {  	[tilespmem:s14], [sflag:$0x3] =	stream.indirect.gather [hbm4b:s3+s10], $0x130, s1, s10, $0xb8;
	[tilespmem:$0x18BB0] =	vst v63  }
0x513: {  	_ =	swait.ge [sflag:s5], $0x5F00  }
0x514: {  	[sflag:s5] =	ssyncset.done $0x0  }
0x515: {  	s30 =	rddreg [dreg:$0x1e];
	[sflag:s5] =	ssyncadd.s32 $0xFFFFA100  }
0x516: {  	[hbm4b:s30+s2] =	stream.linear.scatter [tilespmem:s4], [sflag:$0x5], $0x5F00, $0x38;
	[tilespmem:$0x18BB0] =	vst v63  }
0x517: {  	_ =	swait.ge [sflag:s13], $0x5F00  }
0x518: {  	s31 =	sld [smem:$0x7F3]  }
0x519: {  	[sflag:s13] =	ssyncset.done $0x0  }
0x51a: {  	[sflag:s13] =	ssyncadd.s32 $0xFFFFA100  }
0x51b: {  	[tilespmem:s11], [sflag:$0x4] =	stream.indirect.gather [hbm4b:s3+s10], $0x130, s31, s10, $0xb8;
	[tilespmem:$0x18BB0] =	vst v63  }
0x51c: {  	_ =	swait.ge [sflag:s9], $0x5F00  }
0x51d: {  	[sflag:s9] =	ssyncset.done $0x0  }
0x51e: {  	s1 =	rddreg [dreg:$0x1f];
	[sflag:s9] =	ssyncadd.s32 $0xFFFFA100  }
0x51f: {  	[hbm4b:s1+s2] =	stream.linear.scatter [tilespmem:s6], [sflag:$0x6], $0x5F00, $0x38;
	[tilespmem:$0x18BB0] =	vst v63  }
0x520: {  	_ =	swait.ge [sflag:s7], $0x5F00  }
0x521: {  	s30 =	sld [smem:$0x7F4]  }
0x522: {  	[sflag:s7] =	ssyncset.done $0x0  }
0x523: {  	[sflag:s7] =	ssyncadd.s32 $0xFFFFA100  }
0x524: {  	[tilespmem:s4], [sflag:$0x1] =	stream.indirect.gather [hbm4b:s3+s10], $0x130, s30, s10, $0xb8;
	[tilespmem:$0x18BB0] =	vst v63  }
0x525: {  	_ =	swait.ge [sflag:s16], $0x5F00  }
0x526: {  	s31 =	sld [smem:$0x7C1]  }
0x527: {  	[sflag:s16] =	ssyncset.done $0x0  }
0x528: {  	[sflag:s16] =	ssyncadd.s32 $0xFFFFA100  }
0x529: {  	[hbm4b:s31+s2] =	stream.linear.scatter [tilespmem:s14], [sflag:$0x7], $0x5F00, $0x38;
	[tilespmem:$0x18BB0] =	vst v63  }
0x52a: {  	_ =	swait.ge [sflag:s8], $0x5F00  }
0x52b: {  	s1 =	sld [smem:$0x7F5]  }
0x52c: {  	[sflag:s8] =	ssyncset.done $0x0  }
0x52d: {  	[sflag:s8] =	ssyncadd.s32 $0xFFFFA100  }
0x52e: {  	[tilespmem:s6], [sflag:$0x2] =	stream.indirect.gather [hbm4b:s3+s10], $0x130, s1, s10, $0xb8;
	[tilespmem:$0x18BB0] =	vst v63  }
0x52f: {  	_ =	swait.ge [sflag:s15], $0x5F00  }
0x530: {  	s30 =	sld [smem:$0x7C2]  }
0x531: {  	[sflag:s15] =	ssyncset.done $0x0  }
0x532: {  	[sflag:s15] =	ssyncadd.s32 $0xFFFFA100  }
0x533: {  	[hbm4b:s30+s2] =	stream.linear.scatter [tilespmem:s11], [sflag:$0x8], $0x5F00, $0x38;
	[tilespmem:$0x18BB0] =	vst v63  }
0x534: {  	_ =	swait.ge [sflag:s12], $0x5F00  }
0x535: {  	s31 =	sld [smem:$0x7F6]  }
0x536: {  	[sflag:s12] =	ssyncset.done $0x0  }
0x537: {  	[sflag:s12] =	ssyncadd.s32 $0xFFFFA100  }
0x538: {  	[tilespmem:s14], [sflag:$0x3] =	stream.indirect.gather [hbm4b:s3+s10], $0x130, s31, s10, $0xb8;
	[tilespmem:$0x18BB0] =	vst v63  }
0x539: {  	_ =	swait.ge [sflag:s5], $0x5F00  }
0x53a: {  	s1 =	sld [smem:$0x7C3]  }
0x53b: {  	[sflag:s5] =	ssyncset.done $0x0  }
0x53c: {  	[sflag:s5] =	ssyncadd.s32 $0xFFFFA100  }
0x53d: {  	[hbm4b:s1+s2] =	stream.linear.scatter [tilespmem:s4], [sflag:$0x5], $0x5F00, $0x38;
	[tilespmem:$0x18BB0] =	vst v63  }
0x53e: {  	_ =	swait.ge [sflag:s13], $0x5F00  }
0x53f: {  	s30 =	sld [smem:$0x7F7]  }
0x540: {  	[sflag:s13] =	ssyncset.done $0x0  }
0x541: {  	[sflag:s13] =	ssyncadd.s32 $0xFFFFA100  }
0x542: {  	[tilespmem:s11], [sflag:$0x4] =	stream.indirect.gather [hbm4b:s3+s10], $0x130, s30, s10, $0xb8;
	[tilespmem:$0x18BB0] =	vst v63  }
0x543: {  	_ =	swait.ge [sflag:s9], $0x5F00  }
0x544: {  	s31 =	sld [smem:$0x7C4]  }
0x545: {  	[sflag:s9] =	ssyncset.done $0x0  }
0x546: {  	[sflag:s9] =	ssyncadd.s32 $0xFFFFA100  }
0x547: {  	[hbm4b:s31+s2] =	stream.linear.scatter [tilespmem:s6], [sflag:$0x6], $0x5F00, $0x38;
	[tilespmem:$0x18BB0] =	vst v63  }
0x548: {  	_ =	swait.ge [sflag:s7], $0x5F00  }
0x549: {  	s1 =	sld [smem:$0x7F8]  }
0x54a: {  	[sflag:s7] =	ssyncset.done $0x0  }
0x54b: {  	[sflag:s7] =	ssyncadd.s32 $0xFFFFA100  }
0x54c: {  	[tilespmem:s4], [sflag:$0x1] =	stream.indirect.gather [hbm4b:s3+s10], $0x130, s1, s10, $0xb8;
	[tilespmem:$0x18BB0] =	vst v63  }
0x54d: {  	_ =	swait.ge [sflag:s16], $0x5F00  }
0x54e: {  	s30 =	sld [smem:$0x7C5]  }
0x54f: {  	[sflag:s16] =	ssyncset.done $0x0  }
0x550: {  	[sflag:s16] =	ssyncadd.s32 $0xFFFFA100  }
0x551: {  	[hbm4b:s30+s2] =	stream.linear.scatter [tilespmem:s14], [sflag:$0x7], $0x5F00, $0x38;
	[tilespmem:$0x18BB0] =	vst v63  }
0x552: {  	_ =	swait.ge [sflag:s8], $0x5F00  }
0x553: {  	s31 =	sld [smem:$0x7F9]  }
0x554: {  	[sflag:s8] =	ssyncset.done $0x0  }
0x555: {  	[sflag:s8] =	ssyncadd.s32 $0xFFFFA100  }
0x556: {  	[tilespmem:s6], [sflag:$0x2] =	stream.indirect.gather [hbm4b:s3+s10], $0x130, s31, s10, $0xb8;
	[tilespmem:$0x18BB0] =	vst v63  }
0x557: {  	_ =	swait.ge [sflag:s15], $0x5F00  }
0x558: {  	s1 =	sld [smem:$0x7C6]  }
0x559: {  	[sflag:s15] =	ssyncset.done $0x0  }
0x55a: {  	[sflag:s15] =	ssyncadd.s32 $0xFFFFA100  }
0x55b: {  	[hbm4b:s1+s2] =	stream.linear.scatter [tilespmem:s11], [sflag:$0x8], $0x5F00, $0x38;
	[tilespmem:$0x18BB0] =	vst v63  }
0x55c: {  	_ =	swait.ge [sflag:s12], $0x5F00  }
0x55d: {  	s30 =	sld [smem:$0x7FA]  }
0x55e: {  	[sflag:s12] =	ssyncset.done $0x0  }
0x55f: {  	[sflag:s12] =	ssyncadd.s32 $0xFFFFA100  }
0x560: {  	[tilespmem:s14], [sflag:$0x3] =	stream.indirect.gather [hbm4b:s3+s10], $0x130, s30, s10, $0xb8;
	[tilespmem:$0x18BB0] =	vst v63  }
0x561: {  	_ =	swait.ge [sflag:s5], $0x5F00  }
0x562: {  	s31 =	sld [smem:$0x7C7]  }
0x563: {  	[sflag:s5] =	ssyncset.done $0x0  }
0x564: {  	[sflag:s5] =	ssyncadd.s32 $0xFFFFA100  }
0x565: {  	[hbm4b:s31+s2] =	stream.linear.scatter [tilespmem:s4], [sflag:$0x5], $0x5F00, $0x38;
	[tilespmem:$0x18BB0] =	vst v63  }
0x566: {  	_ =	swait.ge [sflag:s13], $0x5F00  }
0x567: {  	s1 =	sld [smem:$0x7FB]  }
0x568: {  	[sflag:s13] =	ssyncset.done $0x0  }
0x569: {  	[sflag:s13] =	ssyncadd.s32 $0xFFFFA100  }
0x56a: {  	[tilespmem:s11], [sflag:$0x4] =	stream.indirect.gather [hbm4b:s3+s10], $0x130, s1, s10, $0xb8;
	[tilespmem:$0x18BB0] =	vst v63  }
0x56b: {  	_ =	swait.ge [sflag:s9], $0x5F00  }
0x56c: {  	s30 =	sld [smem:$0x7C8]  }
0x56d: {  	[sflag:s9] =	ssyncset.done $0x0  }
0x56e: {  	[sflag:s9] =	ssyncadd.s32 $0xFFFFA100  }
0x56f: {  	[hbm4b:s30+s2] =	stream.linear.scatter [tilespmem:s6], [sflag:$0x6], $0x5F00, $0x38;
	[tilespmem:$0x18BB0] =	vst v63  }
0x570: {  	_ =	swait.ge [sflag:s7], $0x5F00  }
0x571: {  	s31 =	sld [smem:$0x7FC]  }
0x572: {  	[sflag:s7] =	ssyncset.done $0x0  }
0x573: {  	[sflag:s7] =	ssyncadd.s32 $0xFFFFA100  }
0x574: {  	[tilespmem:s4], [sflag:$0x1] =	stream.indirect.gather [hbm4b:s3+s10], $0x130, s31, s10, $0xb8;
	[tilespmem:$0x18BB0] =	vst v63  }
0x575: {  	_ =	swait.ge [sflag:s16], $0x5F00  }
0x576: {  	s1 =	sld [smem:$0x7C9]  }
0x577: {  	[sflag:s16] =	ssyncset.done $0x0  }
0x578: {  	[sflag:s16] =	ssyncadd.s32 $0xFFFFA100  }
0x579: {  	[hbm4b:s1+s2] =	stream.linear.scatter [tilespmem:s14], [sflag:$0x7], $0x5F00, $0x38;
	[tilespmem:$0x18BB0] =	vst v63  }
0x57a: {  	_ =	swait.ge [sflag:s8], $0x5F00  }
0x57b: {  	s30 =	sld [smem:$0x7FD]  }
0x57c: {  	[sflag:s8] =	ssyncset.done $0x0  }
0x57d: {  	[sflag:s8] =	ssyncadd.s32 $0xFFFFA100  }
0x57e: {  	[tilespmem:s6], [sflag:$0x2] =	stream.indirect.gather [hbm4b:s3+s10], $0x130, s30, s10, $0xb8;
	[tilespmem:$0x18BB0] =	vst v63  }
0x57f: {  	_ =	swait.ge [sflag:s15], $0x5F00  }
0x580: {  	s31 =	sld [smem:$0x7CA]  }
0x581: {  	[sflag:s15] =	ssyncset.done $0x0  }
0x582: {  	[sflag:s15] =	ssyncadd.s32 $0xFFFFA100  }
0x583: {  	[hbm4b:s31+s2] =	stream.linear.scatter [tilespmem:s11], [sflag:$0x8], $0x5F00, $0x38;
	[tilespmem:$0x18BB0] =	vst v63  }
0x584: {  	_ =	swait.ge [sflag:s12], $0x5F00  }
0x585: {  	[sflag:s12] =	ssyncset.done $0x0  }
0x586: {  	[sflag:s12] =	ssyncadd.s32 $0xFFFFA100  }
0x587: {  	[tilespmem:s14], [sflag:$0x3] =	stream.indirect.gather [hbm4b:s3+s10], $0x130, s18, s10, $0xb8;
	[tilespmem:$0x18BB0] =	vst v63  }
0x588: {  	_ =	swait.ge [sflag:s5], $0x5F00  }
0x589: {  	s1 =	sld [smem:$0x7CB]  }
0x58a: {  	[sflag:s5] =	ssyncset.done $0x0  }
0x58b: {  	[sflag:s5] =	ssyncadd.s32 $0xFFFFA100  }
0x58c: {  	[hbm4b:s1+s2] =	stream.linear.scatter [tilespmem:s4], [sflag:$0x5], $0x5F00, $0x38;
	[tilespmem:$0x18BB0] =	vst v63  }
0x58d: {  	_ =	swait.ge [sflag:s13], $0x5F00  }
0x58e: {  	[sflag:s13] =	ssyncset.done $0x0  }
0x58f: {  	[sflag:s13] =	ssyncadd.s32 $0xFFFFA100  }
0x590: {  	[tilespmem:s11], [sflag:$0x4] =	stream.indirect.gather [hbm4b:s3+s10], $0x130, s29, s10, $0xb8;
	[tilespmem:$0x18BB0] =	vst v63  }
0x591: {  	_ =	swait.ge [sflag:s9], $0x5F00  }
0x592: {  	s18 =	sld [smem:$0x7CC]  }
0x593: {  	[sflag:s9] =	ssyncset.done $0x0  }
0x594: {  	[sflag:s9] =	ssyncadd.s32 $0xFFFFA100  }
0x595: {  	[hbm4b:s18+s2] =	stream.linear.scatter [tilespmem:s6], [sflag:$0x6], $0x5F00, $0x38;
	[tilespmem:$0x18BB0] =	vst v63  }
0x596: {  	_ =	swait.ge [sflag:s7], $0x5F00  }
0x597: {  	[sflag:s7] =	ssyncset.done $0x0  }
0x598: {  	[sflag:s7] =	ssyncadd.s32 $0xFFFFA100  }
0x599: {  	[tilespmem:s4], [sflag:$0x1] =	stream.indirect.gather [hbm4b:s3+s10], $0x130, s28, s10, $0xb8;
	[tilespmem:$0x18BB0] =	vst v63  }
0x59a: {  	_ =	swait.ge [sflag:s16], $0x5F00  }
0x59b: {  	s29 =	sld [smem:$0x7CD]  }
0x59c: {  	[sflag:s16] =	ssyncset.done $0x0  }
0x59d: {  	[sflag:s16] =	ssyncadd.s32 $0xFFFFA100  }
0x59e: {  	[hbm4b:s29+s2] =	stream.linear.scatter [tilespmem:s14], [sflag:$0x7], $0x5F00, $0x38;
	[tilespmem:$0x18BB0] =	vst v63  }
0x59f: {  	_ =	swait.ge [sflag:s8], $0x5F00  }
0x5a0: {  	[sflag:s8] =	ssyncset.done $0x0  }
0x5a1: {  	[sflag:s8] =	ssyncadd.s32 $0xFFFFA100  }
0x5a2: {  	[tilespmem:s6], [sflag:$0x2] =	stream.indirect.gather [hbm4b:s3+s10], $0x130, s26, s10, $0xb8;
	[tilespmem:$0x18BB0] =	vst v63  }
0x5a3: {  	_ =	swait.ge [sflag:s15], $0x5F00  }
0x5a4: {  	s30 =	sld [smem:$0x7CE]  }
0x5a5: {  	[sflag:s15] =	ssyncset.done $0x0  }
0x5a6: {  	[sflag:s15] =	ssyncadd.s32 $0xFFFFA100  }
0x5a7: {  	[hbm4b:s30+s2] =	stream.linear.scatter [tilespmem:s11], [sflag:$0x8], $0x5F00, $0x38;
	[tilespmem:$0x18BB0] =	vst v63  }
0x5a8: {  	_ =	swait.ge [sflag:s12], $0x5F00  }
0x5a9: {  	[sflag:s12] =	ssyncset.done $0x0  }
0x5aa: {  	[sflag:s12] =	ssyncadd.s32 $0xFFFFA100  }
0x5ab: {  	[tilespmem:s14], [sflag:$0x3] =	stream.indirect.gather [hbm4b:s3+s10], $0x130, s25, s10, $0xb8;
	[tilespmem:$0x18BB0] =	vst v63  }
0x5ac: {  	_ =	swait.ge [sflag:s5], $0x5F00  }
0x5ad: {  	s31 =	sld [smem:$0x7CF]  }
0x5ae: {  	[sflag:s5] =	ssyncset.done $0x0  }
0x5af: {  	[sflag:s5] =	ssyncadd.s32 $0xFFFFA100  }
0x5b0: {  	[hbm4b:s31+s2] =	stream.linear.scatter [tilespmem:s4], [sflag:$0x5], $0x5F00, $0x38;
	[tilespmem:$0x18BB0] =	vst v63  }
0x5b1: {  	_ =	swait.ge [sflag:s13], $0x5F00  }
0x5b2: {  	[sflag:s13] =	ssyncset.done $0x0  }
0x5b3: {  	[sflag:s13] =	ssyncadd.s32 $0xFFFFA100  }
0x5b4: {  	[tilespmem:s11], [sflag:$0x4] =	stream.indirect.gather [hbm4b:s3+s10], $0x130, s24, s10, $0xb8;
	[tilespmem:$0x18BB0] =	vst v63  }
0x5b5: {  	_ =	swait.ge [sflag:s9], $0x5F00  }
0x5b6: {  	s1 =	sld [smem:$0x7D0]  }
0x5b7: {  	[sflag:s9] =	ssyncset.done $0x0  }
0x5b8: {  	[sflag:s9] =	ssyncadd.s32 $0xFFFFA100  }
0x5b9: {  	[hbm4b:s1+s2] =	stream.linear.scatter [tilespmem:s6], [sflag:$0x6], $0x5F00, $0x38;
	[tilespmem:$0x18BB0] =	vst v63  }
0x5ba: {  	_ =	swait.ge [sflag:s7], $0x5F00  }
0x5bb: {  	[sflag:s7] =	ssyncset.done $0x0  }
0x5bc: {  	[sflag:s7] =	ssyncadd.s32 $0xFFFFA100  }
0x5bd: {  	[tilespmem:s4], [sflag:$0x1] =	stream.indirect.gather [hbm4b:s3+s10], $0x130, s23, s10, $0xb8;
	[tilespmem:$0x18BB0] =	vst v63  }
0x5be: {  	_ =	swait.ge [sflag:s16], $0x5F00  }
0x5bf: {  	s18 =	sld [smem:$0x7D1]  }
0x5c0: {  	[sflag:s16] =	ssyncset.done $0x0  }
0x5c1: {  	[sflag:s16] =	ssyncadd.s32 $0xFFFFA100  }
0x5c2: {  	[hbm4b:s18+s2] =	stream.linear.scatter [tilespmem:s14], [sflag:$0x7], $0x5F00, $0x38;
	[tilespmem:$0x18BB0] =	vst v63  }
0x5c3: {  	_ =	swait.ge [sflag:s8], $0x5F00  }
0x5c4: {  	[sflag:s8] =	ssyncset.done $0x0  }
0x5c5: {  	[sflag:s8] =	ssyncadd.s32 $0xFFFFA100  }
0x5c6: {  	[tilespmem:s6], [sflag:$0x2] =	stream.indirect.gather [hbm4b:s3+s10], $0x130, s22, s10, $0xb8;
	[tilespmem:$0x18BB0] =	vst v63  }
0x5c7: {  	_ =	swait.ge [sflag:s15], $0x5F00  }
0x5c8: {  	s23 =	sld [smem:$0x7D2]  }
0x5c9: {  	[sflag:s15] =	ssyncset.done $0x0  }
0x5ca: {  	[sflag:s15] =	ssyncadd.s32 $0xFFFFA100  }
0x5cb: {  	[hbm4b:s23+s2] =	stream.linear.scatter [tilespmem:s11], [sflag:$0x8], $0x5F00, $0x38;
	[tilespmem:$0x18BB0] =	vst v63  }
0x5cc: {  	_ =	swait.ge [sflag:s12], $0x5F00  }
0x5cd: {  	[sflag:s12] =	ssyncset.done $0x0  }
0x5ce: {  	[sflag:s12] =	ssyncadd.s32 $0xFFFFA100  }
0x5cf: {  	[tilespmem:s14], [sflag:$0x3] =	stream.indirect.gather [hbm4b:s3+s10], $0x130, s21, s10, $0xb8;
	[tilespmem:$0x18BB0] =	vst v63  }
0x5d0: {  	_ =	swait.ge [sflag:s5], $0x5F00  }
0x5d1: {  	s24 =	sld [smem:$0x7D3]  }
0x5d2: {  	[sflag:s5] =	ssyncset.done $0x0  }
0x5d3: {  	[sflag:s5] =	ssyncadd.s32 $0xFFFFA100  }
0x5d4: {  	[hbm4b:s24+s2] =	stream.linear.scatter [tilespmem:s4], [sflag:$0x5], $0x5F00, $0x38;
	[tilespmem:$0x18BB0] =	vst v63  }
0x5d5: {  	_ =	swait.ge [sflag:s13], $0x5F00  }
0x5d6: {  	[sflag:s13] =	ssyncset.done $0x0  }
0x5d7: {  	[sflag:s13] =	ssyncadd.s32 $0xFFFFA100  }
0x5d8: {  	[tilespmem:s11], [sflag:$0x4] =	stream.indirect.gather [hbm4b:s3+s10], $0x130, s20, s10, $0xb8;
	[tilespmem:$0x18BB0] =	vst v63  }
0x5d9: {  	_ =	swait.ge [sflag:s9], $0x5F00  }
0x5da: {  	s25 =	sld [smem:$0x7D4]  }
0x5db: {  	[sflag:s9] =	ssyncset.done $0x0  }
0x5dc: {  	[sflag:s9] =	ssyncadd.s32 $0xFFFFA100  }
0x5dd: {  	[hbm4b:s25+s2] =	stream.linear.scatter [tilespmem:s6], [sflag:$0x6], $0x5F00, $0x38;
	[tilespmem:$0x18BB0] =	vst v63  }
0x5de: {  	_ =	swait.ge [sflag:s7], $0x5F00  }
0x5df: {  	[sflag:s7] =	ssyncset.done $0x0  }
0x5e0: {  	[sflag:s7] =	ssyncadd.s32 $0xFFFFA100  }
0x5e1: {  	[tilespmem:s4], [sflag:$0x1] =	stream.indirect.gather [hbm4b:s3+s10], $0x130, s19, s10, $0xb8;
	[tilespmem:$0x18BB0] =	vst v63  }
0x5e2: {  	_ =	swait.ge [sflag:s16], $0x5F00  }
0x5e3: {  	s26 =	sld [smem:$0x7D5]  }
0x5e4: {  	[sflag:s16] =	ssyncset.done $0x0  }
0x5e5: {  	[sflag:s16] =	ssyncadd.s32 $0xFFFFA100  }
0x5e6: {  	[hbm4b:s26+s2] =	stream.linear.scatter [tilespmem:s14], [sflag:$0x7], $0x5F00, $0x38;
	[tilespmem:$0x18BB0] =	vst v63  }
0x5e7: {  	_ =	swait.ge [sflag:s8], $0x5F00  }
0x5e8: {  	[sflag:s8] =	ssyncset.done $0x0  }
0x5e9: {  	s28 =	simm.s32 $0xF50;
	[sflag:s8] =	ssyncadd.s32 $0xFFFFA100  }
0x5ea: {  	[tilespmem:s6], [sflag:$0x2] =	stream.indirect.gather [hbm4b:s3+s10], $0x130, s28, s10, $0xb8;
	[tilespmem:$0x18BB0] =	vst v63  }
0x5eb: {  	_ =	swait.ge [sflag:s15], $0x5F00  }
0x5ec: {  	s29 =	sld [smem:$0x7D6]  }
0x5ed: {  	[sflag:s15] =	ssyncset.done $0x0  }
0x5ee: {  	[sflag:s15] =	ssyncadd.s32 $0xFFFFA100  }
0x5ef: {  	[hbm4b:s29+s2] =	stream.linear.scatter [tilespmem:s11], [sflag:$0x8], $0x5F00, $0x38;
	[tilespmem:$0x18BB0] =	vst v63  }
0x5f0: {  	_ =	swait.ge [sflag:s5], $0x5F00  }
0x5f1: {  	s30 =	sld [smem:$0x7D7]  }
0x5f2: {  	[sflag:s5] =	ssyncset.done $0x0  }
0x5f3: {  	[sflag:s5] =	ssyncadd.s32 $0xFFFFA100  }
0x5f4: {  	[hbm4b:s30+s2] =	stream.linear.scatter [tilespmem:s4], [sflag:$0x5], $0x5F00, $0x38;
	[tilespmem:$0x18BB0] =	vst v63  }
0x5f5: {  	_ =	swait.ge [sflag:s9], $0x5F00  }
0x5f6: {  	s31 =	sld [smem:$0x7D8]  }
0x5f7: {  	[sflag:s9] =	ssyncset.done $0x0  }
0x5f8: {  	[sflag:s9] =	ssyncadd.s32 $0xFFFFA100  }
0x5f9: {  	[hbm4b:s31+s2] =	stream.linear.scatter [tilespmem:s6], [sflag:$0x6], $0x5F00, $0x38;
	[tilespmem:$0x18BB0] =	vst v63  }
0x5fa: {  	_ =	swait.ge [sflag:s12], $0x5F00  }
0x5fb: {  	[sflag:s12] =	ssyncset.done $0x0  }
0x5fc: {  	[sflag:s12] =	ssyncadd.s32 $0xFFFFA100  }
0x5fd: {  	_ =	swait.ge [sflag:s13], $0x5F00  }
0x5fe: {  	[sflag:s13] =	ssyncset.done $0x0  }
0x5ff: {  	[sflag:s13] =	ssyncadd.s32 $0xFFFFA100  }
0x600: {  	_ =	swait.ge [sflag:s7], $0x5F00  }
0x601: {  	[sflag:s7] =	ssyncset.done $0x0  }
0x602: {  	[sflag:s7] =	ssyncadd.s32 $0xFFFFA100  }
0x603: {  	_ =	swait.ge [sflag:s8], $0x5F00  }
0x604: {  	[sflag:s8] =	ssyncset.done $0x0  }
0x605: {  	[sflag:s8] =	ssyncadd.s32 $0xFFFFA100  }
0x606: {  	_ =	sfence.sel $0x180000  }
0x607: {  	[bflag:$0x0] =	sbarrier.arrive $0xFFFF  }
0x608: {  	_ =	strace $0x90000047  }
0x609: {  	[bflag:$0x2] =	sbarrier.arrive $0xFFFF  }
0x60a: {  	p0 =	sne.s32 s17, $0x0;
	s0 =	rddreg [dreg:$0x2]  }
0x60b: {  	s0 =	sadd.s32 @!p0 $0x100000, s0  }
0x60c: {  	[sflag:s0] =	ssyncadd.tile.s32 @!p0 $0x1;
	_ =	shalt  }
.LBB2_1:
.Ltmp3:
0x60d: {  	(pc) =	sbr.rel .LBB2_6-.Ltmp3, $4  }
0x60e: {  	s18 =	simm.s32 $0xBE0;
	s29 =	simm.s32 $0xC30  }
0x60f: {  	s28 =	simm.s32 $0xC80;
	s26 =	simm.s32 $0xCD0;
	s25 =	simm.s32 $0xD20  }
0x610: {  	s24 =	simm.s32 $0xD70;
	s23 =	simm.s32 $0xDC0;
	s22 =	simm.s32 $0xE10  }
0x611: {  	s21 =	simm.s32 $0xE60;
	s20 =	simm.s32 $0xEB0;
	s19 =	simm.s32 $0xF00  }
.LBB2_3:
.Ltmp4:
0x612: {  	(pc) =	sbr.rel .LBB2_6-.Ltmp4, $4  }
0x613: {  	s18 =	simm.s32 $0xBE0;
	s29 =	simm.s32 $0xC30;
	s28 =	simm.s32 $0xC80  }
0x614: {  	s26 =	simm.s32 $0xCD0;
	s25 =	simm.s32 $0xD20;
	s24 =	simm.s32 $0xD70  }
0x615: {  	s23 =	simm.s32 $0xDC0;
	s22 =	simm.s32 $0xE10;
	s21 =	simm.s32 $0xE60  }
0x616: {  	s20 =	simm.s32 $0xEB0;
	s19 =	simm.s32 $0xF00;
	s17 =	stileid.u32  }
.Lfunc_end2:
_tile_overlayer_lowered:
.L_overlay_start_2:
0x617: {  	(tag) =	ssettag $0x2  }
0x618: {  	s0 =	rddreg [dreg:$0x0];
	s2 =	stileid.u32  }
0x619: {  	s1 =	rddreg [dreg:$0x1];
	p0 =	sne.s32 s2, $0x0  }
0x61a: {  	s3 =	rddreg [dreg:$0x2];
	[bflag:$0x3] =	sbarrier.arrive $0xFFFF;
	s2 =	simm.s32 @!p0 $0x1C09  }
0x61b: {  	[timem:s3], [sflag:s2] =	dma.local @!p0 [hbm:s0], s1  }
0x61c: {  	s0 =	simm.s32 @!p0 $0x9  }
0x61d: {  	_ =	swait.ge @!p0 [sflag:s0], s1  }
0x61e: {  	s1 =	ssub.s32 @!p0 $0x0, s1;
	[sflag:s0] =	ssyncset.done @!p0 $0x0  }
0x61f: {  	[sflag:s0] =	ssyncadd.s32 @!p0 s1  }
0x620: {  	[bflag:$0x3] =	sbarrier.arrive $0xFFFF  }
0x621: {  	_ =	shalt  }

</sc_bundles>
